<compile_context>
chip_gen: v7x
topology: tpu7x:2x2x1
jax: 0.10.2.dev20260603
libtpu: 0.0.44.dev20260713+nightly
codegen_flags: <defaults>
</compile_context>

<pallas_src>
import functools

import jax
import jax.numpy as jnp
from jax import lax
from jax.experimental import pallas as pl
from jax.experimental.pallas import tpu as pltpu
from jax.experimental.pallas import tpu_sc as plsc

N = 10000
D = 128
E = 320000
NC = 2
NS = 16
C = 128
NB = 3
NI = 2 * NB
U = NI
NCH = 159
EPT = NCH * C
ACC_ROWS = 10016
WR = 624


def _mm_body(x_ref, w_ref, o_ref):
    o_ref[...] = jnp.dot(x_ref[...], w_ref[...],
                         preferred_element_type=jnp.float32)


def _matmul(x, w):
    m = x.shape[0]
    bm = 2000
    return pl.pallas_call(
        _mm_body,
        grid=(m // bm,),
        in_specs=[pl.BlockSpec((bm, D), lambda i: (i, 0)),
                  pl.BlockSpec((D, D), lambda i: (0, 0))],
        out_specs=pl.BlockSpec((bm, D), lambda i: (i, 0)),
        out_shape=jax.ShapeDtypeStruct((m, D), jnp.float32),
    )(x, w)


def _prep_edges(edge_index):
    pad = NS * EPT - E
    src = jnp.concatenate(
        [edge_index[0].astype(jnp.int32),
         jnp.arange(pad, dtype=jnp.int32) % N])
    dst = jnp.concatenate(
        [edge_index[1].astype(jnp.int32),
         N + (jnp.arange(pad, dtype=jnp.int32) % NS)])
    return src, dst


def _sc_body(h0, h1, src0, dst0, src1, dst1, zrows,
             out0, out1,
             acc, bufs, ibs, sgs, scs, sis):
    c = lax.axis_index("c")
    s = lax.axis_index("s")

    @pl.when(s < NS - 1)
    def _():
        pltpu.sync_copy(zrows.at[pl.ds(0, WR)], acc.at[pl.ds(s * WR, WR)])

    @pl.when(s == NS - 1)
    def _():
        last = (NS - 1) * WR
        pltpu.sync_copy(zrows, acc.at[pl.ds(last, ACC_ROWS - last)])

    plsc.subcore_barrier()

    def run(h, src, dst, out):
        def _idx_off(k):
            kc = jnp.minimum(k, NCH - 1)
            return pl.multiple_of((s * NCH + kc) * C, C)

        def idx_start(k, q):
            off = _idx_off(k)
            pltpu.make_async_copy(src.at[pl.ds(off, C)], ibs[q].at[0],
                                  sis[q]).start()
            pltpu.make_async_copy(dst.at[pl.ds(off, C)], ibs[q].at[1],
                                  sis[q]).start()

        def idx_wait(k, q):
            off = _idx_off(k)
            pltpu.make_async_copy(src.at[pl.ds(off, C)], ibs[q].at[0],
                                  sis[q]).wait()
            pltpu.make_async_copy(dst.at[pl.ds(off, C)], ibs[q].at[1],
                                  sis[q]).wait()

        def gather_start(p, q):
            pltpu.make_async_copy(h.at[ibs[q].at[0]], bufs[p], sgs[p]).start()

        def gather_wait(p, q):
            pltpu.make_async_copy(h.at[ibs[q].at[0]], bufs[p], sgs[p]).wait()

        def scatter_start(p, q):
            pltpu.async_copy(bufs[p], acc.at[ibs[q].at[1]], scs[p], add=True)

        def scatter_wait(p, q):
            pltpu.make_async_copy(bufs[p], acc.at[ibs[q].at[1]], scs[p]).wait()

        for k in range(NB):
            idx_start(k, k)
        for j in range(NB):
            idx_wait(j, j)
            gather_start(j, j)
            idx_start(j + NB, (j + NB) % NI)
            if j > 0:
                gather_wait(j - 1, j - 1)
                scatter_start(j - 1, j - 1)

        def body(g, carry):
            for r in range(U):
                j = NB + U * g + r
                p, q = (NB + r) % NB, (NB + r) % NI
                p1, q1 = (NB + r - 1) % NB, (NB + r - 1) % NI
                q3 = (NB + r + NB) % NI
                scatter_wait(p, q3)
                idx_wait(j, q)
                gather_start(p, q)
                idx_start(j + NB, q3)
                gather_wait(p1, q1)
                scatter_start(p1, q1)
            return carry

        lax.fori_loop(0, (NCH - NB) // U, body, 0)

        pL, qL = (NCH - 1) % NB, (NCH - 1) % NI
        gather_wait(pL, qL)
        scatter_start(pL, qL)
        for k in range(NCH - NB, NCH):
            scatter_wait(k % NB, k % NI)
        for k in range(NCH, NCH + NB):
            idx_wait(k, k % NI)

        plsc.subcore_barrier()

        @pl.when(s < NS - 1)
        def _():
            pltpu.sync_copy(acc.at[pl.ds(s * WR, WR)],
                            out.at[pl.ds(s * WR, WR)])

        @pl.when(s == NS - 1)
        def _():
            last = (NS - 1) * WR
            pltpu.sync_copy(acc.at[pl.ds(last, N - last)],
                            out.at[pl.ds(last, N - last)])

    @pl.when(c == 0)
    def _():
        run(h0, src0, dst0, out0)

    @pl.when(c == 1)
    def _():
        run(h1, src1, dst1, out1)


@functools.partial(
    pl.kernel,
    out_type=[jax.ShapeDtypeStruct((N, D), jnp.float32),
              jax.ShapeDtypeStruct((N, D), jnp.float32)],
    mesh=plsc.VectorSubcoreMesh(core_axis_name="c", subcore_axis_name="s",
                                num_cores=NC, num_subcores=NS),
    scratch_types=[
        pltpu.VMEM_SHARED((ACC_ROWS, D), jnp.float32),
        [pltpu.VMEM((C, D), jnp.float32) for _ in range(NB)],
        [pltpu.VMEM((2, C), jnp.int32) for _ in range(NI)],
        [pltpu.SemaphoreType.DMA for _ in range(NB)],
        [pltpu.SemaphoreType.DMA for _ in range(NB)],
        [pltpu.SemaphoreType.DMA for _ in range(NI)],
    ],
)
def _sc_conv(h0, h1, src0, dst0, src1, dst1, zrows, out0, out1,
             acc, bufs, ibs, sgs, scs, sis):
    _sc_body(h0, h1, src0, dst0, src1, dst1, zrows, out0, out1,
             acc, bufs, ibs, sgs, scs, sis)


def kernel(x_user, x_item, W_u2i, W_i2u, edge_index_u2i, edge_index_i2u):
    h_u = _matmul(x_user, W_u2i)
    h_i = _matmul(x_item, W_i2u)
    src_u, dst_u = _prep_edges(edge_index_i2u)
    src_i, dst_i = _prep_edges(edge_index_u2i)
    zrows = jnp.zeros((ACC_ROWS - (NS - 1) * WR, D), jnp.float32)
    agg_user, agg_item = _sc_conv(h_i, h_u, src_u, dst_u, src_i, dst_i, zrows)
    return (agg_user, agg_item)

# --- scband reference (transcript-rebuilt; emitter-appended) ---
"""Pipeline reference for scband-my-hetero-conv-34505767256326 (READ-ONLY COPY).

The authoritative reference and input builder live on the scoring server;
editing this copy changes nothing except your own understanding.
"""

import jax, jax.numpy as jnp
import numpy as np

N_USER = 10000
N_ITEM = 10000
D = 128
E = 320000


def setup_inputs(seed: int = 0) -> dict:
    key = jax.random.key(seed)
    ks = jax.random.split(key, 6)
    x_user = jax.random.normal(ks[0], (N_USER, D), dtype=jnp.float32)
    x_item = jax.random.normal(ks[1], (N_ITEM, D), dtype=jnp.float32)
    # Learned per-relation message weights (one linear MessagePassing conv per edge type)
    W_u2i = jax.random.normal(ks[2], (D, D), dtype=jnp.float32) / np.sqrt(D)
    W_i2u = jax.random.normal(ks[3], (D, D), dtype=jnp.float32) / np.sqrt(D)
    edge_index_u2i = jax.random.randint(ks[4], (2, E), 0, N_ITEM, dtype=jnp.int64)
    edge_index_i2u = jax.random.randint(ks[5], (2, E), 0, N_USER, dtype=jnp.int64)
    return {
        "x_user": x_user,
        "x_item": x_item,
        "W_u2i": W_u2i,
        "W_i2u": W_i2u,
        "edge_index_u2i": edge_index_u2i,
        "edge_index_i2u": edge_index_i2u,
    }


def _relation_conv(x_src, W, edge_index):
    # MessagePassing conv per relation: linear transform then per-edge gather of
    # source features (equivalent to gathering then transforming, but cheaper).
    h = x_src @ W                              # [N_src, D]
    msg = jnp.take(h, edge_index[0], axis=0)   # [E, D] per-edge messages
    # Mirror torch code: conv out has a singleton middle dim [E, 1, D], and
    # out_indices = edge_index[1] reshaped to (out.shape[0], out.shape[1]).
    out = msg.reshape(msg.shape[0], 1, msg.shape[1])
    out_indices = edge_index[1].reshape(out.shape[0], out.shape[1])
    return out, out_indices


def reference(x_user, x_item, W_u2i, W_i2u, edge_index_u2i, edge_index_i2u):
    # --- relation ('user','to','item') ---
    out_i, idx_i = _relation_conv(x_user, W_u2i, edge_index_u2i)
    # item[0] = reshape(out, (-1, d)); item[1] = flatten(out_indices)
    flat_out_i = out_i.reshape(-1, out_i.shape[-1])           # [E, D]
    flat_idx_i = idx_i.reshape(-1)                            # [E]
    # zeros.scatter_add over dst nodes (aggr == ['sum'] branch)
    agg_item = jnp.zeros((N_ITEM, D), dtype=jnp.float32).at[flat_idx_i].add(flat_out_i)

    # --- relation ('item','rev','user') ---
    out_u, idx_u = _relation_conv(x_item, W_i2u, edge_index_i2u)
    flat_out_u = out_u.reshape(-1, out_u.shape[-1])
    flat_idx_u = idx_u.reshape(-1)
    agg_user = jnp.zeros((N_USER, D), dtype=jnp.float32).at[flat_idx_u].add(flat_out_u)

    return (agg_user, agg_item)

if __name__ == "__main__":
    import jax
    _d = setup_inputs()
    print(jax.jit(kernel)(*tuple(_d.values())))

</pallas_src>

<mosaic_0001>
#map = affine_map<(d0, d1) -> (0, 0)>
#map1 = affine_map<(d0, d1) -> (0)>
module attributes {stable_mosaic.version = 14 : i64} {
  func.func @_sc_conv(%arg0: i32, %arg1: i32, %arg2: memref<10000x128xf32, #tpu.memory_space<hbm>>, %arg3: memref<10000x128xf32, #tpu.memory_space<hbm>>, %arg4: memref<325632xi32, #tpu.memory_space<hbm>>, %arg5: memref<325632xi32, #tpu.memory_space<hbm>>, %arg6: memref<325632xi32, #tpu.memory_space<hbm>>, %arg7: memref<325632xi32, #tpu.memory_space<hbm>>, %arg8: memref<656x128xf32, #tpu.memory_space<hbm>>, %arg9: memref<10000x128xf32, #tpu.memory_space<hbm>>, %arg10: memref<10000x128xf32, #tpu.memory_space<hbm>>, %arg11: memref<10016x128xf32, #tpu.memory_space<vmem_shared>>, %arg12: memref<128x128xf32, #tpu.memory_space<vmem>>, %arg13: memref<128x128xf32, #tpu.memory_space<vmem>>, %arg14: memref<128x128xf32, #tpu.memory_space<vmem>>, %arg15: memref<2x128xi32, #tpu.memory_space<vmem>>, %arg16: memref<2x128xi32, #tpu.memory_space<vmem>>, %arg17: memref<2x128xi32, #tpu.memory_space<vmem>>, %arg18: memref<2x128xi32, #tpu.memory_space<vmem>>, %arg19: memref<2x128xi32, #tpu.memory_space<vmem>>, %arg20: memref<2x128xi32, #tpu.memory_space<vmem>>, %arg21: memref<!tpu.dma_semaphore, #tpu.memory_space<semaphore_mem>>, %arg22: memref<!tpu.dma_semaphore, #tpu.memory_space<semaphore_mem>>, %arg23: memref<!tpu.dma_semaphore, #tpu.memory_space<semaphore_mem>>, %arg24: memref<!tpu.dma_semaphore, #tpu.memory_space<semaphore_mem>>, %arg25: memref<!tpu.dma_semaphore, #tpu.memory_space<semaphore_mem>>, %arg26: memref<!tpu.dma_semaphore, #tpu.memory_space<semaphore_mem>>, %arg27: memref<!tpu.dma_semaphore, #tpu.memory_space<semaphore_mem>>, %arg28: memref<!tpu.dma_semaphore, #tpu.memory_space<semaphore_mem>>, %arg29: memref<!tpu.dma_semaphore, #tpu.memory_space<semaphore_mem>>, %arg30: memref<!tpu.dma_semaphore, #tpu.memory_space<semaphore_mem>>, %arg31: memref<!tpu.dma_semaphore, #tpu.memory_space<semaphore_mem>>, %arg32: memref<!tpu.dma_semaphore, #tpu.memory_space<semaphore_mem>>) attributes {dimension_semantics = [#tpu.dimension_semantics<core_parallel>, #tpu.dimension_semantics<subcore_parallel>], iteration_bounds = array<i64: 2, 16>, scalar_prefetch = 0 : i64, scratch_operands = 22 : i64, tpu.core_type = #tpu.core_type<sc_vector_subcore>, window_params = [{transform_indices = #map}, {transform_indices = #map}, {transform_indices = #map1}, {transform_indices = #map1}, {transform_indices = #map1}, {transform_indices = #map1}, {transform_indices = #map}, {transform_indices = #map}, {transform_indices = #map}]} {
    %lt3A = arith.constant 15 : i32
    %lt3A_0 = arith.cmpi slt, %arg1, %lt3A : i32
    %convert_element_type3A = arith.extui %lt3A_0 : i1 to i32
    %cond3A = arith.constant 0 : i32
    %cond3A_1 = arith.cmpi ne, %convert_element_type3A, %cond3A : i32
    scf.if %cond3A_1 {
      %mul3A = arith.constant 624 : i32
      %mul3A_16 = arith.muli %arg1, %mul3A : i32
      "tpu.region"() ({
        %run_scoped3A = tpu.sem_alloc : memref<!tpu.dma_semaphore, #tpu.memory_space<semaphore_mem>>
        %dma_start3A = arith.constant 0 : i32
        %dma_start3A_17 = tpu.memref_slice %arg11[%mul3A_16, %dma_start3A] : memref<10016x128xf32, #tpu.memory_space<vmem_shared>> -> memref<624x128xf32, #tpu.memory_space<vmem_shared>>
        %dma_start3A_18 = arith.constant 0 : i32
        %dma_start3A_19 = arith.constant 0 : i32
        %dma_start3A_20 = tpu.memref_slice %arg8[%dma_start3A_18, %dma_start3A_19] : memref<656x128xf32, #tpu.memory_space<hbm>> -> memref<624x128xf32, #tpu.memory_space<hbm>>
        tpu.enqueue_dma source(%dma_start3A_20 : memref<624x128xf32, #tpu.memory_space<hbm>>) target(%dma_start3A_17 : memref<624x128xf32, #tpu.memory_space<vmem_shared>>) target_semaphore(%run_scoped3A : memref<!tpu.dma_semaphore, #tpu.memory_space<semaphore_mem>>)
        %dma_wait3A = arith.constant 0 : i32
        %dma_wait3A_21 = tpu.memref_slice %arg11[%mul3A_16, %dma_wait3A] : memref<10016x128xf32, #tpu.memory_space<vmem_shared>> -> memref<624x128xf32, #tpu.memory_space<vmem_shared>>
        %dma_wait3A_22 = arith.constant 0 : i32
        %dma_wait3A_23 = arith.constant 0 : i32
        %dma_wait3A_24 = tpu.memref_slice %arg8[%dma_wait3A_22, %dma_wait3A_23] : memref<656x128xf32, #tpu.memory_space<hbm>> -> memref<624x128xf32, #tpu.memory_space<hbm>>
        tpu.wait_dma2 semaphore(%run_scoped3A : memref<!tpu.dma_semaphore, #tpu.memory_space<semaphore_mem>>) src(%dma_wait3A_24 : memref<624x128xf32, #tpu.memory_space<hbm>>) dst(%dma_wait3A_21 : memref<624x128xf32, #tpu.memory_space<vmem_shared>>)
        tpu.yield
      }) : () -> ()
    } else {
    }
    %eq3A = arith.constant 15 : i32
    %eq3A_2 = arith.cmpi eq, %arg1, %eq3A : i32
    %convert_element_type3A_3 = arith.extui %eq3A_2 : i1 to i32
    %cond3A_4 = arith.constant 0 : i32
    %cond3A_5 = arith.cmpi ne, %convert_element_type3A_3, %cond3A_4 : i32
    scf.if %cond3A_5 {
      "tpu.region"() ({
        %run_scoped3A = tpu.sem_alloc : memref<!tpu.dma_semaphore, #tpu.memory_space<semaphore_mem>>
        %dma_start3A = arith.constant 9360 : i32
        %dma_start3A_16 = arith.constant 0 : i32
        %dma_start3A_17 = tpu.memref_slice %arg11[%dma_start3A, %dma_start3A_16] : memref<10016x128xf32, #tpu.memory_space<vmem_shared>> -> memref<656x128xf32, #tpu.memory_space<vmem_shared>>
        tpu.enqueue_dma source(%arg8 : memref<656x128xf32, #tpu.memory_space<hbm>>) target(%dma_start3A_17 : memref<656x128xf32, #tpu.memory_space<vmem_shared>>) target_semaphore(%run_scoped3A : memref<!tpu.dma_semaphore, #tpu.memory_space<semaphore_mem>>)
        %dma_wait3A = arith.constant 9360 : i32
        %dma_wait3A_18 = arith.constant 0 : i32
        %dma_wait3A_19 = tpu.memref_slice %arg11[%dma_wait3A, %dma_wait3A_18] : memref<10016x128xf32, #tpu.memory_space<vmem_shared>> -> memref<656x128xf32, #tpu.memory_space<vmem_shared>>
        tpu.wait_dma2 semaphore(%run_scoped3A : memref<!tpu.dma_semaphore, #tpu.memory_space<semaphore_mem>>) src(%arg8 : memref<656x128xf32, #tpu.memory_space<hbm>>) dst(%dma_wait3A_19 : memref<656x128xf32, #tpu.memory_space<vmem_shared>>)
        tpu.yield
      }) : () -> ()
    } else {
    }
    %barrier3A = arith.constant 0 : index
    tpu.barrier barrier_id(%barrier3A)
    %eq3A_6 = arith.constant 0 : i32
    %eq3A_7 = arith.cmpi eq, %arg0, %eq3A_6 : i32
    %convert_element_type3A_8 = arith.extui %eq3A_7 : i1 to i32
    %cond3A_9 = arith.constant 0 : i32
    %cond3A_10 = arith.cmpi ne, %convert_element_type3A_8, %cond3A_9 : i32
    scf.if %cond3A_10 {
      %min3A = arith.constant 0 : i32
      %min3A_16 = arith.constant 158 : i32
      %min3A_17 = arith.minsi %min3A, %min3A_16 : i32
      %mul3A = arith.constant 159 : i32
      %mul3A_18 = arith.muli %arg1, %mul3A : i32
      %add3A = arith.addi %mul3A_18, %min3A_17 : i32
      %mul3A_19 = arith.constant 128 : i32
      %mul3A_20 = arith.muli %add3A, %mul3A_19 : i32
      %multiple_of3A = tpu.assume_multiple %mul3A_20, 128 : i32
      %dma_start3A = arith.constant 0 : i32
      %dma_start3A_21 = arith.constant 0 : i32
      %dma_start3A_22 = tpu.memref_slice %arg15[%dma_start3A, %dma_start3A_21] : memref<2x128xi32, #tpu.memory_space<vmem>> -> memref<1x128xi32, #tpu.memory_space<vmem>>
      %dma_start3A_23 = tpu.memref_squeeze %dma_start3A_22 : memref<1x128xi32, #tpu.memory_space<vmem>> -> memref<128xi32, #tpu.memory_space<vmem>>
      %dma_start3A_24 = tpu.memref_slice %arg4[%multiple_of3A] : memref<325632xi32, #tpu.memory_space<hbm>> -> memref<128xi32, #tpu.memory_space<hbm>>
      %dma_start3A_25 = arith.constant 0 : i32
      %dma_start3A_26 = tpu.memref_slice %arg15[%dma_start3A, %dma_start3A_25] : memref<2x128xi32, #tpu.memory_space<vmem>> -> memref<1x128xi32, #tpu.memory_space<vmem>>
      %dma_start3A_27 = tpu.memref_squeeze %dma_start3A_26 : memref<1x128xi32, #tpu.memory_space<vmem>> -> memref<128xi32, #tpu.memory_space<vmem>>
      %dma_start3A_28 = tpu.memref_slice %arg4[%multiple_of3A] : memref<325632xi32, #tpu.memory_space<hbm>> -> memref<128xi32, #tpu.memory_space<hbm>>
      tpu.enqueue_dma source(%dma_start3A_28 : memref<128xi32, #tpu.memory_space<hbm>>) target(%dma_start3A_27 : memref<128xi32, #tpu.memory_space<vmem>>) target_semaphore(%arg27 : memref<!tpu.dma_semaphore, #tpu.memory_space<semaphore_mem>>)
      %dma_start3A_29 = arith.constant 1 : i32
      %dma_start3A_30 = arith.constant 0 : i32
      %dma_start3A_31 = tpu.memref_slice %arg15[%dma_start3A_29, %dma_start3A_30] : memref<2x128xi32, #tpu.memory_space<vmem>> -> memref<1x128xi32, #tpu.memory_space<vmem>>
      %dma_start3A_32 = tpu.memref_squeeze %dma_start3A_31 : memref<1x128xi32, #tpu.memory_space<vmem>> -> memref<128xi32, #tpu.memory_space<vmem>>
      %dma_start3A_33 = tpu.memref_slice %arg5[%multiple_of3A] : memref<325632xi32, #tpu.memory_space<hbm>> -> memref<128xi32, #tpu.memory_space<hbm>>
      %dma_start3A_34 = arith.constant 0 : i32
      %dma_start3A_35 = tpu.memref_slice %arg15[%dma_start3A_29, %dma_start3A_34] : memref<2x128xi32, #tpu.memory_space<vmem>> -> memref<1x128xi32, #tpu.memory_space<vmem>>
      %dma_start3A_36 = tpu.memref_squeeze %dma_start3A_35 : memref<1x128xi32, #tpu.memory_space<vmem>> -> memref<128xi32, #tpu.memory_space<vmem>>
      %dma_start3A_37 = tpu.memref_slice %arg5[%multiple_of3A] : memref<325632xi32, #tpu.memory_space<hbm>> -> memref<128xi32, #tpu.memory_space<hbm>>
      tpu.enqueue_dma source(%dma_start3A_37 : memref<128xi32, #tpu.memory_space<hbm>>) target(%dma_start3A_36 : memref<128xi32, #tpu.memory_space<vmem>>) target_semaphore(%arg27 : memref<!tpu.dma_semaphore, #tpu.memory_space<semaphore_mem>>)
      %min3A_38 = arith.constant 1 : i32
      %min3A_39 = arith.constant 158 : i32
      %min3A_40 = arith.minsi %min3A_38, %min3A_39 : i32
      %mul3A_41 = arith.constant 159 : i32
      %mul3A_42 = arith.muli %arg1, %mul3A_41 : i32
      %add3A_43 = arith.addi %mul3A_42, %min3A_40 : i32
      %mul3A_44 = arith.constant 128 : i32
      %mul3A_45 = arith.muli %add3A_43, %mul3A_44 : i32
      %multiple_of3A_46 = tpu.assume_multiple %mul3A_45, 128 : i32
      %dma_start3A_47 = arith.constant 0 : i32
      %dma_start3A_48 = arith.constant 0 : i32
      %dma_start3A_49 = tpu.memref_slice %arg16[%dma_start3A_47, %dma_start3A_48] : memref<2x128xi32, #tpu.memory_space<vmem>> -> memref<1x128xi32, #tpu.memory_space<vmem>>
      %dma_start3A_50 = tpu.memref_squeeze %dma_start3A_49 : memref<1x128xi32, #tpu.memory_space<vmem>> -> memref<128xi32, #tpu.memory_space<vmem>>
      %dma_start3A_51 = tpu.memref_slice %arg4[%multiple_of3A_46] : memref<325632xi32, #tpu.memory_space<hbm>> -> memref<128xi32, #tpu.memory_space<hbm>>
      %dma_start3A_52 = arith.constant 0 : i32
      %dma_start3A_53 = tpu.memref_slice %arg16[%dma_start3A_47, %dma_start3A_52] : memref<2x128xi32, #tpu.memory_space<vmem>> -> memref<1x128xi32, #tpu.memory_space<vmem>>
      %dma_start3A_54 = tpu.memref_squeeze %dma_start3A_53 : memref<1x128xi32, #tpu.memory_space<vmem>> -> memref<128xi32, #tpu.memory_space<vmem>>
      %dma_start3A_55 = tpu.memref_slice %arg4[%multiple_of3A_46] : memref<325632xi32, #tpu.memory_space<hbm>> -> memref<128xi32, #tpu.memory_space<hbm>>
      tpu.enqueue_dma source(%dma_start3A_55 : memref<128xi32, #tpu.memory_space<hbm>>) target(%dma_start3A_54 : memref<128xi32, #tpu.memory_space<vmem>>) target_semaphore(%arg28 : memref<!tpu.dma_semaphore, #tpu.memory_space<semaphore_mem>>)
      %dma_start3A_56 = arith.constant 1 : i32
      %dma_start3A_57 = arith.constant 0 : i32
      %dma_start3A_58 = tpu.memref_slice %arg16[%dma_start3A_56, %dma_start3A_57] : memref<2x128xi32, #tpu.memory_space<vmem>> -> memref<1x128xi32, #tpu.memory_space<vmem>>
      %dma_start3A_59 = tpu.memref_squeeze %dma_start3A_58 : memref<1x128xi32, #tpu.memory_space<vmem>> -> memref<128xi32, #tpu.memory_space<vmem>>
      %dma_start3A_60 = tpu.memref_slice %arg5[%multiple_of3A_46] : memref<325632xi32, #tpu.memory_space<hbm>> -> memref<128xi32, #tpu.memory_space<hbm>>
      %dma_start3A_61 = arith.constant 0 : i32
      %dma_start3A_62 = tpu.memref_slice %arg16[%dma_start3A_56, %dma_start3A_61] : memref<2x128xi32, #tpu.memory_space<vmem>> -> memref<1x128xi32, #tpu.memory_space<vmem>>
      %dma_start3A_63 = tpu.memref_squeeze %dma_start3A_62 : memref<1x128xi32, #tpu.memory_space<vmem>> -> memref<128xi32, #tpu.memory_space<vmem>>
      %dma_start3A_64 = tpu.memref_slice %arg5[%multiple_of3A_46] : memref<325632xi32, #tpu.memory_space<hbm>> -> memref<128xi32, #tpu.memory_space<hbm>>
      tpu.enqueue_dma source(%dma_start3A_64 : memref<128xi32, #tpu.memory_space<hbm>>) target(%dma_start3A_63 : memref<128xi32, #tpu.memory_space<vmem>>) target_semaphore(%arg28 : memref<!tpu.dma_semaphore, #tpu.memory_space<semaphore_mem>>)
      %min3A_65 = arith.constant 2 : i32
      %min3A_66 = arith.constant 158 : i32
      %min3A_67 = arith.minsi %min3A_65, %min3A_66 : i32
      %mul3A_68 = arith.constant 159 : i32
      %mul3A_69 = arith.muli %arg1, %mul3A_68 : i32
      %add3A_70 = arith.addi %mul3A_69, %min3A_67 : i32
      %mul3A_71 = arith.constant 128 : i32
      %mul3A_72 = arith.muli %add3A_70, %mul3A_71 : i32
      %multiple_of3A_73 = tpu.assume_multiple %mul3A_72, 128 : i32
      %dma_start3A_74 = arith.constant 0 : i32
      %dma_start3A_75 = arith.constant 0 : i32
      %dma_start3A_76 = tpu.memref_slice %arg17[%dma_start3A_74, %dma_start3A_75] : memref<2x128xi32, #tpu.memory_space<vmem>> -> memref<1x128xi32, #tpu.memory_space<vmem>>
      %dma_start3A_77 = tpu.memref_squeeze %dma_start3A_76 : memref<1x128xi32, #tpu.memory_space<vmem>> -> memref<128xi32, #tpu.memory_space<vmem>>
      %dma_start3A_78 = tpu.memref_slice %arg4[%multiple_of3A_73] : memref<325632xi32, #tpu.memory_space<hbm>> -> memref<128xi32, #tpu.memory_space<hbm>>
      %dma_start3A_79 = arith.constant 0 : i32
      %dma_start3A_80 = tpu.memref_slice %arg17[%dma_start3A_74, %dma_start3A_79] : memref<2x128xi32, #tpu.memory_space<vmem>> -> memref<1x128xi32, #tpu.memory_space<vmem>>
      %dma_start3A_81 = tpu.memref_squeeze %dma_start3A_80 : memref<1x128xi32, #tpu.memory_space<vmem>> -> memref<128xi32, #tpu.memory_space<vmem>>
      %dma_start3A_82 = tpu.memref_slice %arg4[%multiple_of3A_73] : memref<325632xi32, #tpu.memory_space<hbm>> -> memref<128xi32, #tpu.memory_space<hbm>>
      tpu.enqueue_dma source(%dma_start3A_82 : memref<128xi32, #tpu.memory_space<hbm>>) target(%dma_start3A_81 : memref<128xi32, #tpu.memory_space<vmem>>) target_semaphore(%arg29 : memref<!tpu.dma_semaphore, #tpu.memory_space<semaphore_mem>>)
      %dma_start3A_83 = arith.constant 1 : i32
      %dma_start3A_84 = arith.constant 0 : i32
      %dma_start3A_85 = tpu.memref_slice %arg17[%dma_start3A_83, %dma_start3A_84] : memref<2x128xi32, #tpu.memory_space<vmem>> -> memref<1x128xi32, #tpu.memory_space<vmem>>
      %dma_start3A_86 = tpu.memref_squeeze %dma_start3A_85 : memref<1x128xi32, #tpu.memory_space<vmem>> -> memref<128xi32, #tpu.memory_space<vmem>>
      %dma_start3A_87 = tpu.memref_slice %arg5[%multiple_of3A_73] : memref<325632xi32, #tpu.memory_space<hbm>> -> memref<128xi32, #tpu.memory_space<hbm>>
      %dma_start3A_88 = arith.constant 0 : i32
      %dma_start3A_89 = tpu.memref_slice %arg17[%dma_start3A_83, %dma_start3A_88] : memref<2x128xi32, #tpu.memory_space<vmem>> -> memref<1x128xi32, #tpu.memory_space<vmem>>
      %dma_start3A_90 = tpu.memref_squeeze %dma_start3A_89 : memref<1x128xi32, #tpu.memory_space<vmem>> -> memref<128xi32, #tpu.memory_space<vmem>>
      %dma_start3A_91 = tpu.memref_slice %arg5[%multiple_of3A_73] : memref<325632xi32, #tpu.memory_space<hbm>> -> memref<128xi32, #tpu.memory_space<hbm>>
      tpu.enqueue_dma source(%dma_start3A_91 : memref<128xi32, #tpu.memory_space<hbm>>) target(%dma_start3A_90 : memref<128xi32, #tpu.memory_space<vmem>>) target_semaphore(%arg29 : memref<!tpu.dma_semaphore, #tpu.memory_space<semaphore_mem>>)
      %min3A_92 = arith.constant 0 : i32
      %min3A_93 = arith.constant 158 : i32
      %min3A_94 = arith.minsi %min3A_92, %min3A_93 : i32
      %mul3A_95 = arith.constant 159 : i32
      %mul3A_96 = arith.muli %arg1, %mul3A_95 : i32
      %add3A_97 = arith.addi %mul3A_96, %min3A_94 : i32
      %mul3A_98 = arith.constant 128 : i32
      %mul3A_99 = arith.muli %add3A_97, %mul3A_98 : i32
      %multiple_of3A_100 = tpu.assume_multiple %mul3A_99, 128 : i32
      %dma_wait3A = arith.constant 0 : i32
      %dma_wait3A_101 = arith.constant 0 : i32
      %dma_wait3A_102 = tpu.memref_slice %arg15[%dma_wait3A, %dma_wait3A_101] : memref<2x128xi32, #tpu.memory_space<vmem>> -> memref<1x128xi32, #tpu.memory_space<vmem>>
      %dma_wait3A_103 = tpu.memref_squeeze %dma_wait3A_102 : memref<1x128xi32, #tpu.memory_space<vmem>> -> memref<128xi32, #tpu.memory_space<vmem>>
      %dma_wait3A_104 = tpu.memref_slice %arg4[%multiple_of3A_100] : memref<325632xi32, #tpu.memory_space<hbm>> -> memref<128xi32, #tpu.memory_space<hbm>>
      %dma_wait3A_105 = arith.constant 0 : i32
      %dma_wait3A_106 = tpu.memref_slice %arg15[%dma_wait3A, %dma_wait3A_105] : memref<2x128xi32, #tpu.memory_space<vmem>> -> memref<1x128xi32, #tpu.memory_space<vmem>>
      %dma_wait3A_107 = tpu.memref_squeeze %dma_wait3A_106 : memref<1x128xi32, #tpu.memory_space<vmem>> -> memref<128xi32, #tpu.memory_space<vmem>>
      %dma_wait3A_108 = tpu.memref_slice %arg4[%multiple_of3A_100] : memref<325632xi32, #tpu.memory_space<hbm>> -> memref<128xi32, #tpu.memory_space<hbm>>
      tpu.wait_dma2 semaphore(%arg27 : memref<!tpu.dma_semaphore, #tpu.memory_space<semaphore_mem>>) src(%dma_wait3A_108 : memref<128xi32, #tpu.memory_space<hbm>>) dst(%dma_wait3A_107 : memref<128xi32, #tpu.memory_space<vmem>>)
      %dma_wait3A_109 = arith.constant 1 : i32
      %dma_wait3A_110 = arith.constant 0 : i32
      %dma_wait3A_111 = tpu.memref_slice %arg15[%dma_wait3A_109, %dma_wait3A_110] : memref<2x128xi32, #tpu.memory_space<vmem>> -> memref<1x128xi32, #tpu.memory_space<vmem>>
      %dma_wait3A_112 = tpu.memref_squeeze %dma_wait3A_111 : memref<1x128xi32, #tpu.memory_space<vmem>> -> memref<128xi32, #tpu.memory_space<vmem>>
      %dma_wait3A_113 = tpu.memref_slice %arg5[%multiple_of3A_100] : memref<325632xi32, #tpu.memory_space<hbm>> -> memref<128xi32, #tpu.memory_space<hbm>>
      %dma_wait3A_114 = arith.constant 0 : i32
      %dma_wait3A_115 = tpu.memref_slice %arg15[%dma_wait3A_109, %dma_wait3A_114] : memref<2x128xi32, #tpu.memory_space<vmem>> -> memref<1x128xi32, #tpu.memory_space<vmem>>
      %dma_wait3A_116 = tpu.memref_squeeze %dma_wait3A_115 : memref<1x128xi32, #tpu.memory_space<vmem>> -> memref<128xi32, #tpu.memory_space<vmem>>
      %dma_wait3A_117 = tpu.memref_slice %arg5[%multiple_of3A_100] : memref<325632xi32, #tpu.memory_space<hbm>> -> memref<128xi32, #tpu.memory_space<hbm>>
      tpu.wait_dma2 semaphore(%arg27 : memref<!tpu.dma_semaphore, #tpu.memory_space<semaphore_mem>>) src(%dma_wait3A_117 : memref<128xi32, #tpu.memory_space<hbm>>) dst(%dma_wait3A_116 : memref<128xi32, #tpu.memory_space<vmem>>)
      %dma_start3A_118 = arith.constant 0 : i32
      %dma_start3A_119 = arith.constant 0 : i32
      %dma_start3A_120 = tpu.memref_slice %arg15[%dma_start3A_118, %dma_start3A_119] : memref<2x128xi32, #tpu.memory_space<vmem>> -> memref<1x128xi32, #tpu.memory_space<vmem>>
      %dma_start3A_121 = tpu.memref_squeeze %dma_start3A_120 : memref<1x128xi32, #tpu.memory_space<vmem>> -> memref<128xi32, #tpu.memory_space<vmem>>
      %dma_start3A_122 = arith.constant 0 : i32
      %dma_start3A_123 = arith.constant 0 : i32
      %dma_start3A_124 = tpu.memref_slice %arg2[%dma_start3A_122, %dma_start3A_123] : memref<10000x128xf32, #tpu.memory_space<hbm>> -> memref<10000x128xf32, #tpu.memory_space<hbm>>
      tpu.enqueue_indirect_dma source(%dma_start3A_124 : memref<10000x128xf32, #tpu.memory_space<hbm>>) target(%arg12 : memref<128x128xf32, #tpu.memory_space<vmem>>) offsets(%dma_start3A_121 : memref<128xi32, #tpu.memory_space<vmem>>) semaphore(%arg21 : memref<!tpu.dma_semaphore, #tpu.memory_space<semaphore_mem>>)
      %min3A_125 = arith.constant 3 : i32
      %min3A_126 = arith.constant 158 : i32
      %min3A_127 = arith.minsi %min3A_125, %min3A_126 : i32
      %mul3A_128 = arith.constant 159 : i32
      %mul3A_129 = arith.muli %arg1, %mul3A_128 : i32
      %add3A_130 = arith.addi %mul3A_129, %min3A_127 : i32
      %mul3A_131 = arith.constant 128 : i32
      %mul3A_132 = arith.muli %add3A_130, %mul3A_131 : i32
      %multiple_of3A_133 = tpu.assume_multiple %mul3A_132, 128 : i32
      %dma_start3A_134 = arith.constant 0 : i32
      %dma_start3A_135 = arith.constant 0 : i32
      %dma_start3A_136 = tpu.memref_slice %arg18[%dma_start3A_134, %dma_start3A_135] : memref<2x128xi32, #tpu.memory_space<vmem>> -> memref<1x128xi32, #tpu.memory_space<vmem>>
      %dma_start3A_137 = tpu.memref_squeeze %dma_start3A_136 : memref<1x128xi32, #tpu.memory_space<vmem>> -> memref<128xi32, #tpu.memory_space<vmem>>
      %dma_start3A_138 = tpu.memref_slice %arg4[%multiple_of3A_133] : memref<325632xi32, #tpu.memory_space<hbm>> -> memref<128xi32, #tpu.memory_space<hbm>>
      %dma_start3A_139 = arith.constant 0 : i32
      %dma_start3A_140 = tpu.memref_slice %arg18[%dma_start3A_134, %dma_start3A_139] : memref<2x128xi32, #tpu.memory_space<vmem>> -> memref<1x128xi32, #tpu.memory_space<vmem>>
      %dma_start3A_141 = tpu.memref_squeeze %dma_start3A_140 : memref<1x128xi32, #tpu.memory_space<vmem>> -> memref<128xi32, #tpu.memory_space<vmem>>
      %dma_start3A_142 = tpu.memref_slice %arg4[%multiple_of3A_133] : memref<325632xi32, #tpu.memory_space<hbm>> -> memref<128xi32, #tpu.memory_space<hbm>>
      tpu.enqueue_dma source(%dma_start3A_142 : memref<128xi32, #tpu.memory_space<hbm>>) target(%dma_start3A_141 : memref<128xi32, #tpu.memory_space<vmem>>) target_semaphore(%arg30 : memref<!tpu.dma_semaphore, #tpu.memory_space<semaphore_mem>>)
      %dma_start3A_143 = arith.constant 1 : i32
      %dma_start3A_144 = arith.constant 0 : i32
      %dma_start3A_145 = tpu.memref_slice %arg18[%dma_start3A_143, %dma_start3A_144] : memref<2x128xi32, #tpu.memory_space<vmem>> -> memref<1x128xi32, #tpu.memory_space<vmem>>
      %dma_start3A_146 = tpu.memref_squeeze %dma_start3A_145 : memref<1x128xi32, #tpu.memory_space<vmem>> -> memref<128xi32, #tpu.memory_space<vmem>>
      %dma_start3A_147 = tpu.memref_slice %arg5[%multiple_of3A_133] : memref<325632xi32, #tpu.memory_space<hbm>> -> memref<128xi32, #tpu.memory_space<hbm>>
      %dma_start3A_148 = arith.constant 0 : i32
      %dma_start3A_149 = tpu.memref_slice %arg18[%dma_start3A_143, %dma_start3A_148] : memref<2x128xi32, #tpu.memory_space<vmem>> -> memref<1x128xi32, #tpu.memory_space<vmem>>
      %dma_start3A_150 = tpu.memref_squeeze %dma_start3A_149 : memref<1x128xi32, #tpu.memory_space<vmem>> -> memref<128xi32, #tpu.memory_space<vmem>>
      %dma_start3A_151 = tpu.memref_slice %arg5[%multiple_of3A_133] : memref<325632xi32, #tpu.memory_space<hbm>> -> memref<128xi32, #tpu.memory_space<hbm>>
      tpu.enqueue_dma source(%dma_start3A_151 : memref<128xi32, #tpu.memory_space<hbm>>) target(%dma_start3A_150 : memref<128xi32, #tpu.memory_space<vmem>>) target_semaphore(%arg30 : memref<!tpu.dma_semaphore, #tpu.memory_space<semaphore_mem>>)
      %min3A_152 = arith.constant 1 : i32
      %min3A_153 = arith.constant 158 : i32
      %min3A_154 = arith.minsi %min3A_152, %min3A_153 : i32
      %mul3A_155 = arith.constant 159 : i32
      %mul3A_156 = arith.muli %arg1, %mul3A_155 : i32
      %add3A_157 = arith.addi %mul3A_156, %min3A_154 : i32
      %mul3A_158 = arith.constant 128 : i32
      %mul3A_159 = arith.muli %add3A_157, %mul3A_158 : i32
      %multiple_of3A_160 = tpu.assume_multiple %mul3A_159, 128 : i32
      %dma_wait3A_161 = arith.constant 0 : i32
      %dma_wait3A_162 = arith.constant 0 : i32
      %dma_wait3A_163 = tpu.memref_slice %arg16[%dma_wait3A_161, %dma_wait3A_162] : memref<2x128xi32, #tpu.memory_space<vmem>> -> memref<1x128xi32, #tpu.memory_space<vmem>>
      %dma_wait3A_164 = tpu.memref_squeeze %dma_wait3A_163 : memref<1x128xi32, #tpu.memory_space<vmem>> -> memref<128xi32, #tpu.memory_space<vmem>>
      %dma_wait3A_165 = tpu.memref_slice %arg4[%multiple_of3A_160] : memref<325632xi32, #tpu.memory_space<hbm>> -> memref<128xi32, #tpu.memory_space<hbm>>
      %dma_wait3A_166 = arith.constant 0 : i32
      %dma_wait3A_167 = tpu.memref_slice %arg16[%dma_wait3A_161, %dma_wait3A_166] : memref<2x128xi32, #tpu.memory_space<vmem>> -> memref<1x128xi32, #tpu.memory_space<vmem>>
      %dma_wait3A_168 = tpu.memref_squeeze %dma_wait3A_167 : memref<1x128xi32, #tpu.memory_space<vmem>> -> memref<128xi32, #tpu.memory_space<vmem>>
      %dma_wait3A_169 = tpu.memref_slice %arg4[%multiple_of3A_160] : memref<325632xi32, #tpu.memory_space<hbm>> -> memref<128xi32, #tpu.memory_space<hbm>>
      tpu.wait_dma2 semaphore(%arg28 : memref<!tpu.dma_semaphore, #tpu.memory_space<semaphore_mem>>) src(%dma_wait3A_169 : memref<128xi32, #tpu.memory_space<hbm>>) dst(%dma_wait3A_168 : memref<128xi32, #tpu.memory_space<vmem>>)
      %dma_wait3A_170 = arith.constant 1 : i32
      %dma_wait3A_171 = arith.constant 0 : i32
      %dma_wait3A_172 = tpu.memref_slice %arg16[%dma_wait3A_170, %dma_wait3A_171] : memref<2x128xi32, #tpu.memory_space<vmem>> -> memref<1x128xi32, #tpu.memory_space<vmem>>
      %dma_wait3A_173 = tpu.memref_squeeze %dma_wait3A_172 : memref<1x128xi32, #tpu.memory_space<vmem>> -> memref<128xi32, #tpu.memory_space<vmem>>
      %dma_wait3A_174 = tpu.memref_slice %arg5[%multiple_of3A_160] : memref<325632xi32, #tpu.memory_space<hbm>> -> memref<128xi32, #tpu.memory_space<hbm>>
      %dma_wait3A_175 = arith.constant 0 : i32
      %dma_wait3A_176 = tpu.memref_slice %arg16[%dma_wait3A_170, %dma_wait3A_175] : memref<2x128xi32, #tpu.memory_space<vmem>> -> memref<1x128xi32, #tpu.memory_space<vmem>>
      %dma_wait3A_177 = tpu.memref_squeeze %dma_wait3A_176 : memref<1x128xi32, #tpu.memory_space<vmem>> -> memref<128xi32, #tpu.memory_space<vmem>>
      %dma_wait3A_178 = tpu.memref_slice %arg5[%multiple_of3A_160] : memref<325632xi32, #tpu.memory_space<hbm>> -> memref<128xi32, #tpu.memory_space<hbm>>
      tpu.wait_dma2 semaphore(%arg28 : memref<!tpu.dma_semaphore, #tpu.memory_space<semaphore_mem>>) src(%dma_wait3A_178 : memref<128xi32, #tpu.memory_space<hbm>>) dst(%dma_wait3A_177 : memref<128xi32, #tpu.memory_space<vmem>>)
      %dma_start3A_179 = arith.constant 0 : i32
      %dma_start3A_180 = arith.constant 0 : i32
      %dma_start3A_181 = tpu.memref_slice %arg16[%dma_start3A_179, %dma_start3A_180] : memref<2x128xi32, #tpu.memory_space<vmem>> -> memref<1x128xi32, #tpu.memory_space<vmem>>
      %dma_start3A_182 = tpu.memref_squeeze %dma_start3A_181 : memref<1x128xi32, #tpu.memory_space<vmem>> -> memref<128xi32, #tpu.memory_space<vmem>>
      %dma_start3A_183 = arith.constant 0 : i32
      %dma_start3A_184 = arith.constant 0 : i32
      %dma_start3A_185 = tpu.memref_slice %arg2[%dma_start3A_183, %dma_start3A_184] : memref<10000x128xf32, #tpu.memory_space<hbm>> -> memref<10000x128xf32, #tpu.memory_space<hbm>>
      tpu.enqueue_indirect_dma source(%dma_start3A_185 : memref<10000x128xf32, #tpu.memory_space<hbm>>) target(%arg13 : memref<128x128xf32, #tpu.memory_space<vmem>>) offsets(%dma_start3A_182 : memref<128xi32, #tpu.memory_space<vmem>>) semaphore(%arg22 : memref<!tpu.dma_semaphore, #tpu.memory_space<semaphore_mem>>)
      %min3A_186 = arith.constant 4 : i32
      %min3A_187 = arith.constant 158 : i32
      %min3A_188 = arith.minsi %min3A_186, %min3A_187 : i32
      %mul3A_189 = arith.constant 159 : i32
      %mul3A_190 = arith.muli %arg1, %mul3A_189 : i32
      %add3A_191 = arith.addi %mul3A_190, %min3A_188 : i32
      %mul3A_192 = arith.constant 128 : i32
      %mul3A_193 = arith.muli %add3A_191, %mul3A_192 : i32
      %multiple_of3A_194 = tpu.assume_multiple %mul3A_193, 128 : i32
      %dma_start3A_195 = arith.constant 0 : i32
      %dma_start3A_196 = arith.constant 0 : i32
      %dma_start3A_197 = tpu.memref_slice %arg19[%dma_start3A_195, %dma_start3A_196] : memref<2x128xi32, #tpu.memory_space<vmem>> -> memref<1x128xi32, #tpu.memory_space<vmem>>
      %dma_start3A_198 = tpu.memref_squeeze %dma_start3A_197 : memref<1x128xi32, #tpu.memory_space<vmem>> -> memref<128xi32, #tpu.memory_space<vmem>>
      %dma_start3A_199 = tpu.memref_slice %arg4[%multiple_of3A_194] : memref<325632xi32, #tpu.memory_space<hbm>> -> memref<128xi32, #tpu.memory_space<hbm>>
      %dma_start3A_200 = arith.constant 0 : i32
      %dma_start3A_201 = tpu.memref_slice %arg19[%dma_start3A_195, %dma_start3A_200] : memref<2x128xi32, #tpu.memory_space<vmem>> -> memref<1x128xi32, #tpu.memory_space<vmem>>
      %dma_start3A_202 = tpu.memref_squeeze %dma_start3A_201 : memref<1x128xi32, #tpu.memory_space<vmem>> -> memref<128xi32, #tpu.memory_space<vmem>>
      %dma_start3A_203 = tpu.memref_slice %arg4[%multiple_of3A_194] : memref<325632xi32, #tpu.memory_space<hbm>> -> memref<128xi32, #tpu.memory_space<hbm>>
      tpu.enqueue_dma source(%dma_start3A_203 : memref<128xi32, #tpu.memory_space<hbm>>) target(%dma_start3A_202 : memref<128xi32, #tpu.memory_space<vmem>>) target_semaphore(%arg31 : memref<!tpu.dma_semaphore, #tpu.memory_space<semaphore_mem>>)
      %dma_start3A_204 = arith.constant 1 : i32
      %dma_start3A_205 = arith.constant 0 : i32
      %dma_start3A_206 = tpu.memref_slice %arg19[%dma_start3A_204, %dma_start3A_205] : memref<2x128xi32, #tpu.memory_space<vmem>> -> memref<1x128xi32, #tpu.memory_space<vmem>>
      %dma_start3A_207 = tpu.memref_squeeze %dma_start3A_206 : memref<1x128xi32, #tpu.memory_space<vmem>> -> memref<128xi32, #tpu.memory_space<vmem>>
      %dma_start3A_208 = tpu.memref_slice %arg5[%multiple_of3A_194] : memref<325632xi32, #tpu.memory_space<hbm>> -> memref<128xi32, #tpu.memory_space<hbm>>
      %dma_start3A_209 = arith.constant 0 : i32
      %dma_start3A_210 = tpu.memref_slice %arg19[%dma_start3A_204, %dma_start3A_209] : memref<2x128xi32, #tpu.memory_space<vmem>> -> memref<1x128xi32, #tpu.memory_space<vmem>>
      %dma_start3A_211 = tpu.memref_squeeze %dma_start3A_210 : memref<1x128xi32, #tpu.memory_space<vmem>> -> memref<128xi32, #tpu.memory_space<vmem>>
      %dma_start3A_212 = tpu.memref_slice %arg5[%multiple_of3A_194] : memref<325632xi32, #tpu.memory_space<hbm>> -> memref<128xi32, #tpu.memory_space<hbm>>
      tpu.enqueue_dma source(%dma_start3A_212 : memref<128xi32, #tpu.memory_space<hbm>>) target(%dma_start3A_211 : memref<128xi32, #tpu.memory_space<vmem>>) target_semaphore(%arg31 : memref<!tpu.dma_semaphore, #tpu.memory_space<semaphore_mem>>)
      %dma_wait3A_213 = arith.constant 0 : i32
      %dma_wait3A_214 = arith.constant 0 : i32
      %dma_wait3A_215 = tpu.memref_slice %arg15[%dma_wait3A_213, %dma_wait3A_214] : memref<2x128xi32, #tpu.memory_space<vmem>> -> memref<1x128xi32, #tpu.memory_space<vmem>>
      %dma_wait3A_216 = tpu.memref_squeeze %dma_wait3A_215 : memref<1x128xi32, #tpu.memory_space<vmem>> -> memref<128xi32, #tpu.memory_space<vmem>>
      %dma_wait3A_217 = arith.constant 0 : i32
      %dma_wait3A_218 = arith.constant 0 : i32
      %dma_wait3A_219 = tpu.memref_slice %arg2[%dma_wait3A_217, %dma_wait3A_218] : memref<10000x128xf32, #tpu.memory_space<hbm>> -> memref<10000x128xf32, #tpu.memory_space<hbm>>
      tpu.wait_indirect_dma semaphore(%arg21 : memref<!tpu.dma_semaphore, #tpu.memory_space<semaphore_mem>>) src(%dma_wait3A_219 : memref<10000x128xf32, #tpu.memory_space<hbm>>) dst(%arg12 : memref<128x128xf32, #tpu.memory_space<vmem>>)
      %dma_start3A_220 = arith.constant 1 : i32
      %dma_start3A_221 = arith.constant 0 : i32
      %dma_start3A_222 = tpu.memref_slice %arg15[%dma_start3A_220, %dma_start3A_221] : memref<2x128xi32, #tpu.memory_space<vmem>> -> memref<1x128xi32, #tpu.memory_space<vmem>>
      %dma_start3A_223 = tpu.memref_squeeze %dma_start3A_222 : memref<1x128xi32, #tpu.memory_space<vmem>> -> memref<128xi32, #tpu.memory_space<vmem>>
      %dma_start3A_224 = arith.constant 0 : i32
      %dma_start3A_225 = arith.constant 0 : i32
      %dma_start3A_226 = tpu.memref_slice %arg11[%dma_start3A_224, %dma_start3A_225] : memref<10016x128xf32, #tpu.memory_space<vmem_shared>> -> memref<10016x128xf32, #tpu.memory_space<vmem_shared>>
      tpu.enqueue_indirect_dma source(%arg12 : memref<128x128xf32, #tpu.memory_space<vmem>>) target(%dma_start3A_226 : memref<10016x128xf32, #tpu.memory_space<vmem_shared>>) offsets(%dma_start3A_223 : memref<128xi32, #tpu.memory_space<vmem>>) semaphore(%arg24 : memref<!tpu.dma_semaphore, #tpu.memory_space<semaphore_mem>>) {add = true}
      %min3A_227 = arith.constant 2 : i32
      %min3A_228 = arith.constant 158 : i32
      %min3A_229 = arith.minsi %min3A_227, %min3A_228 : i32
      %mul3A_230 = arith.constant 159 : i32
      %mul3A_231 = arith.muli %arg1, %mul3A_230 : i32
      %add3A_232 = arith.addi %mul3A_231, %min3A_229 : i32
      %mul3A_233 = arith.constant 128 : i32
      %mul3A_234 = arith.muli %add3A_232, %mul3A_233 : i32
      %multiple_of3A_235 = tpu.assume_multiple %mul3A_234, 128 : i32
      %dma_wait3A_236 = arith.constant 0 : i32
      %dma_wait3A_237 = arith.constant 0 : i32
      %dma_wait3A_238 = tpu.memref_slice %arg17[%dma_wait3A_236, %dma_wait3A_237] : memref<2x128xi32, #tpu.memory_space<vmem>> -> memref<1x128xi32, #tpu.memory_space<vmem>>
      %dma_wait3A_239 = tpu.memref_squeeze %dma_wait3A_238 : memref<1x128xi32, #tpu.memory_space<vmem>> -> memref<128xi32, #tpu.memory_space<vmem>>
      %dma_wait3A_240 = tpu.memref_slice %arg4[%multiple_of3A_235] : memref<325632xi32, #tpu.memory_space<hbm>> -> memref<128xi32, #tpu.memory_space<hbm>>
      %dma_wait3A_241 = arith.constant 0 : i32
      %dma_wait3A_242 = tpu.memref_slice %arg17[%dma_wait3A_236, %dma_wait3A_241] : memref<2x128xi32, #tpu.memory_space<vmem>> -> memref<1x128xi32, #tpu.memory_space<vmem>>
      %dma_wait3A_243 = tpu.memref_squeeze %dma_wait3A_242 : memref<1x128xi32, #tpu.memory_space<vmem>> -> memref<128xi32, #tpu.memory_space<vmem>>
      %dma_wait3A_244 = tpu.memref_slice %arg4[%multiple_of3A_235] : memref<325632xi32, #tpu.memory_space<hbm>> -> memref<128xi32, #tpu.memory_space<hbm>>
      tpu.wait_dma2 semaphore(%arg29 : memref<!tpu.dma_semaphore, #tpu.memory_space<semaphore_mem>>) src(%dma_wait3A_244 : memref<128xi32, #tpu.memory_space<hbm>>) dst(%dma_wait3A_243 : memref<128xi32, #tpu.memory_space<vmem>>)
      %dma_wait3A_245 = arith.constant 1 : i32
      %dma_wait3A_246 = arith.constant 0 : i32
      %dma_wait3A_247 = tpu.memref_slice %arg17[%dma_wait3A_245, %dma_wait3A_246] : memref<2x128xi32, #tpu.memory_space<vmem>> -> memref<1x128xi32, #tpu.memory_space<vmem>>
      %dma_wait3A_248 = tpu.memref_squeeze %dma_wait3A_247 : memref<1x128xi32, #tpu.memory_space<vmem>> -> memref<128xi32, #tpu.memory_space<vmem>>
      %dma_wait3A_249 = tpu.memref_slice %arg5[%multiple_of3A_235] : memref<325632xi32, #tpu.memory_space<hbm>> -> memref<128xi32, #tpu.memory_space<hbm>>
      %dma_wait3A_250 = arith.constant 0 : i32
      %dma_wait3A_251 = tpu.memref_slice %arg17[%dma_wait3A_245, %dma_wait3A_250] : memref<2x128xi32, #tpu.memory_space<vmem>> -> memref<1x128xi32, #tpu.memory_space<vmem>>
      %dma_wait3A_252 = tpu.memref_squeeze %dma_wait3A_251 : memref<1x128xi32, #tpu.memory_space<vmem>> -> memref<128xi32, #tpu.memory_space<vmem>>
      %dma_wait3A_253 = tpu.memref_slice %arg5[%multiple_of3A_235] : memref<325632xi32, #tpu.memory_space<hbm>> -> memref<128xi32, #tpu.memory_space<hbm>>
      tpu.wait_dma2 semaphore(%arg29 : memref<!tpu.dma_semaphore, #tpu.memory_space<semaphore_mem>>) src(%dma_wait3A_253 : memref<128xi32, #tpu.memory_space<hbm>>) dst(%dma_wait3A_252 : memref<128xi32, #tpu.memory_space<vmem>>)
      %dma_start3A_254 = arith.constant 0 : i32
      %dma_start3A_255 = arith.constant 0 : i32
      %dma_start3A_256 = tpu.memref_slice %arg17[%dma_start3A_254, %dma_start3A_255] : memref<2x128xi32, #tpu.memory_space<vmem>> -> memref<1x128xi32, #tpu.memory_space<vmem>>
      %dma_start3A_257 = tpu.memref_squeeze %dma_start3A_256 : memref<1x128xi32, #tpu.memory_space<vmem>> -> memref<128xi32, #tpu.memory_space<vmem>>
      %dma_start3A_258 = arith.constant 0 : i32
      %dma_start3A_259 = arith.constant 0 : i32
      %dma_start3A_260 = tpu.memref_slice %arg2[%dma_start3A_258, %dma_start3A_259] : memref<10000x128xf32, #tpu.memory_space<hbm>> -> memref<10000x128xf32, #tpu.memory_space<hbm>>
      tpu.enqueue_indirect_dma source(%dma_start3A_260 : memref<10000x128xf32, #tpu.memory_space<hbm>>) target(%arg14 : memref<128x128xf32, #tpu.memory_space<vmem>>) offsets(%dma_start3A_257 : memref<128xi32, #tpu.memory_space<vmem>>) semaphore(%arg23 : memref<!tpu.dma_semaphore, #tpu.memory_space<semaphore_mem>>)
      %min3A_261 = arith.constant 5 : i32
      %min3A_262 = arith.constant 158 : i32
      %min3A_263 = arith.minsi %min3A_261, %min3A_262 : i32
      %mul3A_264 = arith.constant 159 : i32
      %mul3A_265 = arith.muli %arg1, %mul3A_264 : i32
      %add3A_266 = arith.addi %mul3A_265, %min3A_263 : i32
      %mul3A_267 = arith.constant 128 : i32
      %mul3A_268 = arith.muli %add3A_266, %mul3A_267 : i32
      %multiple_of3A_269 = tpu.assume_multiple %mul3A_268, 128 : i32
      %dma_start3A_270 = arith.constant 0 : i32
      %dma_start3A_271 = arith.constant 0 : i32
      %dma_start3A_272 = tpu.memref_slice %arg20[%dma_start3A_270, %dma_start3A_271] : memref<2x128xi32, #tpu.memory_space<vmem>> -> memref<1x128xi32, #tpu.memory_space<vmem>>
      %dma_start3A_273 = tpu.memref_squeeze %dma_start3A_272 : memref<1x128xi32, #tpu.memory_space<vmem>> -> memref<128xi32, #tpu.memory_space<vmem>>
      %dma_start3A_274 = tpu.memref_slice %arg4[%multiple_of3A_269] : memref<325632xi32, #tpu.memory_space<hbm>> -> memref<128xi32, #tpu.memory_space<hbm>>
      %dma_start3A_275 = arith.constant 0 : i32
      %dma_start3A_276 = tpu.memref_slice %arg20[%dma_start3A_270, %dma_start3A_275] : memref<2x128xi32, #tpu.memory_space<vmem>> -> memref<1x128xi32, #tpu.memory_space<vmem>>
      %dma_start3A_277 = tpu.memref_squeeze %dma_start3A_276 : memref<1x128xi32, #tpu.memory_space<vmem>> -> memref<128xi32, #tpu.memory_space<vmem>>
      %dma_start3A_278 = tpu.memref_slice %arg4[%multiple_of3A_269] : memref<325632xi32, #tpu.memory_space<hbm>> -> memref<128xi32, #tpu.memory_space<hbm>>
      tpu.enqueue_dma source(%dma_start3A_278 : memref<128xi32, #tpu.memory_space<hbm>>) target(%dma_start3A_277 : memref<128xi32, #tpu.memory_space<vmem>>) target_semaphore(%arg32 : memref<!tpu.dma_semaphore, #tpu.memory_space<semaphore_mem>>)
      %dma_start3A_279 = arith.constant 1 : i32
      %dma_start3A_280 = arith.constant 0 : i32
      %dma_start3A_281 = tpu.memref_slice %arg20[%dma_start3A_279, %dma_start3A_280] : memref<2x128xi32, #tpu.memory_space<vmem>> -> memref<1x128xi32, #tpu.memory_space<vmem>>
      %dma_start3A_282 = tpu.memref_squeeze %dma_start3A_281 : memref<1x128xi32, #tpu.memory_space<vmem>> -> memref<128xi32, #tpu.memory_space<vmem>>
      %dma_start3A_283 = tpu.memref_slice %arg5[%multiple_of3A_269] : memref<325632xi32, #tpu.memory_space<hbm>> -> memref<128xi32, #tpu.memory_space<hbm>>
      %dma_start3A_284 = arith.constant 0 : i32
      %dma_start3A_285 = tpu.memref_slice %arg20[%dma_start3A_279, %dma_start3A_284] : memref<2x128xi32, #tpu.memory_space<vmem>> -> memref<1x128xi32, #tpu.memory_space<vmem>>
      %dma_start3A_286 = tpu.memref_squeeze %dma_start3A_285 : memref<1x128xi32, #tpu.memory_space<vmem>> -> memref<128xi32, #tpu.memory_space<vmem>>
      %dma_start3A_287 = tpu.memref_slice %arg5[%multiple_of3A_269] : memref<325632xi32, #tpu.memory_space<hbm>> -> memref<128xi32, #tpu.memory_space<hbm>>
      tpu.enqueue_dma source(%dma_start3A_287 : memref<128xi32, #tpu.memory_space<hbm>>) target(%dma_start3A_286 : memref<128xi32, #tpu.memory_space<vmem>>) target_semaphore(%arg32 : memref<!tpu.dma_semaphore, #tpu.memory_space<semaphore_mem>>)
      %dma_wait3A_288 = arith.constant 0 : i32
      %dma_wait3A_289 = arith.constant 0 : i32
      %dma_wait3A_290 = tpu.memref_slice %arg16[%dma_wait3A_288, %dma_wait3A_289] : memref<2x128xi32, #tpu.memory_space<vmem>> -> memref<1x128xi32, #tpu.memory_space<vmem>>
      %dma_wait3A_291 = tpu.memref_squeeze %dma_wait3A_290 : memref<1x128xi32, #tpu.memory_space<vmem>> -> memref<128xi32, #tpu.memory_space<vmem>>
      %dma_wait3A_292 = arith.constant 0 : i32
      %dma_wait3A_293 = arith.constant 0 : i32
      %dma_wait3A_294 = tpu.memref_slice %arg2[%dma_wait3A_292, %dma_wait3A_293] : memref<10000x128xf32, #tpu.memory_space<hbm>> -> memref<10000x128xf32, #tpu.memory_space<hbm>>
      tpu.wait_indirect_dma semaphore(%arg22 : memref<!tpu.dma_semaphore, #tpu.memory_space<semaphore_mem>>) src(%dma_wait3A_294 : memref<10000x128xf32, #tpu.memory_space<hbm>>) dst(%arg13 : memref<128x128xf32, #tpu.memory_space<vmem>>)
      %dma_start3A_295 = arith.constant 1 : i32
      %dma_start3A_296 = arith.constant 0 : i32
      %dma_start3A_297 = tpu.memref_slice %arg16[%dma_start3A_295, %dma_start3A_296] : memref<2x128xi32, #tpu.memory_space<vmem>> -> memref<1x128xi32, #tpu.memory_space<vmem>>
      %dma_start3A_298 = tpu.memref_squeeze %dma_start3A_297 : memref<1x128xi32, #tpu.memory_space<vmem>> -> memref<128xi32, #tpu.memory_space<vmem>>
      %dma_start3A_299 = arith.constant 0 : i32
      %dma_start3A_300 = arith.constant 0 : i32
      %dma_start3A_301 = tpu.memref_slice %arg11[%dma_start3A_299, %dma_start3A_300] : memref<10016x128xf32, #tpu.memory_space<vmem_shared>> -> memref<10016x128xf32, #tpu.memory_space<vmem_shared>>
      tpu.enqueue_indirect_dma source(%arg13 : memref<128x128xf32, #tpu.memory_space<vmem>>) target(%dma_start3A_301 : memref<10016x128xf32, #tpu.memory_space<vmem_shared>>) offsets(%dma_start3A_298 : memref<128xi32, #tpu.memory_space<vmem>>) semaphore(%arg25 : memref<!tpu.dma_semaphore, #tpu.memory_space<semaphore_mem>>) {add = true}
      %scan3A = arith.constant 0 : i32
      %scan3A_302 = arith.constant 0 : i32
      %scan3A_303 = arith.constant 26 : i32
      %scan3A_304 = arith.addi %scan3A_302, %scan3A_303 : i32
      %scan3A_305 = arith.constant 1 : i32
      scf.for %scan3A_434 = %scan3A_302 to %scan3A_304 step %scan3A_305  : i32 {
        %mul3A_435 = arith.constant 6 : i32
        %mul3A_436 = arith.muli %mul3A_435, %scan3A_434 : i32
        %add3A_437 = arith.constant 3 : i32
        %add3A_438 = arith.addi %add3A_437, %mul3A_436 : i32
        %add3A_439 = arith.constant 0 : i32
        %add3A_440 = arith.addi %add3A_438, %add3A_439 : i32
        %dma_wait3A_441 = arith.constant 1 : i32
        %dma_wait3A_442 = arith.constant 0 : i32
        %dma_wait3A_443 = tpu.memref_slice %arg15[%dma_wait3A_441, %dma_wait3A_442] : memref<2x128xi32, #tpu.memory_space<vmem>> -> memref<1x128xi32, #tpu.memory_space<vmem>>
        %dma_wait3A_444 = tpu.memref_squeeze %dma_wait3A_443 : memref<1x128xi32, #tpu.memory_space<vmem>> -> memref<128xi32, #tpu.memory_space<vmem>>
        %dma_wait3A_445 = arith.constant 0 : i32
        %dma_wait3A_446 = arith.constant 0 : i32
        %dma_wait3A_447 = tpu.memref_slice %arg11[%dma_wait3A_445, %dma_wait3A_446] : memref<10016x128xf32, #tpu.memory_space<vmem_shared>> -> memref<10016x128xf32, #tpu.memory_space<vmem_shared>>
        tpu.wait_indirect_dma semaphore(%arg24 : memref<!tpu.dma_semaphore, #tpu.memory_space<semaphore_mem>>) src(%arg12 : memref<128x128xf32, #tpu.memory_space<vmem>>) dst(%dma_wait3A_447 : memref<10016x128xf32, #tpu.memory_space<vmem_shared>>)
        %min3A_448 = arith.constant 158 : i32
        %min3A_449 = arith.minsi %add3A_440, %min3A_448 : i32
        %mul3A_450 = arith.constant 159 : i32
        %mul3A_451 = arith.muli %arg1, %mul3A_450 : i32
        %add3A_452 = arith.addi %mul3A_451, %min3A_449 : i32
        %mul3A_453 = arith.constant 128 : i32
        %mul3A_454 = arith.muli %add3A_452, %mul3A_453 : i32
        %multiple_of3A_455 = tpu.assume_multiple %mul3A_454, 128 : i32
        %dma_wait3A_456 = arith.constant 0 : i32
        %dma_wait3A_457 = arith.constant 0 : i32
        %dma_wait3A_458 = tpu.memref_slice %arg18[%dma_wait3A_456, %dma_wait3A_457] : memref<2x128xi32, #tpu.memory_space<vmem>> -> memref<1x128xi32, #tpu.memory_space<vmem>>
        %dma_wait3A_459 = tpu.memref_squeeze %dma_wait3A_458 : memref<1x128xi32, #tpu.memory_space<vmem>> -> memref<128xi32, #tpu.memory_space<vmem>>
        %dma_wait3A_460 = tpu.memref_slice %arg4[%multiple_of3A_455] : memref<325632xi32, #tpu.memory_space<hbm>> -> memref<128xi32, #tpu.memory_space<hbm>>
        %dma_wait3A_461 = arith.constant 0 : i32
        %dma_wait3A_462 = tpu.memref_slice %arg18[%dma_wait3A_456, %dma_wait3A_461] : memref<2x128xi32, #tpu.memory_space<vmem>> -> memref<1x128xi32, #tpu.memory_space<vmem>>
        %dma_wait3A_463 = tpu.memref_squeeze %dma_wait3A_462 : memref<1x128xi32, #tpu.memory_space<vmem>> -> memref<128xi32, #tpu.memory_space<vmem>>
        %dma_wait3A_464 = tpu.memref_slice %arg4[%multiple_of3A_455] : memref<325632xi32, #tpu.memory_space<hbm>> -> memref<128xi32, #tpu.memory_space<hbm>>
        tpu.wait_dma2 semaphore(%arg30 : memref<!tpu.dma_semaphore, #tpu.memory_space<semaphore_mem>>) src(%dma_wait3A_464 : memref<128xi32, #tpu.memory_space<hbm>>) dst(%dma_wait3A_463 : memref<128xi32, #tpu.memory_space<vmem>>)
        %dma_wait3A_465 = arith.constant 1 : i32
        %dma_wait3A_466 = arith.constant 0 : i32
        %dma_wait3A_467 = tpu.memref_slice %arg18[%dma_wait3A_465, %dma_wait3A_466] : memref<2x128xi32, #tpu.memory_space<vmem>> -> memref<1x128xi32, #tpu.memory_space<vmem>>
        %dma_wait3A_468 = tpu.memref_squeeze %dma_wait3A_467 : memref<1x128xi32, #tpu.memory_space<vmem>> -> memref<128xi32, #tpu.memory_space<vmem>>
        %dma_wait3A_469 = tpu.memref_slice %arg5[%multiple_of3A_455] : memref<325632xi32, #tpu.memory_space<hbm>> -> memref<128xi32, #tpu.memory_space<hbm>>
        %dma_wait3A_470 = arith.constant 0 : i32
        %dma_wait3A_471 = tpu.memref_slice %arg18[%dma_wait3A_465, %dma_wait3A_470] : memref<2x128xi32, #tpu.memory_space<vmem>> -> memref<1x128xi32, #tpu.memory_space<vmem>>
        %dma_wait3A_472 = tpu.memref_squeeze %dma_wait3A_471 : memref<1x128xi32, #tpu.memory_space<vmem>> -> memref<128xi32, #tpu.memory_space<vmem>>
        %dma_wait3A_473 = tpu.memref_slice %arg5[%multiple_of3A_455] : memref<325632xi32, #tpu.memory_space<hbm>> -> memref<128xi32, #tpu.memory_space<hbm>>
        tpu.wait_dma2 semaphore(%arg30 : memref<!tpu.dma_semaphore, #tpu.memory_space<semaphore_mem>>) src(%dma_wait3A_473 : memref<128xi32, #tpu.memory_space<hbm>>) dst(%dma_wait3A_472 : memref<128xi32, #tpu.memory_space<vmem>>)
        %dma_start3A_474 = arith.constant 0 : i32
        %dma_start3A_475 = arith.constant 0 : i32
        %dma_start3A_476 = tpu.memref_slice %arg18[%dma_start3A_474, %dma_start3A_475] : memref<2x128xi32, #tpu.memory_space<vmem>> -> memref<1x128xi32, #tpu.memory_space<vmem>>
        %dma_start3A_477 = tpu.memref_squeeze %dma_start3A_476 : memref<1x128xi32, #tpu.memory_space<vmem>> -> memref<128xi32, #tpu.memory_space<vmem>>
        %dma_start3A_478 = arith.constant 0 : i32
        %dma_start3A_479 = arith.constant 0 : i32
        %dma_start3A_480 = tpu.memref_slice %arg2[%dma_start3A_478, %dma_start3A_479] : memref<10000x128xf32, #tpu.memory_space<hbm>> -> memref<10000x128xf32, #tpu.memory_space<hbm>>
        tpu.enqueue_indirect_dma source(%dma_start3A_480 : memref<10000x128xf32, #tpu.memory_space<hbm>>) target(%arg12 : memref<128x128xf32, #tpu.memory_space<vmem>>) offsets(%dma_start3A_477 : memref<128xi32, #tpu.memory_space<vmem>>) semaphore(%arg21 : memref<!tpu.dma_semaphore, #tpu.memory_space<semaphore_mem>>)
        %add3A_481 = arith.constant 3 : i32
        %add3A_482 = arith.addi %add3A_440, %add3A_481 : i32
        %min3A_483 = arith.constant 158 : i32
        %min3A_484 = arith.minsi %add3A_482, %min3A_483 : i32
        %mul3A_485 = arith.constant 159 : i32
        %mul3A_486 = arith.muli %arg1, %mul3A_485 : i32
        %add3A_487 = arith.addi %mul3A_486, %min3A_484 : i32
        %mul3A_488 = arith.constant 128 : i32
        %mul3A_489 = arith.muli %add3A_487, %mul3A_488 : i32
        %multiple_of3A_490 = tpu.assume_multiple %mul3A_489, 128 : i32
        %dma_start3A_491 = arith.constant 0 : i32
        %dma_start3A_492 = arith.constant 0 : i32
        %dma_start3A_493 = tpu.memref_slice %arg15[%dma_start3A_491, %dma_start3A_492] : memref<2x128xi32, #tpu.memory_space<vmem>> -> memref<1x128xi32, #tpu.memory_space<vmem>>
        %dma_start3A_494 = tpu.memref_squeeze %dma_start3A_493 : memref<1x128xi32, #tpu.memory_space<vmem>> -> memref<128xi32, #tpu.memory_space<vmem>>
        %dma_start3A_495 = tpu.memref_slice %arg4[%multiple_of3A_490] : memref<325632xi32, #tpu.memory_space<hbm>> -> memref<128xi32, #tpu.memory_space<hbm>>
        %dma_start3A_496 = arith.constant 0 : i32
        %dma_start3A_497 = tpu.memref_slice %arg15[%dma_start3A_491, %dma_start3A_496] : memref<2x128xi32, #tpu.memory_space<vmem>> -> memref<1x128xi32, #tpu.memory_space<vmem>>
        %dma_start3A_498 = tpu.memref_squeeze %dma_start3A_497 : memref<1x128xi32, #tpu.memory_space<vmem>> -> memref<128xi32, #tpu.memory_space<vmem>>
        %dma_start3A_499 = tpu.memref_slice %arg4[%multiple_of3A_490] : memref<325632xi32, #tpu.memory_space<hbm>> -> memref<128xi32, #tpu.memory_space<hbm>>
        tpu.enqueue_dma source(%dma_start3A_499 : memref<128xi32, #tpu.memory_space<hbm>>) target(%dma_start3A_498 : memref<128xi32, #tpu.memory_space<vmem>>) target_semaphore(%arg27 : memref<!tpu.dma_semaphore, #tpu.memory_space<semaphore_mem>>)
        %dma_start3A_500 = arith.constant 1 : i32
        %dma_start3A_501 = arith.constant 0 : i32
        %dma_start3A_502 = tpu.memref_slice %arg15[%dma_start3A_500, %dma_start3A_501] : memref<2x128xi32, #tpu.memory_space<vmem>> -> memref<1x128xi32, #tpu.memory_space<vmem>>
        %dma_start3A_503 = tpu.memref_squeeze %dma_start3A_502 : memref<1x128xi32, #tpu.memory_space<vmem>> -> memref<128xi32, #tpu.memory_space<vmem>>
        %dma_start3A_504 = tpu.memref_slice %arg5[%multiple_of3A_490] : memref<325632xi32, #tpu.memory_space<hbm>> -> memref<128xi32, #tpu.memory_space<hbm>>
        %dma_start3A_505 = arith.constant 0 : i32
        %dma_start3A_506 = tpu.memref_slice %arg15[%dma_start3A_500, %dma_start3A_505] : memref<2x128xi32, #tpu.memory_space<vmem>> -> memref<1x128xi32, #tpu.memory_space<vmem>>
        %dma_start3A_507 = tpu.memref_squeeze %dma_start3A_506 : memref<1x128xi32, #tpu.memory_space<vmem>> -> memref<128xi32, #tpu.memory_space<vmem>>
        %dma_start3A_508 = tpu.memref_slice %arg5[%multiple_of3A_490] : memref<325632xi32, #tpu.memory_space<hbm>> -> memref<128xi32, #tpu.memory_space<hbm>>
        tpu.enqueue_dma source(%dma_start3A_508 : memref<128xi32, #tpu.memory_space<hbm>>) target(%dma_start3A_507 : memref<128xi32, #tpu.memory_space<vmem>>) target_semaphore(%arg27 : memref<!tpu.dma_semaphore, #tpu.memory_space<semaphore_mem>>)
        %dma_wait3A_509 = arith.constant 0 : i32
        %dma_wait3A_510 = arith.constant 0 : i32
        %dma_wait3A_511 = tpu.memref_slice %arg17[%dma_wait3A_509, %dma_wait3A_510] : memref<2x128xi32, #tpu.memory_space<vmem>> -> memref<1x128xi32, #tpu.memory_space<vmem>>
        %dma_wait3A_512 = tpu.memref_squeeze %dma_wait3A_511 : memref<1x128xi32, #tpu.memory_space<vmem>> -> memref<128xi32, #tpu.memory_space<vmem>>
        %dma_wait3A_513 = arith.constant 0 : i32
        %dma_wait3A_514 = arith.constant 0 : i32
        %dma_wait3A_515 = tpu.memref_slice %arg2[%dma_wait3A_513, %dma_wait3A_514] : memref<10000x128xf32, #tpu.memory_space<hbm>> -> memref<10000x128xf32, #tpu.memory_space<hbm>>
        tpu.wait_indirect_dma semaphore(%arg23 : memref<!tpu.dma_semaphore, #tpu.memory_space<semaphore_mem>>) src(%dma_wait3A_515 : memref<10000x128xf32, #tpu.memory_space<hbm>>) dst(%arg14 : memref<128x128xf32, #tpu.memory_space<vmem>>)
        %dma_start3A_516 = arith.constant 1 : i32
        %dma_start3A_517 = arith.constant 0 : i32
        %dma_start3A_518 = tpu.memref_slice %arg17[%dma_start3A_516, %dma_start3A_517] : memref<2x128xi32, #tpu.memory_space<vmem>> -> memref<1x128xi32, #tpu.memory_space<vmem>>
        %dma_start3A_519 = tpu.memref_squeeze %dma_start3A_518 : memref<1x128xi32, #tpu.memory_space<vmem>> -> memref<128xi32, #tpu.memory_space<vmem>>
        %dma_start3A_520 = arith.constant 0 : i32
        %dma_start3A_521 = arith.constant 0 : i32
        %dma_start3A_522 = tpu.memref_slice %arg11[%dma_start3A_520, %dma_start3A_521] : memref<10016x128xf32, #tpu.memory_space<vmem_shared>> -> memref<10016x128xf32, #tpu.memory_space<vmem_shared>>
        tpu.enqueue_indirect_dma source(%arg14 : memref<128x128xf32, #tpu.memory_space<vmem>>) target(%dma_start3A_522 : memref<10016x128xf32, #tpu.memory_space<vmem_shared>>) offsets(%dma_start3A_519 : memref<128xi32, #tpu.memory_space<vmem>>) semaphore(%arg26 : memref<!tpu.dma_semaphore, #tpu.memory_space<semaphore_mem>>) {add = true}
        %mul3A_523 = arith.constant 6 : i32
        %mul3A_524 = arith.muli %mul3A_523, %scan3A_434 : i32
        %add3A_525 = arith.constant 3 : i32
        %add3A_526 = arith.addi %add3A_525, %mul3A_524 : i32
        %add3A_527 = arith.constant 1 : i32
        %add3A_528 = arith.addi %add3A_526, %add3A_527 : i32
        %dma_wait3A_529 = arith.constant 1 : i32
        %dma_wait3A_530 = arith.constant 0 : i32
        %dma_wait3A_531 = tpu.memref_slice %arg16[%dma_wait3A_529, %dma_wait3A_530] : memref<2x128xi32, #tpu.memory_space<vmem>> -> memref<1x128xi32, #tpu.memory_space<vmem>>
        %dma_wait3A_532 = tpu.memref_squeeze %dma_wait3A_531 : memref<1x128xi32, #tpu.memory_space<vmem>> -> memref<128xi32, #tpu.memory_space<vmem>>
        %dma_wait3A_533 = arith.constant 0 : i32
        %dma_wait3A_534 = arith.constant 0 : i32
        %dma_wait3A_535 = tpu.memref_slice %arg11[%dma_wait3A_533, %dma_wait3A_534] : memref<10016x128xf32, #tpu.memory_space<vmem_shared>> -> memref<10016x128xf32, #tpu.memory_space<vmem_shared>>
        tpu.wait_indirect_dma semaphore(%arg25 : memref<!tpu.dma_semaphore, #tpu.memory_space<semaphore_mem>>) src(%arg13 : memref<128x128xf32, #tpu.memory_space<vmem>>) dst(%dma_wait3A_535 : memref<10016x128xf32, #tpu.memory_space<vmem_shared>>)
        %min3A_536 = arith.constant 158 : i32
        %min3A_537 = arith.minsi %add3A_528, %min3A_536 : i32
        %mul3A_538 = arith.constant 159 : i32
        %mul3A_539 = arith.muli %arg1, %mul3A_538 : i32
        %add3A_540 = arith.addi %mul3A_539, %min3A_537 : i32
        %mul3A_541 = arith.constant 128 : i32
        %mul3A_542 = arith.muli %add3A_540, %mul3A_541 : i32
        %multiple_of3A_543 = tpu.assume_multiple %mul3A_542, 128 : i32
        %dma_wait3A_544 = arith.constant 0 : i32
        %dma_wait3A_545 = arith.constant 0 : i32
        %dma_wait3A_546 = tpu.memref_slice %arg19[%dma_wait3A_544, %dma_wait3A_545] : memref<2x128xi32, #tpu.memory_space<vmem>> -> memref<1x128xi32, #tpu.memory_space<vmem>>
        %dma_wait3A_547 = tpu.memref_squeeze %dma_wait3A_546 : memref<1x128xi32, #tpu.memory_space<vmem>> -> memref<128xi32, #tpu.memory_space<vmem>>
        %dma_wait3A_548 = tpu.memref_slice %arg4[%multiple_of3A_543] : memref<325632xi32, #tpu.memory_space<hbm>> -> memref<128xi32, #tpu.memory_space<hbm>>
        %dma_wait3A_549 = arith.constant 0 : i32
        %dma_wait3A_550 = tpu.memref_slice %arg19[%dma_wait3A_544, %dma_wait3A_549] : memref<2x128xi32, #tpu.memory_space<vmem>> -> memref<1x128xi32, #tpu.memory_space<vmem>>
        %dma_wait3A_551 = tpu.memref_squeeze %dma_wait3A_550 : memref<1x128xi32, #tpu.memory_space<vmem>> -> memref<128xi32, #tpu.memory_space<vmem>>
        %dma_wait3A_552 = tpu.memref_slice %arg4[%multiple_of3A_543] : memref<325632xi32, #tpu.memory_space<hbm>> -> memref<128xi32, #tpu.memory_space<hbm>>
        tpu.wait_dma2 semaphore(%arg31 : memref<!tpu.dma_semaphore, #tpu.memory_space<semaphore_mem>>) src(%dma_wait3A_552 : memref<128xi32, #tpu.memory_space<hbm>>) dst(%dma_wait3A_551 : memref<128xi32, #tpu.memory_space<vmem>>)
        %dma_wait3A_553 = arith.constant 1 : i32
        %dma_wait3A_554 = arith.constant 0 : i32
        %dma_wait3A_555 = tpu.memref_slice %arg19[%dma_wait3A_553, %dma_wait3A_554] : memref<2x128xi32, #tpu.memory_space<vmem>> -> memref<1x128xi32, #tpu.memory_space<vmem>>
        %dma_wait3A_556 = tpu.memref_squeeze %dma_wait3A_555 : memref<1x128xi32, #tpu.memory_space<vmem>> -> memref<128xi32, #tpu.memory_space<vmem>>
        %dma_wait3A_557 = tpu.memref_slice %arg5[%multiple_of3A_543] : memref<325632xi32, #tpu.memory_space<hbm>> -> memref<128xi32, #tpu.memory_space<hbm>>
        %dma_wait3A_558 = arith.constant 0 : i32
        %dma_wait3A_559 = tpu.memref_slice %arg19[%dma_wait3A_553, %dma_wait3A_558] : memref<2x128xi32, #tpu.memory_space<vmem>> -> memref<1x128xi32, #tpu.memory_space<vmem>>
        %dma_wait3A_560 = tpu.memref_squeeze %dma_wait3A_559 : memref<1x128xi32, #tpu.memory_space<vmem>> -> memref<128xi32, #tpu.memory_space<vmem>>
        %dma_wait3A_561 = tpu.memref_slice %arg5[%multiple_of3A_543] : memref<325632xi32, #tpu.memory_space<hbm>> -> memref<128xi32, #tpu.memory_space<hbm>>
        tpu.wait_dma2 semaphore(%arg31 : memref<!tpu.dma_semaphore, #tpu.memory_space<semaphore_mem>>) src(%dma_wait3A_561 : memref<128xi32, #tpu.memory_space<hbm>>) dst(%dma_wait3A_560 : memref<128xi32, #tpu.memory_space<vmem>>)
        %dma_start3A_562 = arith.constant 0 : i32
        %dma_start3A_563 = arith.constant 0 : i32
        %dma_start3A_564 = tpu.memref_slice %arg19[%dma_start3A_562, %dma_start3A_563] : memref<2x128xi32, #tpu.memory_space<vmem>> -> memref<1x128xi32, #tpu.memory_space<vmem>>
        %dma_start3A_565 = tpu.memref_squeeze %dma_start3A_564 : memref<1x128xi32, #tpu.memory_space<vmem>> -> memref<128xi32, #tpu.memory_space<vmem>>
        %dma_start3A_566 = arith.constant 0 : i32
        %dma_start3A_567 = arith.constant 0 : i32
        %dma_start3A_568 = tpu.memref_slice %arg2[%dma_start3A_566, %dma_start3A_567] : memref<10000x128xf32, #tpu.memory_space<hbm>> -> memref<10000x128xf32, #tpu.memory_space<hbm>>
        tpu.enqueue_indirect_dma source(%dma_start3A_568 : memref<10000x128xf32, #tpu.memory_space<hbm>>) target(%arg13 : memref<128x128xf32, #tpu.memory_space<vmem>>) offsets(%dma_start3A_565 : memref<128xi32, #tpu.memory_space<vmem>>) semaphore(%arg22 : memref<!tpu.dma_semaphore, #tpu.memory_space<semaphore_mem>>)
        %add3A_569 = arith.constant 3 : i32
        %add3A_570 = arith.addi %add3A_528, %add3A_569 : i32
        %min3A_571 = arith.constant 158 : i32
        %min3A_572 = arith.minsi %add3A_570, %min3A_571 : i32
        %mul3A_573 = arith.constant 159 : i32
        %mul3A_574 = arith.muli %arg1, %mul3A_573 : i32
        %add3A_575 = arith.addi %mul3A_574, %min3A_572 : i32
        %mul3A_576 = arith.constant 128 : i32
        %mul3A_577 = arith.muli %add3A_575, %mul3A_576 : i32
        %multiple_of3A_578 = tpu.assume_multiple %mul3A_577, 128 : i32
        %dma_start3A_579 = arith.constant 0 : i32
        %dma_start3A_580 = arith.constant 0 : i32
        %dma_start3A_581 = tpu.memref_slice %arg16[%dma_start3A_579, %dma_start3A_580] : memref<2x128xi32, #tpu.memory_space<vmem>> -> memref<1x128xi32, #tpu.memory_space<vmem>>
        %dma_start3A_582 = tpu.memref_squeeze %dma_start3A_581 : memref<1x128xi32, #tpu.memory_space<vmem>> -> memref<128xi32, #tpu.memory_space<vmem>>
        %dma_start3A_583 = tpu.memref_slice %arg4[%multiple_of3A_578] : memref<325632xi32, #tpu.memory_space<hbm>> -> memref<128xi32, #tpu.memory_space<hbm>>
        %dma_start3A_584 = arith.constant 0 : i32
        %dma_start3A_585 = tpu.memref_slice %arg16[%dma_start3A_579, %dma_start3A_584] : memref<2x128xi32, #tpu.memory_space<vmem>> -> memref<1x128xi32, #tpu.memory_space<vmem>>
        %dma_start3A_586 = tpu.memref_squeeze %dma_start3A_585 : memref<1x128xi32, #tpu.memory_space<vmem>> -> memref<128xi32, #tpu.memory_space<vmem>>
        %dma_start3A_587 = tpu.memref_slice %arg4[%multiple_of3A_578] : memref<325632xi32, #tpu.memory_space<hbm>> -> memref<128xi32, #tpu.memory_space<hbm>>
        tpu.enqueue_dma source(%dma_start3A_587 : memref<128xi32, #tpu.memory_space<hbm>>) target(%dma_start3A_586 : memref<128xi32, #tpu.memory_space<vmem>>) target_semaphore(%arg28 : memref<!tpu.dma_semaphore, #tpu.memory_space<semaphore_mem>>)
        %dma_start3A_588 = arith.constant 1 : i32
        %dma_start3A_589 = arith.constant 0 : i32
        %dma_start3A_590 = tpu.memref_slice %arg16[%dma_start3A_588, %dma_start3A_589] : memref<2x128xi32, #tpu.memory_space<vmem>> -> memref<1x128xi32, #tpu.memory_space<vmem>>
        %dma_start3A_591 = tpu.memref_squeeze %dma_start3A_590 : memref<1x128xi32, #tpu.memory_space<vmem>> -> memref<128xi32, #tpu.memory_space<vmem>>
        %dma_start3A_592 = tpu.memref_slice %arg5[%multiple_of3A_578] : memref<325632xi32, #tpu.memory_space<hbm>> -> memref<128xi32, #tpu.memory_space<hbm>>
        %dma_start3A_593 = arith.constant 0 : i32
        %dma_start3A_594 = tpu.memref_slice %arg16[%dma_start3A_588, %dma_start3A_593] : memref<2x128xi32, #tpu.memory_space<vmem>> -> memref<1x128xi32, #tpu.memory_space<vmem>>
        %dma_start3A_595 = tpu.memref_squeeze %dma_start3A_594 : memref<1x128xi32, #tpu.memory_space<vmem>> -> memref<128xi32, #tpu.memory_space<vmem>>
        %dma_start3A_596 = tpu.memref_slice %arg5[%multiple_of3A_578] : memref<325632xi32, #tpu.memory_space<hbm>> -> memref<128xi32, #tpu.memory_space<hbm>>
        tpu.enqueue_dma source(%dma_start3A_596 : memref<128xi32, #tpu.memory_space<hbm>>) target(%dma_start3A_595 : memref<128xi32, #tpu.memory_space<vmem>>) target_semaphore(%arg28 : memref<!tpu.dma_semaphore, #tpu.memory_space<semaphore_mem>>)
        %dma_wait3A_597 = arith.constant 0 : i32
        %dma_wait3A_598 = arith.constant 0 : i32
        %dma_wait3A_599 = tpu.memref_slice %arg18[%dma_wait3A_597, %dma_wait3A_598] : memref<2x128xi32, #tpu.memory_space<vmem>> -> memref<1x128xi32, #tpu.memory_space<vmem>>
        %dma_wait3A_600 = tpu.memref_squeeze %dma_wait3A_599 : memref<1x128xi32, #tpu.memory_space<vmem>> -> memref<128xi32, #tpu.memory_space<vmem>>
        %dma_wait3A_601 = arith.constant 0 : i32
        %dma_wait3A_602 = arith.constant 0 : i32
        %dma_wait3A_603 = tpu.memref_slice %arg2[%dma_wait3A_601, %dma_wait3A_602] : memref<10000x128xf32, #tpu.memory_space<hbm>> -> memref<10000x128xf32, #tpu.memory_space<hbm>>
        tpu.wait_indirect_dma semaphore(%arg21 : memref<!tpu.dma_semaphore, #tpu.memory_space<semaphore_mem>>) src(%dma_wait3A_603 : memref<10000x128xf32, #tpu.memory_space<hbm>>) dst(%arg12 : memref<128x128xf32, #tpu.memory_space<vmem>>)
        %dma_start3A_604 = arith.constant 1 : i32
        %dma_start3A_605 = arith.constant 0 : i32
        %dma_start3A_606 = tpu.memref_slice %arg18[%dma_start3A_604, %dma_start3A_605] : memref<2x128xi32, #tpu.memory_space<vmem>> -> memref<1x128xi32, #tpu.memory_space<vmem>>
        %dma_start3A_607 = tpu.memref_squeeze %dma_start3A_606 : memref<1x128xi32, #tpu.memory_space<vmem>> -> memref<128xi32, #tpu.memory_space<vmem>>
        %dma_start3A_608 = arith.constant 0 : i32
        %dma_start3A_609 = arith.constant 0 : i32
        %dma_start3A_610 = tpu.memref_slice %arg11[%dma_start3A_608, %dma_start3A_609] : memref<10016x128xf32, #tpu.memory_space<vmem_shared>> -> memref<10016x128xf32, #tpu.memory_space<vmem_shared>>
        tpu.enqueue_indirect_dma source(%arg12 : memref<128x128xf32, #tpu.memory_space<vmem>>) target(%dma_start3A_610 : memref<10016x128xf32, #tpu.memory_space<vmem_shared>>) offsets(%dma_start3A_607 : memref<128xi32, #tpu.memory_space<vmem>>) semaphore(%arg24 : memref<!tpu.dma_semaphore, #tpu.memory_space<semaphore_mem>>) {add = true}
        %mul3A_611 = arith.constant 6 : i32
        %mul3A_612 = arith.muli %mul3A_611, %scan3A_434 : i32
        %add3A_613 = arith.constant 3 : i32
        %add3A_614 = arith.addi %add3A_613, %mul3A_612 : i32
        %add3A_615 = arith.constant 2 : i32
        %add3A_616 = arith.addi %add3A_614, %add3A_615 : i32
        %dma_wait3A_617 = arith.constant 1 : i32
        %dma_wait3A_618 = arith.constant 0 : i32
        %dma_wait3A_619 = tpu.memref_slice %arg17[%dma_wait3A_617, %dma_wait3A_618] : memref<2x128xi32, #tpu.memory_space<vmem>> -> memref<1x128xi32, #tpu.memory_space<vmem>>
        %dma_wait3A_620 = tpu.memref_squeeze %dma_wait3A_619 : memref<1x128xi32, #tpu.memory_space<vmem>> -> memref<128xi32, #tpu.memory_space<vmem>>
        %dma_wait3A_621 = arith.constant 0 : i32
        %dma_wait3A_622 = arith.constant 0 : i32
        %dma_wait3A_623 = tpu.memref_slice %arg11[%dma_wait3A_621, %dma_wait3A_622] : memref<10016x128xf32, #tpu.memory_space<vmem_shared>> -> memref<10016x128xf32, #tpu.memory_space<vmem_shared>>
        tpu.wait_indirect_dma semaphore(%arg26 : memref<!tpu.dma_semaphore, #tpu.memory_space<semaphore_mem>>) src(%arg14 : memref<128x128xf32, #tpu.memory_space<vmem>>) dst(%dma_wait3A_623 : memref<10016x128xf32, #tpu.memory_space<vmem_shared>>)
        %min3A_624 = arith.constant 158 : i32
        %min3A_625 = arith.minsi %add3A_616, %min3A_624 : i32
        %mul3A_626 = arith.constant 159 : i32
        %mul3A_627 = arith.muli %arg1, %mul3A_626 : i32
        %add3A_628 = arith.addi %mul3A_627, %min3A_625 : i32
        %mul3A_629 = arith.constant 128 : i32
        %mul3A_630 = arith.muli %add3A_628, %mul3A_629 : i32
        %multiple_of3A_631 = tpu.assume_multiple %mul3A_630, 128 : i32
        %dma_wait3A_632 = arith.constant 0 : i32
        %dma_wait3A_633 = arith.constant 0 : i32
        %dma_wait3A_634 = tpu.memref_slice %arg20[%dma_wait3A_632, %dma_wait3A_633] : memref<2x128xi32, #tpu.memory_space<vmem>> -> memref<1x128xi32, #tpu.memory_space<vmem>>
        %dma_wait3A_635 = tpu.memref_squeeze %dma_wait3A_634 : memref<1x128xi32, #tpu.memory_space<vmem>> -> memref<128xi32, #tpu.memory_space<vmem>>
        %dma_wait3A_636 = tpu.memref_slice %arg4[%multiple_of3A_631] : memref<325632xi32, #tpu.memory_space<hbm>> -> memref<128xi32, #tpu.memory_space<hbm>>
        %dma_wait3A_637 = arith.constant 0 : i32
        %dma_wait3A_638 = tpu.memref_slice %arg20[%dma_wait3A_632, %dma_wait3A_637] : memref<2x128xi32, #tpu.memory_space<vmem>> -> memref<1x128xi32, #tpu.memory_space<vmem>>
        %dma_wait3A_639 = tpu.memref_squeeze %dma_wait3A_638 : memref<1x128xi32, #tpu.memory_space<vmem>> -> memref<128xi32, #tpu.memory_space<vmem>>
        %dma_wait3A_640 = tpu.memref_slice %arg4[%multiple_of3A_631] : memref<325632xi32, #tpu.memory_space<hbm>> -> memref<128xi32, #tpu.memory_space<hbm>>
        tpu.wait_dma2 semaphore(%arg32 : memref<!tpu.dma_semaphore, #tpu.memory_space<semaphore_mem>>) src(%dma_wait3A_640 : memref<128xi32, #tpu.memory_space<hbm>>) dst(%dma_wait3A_639 : memref<128xi32, #tpu.memory_space<vmem>>)
        %dma_wait3A_641 = arith.constant 1 : i32
        %dma_wait3A_642 = arith.constant 0 : i32
        %dma_wait3A_643 = tpu.memref_slice %arg20[%dma_wait3A_641, %dma_wait3A_642] : memref<2x128xi32, #tpu.memory_space<vmem>> -> memref<1x128xi32, #tpu.memory_space<vmem>>
        %dma_wait3A_644 = tpu.memref_squeeze %dma_wait3A_643 : memref<1x128xi32, #tpu.memory_space<vmem>> -> memref<128xi32, #tpu.memory_space<vmem>>
        %dma_wait3A_645 = tpu.memref_slice %arg5[%multiple_of3A_631] : memref<325632xi32, #tpu.memory_space<hbm>> -> memref<128xi32, #tpu.memory_space<hbm>>
        %dma_wait3A_646 = arith.constant 0 : i32
        %dma_wait3A_647 = tpu.memref_slice %arg20[%dma_wait3A_641, %dma_wait3A_646] : memref<2x128xi32, #tpu.memory_space<vmem>> -> memref<1x128xi32, #tpu.memory_space<vmem>>
        %dma_wait3A_648 = tpu.memref_squeeze %dma_wait3A_647 : memref<1x128xi32, #tpu.memory_space<vmem>> -> memref<128xi32, #tpu.memory_space<vmem>>
        %dma_wait3A_649 = tpu.memref_slice %arg5[%multiple_of3A_631] : memref<325632xi32, #tpu.memory_space<hbm>> -> memref<128xi32, #tpu.memory_space<hbm>>
        tpu.wait_dma2 semaphore(%arg32 : memref<!tpu.dma_semaphore, #tpu.memory_space<semaphore_mem>>) src(%dma_wait3A_649 : memref<128xi32, #tpu.memory_space<hbm>>) dst(%dma_wait3A_648 : memref<128xi32, #tpu.memory_space<vmem>>)
        %dma_start3A_650 = arith.constant 0 : i32
        %dma_start3A_651 = arith.constant 0 : i32
        %dma_start3A_652 = tpu.memref_slice %arg20[%dma_start3A_650, %dma_start3A_651] : memref<2x128xi32, #tpu.memory_space<vmem>> -> memref<1x128xi32, #tpu.memory_space<vmem>>
        %dma_start3A_653 = tpu.memref_squeeze %dma_start3A_652 : memref<1x128xi32, #tpu.memory_space<vmem>> -> memref<128xi32, #tpu.memory_space<vmem>>
        %dma_start3A_654 = arith.constant 0 : i32
        %dma_start3A_655 = arith.constant 0 : i32
        %dma_start3A_656 = tpu.memref_slice %arg2[%dma_start3A_654, %dma_start3A_655] : memref<10000x128xf32, #tpu.memory_space<hbm>> -> memref<10000x128xf32, #tpu.memory_space<hbm>>
        tpu.enqueue_indirect_dma source(%dma_start3A_656 : memref<10000x128xf32, #tpu.memory_space<hbm>>) target(%arg14 : memref<128x128xf32, #tpu.memory_space<vmem>>) offsets(%dma_start3A_653 : memref<128xi32, #tpu.memory_space<vmem>>) semaphore(%arg23 : memref<!tpu.dma_semaphore, #tpu.memory_space<semaphore_mem>>)
        %add3A_657 = arith.constant 3 : i32
        %add3A_658 = arith.addi %add3A_616, %add3A_657 : i32
        %min3A_659 = arith.constant 158 : i32
        %min3A_660 = arith.minsi %add3A_658, %min3A_659 : i32
        %mul3A_661 = arith.constant 159 : i32
        %mul3A_662 = arith.muli %arg1, %mul3A_661 : i32
        %add3A_663 = arith.addi %mul3A_662, %min3A_660 : i32
        %mul3A_664 = arith.constant 128 : i32
        %mul3A_665 = arith.muli %add3A_663, %mul3A_664 : i32
        %multiple_of3A_666 = tpu.assume_multiple %mul3A_665, 128 : i32
        %dma_start3A_667 = arith.constant 0 : i32
        %dma_start3A_668 = arith.constant 0 : i32
        %dma_start3A_669 = tpu.memref_slice %arg17[%dma_start3A_667, %dma_start3A_668] : memref<2x128xi32, #tpu.memory_space<vmem>> -> memref<1x128xi32, #tpu.memory_space<vmem>>
        %dma_start3A_670 = tpu.memref_squeeze %dma_start3A_669 : memref<1x128xi32, #tpu.memory_space<vmem>> -> memref<128xi32, #tpu.memory_space<vmem>>
        %dma_start3A_671 = tpu.memref_slice %arg4[%multiple_of3A_666] : memref<325632xi32, #tpu.memory_space<hbm>> -> memref<128xi32, #tpu.memory_space<hbm>>
        %dma_start3A_672 = arith.constant 0 : i32
        %dma_start3A_673 = tpu.memref_slice %arg17[%dma_start3A_667, %dma_start3A_672] : memref<2x128xi32, #tpu.memory_space<vmem>> -> memref<1x128xi32, #tpu.memory_space<vmem>>
        %dma_start3A_674 = tpu.memref_squeeze %dma_start3A_673 : memref<1x128xi32, #tpu.memory_space<vmem>> -> memref<128xi32, #tpu.memory_space<vmem>>
        %dma_start3A_675 = tpu.memref_slice %arg4[%multiple_of3A_666] : memref<325632xi32, #tpu.memory_space<hbm>> -> memref<128xi32, #tpu.memory_space<hbm>>
        tpu.enqueue_dma source(%dma_start3A_675 : memref<128xi32, #tpu.memory_space<hbm>>) target(%dma_start3A_674 : memref<128xi32, #tpu.memory_space<vmem>>) target_semaphore(%arg29 : memref<!tpu.dma_semaphore, #tpu.memory_space<semaphore_mem>>)
        %dma_start3A_676 = arith.constant 1 : i32
        %dma_start3A_677 = arith.constant 0 : i32
        %dma_start3A_678 = tpu.memref_slice %arg17[%dma_start3A_676, %dma_start3A_677] : memref<2x128xi32, #tpu.memory_space<vmem>> -> memref<1x128xi32, #tpu.memory_space<vmem>>
        %dma_start3A_679 = tpu.memref_squeeze %dma_start3A_678 : memref<1x128xi32, #tpu.memory_space<vmem>> -> memref<128xi32, #tpu.memory_space<vmem>>
        %dma_start3A_680 = tpu.memref_slice %arg5[%multiple_of3A_666] : memref<325632xi32, #tpu.memory_space<hbm>> -> memref<128xi32, #tpu.memory_space<hbm>>
        %dma_start3A_681 = arith.constant 0 : i32
        %dma_start3A_682 = tpu.memref_slice %arg17[%dma_start3A_676, %dma_start3A_681] : memref<2x128xi32, #tpu.memory_space<vmem>> -> memref<1x128xi32, #tpu.memory_space<vmem>>
        %dma_start3A_683 = tpu.memref_squeeze %dma_start3A_682 : memref<1x128xi32, #tpu.memory_space<vmem>> -> memref<128xi32, #tpu.memory_space<vmem>>
        %dma_start3A_684 = tpu.memref_slice %arg5[%multiple_of3A_666] : memref<325632xi32, #tpu.memory_space<hbm>> -> memref<128xi32, #tpu.memory_space<hbm>>
        tpu.enqueue_dma source(%dma_start3A_684 : memref<128xi32, #tpu.memory_space<hbm>>) target(%dma_start3A_683 : memref<128xi32, #tpu.memory_space<vmem>>) target_semaphore(%arg29 : memref<!tpu.dma_semaphore, #tpu.memory_space<semaphore_mem>>)
        %dma_wait3A_685 = arith.constant 0 : i32
        %dma_wait3A_686 = arith.constant 0 : i32
        %dma_wait3A_687 = tpu.memref_slice %arg19[%dma_wait3A_685, %dma_wait3A_686] : memref<2x128xi32, #tpu.memory_space<vmem>> -> memref<1x128xi32, #tpu.memory_space<vmem>>
        %dma_wait3A_688 = tpu.memref_squeeze %dma_wait3A_687 : memref<1x128xi32, #tpu.memory_space<vmem>> -> memref<128xi32, #tpu.memory_space<vmem>>
        %dma_wait3A_689 = arith.constant 0 : i32
        %dma_wait3A_690 = arith.constant 0 : i32
        %dma_wait3A_691 = tpu.memref_slice %arg2[%dma_wait3A_689, %dma_wait3A_690] : memref<10000x128xf32, #tpu.memory_space<hbm>> -> memref<10000x128xf32, #tpu.memory_space<hbm>>
        tpu.wait_indirect_dma semaphore(%arg22 : memref<!tpu.dma_semaphore, #tpu.memory_space<semaphore_mem>>) src(%dma_wait3A_691 : memref<10000x128xf32, #tpu.memory_space<hbm>>) dst(%arg13 : memref<128x128xf32, #tpu.memory_space<vmem>>)
        %dma_start3A_692 = arith.constant 1 : i32
        %dma_start3A_693 = arith.constant 0 : i32
        %dma_start3A_694 = tpu.memref_slice %arg19[%dma_start3A_692, %dma_start3A_693] : memref<2x128xi32, #tpu.memory_space<vmem>> -> memref<1x128xi32, #tpu.memory_space<vmem>>
        %dma_start3A_695 = tpu.memref_squeeze %dma_start3A_694 : memref<1x128xi32, #tpu.memory_space<vmem>> -> memref<128xi32, #tpu.memory_space<vmem>>
        %dma_start3A_696 = arith.constant 0 : i32
        %dma_start3A_697 = arith.constant 0 : i32
        %dma_start3A_698 = tpu.memref_slice %arg11[%dma_start3A_696, %dma_start3A_697] : memref<10016x128xf32, #tpu.memory_space<vmem_shared>> -> memref<10016x128xf32, #tpu.memory_space<vmem_shared>>
        tpu.enqueue_indirect_dma source(%arg13 : memref<128x128xf32, #tpu.memory_space<vmem>>) target(%dma_start3A_698 : memref<10016x128xf32, #tpu.memory_space<vmem_shared>>) offsets(%dma_start3A_695 : memref<128xi32, #tpu.memory_space<vmem>>) semaphore(%arg25 : memref<!tpu.dma_semaphore, #tpu.memory_space<semaphore_mem>>) {add = true}
        %mul3A_699 = arith.constant 6 : i32
        %mul3A_700 = arith.muli %mul3A_699, %scan3A_434 : i32
        %add3A_701 = arith.constant 3 : i32
        %add3A_702 = arith.addi %add3A_701, %mul3A_700 : i32
        %add3A_703 = arith.constant 3 : i32
        %add3A_704 = arith.addi %add3A_702, %add3A_703 : i32
        %dma_wait3A_705 = arith.constant 1 : i32
        %dma_wait3A_706 = arith.constant 0 : i32
        %dma_wait3A_707 = tpu.memref_slice %arg18[%dma_wait3A_705, %dma_wait3A_706] : memref<2x128xi32, #tpu.memory_space<vmem>> -> memref<1x128xi32, #tpu.memory_space<vmem>>
        %dma_wait3A_708 = tpu.memref_squeeze %dma_wait3A_707 : memref<1x128xi32, #tpu.memory_space<vmem>> -> memref<128xi32, #tpu.memory_space<vmem>>
        %dma_wait3A_709 = arith.constant 0 : i32
        %dma_wait3A_710 = arith.constant 0 : i32
        %dma_wait3A_711 = tpu.memref_slice %arg11[%dma_wait3A_709, %dma_wait3A_710] : memref<10016x128xf32, #tpu.memory_space<vmem_shared>> -> memref<10016x128xf32, #tpu.memory_space<vmem_shared>>
        tpu.wait_indirect_dma semaphore(%arg24 : memref<!tpu.dma_semaphore, #tpu.memory_space<semaphore_mem>>) src(%arg12 : memref<128x128xf32, #tpu.memory_space<vmem>>) dst(%dma_wait3A_711 : memref<10016x128xf32, #tpu.memory_space<vmem_shared>>)
        %min3A_712 = arith.constant 158 : i32
        %min3A_713 = arith.minsi %add3A_704, %min3A_712 : i32
        %mul3A_714 = arith.constant 159 : i32
        %mul3A_715 = arith.muli %arg1, %mul3A_714 : i32
        %add3A_716 = arith.addi %mul3A_715, %min3A_713 : i32
        %mul3A_717 = arith.constant 128 : i32
        %mul3A_718 = arith.muli %add3A_716, %mul3A_717 : i32
        %multiple_of3A_719 = tpu.assume_multiple %mul3A_718, 128 : i32
        %dma_wait3A_720 = arith.constant 0 : i32
        %dma_wait3A_721 = arith.constant 0 : i32
        %dma_wait3A_722 = tpu.memref_slice %arg15[%dma_wait3A_720, %dma_wait3A_721] : memref<2x128xi32, #tpu.memory_space<vmem>> -> memref<1x128xi32, #tpu.memory_space<vmem>>
        %dma_wait3A_723 = tpu.memref_squeeze %dma_wait3A_722 : memref<1x128xi32, #tpu.memory_space<vmem>> -> memref<128xi32, #tpu.memory_space<vmem>>
        %dma_wait3A_724 = tpu.memref_slice %arg4[%multiple_of3A_719] : memref<325632xi32, #tpu.memory_space<hbm>> -> memref<128xi32, #tpu.memory_space<hbm>>
        %dma_wait3A_725 = arith.constant 0 : i32
        %dma_wait3A_726 = tpu.memref_slice %arg15[%dma_wait3A_720, %dma_wait3A_725] : memref<2x128xi32, #tpu.memory_space<vmem>> -> memref<1x128xi32, #tpu.memory_space<vmem>>
        %dma_wait3A_727 = tpu.memref_squeeze %dma_wait3A_726 : memref<1x128xi32, #tpu.memory_space<vmem>> -> memref<128xi32, #tpu.memory_space<vmem>>
        %dma_wait3A_728 = tpu.memref_slice %arg4[%multiple_of3A_719] : memref<325632xi32, #tpu.memory_space<hbm>> -> memref<128xi32, #tpu.memory_space<hbm>>
        tpu.wait_dma2 semaphore(%arg27 : memref<!tpu.dma_semaphore, #tpu.memory_space<semaphore_mem>>) src(%dma_wait3A_728 : memref<128xi32, #tpu.memory_space<hbm>>) dst(%dma_wait3A_727 : memref<128xi32, #tpu.memory_space<vmem>>)
        %dma_wait3A_729 = arith.constant 1 : i32
        %dma_wait3A_730 = arith.constant 0 : i32
        %dma_wait3A_731 = tpu.memref_slice %arg15[%dma_wait3A_729, %dma_wait3A_730] : memref<2x128xi32, #tpu.memory_space<vmem>> -> memref<1x128xi32, #tpu.memory_space<vmem>>
        %dma_wait3A_732 = tpu.memref_squeeze %dma_wait3A_731 : memref<1x128xi32, #tpu.memory_space<vmem>> -> memref<128xi32, #tpu.memory_space<vmem>>
        %dma_wait3A_733 = tpu.memref_slice %arg5[%multiple_of3A_719] : memref<325632xi32, #tpu.memory_space<hbm>> -> memref<128xi32, #tpu.memory_space<hbm>>
        %dma_wait3A_734 = arith.constant 0 : i32
        %dma_wait3A_735 = tpu.memref_slice %arg15[%dma_wait3A_729, %dma_wait3A_734] : memref<2x128xi32, #tpu.memory_space<vmem>> -> memref<1x128xi32, #tpu.memory_space<vmem>>
        %dma_wait3A_736 = tpu.memref_squeeze %dma_wait3A_735 : memref<1x128xi32, #tpu.memory_space<vmem>> -> memref<128xi32, #tpu.memory_space<vmem>>
        %dma_wait3A_737 = tpu.memref_slice %arg5[%multiple_of3A_719] : memref<325632xi32, #tpu.memory_space<hbm>> -> memref<128xi32, #tpu.memory_space<hbm>>
        tpu.wait_dma2 semaphore(%arg27 : memref<!tpu.dma_semaphore, #tpu.memory_space<semaphore_mem>>) src(%dma_wait3A_737 : memref<128xi32, #tpu.memory_space<hbm>>) dst(%dma_wait3A_736 : memref<128xi32, #tpu.memory_space<vmem>>)
        %dma_start3A_738 = arith.constant 0 : i32
        %dma_start3A_739 = arith.constant 0 : i32
        %dma_start3A_740 = tpu.memref_slice %arg15[%dma_start3A_738, %dma_start3A_739] : memref<2x128xi32, #tpu.memory_space<vmem>> -> memref<1x128xi32, #tpu.memory_space<vmem>>
        %dma_start3A_741 = tpu.memref_squeeze %dma_start3A_740 : memref<1x128xi32, #tpu.memory_space<vmem>> -> memref<128xi32, #tpu.memory_space<vmem>>
        %dma_start3A_742 = arith.constant 0 : i32
        %dma_start3A_743 = arith.constant 0 : i32
        %dma_start3A_744 = tpu.memref_slice %arg2[%dma_start3A_742, %dma_start3A_743] : memref<10000x128xf32, #tpu.memory_space<hbm>> -> memref<10000x128xf32, #tpu.memory_space<hbm>>
        tpu.enqueue_indirect_dma source(%dma_start3A_744 : memref<10000x128xf32, #tpu.memory_space<hbm>>) target(%arg12 : memref<128x128xf32, #tpu.memory_space<vmem>>) offsets(%dma_start3A_741 : memref<128xi32, #tpu.memory_space<vmem>>) semaphore(%arg21 : memref<!tpu.dma_semaphore, #tpu.memory_space<semaphore_mem>>)
        %add3A_745 = arith.constant 3 : i32
        %add3A_746 = arith.addi %add3A_704, %add3A_745 : i32
        %min3A_747 = arith.constant 158 : i32
        %min3A_748 = arith.minsi %add3A_746, %min3A_747 : i32
        %mul3A_749 = arith.constant 159 : i32
        %mul3A_750 = arith.muli %arg1, %mul3A_749 : i32
        %add3A_751 = arith.addi %mul3A_750, %min3A_748 : i32
        %mul3A_752 = arith.constant 128 : i32
        %mul3A_753 = arith.muli %add3A_751, %mul3A_752 : i32
        %multiple_of3A_754 = tpu.assume_multiple %mul3A_753, 128 : i32
        %dma_start3A_755 = arith.constant 0 : i32
        %dma_start3A_756 = arith.constant 0 : i32
        %dma_start3A_757 = tpu.memref_slice %arg18[%dma_start3A_755, %dma_start3A_756] : memref<2x128xi32, #tpu.memory_space<vmem>> -> memref<1x128xi32, #tpu.memory_space<vmem>>
        %dma_start3A_758 = tpu.memref_squeeze %dma_start3A_757 : memref<1x128xi32, #tpu.memory_space<vmem>> -> memref<128xi32, #tpu.memory_space<vmem>>
        %dma_start3A_759 = tpu.memref_slice %arg4[%multiple_of3A_754] : memref<325632xi32, #tpu.memory_space<hbm>> -> memref<128xi32, #tpu.memory_space<hbm>>
        %dma_start3A_760 = arith.constant 0 : i32
        %dma_start3A_761 = tpu.memref_slice %arg18[%dma_start3A_755, %dma_start3A_760] : memref<2x128xi32, #tpu.memory_space<vmem>> -> memref<1x128xi32, #tpu.memory_space<vmem>>
        %dma_start3A_762 = tpu.memref_squeeze %dma_start3A_761 : memref<1x128xi32, #tpu.memory_space<vmem>> -> memref<128xi32, #tpu.memory_space<vmem>>
        %dma_start3A_763 = tpu.memref_slice %arg4[%multiple_of3A_754] : memref<325632xi32, #tpu.memory_space<hbm>> -> memref<128xi32, #tpu.memory_space<hbm>>
        tpu.enqueue_dma source(%dma_start3A_763 : memref<128xi32, #tpu.memory_space<hbm>>) target(%dma_start3A_762 : memref<128xi32, #tpu.memory_space<vmem>>) target_semaphore(%arg30 : memref<!tpu.dma_semaphore, #tpu.memory_space<semaphore_mem>>)
        %dma_start3A_764 = arith.constant 1 : i32
        %dma_start3A_765 = arith.constant 0 : i32
        %dma_start3A_766 = tpu.memref_slice %arg18[%dma_start3A_764, %dma_start3A_765] : memref<2x128xi32, #tpu.memory_space<vmem>> -> memref<1x128xi32, #tpu.memory_space<vmem>>
        %dma_start3A_767 = tpu.memref_squeeze %dma_start3A_766 : memref<1x128xi32, #tpu.memory_space<vmem>> -> memref<128xi32, #tpu.memory_space<vmem>>
        %dma_start3A_768 = tpu.memref_slice %arg5[%multiple_of3A_754] : memref<325632xi32, #tpu.memory_space<hbm>> -> memref<128xi32, #tpu.memory_space<hbm>>
        %dma_start3A_769 = arith.constant 0 : i32
        %dma_start3A_770 = tpu.memref_slice %arg18[%dma_start3A_764, %dma_start3A_769] : memref<2x128xi32, #tpu.memory_space<vmem>> -> memref<1x128xi32, #tpu.memory_space<vmem>>
        %dma_start3A_771 = tpu.memref_squeeze %dma_start3A_770 : memref<1x128xi32, #tpu.memory_space<vmem>> -> memref<128xi32, #tpu.memory_space<vmem>>
        %dma_start3A_772 = tpu.memref_slice %arg5[%multiple_of3A_754] : memref<325632xi32, #tpu.memory_space<hbm>> -> memref<128xi32, #tpu.memory_space<hbm>>
        tpu.enqueue_dma source(%dma_start3A_772 : memref<128xi32, #tpu.memory_space<hbm>>) target(%dma_start3A_771 : memref<128xi32, #tpu.memory_space<vmem>>) target_semaphore(%arg30 : memref<!tpu.dma_semaphore, #tpu.memory_space<semaphore_mem>>)
        %dma_wait3A_773 = arith.constant 0 : i32
        %dma_wait3A_774 = arith.constant 0 : i32
        %dma_wait3A_775 = tpu.memref_slice %arg20[%dma_wait3A_773, %dma_wait3A_774] : memref<2x128xi32, #tpu.memory_space<vmem>> -> memref<1x128xi32, #tpu.memory_space<vmem>>
        %dma_wait3A_776 = tpu.memref_squeeze %dma_wait3A_775 : memref<1x128xi32, #tpu.memory_space<vmem>> -> memref<128xi32, #tpu.memory_space<vmem>>
        %dma_wait3A_777 = arith.constant 0 : i32
        %dma_wait3A_778 = arith.constant 0 : i32
        %dma_wait3A_779 = tpu.memref_slice %arg2[%dma_wait3A_777, %dma_wait3A_778] : memref<10000x128xf32, #tpu.memory_space<hbm>> -> memref<10000x128xf32, #tpu.memory_space<hbm>>
        tpu.wait_indirect_dma semaphore(%arg23 : memref<!tpu.dma_semaphore, #tpu.memory_space<semaphore_mem>>) src(%dma_wait3A_779 : memref<10000x128xf32, #tpu.memory_space<hbm>>) dst(%arg14 : memref<128x128xf32, #tpu.memory_space<vmem>>)
        %dma_start3A_780 = arith.constant 1 : i32
        %dma_start3A_781 = arith.constant 0 : i32
        %dma_start3A_782 = tpu.memref_slice %arg20[%dma_start3A_780, %dma_start3A_781] : memref<2x128xi32, #tpu.memory_space<vmem>> -> memref<1x128xi32, #tpu.memory_space<vmem>>
        %dma_start3A_783 = tpu.memref_squeeze %dma_start3A_782 : memref<1x128xi32, #tpu.memory_space<vmem>> -> memref<128xi32, #tpu.memory_space<vmem>>
        %dma_start3A_784 = arith.constant 0 : i32
        %dma_start3A_785 = arith.constant 0 : i32
        %dma_start3A_786 = tpu.memref_slice %arg11[%dma_start3A_784, %dma_start3A_785] : memref<10016x128xf32, #tpu.memory_space<vmem_shared>> -> memref<10016x128xf32, #tpu.memory_space<vmem_shared>>
        tpu.enqueue_indirect_dma source(%arg14 : memref<128x128xf32, #tpu.memory_space<vmem>>) target(%dma_start3A_786 : memref<10016x128xf32, #tpu.memory_space<vmem_shared>>) offsets(%dma_start3A_783 : memref<128xi32, #tpu.memory_space<vmem>>) semaphore(%arg26 : memref<!tpu.dma_semaphore, #tpu.memory_space<semaphore_mem>>) {add = true}
        %mul3A_787 = arith.constant 6 : i32
        %mul3A_788 = arith.muli %mul3A_787, %scan3A_434 : i32
        %add3A_789 = arith.constant 3 : i32
        %add3A_790 = arith.addi %add3A_789, %mul3A_788 : i32
        %add3A_791 = arith.constant 4 : i32
        %add3A_792 = arith.addi %add3A_790, %add3A_791 : i32
        %dma_wait3A_793 = arith.constant 1 : i32
        %dma_wait3A_794 = arith.constant 0 : i32
        %dma_wait3A_795 = tpu.memref_slice %arg19[%dma_wait3A_793, %dma_wait3A_794] : memref<2x128xi32, #tpu.memory_space<vmem>> -> memref<1x128xi32, #tpu.memory_space<vmem>>
        %dma_wait3A_796 = tpu.memref_squeeze %dma_wait3A_795 : memref<1x128xi32, #tpu.memory_space<vmem>> -> memref<128xi32, #tpu.memory_space<vmem>>
        %dma_wait3A_797 = arith.constant 0 : i32
        %dma_wait3A_798 = arith.constant 0 : i32
        %dma_wait3A_799 = tpu.memref_slice %arg11[%dma_wait3A_797, %dma_wait3A_798] : memref<10016x128xf32, #tpu.memory_space<vmem_shared>> -> memref<10016x128xf32, #tpu.memory_space<vmem_shared>>
        tpu.wait_indirect_dma semaphore(%arg25 : memref<!tpu.dma_semaphore, #tpu.memory_space<semaphore_mem>>) src(%arg13 : memref<128x128xf32, #tpu.memory_space<vmem>>) dst(%dma_wait3A_799 : memref<10016x128xf32, #tpu.memory_space<vmem_shared>>)
        %min3A_800 = arith.constant 158 : i32
        %min3A_801 = arith.minsi %add3A_792, %min3A_800 : i32
        %mul3A_802 = arith.constant 159 : i32
        %mul3A_803 = arith.muli %arg1, %mul3A_802 : i32
        %add3A_804 = arith.addi %mul3A_803, %min3A_801 : i32
        %mul3A_805 = arith.constant 128 : i32
        %mul3A_806 = arith.muli %add3A_804, %mul3A_805 : i32
        %multiple_of3A_807 = tpu.assume_multiple %mul3A_806, 128 : i32
        %dma_wait3A_808 = arith.constant 0 : i32
        %dma_wait3A_809 = arith.constant 0 : i32
        %dma_wait3A_810 = tpu.memref_slice %arg16[%dma_wait3A_808, %dma_wait3A_809] : memref<2x128xi32, #tpu.memory_space<vmem>> -> memref<1x128xi32, #tpu.memory_space<vmem>>
        %dma_wait3A_811 = tpu.memref_squeeze %dma_wait3A_810 : memref<1x128xi32, #tpu.memory_space<vmem>> -> memref<128xi32, #tpu.memory_space<vmem>>
        %dma_wait3A_812 = tpu.memref_slice %arg4[%multiple_of3A_807] : memref<325632xi32, #tpu.memory_space<hbm>> -> memref<128xi32, #tpu.memory_space<hbm>>
        %dma_wait3A_813 = arith.constant 0 : i32
        %dma_wait3A_814 = tpu.memref_slice %arg16[%dma_wait3A_808, %dma_wait3A_813] : memref<2x128xi32, #tpu.memory_space<vmem>> -> memref<1x128xi32, #tpu.memory_space<vmem>>
        %dma_wait3A_815 = tpu.memref_squeeze %dma_wait3A_814 : memref<1x128xi32, #tpu.memory_space<vmem>> -> memref<128xi32, #tpu.memory_space<vmem>>
        %dma_wait3A_816 = tpu.memref_slice %arg4[%multiple_of3A_807] : memref<325632xi32, #tpu.memory_space<hbm>> -> memref<128xi32, #tpu.memory_space<hbm>>
        tpu.wait_dma2 semaphore(%arg28 : memref<!tpu.dma_semaphore, #tpu.memory_space<semaphore_mem>>) src(%dma_wait3A_816 : memref<128xi32, #tpu.memory_space<hbm>>) dst(%dma_wait3A_815 : memref<128xi32, #tpu.memory_space<vmem>>)
        %dma_wait3A_817 = arith.constant 1 : i32
        %dma_wait3A_818 = arith.constant 0 : i32
        %dma_wait3A_819 = tpu.memref_slice %arg16[%dma_wait3A_817, %dma_wait3A_818] : memref<2x128xi32, #tpu.memory_space<vmem>> -> memref<1x128xi32, #tpu.memory_space<vmem>>
        %dma_wait3A_820 = tpu.memref_squeeze %dma_wait3A_819 : memref<1x128xi32, #tpu.memory_space<vmem>> -> memref<128xi32, #tpu.memory_space<vmem>>
        %dma_wait3A_821 = tpu.memref_slice %arg5[%multiple_of3A_807] : memref<325632xi32, #tpu.memory_space<hbm>> -> memref<128xi32, #tpu.memory_space<hbm>>
        %dma_wait3A_822 = arith.constant 0 : i32
        %dma_wait3A_823 = tpu.memref_slice %arg16[%dma_wait3A_817, %dma_wait3A_822] : memref<2x128xi32, #tpu.memory_space<vmem>> -> memref<1x128xi32, #tpu.memory_space<vmem>>
        %dma_wait3A_824 = tpu.memref_squeeze %dma_wait3A_823 : memref<1x128xi32, #tpu.memory_space<vmem>> -> memref<128xi32, #tpu.memory_space<vmem>>
        %dma_wait3A_825 = tpu.memref_slice %arg5[%multiple_of3A_807] : memref<325632xi32, #tpu.memory_space<hbm>> -> memref<128xi32, #tpu.memory_space<hbm>>
        tpu.wait_dma2 semaphore(%arg28 : memref<!tpu.dma_semaphore, #tpu.memory_space<semaphore_mem>>) src(%dma_wait3A_825 : memref<128xi32, #tpu.memory_space<hbm>>) dst(%dma_wait3A_824 : memref<128xi32, #tpu.memory_space<vmem>>)
        %dma_start3A_826 = arith.constant 0 : i32
        %dma_start3A_827 = arith.constant 0 : i32
        %dma_start3A_828 = tpu.memref_slice %arg16[%dma_start3A_826, %dma_start3A_827] : memref<2x128xi32, #tpu.memory_space<vmem>> -> memref<1x128xi32, #tpu.memory_space<vmem>>
        %dma_start3A_829 = tpu.memref_squeeze %dma_start3A_828 : memref<1x128xi32, #tpu.memory_space<vmem>> -> memref<128xi32, #tpu.memory_space<vmem>>
        %dma_start3A_830 = arith.constant 0 : i32
        %dma_start3A_831 = arith.constant 0 : i32
        %dma_start3A_832 = tpu.memref_slice %arg2[%dma_start3A_830, %dma_start3A_831] : memref<10000x128xf32, #tpu.memory_space<hbm>> -> memref<10000x128xf32, #tpu.memory_space<hbm>>
        tpu.enqueue_indirect_dma source(%dma_start3A_832 : memref<10000x128xf32, #tpu.memory_space<hbm>>) target(%arg13 : memref<128x128xf32, #tpu.memory_space<vmem>>) offsets(%dma_start3A_829 : memref<128xi32, #tpu.memory_space<vmem>>) semaphore(%arg22 : memref<!tpu.dma_semaphore, #tpu.memory_space<semaphore_mem>>)
        %add3A_833 = arith.constant 3 : i32
        %add3A_834 = arith.addi %add3A_792, %add3A_833 : i32
        %min3A_835 = arith.constant 158 : i32
        %min3A_836 = arith.minsi %add3A_834, %min3A_835 : i32
        %mul3A_837 = arith.constant 159 : i32
        %mul3A_838 = arith.muli %arg1, %mul3A_837 : i32
        %add3A_839 = arith.addi %mul3A_838, %min3A_836 : i32
        %mul3A_840 = arith.constant 128 : i32
        %mul3A_841 = arith.muli %add3A_839, %mul3A_840 : i32
        %multiple_of3A_842 = tpu.assume_multiple %mul3A_841, 128 : i32
        %dma_start3A_843 = arith.constant 0 : i32
        %dma_start3A_844 = arith.constant 0 : i32
        %dma_start3A_845 = tpu.memref_slice %arg19[%dma_start3A_843, %dma_start3A_844] : memref<2x128xi32, #tpu.memory_space<vmem>> -> memref<1x128xi32, #tpu.memory_space<vmem>>
        %dma_start3A_846 = tpu.memref_squeeze %dma_start3A_845 : memref<1x128xi32, #tpu.memory_space<vmem>> -> memref<128xi32, #tpu.memory_space<vmem>>
        %dma_start3A_847 = tpu.memref_slice %arg4[%multiple_of3A_842] : memref<325632xi32, #tpu.memory_space<hbm>> -> memref<128xi32, #tpu.memory_space<hbm>>
        %dma_start3A_848 = arith.constant 0 : i32
        %dma_start3A_849 = tpu.memref_slice %arg19[%dma_start3A_843, %dma_start3A_848] : memref<2x128xi32, #tpu.memory_space<vmem>> -> memref<1x128xi32, #tpu.memory_space<vmem>>
        %dma_start3A_850 = tpu.memref_squeeze %dma_start3A_849 : memref<1x128xi32, #tpu.memory_space<vmem>> -> memref<128xi32, #tpu.memory_space<vmem>>
        %dma_start3A_851 = tpu.memref_slice %arg4[%multiple_of3A_842] : memref<325632xi32, #tpu.memory_space<hbm>> -> memref<128xi32, #tpu.memory_space<hbm>>
        tpu.enqueue_dma source(%dma_start3A_851 : memref<128xi32, #tpu.memory_space<hbm>>) target(%dma_start3A_850 : memref<128xi32, #tpu.memory_space<vmem>>) target_semaphore(%arg31 : memref<!tpu.dma_semaphore, #tpu.memory_space<semaphore_mem>>)
        %dma_start3A_852 = arith.constant 1 : i32
        %dma_start3A_853 = arith.constant 0 : i32
        %dma_start3A_854 = tpu.memref_slice %arg19[%dma_start3A_852, %dma_start3A_853] : memref<2x128xi32, #tpu.memory_space<vmem>> -> memref<1x128xi32, #tpu.memory_space<vmem>>
        %dma_start3A_855 = tpu.memref_squeeze %dma_start3A_854 : memref<1x128xi32, #tpu.memory_space<vmem>> -> memref<128xi32, #tpu.memory_space<vmem>>
        %dma_start3A_856 = tpu.memref_slice %arg5[%multiple_of3A_842] : memref<325632xi32, #tpu.memory_space<hbm>> -> memref<128xi32, #tpu.memory_space<hbm>>
        %dma_start3A_857 = arith.constant 0 : i32
        %dma_start3A_858 = tpu.memref_slice %arg19[%dma_start3A_852, %dma_start3A_857] : memref<2x128xi32, #tpu.memory_space<vmem>> -> memref<1x128xi32, #tpu.memory_space<vmem>>
        %dma_start3A_859 = tpu.memref_squeeze %dma_start3A_858 : memref<1x128xi32, #tpu.memory_space<vmem>> -> memref<128xi32, #tpu.memory_space<vmem>>
        %dma_start3A_860 = tpu.memref_slice %arg5[%multiple_of3A_842] : memref<325632xi32, #tpu.memory_space<hbm>> -> memref<128xi32, #tpu.memory_space<hbm>>
        tpu.enqueue_dma source(%dma_start3A_860 : memref<128xi32, #tpu.memory_space<hbm>>) target(%dma_start3A_859 : memref<128xi32, #tpu.memory_space<vmem>>) target_semaphore(%arg31 : memref<!tpu.dma_semaphore, #tpu.memory_space<semaphore_mem>>)
        %dma_wait3A_861 = arith.constant 0 : i32
        %dma_wait3A_862 = arith.constant 0 : i32
        %dma_wait3A_863 = tpu.memref_slice %arg15[%dma_wait3A_861, %dma_wait3A_862] : memref<2x128xi32, #tpu.memory_space<vmem>> -> memref<1x128xi32, #tpu.memory_space<vmem>>
        %dma_wait3A_864 = tpu.memref_squeeze %dma_wait3A_863 : memref<1x128xi32, #tpu.memory_space<vmem>> -> memref<128xi32, #tpu.memory_space<vmem>>
        %dma_wait3A_865 = arith.constant 0 : i32
        %dma_wait3A_866 = arith.constant 0 : i32
        %dma_wait3A_867 = tpu.memref_slice %arg2[%dma_wait3A_865, %dma_wait3A_866] : memref<10000x128xf32, #tpu.memory_space<hbm>> -> memref<10000x128xf32, #tpu.memory_space<hbm>>
        tpu.wait_indirect_dma semaphore(%arg21 : memref<!tpu.dma_semaphore, #tpu.memory_space<semaphore_mem>>) src(%dma_wait3A_867 : memref<10000x128xf32, #tpu.memory_space<hbm>>) dst(%arg12 : memref<128x128xf32, #tpu.memory_space<vmem>>)
        %dma_start3A_868 = arith.constant 1 : i32
        %dma_start3A_869 = arith.constant 0 : i32
        %dma_start3A_870 = tpu.memref_slice %arg15[%dma_start3A_868, %dma_start3A_869] : memref<2x128xi32, #tpu.memory_space<vmem>> -> memref<1x128xi32, #tpu.memory_space<vmem>>
        %dma_start3A_871 = tpu.memref_squeeze %dma_start3A_870 : memref<1x128xi32, #tpu.memory_space<vmem>> -> memref<128xi32, #tpu.memory_space<vmem>>
        %dma_start3A_872 = arith.constant 0 : i32
        %dma_start3A_873 = arith.constant 0 : i32
        %dma_start3A_874 = tpu.memref_slice %arg11[%dma_start3A_872, %dma_start3A_873] : memref<10016x128xf32, #tpu.memory_space<vmem_shared>> -> memref<10016x128xf32, #tpu.memory_space<vmem_shared>>
        tpu.enqueue_indirect_dma source(%arg12 : memref<128x128xf32, #tpu.memory_space<vmem>>) target(%dma_start3A_874 : memref<10016x128xf32, #tpu.memory_space<vmem_shared>>) offsets(%dma_start3A_871 : memref<128xi32, #tpu.memory_space<vmem>>) semaphore(%arg24 : memref<!tpu.dma_semaphore, #tpu.memory_space<semaphore_mem>>) {add = true}
        %mul3A_875 = arith.constant 6 : i32
        %mul3A_876 = arith.muli %mul3A_875, %scan3A_434 : i32
        %add3A_877 = arith.constant 3 : i32
        %add3A_878 = arith.addi %add3A_877, %mul3A_876 : i32
        %add3A_879 = arith.constant 5 : i32
        %add3A_880 = arith.addi %add3A_878, %add3A_879 : i32
        %dma_wait3A_881 = arith.constant 1 : i32
        %dma_wait3A_882 = arith.constant 0 : i32
        %dma_wait3A_883 = tpu.memref_slice %arg20[%dma_wait3A_881, %dma_wait3A_882] : memref<2x128xi32, #tpu.memory_space<vmem>> -> memref<1x128xi32, #tpu.memory_space<vmem>>
        %dma_wait3A_884 = tpu.memref_squeeze %dma_wait3A_883 : memref<1x128xi32, #tpu.memory_space<vmem>> -> memref<128xi32, #tpu.memory_space<vmem>>
        %dma_wait3A_885 = arith.constant 0 : i32
        %dma_wait3A_886 = arith.constant 0 : i32
        %dma_wait3A_887 = tpu.memref_slice %arg11[%dma_wait3A_885, %dma_wait3A_886] : memref<10016x128xf32, #tpu.memory_space<vmem_shared>> -> memref<10016x128xf32, #tpu.memory_space<vmem_shared>>
        tpu.wait_indirect_dma semaphore(%arg26 : memref<!tpu.dma_semaphore, #tpu.memory_space<semaphore_mem>>) src(%arg14 : memref<128x128xf32, #tpu.memory_space<vmem>>) dst(%dma_wait3A_887 : memref<10016x128xf32, #tpu.memory_space<vmem_shared>>)
        %min3A_888 = arith.constant 158 : i32
        %min3A_889 = arith.minsi %add3A_880, %min3A_888 : i32
        %mul3A_890 = arith.constant 159 : i32
        %mul3A_891 = arith.muli %arg1, %mul3A_890 : i32
        %add3A_892 = arith.addi %mul3A_891, %min3A_889 : i32
        %mul3A_893 = arith.constant 128 : i32
        %mul3A_894 = arith.muli %add3A_892, %mul3A_893 : i32
        %multiple_of3A_895 = tpu.assume_multiple %mul3A_894, 128 : i32
        %dma_wait3A_896 = arith.constant 0 : i32
        %dma_wait3A_897 = arith.constant 0 : i32
        %dma_wait3A_898 = tpu.memref_slice %arg17[%dma_wait3A_896, %dma_wait3A_897] : memref<2x128xi32, #tpu.memory_space<vmem>> -> memref<1x128xi32, #tpu.memory_space<vmem>>
        %dma_wait3A_899 = tpu.memref_squeeze %dma_wait3A_898 : memref<1x128xi32, #tpu.memory_space<vmem>> -> memref<128xi32, #tpu.memory_space<vmem>>
        %dma_wait3A_900 = tpu.memref_slice %arg4[%multiple_of3A_895] : memref<325632xi32, #tpu.memory_space<hbm>> -> memref<128xi32, #tpu.memory_space<hbm>>
        %dma_wait3A_901 = arith.constant 0 : i32
        %dma_wait3A_902 = tpu.memref_slice %arg17[%dma_wait3A_896, %dma_wait3A_901] : memref<2x128xi32, #tpu.memory_space<vmem>> -> memref<1x128xi32, #tpu.memory_space<vmem>>
        %dma_wait3A_903 = tpu.memref_squeeze %dma_wait3A_902 : memref<1x128xi32, #tpu.memory_space<vmem>> -> memref<128xi32, #tpu.memory_space<vmem>>
        %dma_wait3A_904 = tpu.memref_slice %arg4[%multiple_of3A_895] : memref<325632xi32, #tpu.memory_space<hbm>> -> memref<128xi32, #tpu.memory_space<hbm>>
        tpu.wait_dma2 semaphore(%arg29 : memref<!tpu.dma_semaphore, #tpu.memory_space<semaphore_mem>>) src(%dma_wait3A_904 : memref<128xi32, #tpu.memory_space<hbm>>) dst(%dma_wait3A_903 : memref<128xi32, #tpu.memory_space<vmem>>)
        %dma_wait3A_905 = arith.constant 1 : i32
        %dma_wait3A_906 = arith.constant 0 : i32
        %dma_wait3A_907 = tpu.memref_slice %arg17[%dma_wait3A_905, %dma_wait3A_906] : memref<2x128xi32, #tpu.memory_space<vmem>> -> memref<1x128xi32, #tpu.memory_space<vmem>>
        %dma_wait3A_908 = tpu.memref_squeeze %dma_wait3A_907 : memref<1x128xi32, #tpu.memory_space<vmem>> -> memref<128xi32, #tpu.memory_space<vmem>>
        %dma_wait3A_909 = tpu.memref_slice %arg5[%multiple_of3A_895] : memref<325632xi32, #tpu.memory_space<hbm>> -> memref<128xi32, #tpu.memory_space<hbm>>
        %dma_wait3A_910 = arith.constant 0 : i32
        %dma_wait3A_911 = tpu.memref_slice %arg17[%dma_wait3A_905, %dma_wait3A_910] : memref<2x128xi32, #tpu.memory_space<vmem>> -> memref<1x128xi32, #tpu.memory_space<vmem>>
        %dma_wait3A_912 = tpu.memref_squeeze %dma_wait3A_911 : memref<1x128xi32, #tpu.memory_space<vmem>> -> memref<128xi32, #tpu.memory_space<vmem>>
        %dma_wait3A_913 = tpu.memref_slice %arg5[%multiple_of3A_895] : memref<325632xi32, #tpu.memory_space<hbm>> -> memref<128xi32, #tpu.memory_space<hbm>>
        tpu.wait_dma2 semaphore(%arg29 : memref<!tpu.dma_semaphore, #tpu.memory_space<semaphore_mem>>) src(%dma_wait3A_913 : memref<128xi32, #tpu.memory_space<hbm>>) dst(%dma_wait3A_912 : memref<128xi32, #tpu.memory_space<vmem>>)
        %dma_start3A_914 = arith.constant 0 : i32
        %dma_start3A_915 = arith.constant 0 : i32
        %dma_start3A_916 = tpu.memref_slice %arg17[%dma_start3A_914, %dma_start3A_915] : memref<2x128xi32, #tpu.memory_space<vmem>> -> memref<1x128xi32, #tpu.memory_space<vmem>>
        %dma_start3A_917 = tpu.memref_squeeze %dma_start3A_916 : memref<1x128xi32, #tpu.memory_space<vmem>> -> memref<128xi32, #tpu.memory_space<vmem>>
        %dma_start3A_918 = arith.constant 0 : i32
        %dma_start3A_919 = arith.constant 0 : i32
        %dma_start3A_920 = tpu.memref_slice %arg2[%dma_start3A_918, %dma_start3A_919] : memref<10000x128xf32, #tpu.memory_space<hbm>> -> memref<10000x128xf32, #tpu.memory_space<hbm>>
        tpu.enqueue_indirect_dma source(%dma_start3A_920 : memref<10000x128xf32, #tpu.memory_space<hbm>>) target(%arg14 : memref<128x128xf32, #tpu.memory_space<vmem>>) offsets(%dma_start3A_917 : memref<128xi32, #tpu.memory_space<vmem>>) semaphore(%arg23 : memref<!tpu.dma_semaphore, #tpu.memory_space<semaphore_mem>>)
        %add3A_921 = arith.constant 3 : i32
        %add3A_922 = arith.addi %add3A_880, %add3A_921 : i32
        %min3A_923 = arith.constant 158 : i32
        %min3A_924 = arith.minsi %add3A_922, %min3A_923 : i32
        %mul3A_925 = arith.constant 159 : i32
        %mul3A_926 = arith.muli %arg1, %mul3A_925 : i32
        %add3A_927 = arith.addi %mul3A_926, %min3A_924 : i32
        %mul3A_928 = arith.constant 128 : i32
        %mul3A_929 = arith.muli %add3A_927, %mul3A_928 : i32
        %multiple_of3A_930 = tpu.assume_multiple %mul3A_929, 128 : i32
        %dma_start3A_931 = arith.constant 0 : i32
        %dma_start3A_932 = arith.constant 0 : i32
        %dma_start3A_933 = tpu.memref_slice %arg20[%dma_start3A_931, %dma_start3A_932] : memref<2x128xi32, #tpu.memory_space<vmem>> -> memref<1x128xi32, #tpu.memory_space<vmem>>
        %dma_start3A_934 = tpu.memref_squeeze %dma_start3A_933 : memref<1x128xi32, #tpu.memory_space<vmem>> -> memref<128xi32, #tpu.memory_space<vmem>>
        %dma_start3A_935 = tpu.memref_slice %arg4[%multiple_of3A_930] : memref<325632xi32, #tpu.memory_space<hbm>> -> memref<128xi32, #tpu.memory_space<hbm>>
        %dma_start3A_936 = arith.constant 0 : i32
        %dma_start3A_937 = tpu.memref_slice %arg20[%dma_start3A_931, %dma_start3A_936] : memref<2x128xi32, #tpu.memory_space<vmem>> -> memref<1x128xi32, #tpu.memory_space<vmem>>
        %dma_start3A_938 = tpu.memref_squeeze %dma_start3A_937 : memref<1x128xi32, #tpu.memory_space<vmem>> -> memref<128xi32, #tpu.memory_space<vmem>>
        %dma_start3A_939 = tpu.memref_slice %arg4[%multiple_of3A_930] : memref<325632xi32, #tpu.memory_space<hbm>> -> memref<128xi32, #tpu.memory_space<hbm>>
        tpu.enqueue_dma source(%dma_start3A_939 : memref<128xi32, #tpu.memory_space<hbm>>) target(%dma_start3A_938 : memref<128xi32, #tpu.memory_space<vmem>>) target_semaphore(%arg32 : memref<!tpu.dma_semaphore, #tpu.memory_space<semaphore_mem>>)
        %dma_start3A_940 = arith.constant 1 : i32
        %dma_start3A_941 = arith.constant 0 : i32
        %dma_start3A_942 = tpu.memref_slice %arg20[%dma_start3A_940, %dma_start3A_941] : memref<2x128xi32, #tpu.memory_space<vmem>> -> memref<1x128xi32, #tpu.memory_space<vmem>>
        %dma_start3A_943 = tpu.memref_squeeze %dma_start3A_942 : memref<1x128xi32, #tpu.memory_space<vmem>> -> memref<128xi32, #tpu.memory_space<vmem>>
        %dma_start3A_944 = tpu.memref_slice %arg5[%multiple_of3A_930] : memref<325632xi32, #tpu.memory_space<hbm>> -> memref<128xi32, #tpu.memory_space<hbm>>
        %dma_start3A_945 = arith.constant 0 : i32
        %dma_start3A_946 = tpu.memref_slice %arg20[%dma_start3A_940, %dma_start3A_945] : memref<2x128xi32, #tpu.memory_space<vmem>> -> memref<1x128xi32, #tpu.memory_space<vmem>>
        %dma_start3A_947 = tpu.memref_squeeze %dma_start3A_946 : memref<1x128xi32, #tpu.memory_space<vmem>> -> memref<128xi32, #tpu.memory_space<vmem>>
        %dma_start3A_948 = tpu.memref_slice %arg5[%multiple_of3A_930] : memref<325632xi32, #tpu.memory_space<hbm>> -> memref<128xi32, #tpu.memory_space<hbm>>
        tpu.enqueue_dma source(%dma_start3A_948 : memref<128xi32, #tpu.memory_space<hbm>>) target(%dma_start3A_947 : memref<128xi32, #tpu.memory_space<vmem>>) target_semaphore(%arg32 : memref<!tpu.dma_semaphore, #tpu.memory_space<semaphore_mem>>)
        %dma_wait3A_949 = arith.constant 0 : i32
        %dma_wait3A_950 = arith.constant 0 : i32
        %dma_wait3A_951 = tpu.memref_slice %arg16[%dma_wait3A_949, %dma_wait3A_950] : memref<2x128xi32, #tpu.memory_space<vmem>> -> memref<1x128xi32, #tpu.memory_space<vmem>>
        %dma_wait3A_952 = tpu.memref_squeeze %dma_wait3A_951 : memref<1x128xi32, #tpu.memory_space<vmem>> -> memref<128xi32, #tpu.memory_space<vmem>>
        %dma_wait3A_953 = arith.constant 0 : i32
        %dma_wait3A_954 = arith.constant 0 : i32
        %dma_wait3A_955 = tpu.memref_slice %arg2[%dma_wait3A_953, %dma_wait3A_954] : memref<10000x128xf32, #tpu.memory_space<hbm>> -> memref<10000x128xf32, #tpu.memory_space<hbm>>
        tpu.wait_indirect_dma semaphore(%arg22 : memref<!tpu.dma_semaphore, #tpu.memory_space<semaphore_mem>>) src(%dma_wait3A_955 : memref<10000x128xf32, #tpu.memory_space<hbm>>) dst(%arg13 : memref<128x128xf32, #tpu.memory_space<vmem>>)
        %dma_start3A_956 = arith.constant 1 : i32
        %dma_start3A_957 = arith.constant 0 : i32
        %dma_start3A_958 = tpu.memref_slice %arg16[%dma_start3A_956, %dma_start3A_957] : memref<2x128xi32, #tpu.memory_space<vmem>> -> memref<1x128xi32, #tpu.memory_space<vmem>>
        %dma_start3A_959 = tpu.memref_squeeze %dma_start3A_958 : memref<1x128xi32, #tpu.memory_space<vmem>> -> memref<128xi32, #tpu.memory_space<vmem>>
        %dma_start3A_960 = arith.constant 0 : i32
        %dma_start3A_961 = arith.constant 0 : i32
        %dma_start3A_962 = tpu.memref_slice %arg11[%dma_start3A_960, %dma_start3A_961] : memref<10016x128xf32, #tpu.memory_space<vmem_shared>> -> memref<10016x128xf32, #tpu.memory_space<vmem_shared>>
        tpu.enqueue_indirect_dma source(%arg13 : memref<128x128xf32, #tpu.memory_space<vmem>>) target(%dma_start3A_962 : memref<10016x128xf32, #tpu.memory_space<vmem_shared>>) offsets(%dma_start3A_959 : memref<128xi32, #tpu.memory_space<vmem>>) semaphore(%arg25 : memref<!tpu.dma_semaphore, #tpu.memory_space<semaphore_mem>>) {add = true}
      }
      %scan3A_306 = arith.constant 26 : i32
      %dma_wait3A_307 = arith.constant 0 : i32
      %dma_wait3A_308 = arith.constant 0 : i32
      %dma_wait3A_309 = tpu.memref_slice %arg17[%dma_wait3A_307, %dma_wait3A_308] : memref<2x128xi32, #tpu.memory_space<vmem>> -> memref<1x128xi32, #tpu.memory_space<vmem>>
      %dma_wait3A_310 = tpu.memref_squeeze %dma_wait3A_309 : memref<1x128xi32, #tpu.memory_space<vmem>> -> memref<128xi32, #tpu.memory_space<vmem>>
      %dma_wait3A_311 = arith.constant 0 : i32
      %dma_wait3A_312 = arith.constant 0 : i32
      %dma_wait3A_313 = tpu.memref_slice %arg2[%dma_wait3A_311, %dma_wait3A_312] : memref<10000x128xf32, #tpu.memory_space<hbm>> -> memref<10000x128xf32, #tpu.memory_space<hbm>>
      tpu.wait_indirect_dma semaphore(%arg23 : memref<!tpu.dma_semaphore, #tpu.memory_space<semaphore_mem>>) src(%dma_wait3A_313 : memref<10000x128xf32, #tpu.memory_space<hbm>>) dst(%arg14 : memref<128x128xf32, #tpu.memory_space<vmem>>)
      %dma_start3A_314 = arith.constant 1 : i32
      %dma_start3A_315 = arith.constant 0 : i32
      %dma_start3A_316 = tpu.memref_slice %arg17[%dma_start3A_314, %dma_start3A_315] : memref<2x128xi32, #tpu.memory_space<vmem>> -> memref<1x128xi32, #tpu.memory_space<vmem>>
      %dma_start3A_317 = tpu.memref_squeeze %dma_start3A_316 : memref<1x128xi32, #tpu.memory_space<vmem>> -> memref<128xi32, #tpu.memory_space<vmem>>
      %dma_start3A_318 = arith.constant 0 : i32
      %dma_start3A_319 = arith.constant 0 : i32
      %dma_start3A_320 = tpu.memref_slice %arg11[%dma_start3A_318, %dma_start3A_319] : memref<10016x128xf32, #tpu.memory_space<vmem_shared>> -> memref<10016x128xf32, #tpu.memory_space<vmem_shared>>
      tpu.enqueue_indirect_dma source(%arg14 : memref<128x128xf32, #tpu.memory_space<vmem>>) target(%dma_start3A_320 : memref<10016x128xf32, #tpu.memory_space<vmem_shared>>) offsets(%dma_start3A_317 : memref<128xi32, #tpu.memory_space<vmem>>) semaphore(%arg26 : memref<!tpu.dma_semaphore, #tpu.memory_space<semaphore_mem>>) {add = true}
      %dma_wait3A_321 = arith.constant 1 : i32
      %dma_wait3A_322 = arith.constant 0 : i32
      %dma_wait3A_323 = tpu.memref_slice %arg15[%dma_wait3A_321, %dma_wait3A_322] : memref<2x128xi32, #tpu.memory_space<vmem>> -> memref<1x128xi32, #tpu.memory_space<vmem>>
      %dma_wait3A_324 = tpu.memref_squeeze %dma_wait3A_323 : memref<1x128xi32, #tpu.memory_space<vmem>> -> memref<128xi32, #tpu.memory_space<vmem>>
      %dma_wait3A_325 = arith.constant 0 : i32
      %dma_wait3A_326 = arith.constant 0 : i32
      %dma_wait3A_327 = tpu.memref_slice %arg11[%dma_wait3A_325, %dma_wait3A_326] : memref<10016x128xf32, #tpu.memory_space<vmem_shared>> -> memref<10016x128xf32, #tpu.memory_space<vmem_shared>>
      tpu.wait_indirect_dma semaphore(%arg24 : memref<!tpu.dma_semaphore, #tpu.memory_space<semaphore_mem>>) src(%arg12 : memref<128x128xf32, #tpu.memory_space<vmem>>) dst(%dma_wait3A_327 : memref<10016x128xf32, #tpu.memory_space<vmem_shared>>)
      %dma_wait3A_328 = arith.constant 1 : i32
      %dma_wait3A_329 = arith.constant 0 : i32
      %dma_wait3A_330 = tpu.memref_slice %arg16[%dma_wait3A_328, %dma_wait3A_329] : memref<2x128xi32, #tpu.memory_space<vmem>> -> memref<1x128xi32, #tpu.memory_space<vmem>>
      %dma_wait3A_331 = tpu.memref_squeeze %dma_wait3A_330 : memref<1x128xi32, #tpu.memory_space<vmem>> -> memref<128xi32, #tpu.memory_space<vmem>>
      %dma_wait3A_332 = arith.constant 0 : i32
      %dma_wait3A_333 = arith.constant 0 : i32
      %dma_wait3A_334 = tpu.memref_slice %arg11[%dma_wait3A_332, %dma_wait3A_333] : memref<10016x128xf32, #tpu.memory_space<vmem_shared>> -> memref<10016x128xf32, #tpu.memory_space<vmem_shared>>
      tpu.wait_indirect_dma semaphore(%arg25 : memref<!tpu.dma_semaphore, #tpu.memory_space<semaphore_mem>>) src(%arg13 : memref<128x128xf32, #tpu.memory_space<vmem>>) dst(%dma_wait3A_334 : memref<10016x128xf32, #tpu.memory_space<vmem_shared>>)
      %dma_wait3A_335 = arith.constant 1 : i32
      %dma_wait3A_336 = arith.constant 0 : i32
      %dma_wait3A_337 = tpu.memref_slice %arg17[%dma_wait3A_335, %dma_wait3A_336] : memref<2x128xi32, #tpu.memory_space<vmem>> -> memref<1x128xi32, #tpu.memory_space<vmem>>
      %dma_wait3A_338 = tpu.memref_squeeze %dma_wait3A_337 : memref<1x128xi32, #tpu.memory_space<vmem>> -> memref<128xi32, #tpu.memory_space<vmem>>
      %dma_wait3A_339 = arith.constant 0 : i32
      %dma_wait3A_340 = arith.constant 0 : i32
      %dma_wait3A_341 = tpu.memref_slice %arg11[%dma_wait3A_339, %dma_wait3A_340] : memref<10016x128xf32, #tpu.memory_space<vmem_shared>> -> memref<10016x128xf32, #tpu.memory_space<vmem_shared>>
      tpu.wait_indirect_dma semaphore(%arg26 : memref<!tpu.dma_semaphore, #tpu.memory_space<semaphore_mem>>) src(%arg14 : memref<128x128xf32, #tpu.memory_space<vmem>>) dst(%dma_wait3A_341 : memref<10016x128xf32, #tpu.memory_space<vmem_shared>>)
      %min3A_342 = arith.constant 159 : i32
      %min3A_343 = arith.constant 158 : i32
      %min3A_344 = arith.minsi %min3A_342, %min3A_343 : i32
      %mul3A_345 = arith.constant 159 : i32
      %mul3A_346 = arith.muli %arg1, %mul3A_345 : i32
      %add3A_347 = arith.addi %mul3A_346, %min3A_344 : i32
      %mul3A_348 = arith.constant 128 : i32
      %mul3A_349 = arith.muli %add3A_347, %mul3A_348 : i32
      %multiple_of3A_350 = tpu.assume_multiple %mul3A_349, 128 : i32
      %dma_wait3A_351 = arith.constant 0 : i32
      %dma_wait3A_352 = arith.constant 0 : i32
      %dma_wait3A_353 = tpu.memref_slice %arg18[%dma_wait3A_351, %dma_wait3A_352] : memref<2x128xi32, #tpu.memory_space<vmem>> -> memref<1x128xi32, #tpu.memory_space<vmem>>
      %dma_wait3A_354 = tpu.memref_squeeze %dma_wait3A_353 : memref<1x128xi32, #tpu.memory_space<vmem>> -> memref<128xi32, #tpu.memory_space<vmem>>
      %dma_wait3A_355 = tpu.memref_slice %arg4[%multiple_of3A_350] : memref<325632xi32, #tpu.memory_space<hbm>> -> memref<128xi32, #tpu.memory_space<hbm>>
      %dma_wait3A_356 = arith.constant 0 : i32
      %dma_wait3A_357 = tpu.memref_slice %arg18[%dma_wait3A_351, %dma_wait3A_356] : memref<2x128xi32, #tpu.memory_space<vmem>> -> memref<1x128xi32, #tpu.memory_space<vmem>>
      %dma_wait3A_358 = tpu.memref_squeeze %dma_wait3A_357 : memref<1x128xi32, #tpu.memory_space<vmem>> -> memref<128xi32, #tpu.memory_space<vmem>>
      %dma_wait3A_359 = tpu.memref_slice %arg4[%multiple_of3A_350] : memref<325632xi32, #tpu.memory_space<hbm>> -> memref<128xi32, #tpu.memory_space<hbm>>
      tpu.wait_dma2 semaphore(%arg30 : memref<!tpu.dma_semaphore, #tpu.memory_space<semaphore_mem>>) src(%dma_wait3A_359 : memref<128xi32, #tpu.memory_space<hbm>>) dst(%dma_wait3A_358 : memref<128xi32, #tpu.memory_space<vmem>>)
      %dma_wait3A_360 = arith.constant 1 : i32
      %dma_wait3A_361 = arith.constant 0 : i32
      %dma_wait3A_362 = tpu.memref_slice %arg18[%dma_wait3A_360, %dma_wait3A_361] : memref<2x128xi32, #tpu.memory_space<vmem>> -> memref<1x128xi32, #tpu.memory_space<vmem>>
      %dma_wait3A_363 = tpu.memref_squeeze %dma_wait3A_362 : memref<1x128xi32, #tpu.memory_space<vmem>> -> memref<128xi32, #tpu.memory_space<vmem>>
      %dma_wait3A_364 = tpu.memref_slice %arg5[%multiple_of3A_350] : memref<325632xi32, #tpu.memory_space<hbm>> -> memref<128xi32, #tpu.memory_space<hbm>>
      %dma_wait3A_365 = arith.constant 0 : i32
      %dma_wait3A_366 = tpu.memref_slice %arg18[%dma_wait3A_360, %dma_wait3A_365] : memref<2x128xi32, #tpu.memory_space<vmem>> -> memref<1x128xi32, #tpu.memory_space<vmem>>
      %dma_wait3A_367 = tpu.memref_squeeze %dma_wait3A_366 : memref<1x128xi32, #tpu.memory_space<vmem>> -> memref<128xi32, #tpu.memory_space<vmem>>
      %dma_wait3A_368 = tpu.memref_slice %arg5[%multiple_of3A_350] : memref<325632xi32, #tpu.memory_space<hbm>> -> memref<128xi32, #tpu.memory_space<hbm>>
      tpu.wait_dma2 semaphore(%arg30 : memref<!tpu.dma_semaphore, #tpu.memory_space<semaphore_mem>>) src(%dma_wait3A_368 : memref<128xi32, #tpu.memory_space<hbm>>) dst(%dma_wait3A_367 : memref<128xi32, #tpu.memory_space<vmem>>)
      %min3A_369 = arith.constant 160 : i32
      %min3A_370 = arith.constant 158 : i32
      %min3A_371 = arith.minsi %min3A_369, %min3A_370 : i32
      %mul3A_372 = arith.constant 159 : i32
      %mul3A_373 = arith.muli %arg1, %mul3A_372 : i32
      %add3A_374 = arith.addi %mul3A_373, %min3A_371 : i32
      %mul3A_375 = arith.constant 128 : i32
      %mul3A_376 = arith.muli %add3A_374, %mul3A_375 : i32
      %multiple_of3A_377 = tpu.assume_multiple %mul3A_376, 128 : i32
      %dma_wait3A_378 = arith.constant 0 : i32
      %dma_wait3A_379 = arith.constant 0 : i32
      %dma_wait3A_380 = tpu.memref_slice %arg19[%dma_wait3A_378, %dma_wait3A_379] : memref<2x128xi32, #tpu.memory_space<vmem>> -> memref<1x128xi32, #tpu.memory_space<vmem>>
      %dma_wait3A_381 = tpu.memref_squeeze %dma_wait3A_380 : memref<1x128xi32, #tpu.memory_space<vmem>> -> memref<128xi32, #tpu.memory_space<vmem>>
      %dma_wait3A_382 = tpu.memref_slice %arg4[%multiple_of3A_377] : memref<325632xi32, #tpu.memory_space<hbm>> -> memref<128xi32, #tpu.memory_space<hbm>>
      %dma_wait3A_383 = arith.constant 0 : i32
      %dma_wait3A_384 = tpu.memref_slice %arg19[%dma_wait3A_378, %dma_wait3A_383] : memref<2x128xi32, #tpu.memory_space<vmem>> -> memref<1x128xi32, #tpu.memory_space<vmem>>
      %dma_wait3A_385 = tpu.memref_squeeze %dma_wait3A_384 : memref<1x128xi32, #tpu.memory_space<vmem>> -> memref<128xi32, #tpu.memory_space<vmem>>
      %dma_wait3A_386 = tpu.memref_slice %arg4[%multiple_of3A_377] : memref<325632xi32, #tpu.memory_space<hbm>> -> memref<128xi32, #tpu.memory_space<hbm>>
      tpu.wait_dma2 semaphore(%arg31 : memref<!tpu.dma_semaphore, #tpu.memory_space<semaphore_mem>>) src(%dma_wait3A_386 : memref<128xi32, #tpu.memory_space<hbm>>) dst(%dma_wait3A_385 : memref<128xi32, #tpu.memory_space<vmem>>)
      %dma_wait3A_387 = arith.constant 1 : i32
      %dma_wait3A_388 = arith.constant 0 : i32
      %dma_wait3A_389 = tpu.memref_slice %arg19[%dma_wait3A_387, %dma_wait3A_388] : memref<2x128xi32, #tpu.memory_space<vmem>> -> memref<1x128xi32, #tpu.memory_space<vmem>>
      %dma_wait3A_390 = tpu.memref_squeeze %dma_wait3A_389 : memref<1x128xi32, #tpu.memory_space<vmem>> -> memref<128xi32, #tpu.memory_space<vmem>>
      %dma_wait3A_391 = tpu.memref_slice %arg5[%multiple_of3A_377] : memref<325632xi32, #tpu.memory_space<hbm>> -> memref<128xi32, #tpu.memory_space<hbm>>
      %dma_wait3A_392 = arith.constant 0 : i32
      %dma_wait3A_393 = tpu.memref_slice %arg19[%dma_wait3A_387, %dma_wait3A_392] : memref<2x128xi32, #tpu.memory_space<vmem>> -> memref<1x128xi32, #tpu.memory_space<vmem>>
      %dma_wait3A_394 = tpu.memref_squeeze %dma_wait3A_393 : memref<1x128xi32, #tpu.memory_space<vmem>> -> memref<128xi32, #tpu.memory_space<vmem>>
      %dma_wait3A_395 = tpu.memref_slice %arg5[%multiple_of3A_377] : memref<325632xi32, #tpu.memory_space<hbm>> -> memref<128xi32, #tpu.memory_space<hbm>>
      tpu.wait_dma2 semaphore(%arg31 : memref<!tpu.dma_semaphore, #tpu.memory_space<semaphore_mem>>) src(%dma_wait3A_395 : memref<128xi32, #tpu.memory_space<hbm>>) dst(%dma_wait3A_394 : memref<128xi32, #tpu.memory_space<vmem>>)
      %min3A_396 = arith.constant 161 : i32
      %min3A_397 = arith.constant 158 : i32
      %min3A_398 = arith.minsi %min3A_396, %min3A_397 : i32
      %mul3A_399 = arith.constant 159 : i32
      %mul3A_400 = arith.muli %arg1, %mul3A_399 : i32
      %add3A_401 = arith.addi %mul3A_400, %min3A_398 : i32
      %mul3A_402 = arith.constant 128 : i32
      %mul3A_403 = arith.muli %add3A_401, %mul3A_402 : i32
      %multiple_of3A_404 = tpu.assume_multiple %mul3A_403, 128 : i32
      %dma_wait3A_405 = arith.constant 0 : i32
      %dma_wait3A_406 = arith.constant 0 : i32
      %dma_wait3A_407 = tpu.memref_slice %arg20[%dma_wait3A_405, %dma_wait3A_406] : memref<2x128xi32, #tpu.memory_space<vmem>> -> memref<1x128xi32, #tpu.memory_space<vmem>>
      %dma_wait3A_408 = tpu.memref_squeeze %dma_wait3A_407 : memref<1x128xi32, #tpu.memory_space<vmem>> -> memref<128xi32, #tpu.memory_space<vmem>>
      %dma_wait3A_409 = tpu.memref_slice %arg4[%multiple_of3A_404] : memref<325632xi32, #tpu.memory_space<hbm>> -> memref<128xi32, #tpu.memory_space<hbm>>
      %dma_wait3A_410 = arith.constant 0 : i32
      %dma_wait3A_411 = tpu.memref_slice %arg20[%dma_wait3A_405, %dma_wait3A_410] : memref<2x128xi32, #tpu.memory_space<vmem>> -> memref<1x128xi32, #tpu.memory_space<vmem>>
      %dma_wait3A_412 = tpu.memref_squeeze %dma_wait3A_411 : memref<1x128xi32, #tpu.memory_space<vmem>> -> memref<128xi32, #tpu.memory_space<vmem>>
      %dma_wait3A_413 = tpu.memref_slice %arg4[%multiple_of3A_404] : memref<325632xi32, #tpu.memory_space<hbm>> -> memref<128xi32, #tpu.memory_space<hbm>>
      tpu.wait_dma2 semaphore(%arg32 : memref<!tpu.dma_semaphore, #tpu.memory_space<semaphore_mem>>) src(%dma_wait3A_413 : memref<128xi32, #tpu.memory_space<hbm>>) dst(%dma_wait3A_412 : memref<128xi32, #tpu.memory_space<vmem>>)
      %dma_wait3A_414 = arith.constant 1 : i32
      %dma_wait3A_415 = arith.constant 0 : i32
      %dma_wait3A_416 = tpu.memref_slice %arg20[%dma_wait3A_414, %dma_wait3A_415] : memref<2x128xi32, #tpu.memory_space<vmem>> -> memref<1x128xi32, #tpu.memory_space<vmem>>
      %dma_wait3A_417 = tpu.memref_squeeze %dma_wait3A_416 : memref<1x128xi32, #tpu.memory_space<vmem>> -> memref<128xi32, #tpu.memory_space<vmem>>
      %dma_wait3A_418 = tpu.memref_slice %arg5[%multiple_of3A_404] : memref<325632xi32, #tpu.memory_space<hbm>> -> memref<128xi32, #tpu.memory_space<hbm>>
      %dma_wait3A_419 = arith.constant 0 : i32
      %dma_wait3A_420 = tpu.memref_slice %arg20[%dma_wait3A_414, %dma_wait3A_419] : memref<2x128xi32, #tpu.memory_space<vmem>> -> memref<1x128xi32, #tpu.memory_space<vmem>>
      %dma_wait3A_421 = tpu.memref_squeeze %dma_wait3A_420 : memref<1x128xi32, #tpu.memory_space<vmem>> -> memref<128xi32, #tpu.memory_space<vmem>>
      %dma_wait3A_422 = tpu.memref_slice %arg5[%multiple_of3A_404] : memref<325632xi32, #tpu.memory_space<hbm>> -> memref<128xi32, #tpu.memory_space<hbm>>
      tpu.wait_dma2 semaphore(%arg32 : memref<!tpu.dma_semaphore, #tpu.memory_space<semaphore_mem>>) src(%dma_wait3A_422 : memref<128xi32, #tpu.memory_space<hbm>>) dst(%dma_wait3A_421 : memref<128xi32, #tpu.memory_space<vmem>>)
      %barrier3A_423 = arith.constant 0 : index
      tpu.barrier barrier_id(%barrier3A_423)
      %lt3A_424 = arith.constant 15 : i32
      %lt3A_425 = arith.cmpi slt, %arg1, %lt3A_424 : i32
      %convert_element_type3A_426 = arith.extui %lt3A_425 : i1 to i32
      %cond3A_427 = arith.constant 0 : i32
      %cond3A_428 = arith.cmpi ne, %convert_element_type3A_426, %cond3A_427 : i32
      scf.if %cond3A_428 {
        %mul3A_434 = arith.constant 624 : i32
        %mul3A_435 = arith.muli %arg1, %mul3A_434 : i32
        %mul3A_436 = arith.constant 624 : i32
        %mul3A_437 = arith.muli %arg1, %mul3A_436 : i32
        "tpu.region"() ({
          %run_scoped3A = tpu.sem_alloc : memref<!tpu.dma_semaphore, #tpu.memory_space<semaphore_mem>>
          %dma_start3A_438 = arith.constant 0 : i32
          %dma_start3A_439 = tpu.memref_slice %arg9[%mul3A_437, %dma_start3A_438] : memref<10000x128xf32, #tpu.memory_space<hbm>> -> memref<624x128xf32, #tpu.memory_space<hbm>>
          %dma_start3A_440 = arith.constant 0 : i32
          %dma_start3A_441 = tpu.memref_slice %arg11[%mul3A_435, %dma_start3A_440] : memref<10016x128xf32, #tpu.memory_space<vmem_shared>> -> memref<624x128xf32, #tpu.memory_space<vmem_shared>>
          tpu.enqueue_dma source(%dma_start3A_441 : memref<624x128xf32, #tpu.memory_space<vmem_shared>>) target(%dma_start3A_439 : memref<624x128xf32, #tpu.memory_space<hbm>>) target_semaphore(%run_scoped3A : memref<!tpu.dma_semaphore, #tpu.memory_space<semaphore_mem>>)
          %dma_wait3A_442 = arith.constant 0 : i32
          %dma_wait3A_443 = tpu.memref_slice %arg9[%mul3A_437, %dma_wait3A_442] : memref<10000x128xf32, #tpu.memory_space<hbm>> -> memref<624x128xf32, #tpu.memory_space<hbm>>
          %dma_wait3A_444 = arith.constant 0 : i32
          %dma_wait3A_445 = tpu.memref_slice %arg11[%mul3A_435, %dma_wait3A_444] : memref<10016x128xf32, #tpu.memory_space<vmem_shared>> -> memref<624x128xf32, #tpu.memory_space<vmem_shared>>
          tpu.wait_dma2 semaphore(%run_scoped3A : memref<!tpu.dma_semaphore, #tpu.memory_space<semaphore_mem>>) src(%dma_wait3A_445 : memref<624x128xf32, #tpu.memory_space<vmem_shared>>) dst(%dma_wait3A_443 : memref<624x128xf32, #tpu.memory_space<hbm>>)
          tpu.yield
        }) : () -> ()
      } else {
      }
      %eq3A_429 = arith.constant 15 : i32
      %eq3A_430 = arith.cmpi eq, %arg1, %eq3A_429 : i32
      %convert_element_type3A_431 = arith.extui %eq3A_430 : i1 to i32
      %cond3A_432 = arith.constant 0 : i32
      %cond3A_433 = arith.cmpi ne, %convert_element_type3A_431, %cond3A_432 : i32
      scf.if %cond3A_433 {
        "tpu.region"() ({
          %run_scoped3A = tpu.sem_alloc : memref<!tpu.dma_semaphore, #tpu.memory_space<semaphore_mem>>
          %dma_start3A_434 = arith.constant 9360 : i32
          %dma_start3A_435 = arith.constant 0 : i32
          %dma_start3A_436 = tpu.memref_slice %arg9[%dma_start3A_434, %dma_start3A_435] : memref<10000x128xf32, #tpu.memory_space<hbm>> -> memref<640x128xf32, #tpu.memory_space<hbm>>
          %dma_start3A_437 = arith.constant 9360 : i32
          %dma_start3A_438 = arith.constant 0 : i32
          %dma_start3A_439 = tpu.memref_slice %arg11[%dma_start3A_437, %dma_start3A_438] : memref<10016x128xf32, #tpu.memory_space<vmem_shared>> -> memref<640x128xf32, #tpu.memory_space<vmem_shared>>
          tpu.enqueue_dma source(%dma_start3A_439 : memref<640x128xf32, #tpu.memory_space<vmem_shared>>) target(%dma_start3A_436 : memref<640x128xf32, #tpu.memory_space<hbm>>) target_semaphore(%run_scoped3A : memref<!tpu.dma_semaphore, #tpu.memory_space<semaphore_mem>>)
          %dma_wait3A_440 = arith.constant 9360 : i32
          %dma_wait3A_441 = arith.constant 0 : i32
          %dma_wait3A_442 = tpu.memref_slice %arg9[%dma_wait3A_440, %dma_wait3A_441] : memref<10000x128xf32, #tpu.memory_space<hbm>> -> memref<640x128xf32, #tpu.memory_space<hbm>>
          %dma_wait3A_443 = arith.constant 9360 : i32
          %dma_wait3A_444 = arith.constant 0 : i32
          %dma_wait3A_445 = tpu.memref_slice %arg11[%dma_wait3A_443, %dma_wait3A_444] : memref<10016x128xf32, #tpu.memory_space<vmem_shared>> -> memref<640x128xf32, #tpu.memory_space<vmem_shared>>
          tpu.wait_dma2 semaphore(%run_scoped3A : memref<!tpu.dma_semaphore, #tpu.memory_space<semaphore_mem>>) src(%dma_wait3A_445 : memref<640x128xf32, #tpu.memory_space<vmem_shared>>) dst(%dma_wait3A_442 : memref<640x128xf32, #tpu.memory_space<hbm>>)
          tpu.yield
        }) : () -> ()
      } else {
      }
    } else {
    }
    %eq3A_11 = arith.constant 1 : i32
    %eq3A_12 = arith.cmpi eq, %arg0, %eq3A_11 : i32
    %convert_element_type3A_13 = arith.extui %eq3A_12 : i1 to i32
    %cond3A_14 = arith.constant 0 : i32
    %cond3A_15 = arith.cmpi ne, %convert_element_type3A_13, %cond3A_14 : i32
    scf.if %cond3A_15 {
      %min3A = arith.constant 0 : i32
      %min3A_16 = arith.constant 158 : i32
      %min3A_17 = arith.minsi %min3A, %min3A_16 : i32
      %mul3A = arith.constant 159 : i32
      %mul3A_18 = arith.muli %arg1, %mul3A : i32
      %add3A = arith.addi %mul3A_18, %min3A_17 : i32
      %mul3A_19 = arith.constant 128 : i32
      %mul3A_20 = arith.muli %add3A, %mul3A_19 : i32
      %multiple_of3A = tpu.assume_multiple %mul3A_20, 128 : i32
      %dma_start3A = arith.constant 0 : i32
      %dma_start3A_21 = arith.constant 0 : i32
      %dma_start3A_22 = tpu.memref_slice %arg15[%dma_start3A, %dma_start3A_21] : memref<2x128xi32, #tpu.memory_space<vmem>> -> memref<1x128xi32, #tpu.memory_space<vmem>>
      %dma_start3A_23 = tpu.memref_squeeze %dma_start3A_22 : memref<1x128xi32, #tpu.memory_space<vmem>> -> memref<128xi32, #tpu.memory_space<vmem>>
      %dma_start3A_24 = tpu.memref_slice %arg6[%multiple_of3A] : memref<325632xi32, #tpu.memory_space<hbm>> -> memref<128xi32, #tpu.memory_space<hbm>>
      %dma_start3A_25 = arith.constant 0 : i32
      %dma_start3A_26 = tpu.memref_slice %arg15[%dma_start3A, %dma_start3A_25] : memref<2x128xi32, #tpu.memory_space<vmem>> -> memref<1x128xi32, #tpu.memory_space<vmem>>
      %dma_start3A_27 = tpu.memref_squeeze %dma_start3A_26 : memref<1x128xi32, #tpu.memory_space<vmem>> -> memref<128xi32, #tpu.memory_space<vmem>>
      %dma_start3A_28 = tpu.memref_slice %arg6[%multiple_of3A] : memref<325632xi32, #tpu.memory_space<hbm>> -> memref<128xi32, #tpu.memory_space<hbm>>
      tpu.enqueue_dma source(%dma_start3A_28 : memref<128xi32, #tpu.memory_space<hbm>>) target(%dma_start3A_27 : memref<128xi32, #tpu.memory_space<vmem>>) target_semaphore(%arg27 : memref<!tpu.dma_semaphore, #tpu.memory_space<semaphore_mem>>)
      %dma_start3A_29 = arith.constant 1 : i32
      %dma_start3A_30 = arith.constant 0 : i32
      %dma_start3A_31 = tpu.memref_slice %arg15[%dma_start3A_29, %dma_start3A_30] : memref<2x128xi32, #tpu.memory_space<vmem>> -> memref<1x128xi32, #tpu.memory_space<vmem>>
      %dma_start3A_32 = tpu.memref_squeeze %dma_start3A_31 : memref<1x128xi32, #tpu.memory_space<vmem>> -> memref<128xi32, #tpu.memory_space<vmem>>
      %dma_start3A_33 = tpu.memref_slice %arg7[%multiple_of3A] : memref<325632xi32, #tpu.memory_space<hbm>> -> memref<128xi32, #tpu.memory_space<hbm>>
      %dma_start3A_34 = arith.constant 0 : i32
      %dma_start3A_35 = tpu.memref_slice %arg15[%dma_start3A_29, %dma_start3A_34] : memref<2x128xi32, #tpu.memory_space<vmem>> -> memref<1x128xi32, #tpu.memory_space<vmem>>
      %dma_start3A_36 = tpu.memref_squeeze %dma_start3A_35 : memref<1x128xi32, #tpu.memory_space<vmem>> -> memref<128xi32, #tpu.memory_space<vmem>>
      %dma_start3A_37 = tpu.memref_slice %arg7[%multiple_of3A] : memref<325632xi32, #tpu.memory_space<hbm>> -> memref<128xi32, #tpu.memory_space<hbm>>
      tpu.enqueue_dma source(%dma_start3A_37 : memref<128xi32, #tpu.memory_space<hbm>>) target(%dma_start3A_36 : memref<128xi32, #tpu.memory_space<vmem>>) target_semaphore(%arg27 : memref<!tpu.dma_semaphore, #tpu.memory_space<semaphore_mem>>)
      %min3A_38 = arith.constant 1 : i32
      %min3A_39 = arith.constant 158 : i32
      %min3A_40 = arith.minsi %min3A_38, %min3A_39 : i32
      %mul3A_41 = arith.constant 159 : i32
      %mul3A_42 = arith.muli %arg1, %mul3A_41 : i32
      %add3A_43 = arith.addi %mul3A_42, %min3A_40 : i32
      %mul3A_44 = arith.constant 128 : i32
      %mul3A_45 = arith.muli %add3A_43, %mul3A_44 : i32
      %multiple_of3A_46 = tpu.assume_multiple %mul3A_45, 128 : i32
      %dma_start3A_47 = arith.constant 0 : i32
      %dma_start3A_48 = arith.constant 0 : i32
      %dma_start3A_49 = tpu.memref_slice %arg16[%dma_start3A_47, %dma_start3A_48] : memref<2x128xi32, #tpu.memory_space<vmem>> -> memref<1x128xi32, #tpu.memory_space<vmem>>
      %dma_start3A_50 = tpu.memref_squeeze %dma_start3A_49 : memref<1x128xi32, #tpu.memory_space<vmem>> -> memref<128xi32, #tpu.memory_space<vmem>>
      %dma_start3A_51 = tpu.memref_slice %arg6[%multiple_of3A_46] : memref<325632xi32, #tpu.memory_space<hbm>> -> memref<128xi32, #tpu.memory_space<hbm>>
      %dma_start3A_52 = arith.constant 0 : i32
      %dma_start3A_53 = tpu.memref_slice %arg16[%dma_start3A_47, %dma_start3A_52] : memref<2x128xi32, #tpu.memory_space<vmem>> -> memref<1x128xi32, #tpu.memory_space<vmem>>
      %dma_start3A_54 = tpu.memref_squeeze %dma_start3A_53 : memref<1x128xi32, #tpu.memory_space<vmem>> -> memref<128xi32, #tpu.memory_space<vmem>>
      %dma_start3A_55 = tpu.memref_slice %arg6[%multiple_of3A_46] : memref<325632xi32, #tpu.memory_space<hbm>> -> memref<128xi32, #tpu.memory_space<hbm>>
      tpu.enqueue_dma source(%dma_start3A_55 : memref<128xi32, #tpu.memory_space<hbm>>) target(%dma_start3A_54 : memref<128xi32, #tpu.memory_space<vmem>>) target_semaphore(%arg28 : memref<!tpu.dma_semaphore, #tpu.memory_space<semaphore_mem>>)
      %dma_start3A_56 = arith.constant 1 : i32
      %dma_start3A_57 = arith.constant 0 : i32
      %dma_start3A_58 = tpu.memref_slice %arg16[%dma_start3A_56, %dma_start3A_57] : memref<2x128xi32, #tpu.memory_space<vmem>> -> memref<1x128xi32, #tpu.memory_space<vmem>>
      %dma_start3A_59 = tpu.memref_squeeze %dma_start3A_58 : memref<1x128xi32, #tpu.memory_space<vmem>> -> memref<128xi32, #tpu.memory_space<vmem>>
      %dma_start3A_60 = tpu.memref_slice %arg7[%multiple_of3A_46] : memref<325632xi32, #tpu.memory_space<hbm>> -> memref<128xi32, #tpu.memory_space<hbm>>
      %dma_start3A_61 = arith.constant 0 : i32
      %dma_start3A_62 = tpu.memref_slice %arg16[%dma_start3A_56, %dma_start3A_61] : memref<2x128xi32, #tpu.memory_space<vmem>> -> memref<1x128xi32, #tpu.memory_space<vmem>>
      %dma_start3A_63 = tpu.memref_squeeze %dma_start3A_62 : memref<1x128xi32, #tpu.memory_space<vmem>> -> memref<128xi32, #tpu.memory_space<vmem>>
      %dma_start3A_64 = tpu.memref_slice %arg7[%multiple_of3A_46] : memref<325632xi32, #tpu.memory_space<hbm>> -> memref<128xi32, #tpu.memory_space<hbm>>
      tpu.enqueue_dma source(%dma_start3A_64 : memref<128xi32, #tpu.memory_space<hbm>>) target(%dma_start3A_63 : memref<128xi32, #tpu.memory_space<vmem>>) target_semaphore(%arg28 : memref<!tpu.dma_semaphore, #tpu.memory_space<semaphore_mem>>)
      %min3A_65 = arith.constant 2 : i32
      %min3A_66 = arith.constant 158 : i32
      %min3A_67 = arith.minsi %min3A_65, %min3A_66 : i32
      %mul3A_68 = arith.constant 159 : i32
      %mul3A_69 = arith.muli %arg1, %mul3A_68 : i32
      %add3A_70 = arith.addi %mul3A_69, %min3A_67 : i32
      %mul3A_71 = arith.constant 128 : i32
      %mul3A_72 = arith.muli %add3A_70, %mul3A_71 : i32
      %multiple_of3A_73 = tpu.assume_multiple %mul3A_72, 128 : i32
      %dma_start3A_74 = arith.constant 0 : i32
      %dma_start3A_75 = arith.constant 0 : i32
      %dma_start3A_76 = tpu.memref_slice %arg17[%dma_start3A_74, %dma_start3A_75] : memref<2x128xi32, #tpu.memory_space<vmem>> -> memref<1x128xi32, #tpu.memory_space<vmem>>
      %dma_start3A_77 = tpu.memref_squeeze %dma_start3A_76 : memref<1x128xi32, #tpu.memory_space<vmem>> -> memref<128xi32, #tpu.memory_space<vmem>>
      %dma_start3A_78 = tpu.memref_slice %arg6[%multiple_of3A_73] : memref<325632xi32, #tpu.memory_space<hbm>> -> memref<128xi32, #tpu.memory_space<hbm>>
      %dma_start3A_79 = arith.constant 0 : i32
      %dma_start3A_80 = tpu.memref_slice %arg17[%dma_start3A_74, %dma_start3A_79] : memref<2x128xi32, #tpu.memory_space<vmem>> -> memref<1x128xi32, #tpu.memory_space<vmem>>
      %dma_start3A_81 = tpu.memref_squeeze %dma_start3A_80 : memref<1x128xi32, #tpu.memory_space<vmem>> -> memref<128xi32, #tpu.memory_space<vmem>>
      %dma_start3A_82 = tpu.memref_slice %arg6[%multiple_of3A_73] : memref<325632xi32, #tpu.memory_space<hbm>> -> memref<128xi32, #tpu.memory_space<hbm>>
      tpu.enqueue_dma source(%dma_start3A_82 : memref<128xi32, #tpu.memory_space<hbm>>) target(%dma_start3A_81 : memref<128xi32, #tpu.memory_space<vmem>>) target_semaphore(%arg29 : memref<!tpu.dma_semaphore, #tpu.memory_space<semaphore_mem>>)
      %dma_start3A_83 = arith.constant 1 : i32
      %dma_start3A_84 = arith.constant 0 : i32
      %dma_start3A_85 = tpu.memref_slice %arg17[%dma_start3A_83, %dma_start3A_84] : memref<2x128xi32, #tpu.memory_space<vmem>> -> memref<1x128xi32, #tpu.memory_space<vmem>>
      %dma_start3A_86 = tpu.memref_squeeze %dma_start3A_85 : memref<1x128xi32, #tpu.memory_space<vmem>> -> memref<128xi32, #tpu.memory_space<vmem>>
      %dma_start3A_87 = tpu.memref_slice %arg7[%multiple_of3A_73] : memref<325632xi32, #tpu.memory_space<hbm>> -> memref<128xi32, #tpu.memory_space<hbm>>
      %dma_start3A_88 = arith.constant 0 : i32
      %dma_start3A_89 = tpu.memref_slice %arg17[%dma_start3A_83, %dma_start3A_88] : memref<2x128xi32, #tpu.memory_space<vmem>> -> memref<1x128xi32, #tpu.memory_space<vmem>>
      %dma_start3A_90 = tpu.memref_squeeze %dma_start3A_89 : memref<1x128xi32, #tpu.memory_space<vmem>> -> memref<128xi32, #tpu.memory_space<vmem>>
      %dma_start3A_91 = tpu.memref_slice %arg7[%multiple_of3A_73] : memref<325632xi32, #tpu.memory_space<hbm>> -> memref<128xi32, #tpu.memory_space<hbm>>
      tpu.enqueue_dma source(%dma_start3A_91 : memref<128xi32, #tpu.memory_space<hbm>>) target(%dma_start3A_90 : memref<128xi32, #tpu.memory_space<vmem>>) target_semaphore(%arg29 : memref<!tpu.dma_semaphore, #tpu.memory_space<semaphore_mem>>)
      %min3A_92 = arith.constant 0 : i32
      %min3A_93 = arith.constant 158 : i32
      %min3A_94 = arith.minsi %min3A_92, %min3A_93 : i32
      %mul3A_95 = arith.constant 159 : i32
      %mul3A_96 = arith.muli %arg1, %mul3A_95 : i32
      %add3A_97 = arith.addi %mul3A_96, %min3A_94 : i32
      %mul3A_98 = arith.constant 128 : i32
      %mul3A_99 = arith.muli %add3A_97, %mul3A_98 : i32
      %multiple_of3A_100 = tpu.assume_multiple %mul3A_99, 128 : i32
      %dma_wait3A = arith.constant 0 : i32
      %dma_wait3A_101 = arith.constant 0 : i32
      %dma_wait3A_102 = tpu.memref_slice %arg15[%dma_wait3A, %dma_wait3A_101] : memref<2x128xi32, #tpu.memory_space<vmem>> -> memref<1x128xi32, #tpu.memory_space<vmem>>
      %dma_wait3A_103 = tpu.memref_squeeze %dma_wait3A_102 : memref<1x128xi32, #tpu.memory_space<vmem>> -> memref<128xi32, #tpu.memory_space<vmem>>
      %dma_wait3A_104 = tpu.memref_slice %arg6[%multiple_of3A_100] : memref<325632xi32, #tpu.memory_space<hbm>> -> memref<128xi32, #tpu.memory_space<hbm>>
      %dma_wait3A_105 = arith.constant 0 : i32
      %dma_wait3A_106 = tpu.memref_slice %arg15[%dma_wait3A, %dma_wait3A_105] : memref<2x128xi32, #tpu.memory_space<vmem>> -> memref<1x128xi32, #tpu.memory_space<vmem>>
      %dma_wait3A_107 = tpu.memref_squeeze %dma_wait3A_106 : memref<1x128xi32, #tpu.memory_space<vmem>> -> memref<128xi32, #tpu.memory_space<vmem>>
      %dma_wait3A_108 = tpu.memref_slice %arg6[%multiple_of3A_100] : memref<325632xi32, #tpu.memory_space<hbm>> -> memref<128xi32, #tpu.memory_space<hbm>>
      tpu.wait_dma2 semaphore(%arg27 : memref<!tpu.dma_semaphore, #tpu.memory_space<semaphore_mem>>) src(%dma_wait3A_108 : memref<128xi32, #tpu.memory_space<hbm>>) dst(%dma_wait3A_107 : memref<128xi32, #tpu.memory_space<vmem>>)
      %dma_wait3A_109 = arith.constant 1 : i32
      %dma_wait3A_110 = arith.constant 0 : i32
      %dma_wait3A_111 = tpu.memref_slice %arg15[%dma_wait3A_109, %dma_wait3A_110] : memref<2x128xi32, #tpu.memory_space<vmem>> -> memref<1x128xi32, #tpu.memory_space<vmem>>
      %dma_wait3A_112 = tpu.memref_squeeze %dma_wait3A_111 : memref<1x128xi32, #tpu.memory_space<vmem>> -> memref<128xi32, #tpu.memory_space<vmem>>
      %dma_wait3A_113 = tpu.memref_slice %arg7[%multiple_of3A_100] : memref<325632xi32, #tpu.memory_space<hbm>> -> memref<128xi32, #tpu.memory_space<hbm>>
      %dma_wait3A_114 = arith.constant 0 : i32
      %dma_wait3A_115 = tpu.memref_slice %arg15[%dma_wait3A_109, %dma_wait3A_114] : memref<2x128xi32, #tpu.memory_space<vmem>> -> memref<1x128xi32, #tpu.memory_space<vmem>>
      %dma_wait3A_116 = tpu.memref_squeeze %dma_wait3A_115 : memref<1x128xi32, #tpu.memory_space<vmem>> -> memref<128xi32, #tpu.memory_space<vmem>>
      %dma_wait3A_117 = tpu.memref_slice %arg7[%multiple_of3A_100] : memref<325632xi32, #tpu.memory_space<hbm>> -> memref<128xi32, #tpu.memory_space<hbm>>
      tpu.wait_dma2 semaphore(%arg27 : memref<!tpu.dma_semaphore, #tpu.memory_space<semaphore_mem>>) src(%dma_wait3A_117 : memref<128xi32, #tpu.memory_space<hbm>>) dst(%dma_wait3A_116 : memref<128xi32, #tpu.memory_space<vmem>>)
      %dma_start3A_118 = arith.constant 0 : i32
      %dma_start3A_119 = arith.constant 0 : i32
      %dma_start3A_120 = tpu.memref_slice %arg15[%dma_start3A_118, %dma_start3A_119] : memref<2x128xi32, #tpu.memory_space<vmem>> -> memref<1x128xi32, #tpu.memory_space<vmem>>
      %dma_start3A_121 = tpu.memref_squeeze %dma_start3A_120 : memref<1x128xi32, #tpu.memory_space<vmem>> -> memref<128xi32, #tpu.memory_space<vmem>>
      %dma_start3A_122 = arith.constant 0 : i32
      %dma_start3A_123 = arith.constant 0 : i32
      %dma_start3A_124 = tpu.memref_slice %arg3[%dma_start3A_122, %dma_start3A_123] : memref<10000x128xf32, #tpu.memory_space<hbm>> -> memref<10000x128xf32, #tpu.memory_space<hbm>>
      tpu.enqueue_indirect_dma source(%dma_start3A_124 : memref<10000x128xf32, #tpu.memory_space<hbm>>) target(%arg12 : memref<128x128xf32, #tpu.memory_space<vmem>>) offsets(%dma_start3A_121 : memref<128xi32, #tpu.memory_space<vmem>>) semaphore(%arg21 : memref<!tpu.dma_semaphore, #tpu.memory_space<semaphore_mem>>)
      %min3A_125 = arith.constant 3 : i32
      %min3A_126 = arith.constant 158 : i32
      %min3A_127 = arith.minsi %min3A_125, %min3A_126 : i32
      %mul3A_128 = arith.constant 159 : i32
      %mul3A_129 = arith.muli %arg1, %mul3A_128 : i32
      %add3A_130 = arith.addi %mul3A_129, %min3A_127 : i32
      %mul3A_131 = arith.constant 128 : i32
      %mul3A_132 = arith.muli %add3A_130, %mul3A_131 : i32
      %multiple_of3A_133 = tpu.assume_multiple %mul3A_132, 128 : i32
      %dma_start3A_134 = arith.constant 0 : i32
      %dma_start3A_135 = arith.constant 0 : i32
      %dma_start3A_136 = tpu.memref_slice %arg18[%dma_start3A_134, %dma_start3A_135] : memref<2x128xi32, #tpu.memory_space<vmem>> -> memref<1x128xi32, #tpu.memory_space<vmem>>
      %dma_start3A_137 = tpu.memref_squeeze %dma_start3A_136 : memref<1x128xi32, #tpu.memory_space<vmem>> -> memref<128xi32, #tpu.memory_space<vmem>>
      %dma_start3A_138 = tpu.memref_slice %arg6[%multiple_of3A_133] : memref<325632xi32, #tpu.memory_space<hbm>> -> memref<128xi32, #tpu.memory_space<hbm>>
      %dma_start3A_139 = arith.constant 0 : i32
      %dma_start3A_140 = tpu.memref_slice %arg18[%dma_start3A_134, %dma_start3A_139] : memref<2x128xi32, #tpu.memory_space<vmem>> -> memref<1x128xi32, #tpu.memory_space<vmem>>
      %dma_start3A_141 = tpu.memref_squeeze %dma_start3A_140 : memref<1x128xi32, #tpu.memory_space<vmem>> -> memref<128xi32, #tpu.memory_space<vmem>>
      %dma_start3A_142 = tpu.memref_slice %arg6[%multiple_of3A_133] : memref<325632xi32, #tpu.memory_space<hbm>> -> memref<128xi32, #tpu.memory_space<hbm>>
      tpu.enqueue_dma source(%dma_start3A_142 : memref<128xi32, #tpu.memory_space<hbm>>) target(%dma_start3A_141 : memref<128xi32, #tpu.memory_space<vmem>>) target_semaphore(%arg30 : memref<!tpu.dma_semaphore, #tpu.memory_space<semaphore_mem>>)
      %dma_start3A_143 = arith.constant 1 : i32
      %dma_start3A_144 = arith.constant 0 : i32
      %dma_start3A_145 = tpu.memref_slice %arg18[%dma_start3A_143, %dma_start3A_144] : memref<2x128xi32, #tpu.memory_space<vmem>> -> memref<1x128xi32, #tpu.memory_space<vmem>>
      %dma_start3A_146 = tpu.memref_squeeze %dma_start3A_145 : memref<1x128xi32, #tpu.memory_space<vmem>> -> memref<128xi32, #tpu.memory_space<vmem>>
      %dma_start3A_147 = tpu.memref_slice %arg7[%multiple_of3A_133] : memref<325632xi32, #tpu.memory_space<hbm>> -> memref<128xi32, #tpu.memory_space<hbm>>
      %dma_start3A_148 = arith.constant 0 : i32
      %dma_start3A_149 = tpu.memref_slice %arg18[%dma_start3A_143, %dma_start3A_148] : memref<2x128xi32, #tpu.memory_space<vmem>> -> memref<1x128xi32, #tpu.memory_space<vmem>>
      %dma_start3A_150 = tpu.memref_squeeze %dma_start3A_149 : memref<1x128xi32, #tpu.memory_space<vmem>> -> memref<128xi32, #tpu.memory_space<vmem>>
      %dma_start3A_151 = tpu.memref_slice %arg7[%multiple_of3A_133] : memref<325632xi32, #tpu.memory_space<hbm>> -> memref<128xi32, #tpu.memory_space<hbm>>
      tpu.enqueue_dma source(%dma_start3A_151 : memref<128xi32, #tpu.memory_space<hbm>>) target(%dma_start3A_150 : memref<128xi32, #tpu.memory_space<vmem>>) target_semaphore(%arg30 : memref<!tpu.dma_semaphore, #tpu.memory_space<semaphore_mem>>)
      %min3A_152 = arith.constant 1 : i32
      %min3A_153 = arith.constant 158 : i32
      %min3A_154 = arith.minsi %min3A_152, %min3A_153 : i32
      %mul3A_155 = arith.constant 159 : i32
      %mul3A_156 = arith.muli %arg1, %mul3A_155 : i32
      %add3A_157 = arith.addi %mul3A_156, %min3A_154 : i32
      %mul3A_158 = arith.constant 128 : i32
      %mul3A_159 = arith.muli %add3A_157, %mul3A_158 : i32
      %multiple_of3A_160 = tpu.assume_multiple %mul3A_159, 128 : i32
      %dma_wait3A_161 = arith.constant 0 : i32
      %dma_wait3A_162 = arith.constant 0 : i32
      %dma_wait3A_163 = tpu.memref_slice %arg16[%dma_wait3A_161, %dma_wait3A_162] : memref<2x128xi32, #tpu.memory_space<vmem>> -> memref<1x128xi32, #tpu.memory_space<vmem>>
      %dma_wait3A_164 = tpu.memref_squeeze %dma_wait3A_163 : memref<1x128xi32, #tpu.memory_space<vmem>> -> memref<128xi32, #tpu.memory_space<vmem>>
      %dma_wait3A_165 = tpu.memref_slice %arg6[%multiple_of3A_160] : memref<325632xi32, #tpu.memory_space<hbm>> -> memref<128xi32, #tpu.memory_space<hbm>>
      %dma_wait3A_166 = arith.constant 0 : i32
      %dma_wait3A_167 = tpu.memref_slice %arg16[%dma_wait3A_161, %dma_wait3A_166] : memref<2x128xi32, #tpu.memory_space<vmem>> -> memref<1x128xi32, #tpu.memory_space<vmem>>
      %dma_wait3A_168 = tpu.memref_squeeze %dma_wait3A_167 : memref<1x128xi32, #tpu.memory_space<vmem>> -> memref<128xi32, #tpu.memory_space<vmem>>
      %dma_wait3A_169 = tpu.memref_slice %arg6[%multiple_of3A_160] : memref<325632xi32, #tpu.memory_space<hbm>> -> memref<128xi32, #tpu.memory_space<hbm>>
      tpu.wait_dma2 semaphore(%arg28 : memref<!tpu.dma_semaphore, #tpu.memory_space<semaphore_mem>>) src(%dma_wait3A_169 : memref<128xi32, #tpu.memory_space<hbm>>) dst(%dma_wait3A_168 : memref<128xi32, #tpu.memory_space<vmem>>)
      %dma_wait3A_170 = arith.constant 1 : i32
      %dma_wait3A_171 = arith.constant 0 : i32
      %dma_wait3A_172 = tpu.memref_slice %arg16[%dma_wait3A_170, %dma_wait3A_171] : memref<2x128xi32, #tpu.memory_space<vmem>> -> memref<1x128xi32, #tpu.memory_space<vmem>>
      %dma_wait3A_173 = tpu.memref_squeeze %dma_wait3A_172 : memref<1x128xi32, #tpu.memory_space<vmem>> -> memref<128xi32, #tpu.memory_space<vmem>>
      %dma_wait3A_174 = tpu.memref_slice %arg7[%multiple_of3A_160] : memref<325632xi32, #tpu.memory_space<hbm>> -> memref<128xi32, #tpu.memory_space<hbm>>
      %dma_wait3A_175 = arith.constant 0 : i32
      %dma_wait3A_176 = tpu.memref_slice %arg16[%dma_wait3A_170, %dma_wait3A_175] : memref<2x128xi32, #tpu.memory_space<vmem>> -> memref<1x128xi32, #tpu.memory_space<vmem>>
      %dma_wait3A_177 = tpu.memref_squeeze %dma_wait3A_176 : memref<1x128xi32, #tpu.memory_space<vmem>> -> memref<128xi32, #tpu.memory_space<vmem>>
      %dma_wait3A_178 = tpu.memref_slice %arg7[%multiple_of3A_160] : memref<325632xi32, #tpu.memory_space<hbm>> -> memref<128xi32, #tpu.memory_space<hbm>>
      tpu.wait_dma2 semaphore(%arg28 : memref<!tpu.dma_semaphore, #tpu.memory_space<semaphore_mem>>) src(%dma_wait3A_178 : memref<128xi32, #tpu.memory_space<hbm>>) dst(%dma_wait3A_177 : memref<128xi32, #tpu.memory_space<vmem>>)
      %dma_start3A_179 = arith.constant 0 : i32
      %dma_start3A_180 = arith.constant 0 : i32
      %dma_start3A_181 = tpu.memref_slice %arg16[%dma_start3A_179, %dma_start3A_180] : memref<2x128xi32, #tpu.memory_space<vmem>> -> memref<1x128xi32, #tpu.memory_space<vmem>>
      %dma_start3A_182 = tpu.memref_squeeze %dma_start3A_181 : memref<1x128xi32, #tpu.memory_space<vmem>> -> memref<128xi32, #tpu.memory_space<vmem>>
      %dma_start3A_183 = arith.constant 0 : i32
      %dma_start3A_184 = arith.constant 0 : i32
      %dma_start3A_185 = tpu.memref_slice %arg3[%dma_start3A_183, %dma_start3A_184] : memref<10000x128xf32, #tpu.memory_space<hbm>> -> memref<10000x128xf32, #tpu.memory_space<hbm>>
      tpu.enqueue_indirect_dma source(%dma_start3A_185 : memref<10000x128xf32, #tpu.memory_space<hbm>>) target(%arg13 : memref<128x128xf32, #tpu.memory_space<vmem>>) offsets(%dma_start3A_182 : memref<128xi32, #tpu.memory_space<vmem>>) semaphore(%arg22 : memref<!tpu.dma_semaphore, #tpu.memory_space<semaphore_mem>>)
      %min3A_186 = arith.constant 4 : i32
      %min3A_187 = arith.constant 158 : i32
      %min3A_188 = arith.minsi %min3A_186, %min3A_187 : i32
      %mul3A_189 = arith.constant 159 : i32
      %mul3A_190 = arith.muli %arg1, %mul3A_189 : i32
      %add3A_191 = arith.addi %mul3A_190, %min3A_188 : i32
      %mul3A_192 = arith.constant 128 : i32
      %mul3A_193 = arith.muli %add3A_191, %mul3A_192 : i32
      %multiple_of3A_194 = tpu.assume_multiple %mul3A_193, 128 : i32
      %dma_start3A_195 = arith.constant 0 : i32
      %dma_start3A_196 = arith.constant 0 : i32
      %dma_start3A_197 = tpu.memref_slice %arg19[%dma_start3A_195, %dma_start3A_196] : memref<2x128xi32, #tpu.memory_space<vmem>> -> memref<1x128xi32, #tpu.memory_space<vmem>>
      %dma_start3A_198 = tpu.memref_squeeze %dma_start3A_197 : memref<1x128xi32, #tpu.memory_space<vmem>> -> memref<128xi32, #tpu.memory_space<vmem>>
      %dma_start3A_199 = tpu.memref_slice %arg6[%multiple_of3A_194] : memref<325632xi32, #tpu.memory_space<hbm>> -> memref<128xi32, #tpu.memory_space<hbm>>
      %dma_start3A_200 = arith.constant 0 : i32
      %dma_start3A_201 = tpu.memref_slice %arg19[%dma_start3A_195, %dma_start3A_200] : memref<2x128xi32, #tpu.memory_space<vmem>> -> memref<1x128xi32, #tpu.memory_space<vmem>>
      %dma_start3A_202 = tpu.memref_squeeze %dma_start3A_201 : memref<1x128xi32, #tpu.memory_space<vmem>> -> memref<128xi32, #tpu.memory_space<vmem>>
      %dma_start3A_203 = tpu.memref_slice %arg6[%multiple_of3A_194] : memref<325632xi32, #tpu.memory_space<hbm>> -> memref<128xi32, #tpu.memory_space<hbm>>
      tpu.enqueue_dma source(%dma_start3A_203 : memref<128xi32, #tpu.memory_space<hbm>>) target(%dma_start3A_202 : memref<128xi32, #tpu.memory_space<vmem>>) target_semaphore(%arg31 : memref<!tpu.dma_semaphore, #tpu.memory_space<semaphore_mem>>)
      %dma_start3A_204 = arith.constant 1 : i32
      %dma_start3A_205 = arith.constant 0 : i32
      %dma_start3A_206 = tpu.memref_slice %arg19[%dma_start3A_204, %dma_start3A_205] : memref<2x128xi32, #tpu.memory_space<vmem>> -> memref<1x128xi32, #tpu.memory_space<vmem>>
      %dma_start3A_207 = tpu.memref_squeeze %dma_start3A_206 : memref<1x128xi32, #tpu.memory_space<vmem>> -> memref<128xi32, #tpu.memory_space<vmem>>
      %dma_start3A_208 = tpu.memref_slice %arg7[%multiple_of3A_194] : memref<325632xi32, #tpu.memory_space<hbm>> -> memref<128xi32, #tpu.memory_space<hbm>>
      %dma_start3A_209 = arith.constant 0 : i32
      %dma_start3A_210 = tpu.memref_slice %arg19[%dma_start3A_204, %dma_start3A_209] : memref<2x128xi32, #tpu.memory_space<vmem>> -> memref<1x128xi32, #tpu.memory_space<vmem>>
      %dma_start3A_211 = tpu.memref_squeeze %dma_start3A_210 : memref<1x128xi32, #tpu.memory_space<vmem>> -> memref<128xi32, #tpu.memory_space<vmem>>
      %dma_start3A_212 = tpu.memref_slice %arg7[%multiple_of3A_194] : memref<325632xi32, #tpu.memory_space<hbm>> -> memref<128xi32, #tpu.memory_space<hbm>>
      tpu.enqueue_dma source(%dma_start3A_212 : memref<128xi32, #tpu.memory_space<hbm>>) target(%dma_start3A_211 : memref<128xi32, #tpu.memory_space<vmem>>) target_semaphore(%arg31 : memref<!tpu.dma_semaphore, #tpu.memory_space<semaphore_mem>>)
      %dma_wait3A_213 = arith.constant 0 : i32
      %dma_wait3A_214 = arith.constant 0 : i32
      %dma_wait3A_215 = tpu.memref_slice %arg15[%dma_wait3A_213, %dma_wait3A_214] : memref<2x128xi32, #tpu.memory_space<vmem>> -> memref<1x128xi32, #tpu.memory_space<vmem>>
      %dma_wait3A_216 = tpu.memref_squeeze %dma_wait3A_215 : memref<1x128xi32, #tpu.memory_space<vmem>> -> memref<128xi32, #tpu.memory_space<vmem>>
      %dma_wait3A_217 = arith.constant 0 : i32
      %dma_wait3A_218 = arith.constant 0 : i32
      %dma_wait3A_219 = tpu.memref_slice %arg3[%dma_wait3A_217, %dma_wait3A_218] : memref<10000x128xf32, #tpu.memory_space<hbm>> -> memref<10000x128xf32, #tpu.memory_space<hbm>>
      tpu.wait_indirect_dma semaphore(%arg21 : memref<!tpu.dma_semaphore, #tpu.memory_space<semaphore_mem>>) src(%dma_wait3A_219 : memref<10000x128xf32, #tpu.memory_space<hbm>>) dst(%arg12 : memref<128x128xf32, #tpu.memory_space<vmem>>)
      %dma_start3A_220 = arith.constant 1 : i32
      %dma_start3A_221 = arith.constant 0 : i32
      %dma_start3A_222 = tpu.memref_slice %arg15[%dma_start3A_220, %dma_start3A_221] : memref<2x128xi32, #tpu.memory_space<vmem>> -> memref<1x128xi32, #tpu.memory_space<vmem>>
      %dma_start3A_223 = tpu.memref_squeeze %dma_start3A_222 : memref<1x128xi32, #tpu.memory_space<vmem>> -> memref<128xi32, #tpu.memory_space<vmem>>
      %dma_start3A_224 = arith.constant 0 : i32
      %dma_start3A_225 = arith.constant 0 : i32
      %dma_start3A_226 = tpu.memref_slice %arg11[%dma_start3A_224, %dma_start3A_225] : memref<10016x128xf32, #tpu.memory_space<vmem_shared>> -> memref<10016x128xf32, #tpu.memory_space<vmem_shared>>
      tpu.enqueue_indirect_dma source(%arg12 : memref<128x128xf32, #tpu.memory_space<vmem>>) target(%dma_start3A_226 : memref<10016x128xf32, #tpu.memory_space<vmem_shared>>) offsets(%dma_start3A_223 : memref<128xi32, #tpu.memory_space<vmem>>) semaphore(%arg24 : memref<!tpu.dma_semaphore, #tpu.memory_space<semaphore_mem>>) {add = true}
      %min3A_227 = arith.constant 2 : i32
      %min3A_228 = arith.constant 158 : i32
      %min3A_229 = arith.minsi %min3A_227, %min3A_228 : i32
      %mul3A_230 = arith.constant 159 : i32
      %mul3A_231 = arith.muli %arg1, %mul3A_230 : i32
      %add3A_232 = arith.addi %mul3A_231, %min3A_229 : i32
      %mul3A_233 = arith.constant 128 : i32
      %mul3A_234 = arith.muli %add3A_232, %mul3A_233 : i32
      %multiple_of3A_235 = tpu.assume_multiple %mul3A_234, 128 : i32
      %dma_wait3A_236 = arith.constant 0 : i32
      %dma_wait3A_237 = arith.constant 0 : i32
      %dma_wait3A_238 = tpu.memref_slice %arg17[%dma_wait3A_236, %dma_wait3A_237] : memref<2x128xi32, #tpu.memory_space<vmem>> -> memref<1x128xi32, #tpu.memory_space<vmem>>
      %dma_wait3A_239 = tpu.memref_squeeze %dma_wait3A_238 : memref<1x128xi32, #tpu.memory_space<vmem>> -> memref<128xi32, #tpu.memory_space<vmem>>
      %dma_wait3A_240 = tpu.memref_slice %arg6[%multiple_of3A_235] : memref<325632xi32, #tpu.memory_space<hbm>> -> memref<128xi32, #tpu.memory_space<hbm>>
      %dma_wait3A_241 = arith.constant 0 : i32
      %dma_wait3A_242 = tpu.memref_slice %arg17[%dma_wait3A_236, %dma_wait3A_241] : memref<2x128xi32, #tpu.memory_space<vmem>> -> memref<1x128xi32, #tpu.memory_space<vmem>>
      %dma_wait3A_243 = tpu.memref_squeeze %dma_wait3A_242 : memref<1x128xi32, #tpu.memory_space<vmem>> -> memref<128xi32, #tpu.memory_space<vmem>>
      %dma_wait3A_244 = tpu.memref_slice %arg6[%multiple_of3A_235] : memref<325632xi32, #tpu.memory_space<hbm>> -> memref<128xi32, #tpu.memory_space<hbm>>
      tpu.wait_dma2 semaphore(%arg29 : memref<!tpu.dma_semaphore, #tpu.memory_space<semaphore_mem>>) src(%dma_wait3A_244 : memref<128xi32, #tpu.memory_space<hbm>>) dst(%dma_wait3A_243 : memref<128xi32, #tpu.memory_space<vmem>>)
      %dma_wait3A_245 = arith.constant 1 : i32
      %dma_wait3A_246 = arith.constant 0 : i32
      %dma_wait3A_247 = tpu.memref_slice %arg17[%dma_wait3A_245, %dma_wait3A_246] : memref<2x128xi32, #tpu.memory_space<vmem>> -> memref<1x128xi32, #tpu.memory_space<vmem>>
      %dma_wait3A_248 = tpu.memref_squeeze %dma_wait3A_247 : memref<1x128xi32, #tpu.memory_space<vmem>> -> memref<128xi32, #tpu.memory_space<vmem>>
      %dma_wait3A_249 = tpu.memref_slice %arg7[%multiple_of3A_235] : memref<325632xi32, #tpu.memory_space<hbm>> -> memref<128xi32, #tpu.memory_space<hbm>>
      %dma_wait3A_250 = arith.constant 0 : i32
      %dma_wait3A_251 = tpu.memref_slice %arg17[%dma_wait3A_245, %dma_wait3A_250] : memref<2x128xi32, #tpu.memory_space<vmem>> -> memref<1x128xi32, #tpu.memory_space<vmem>>
      %dma_wait3A_252 = tpu.memref_squeeze %dma_wait3A_251 : memref<1x128xi32, #tpu.memory_space<vmem>> -> memref<128xi32, #tpu.memory_space<vmem>>
      %dma_wait3A_253 = tpu.memref_slice %arg7[%multiple_of3A_235] : memref<325632xi32, #tpu.memory_space<hbm>> -> memref<128xi32, #tpu.memory_space<hbm>>
      tpu.wait_dma2 semaphore(%arg29 : memref<!tpu.dma_semaphore, #tpu.memory_space<semaphore_mem>>) src(%dma_wait3A_253 : memref<128xi32, #tpu.memory_space<hbm>>) dst(%dma_wait3A_252 : memref<128xi32, #tpu.memory_space<vmem>>)
      %dma_start3A_254 = arith.constant 0 : i32
      %dma_start3A_255 = arith.constant 0 : i32
      %dma_start3A_256 = tpu.memref_slice %arg17[%dma_start3A_254, %dma_start3A_255] : memref<2x128xi32, #tpu.memory_space<vmem>> -> memref<1x128xi32, #tpu.memory_space<vmem>>
      %dma_start3A_257 = tpu.memref_squeeze %dma_start3A_256 : memref<1x128xi32, #tpu.memory_space<vmem>> -> memref<128xi32, #tpu.memory_space<vmem>>
      %dma_start3A_258 = arith.constant 0 : i32
      %dma_start3A_259 = arith.constant 0 : i32
      %dma_start3A_260 = tpu.memref_slice %arg3[%dma_start3A_258, %dma_start3A_259] : memref<10000x128xf32, #tpu.memory_space<hbm>> -> memref<10000x128xf32, #tpu.memory_space<hbm>>
      tpu.enqueue_indirect_dma source(%dma_start3A_260 : memref<10000x128xf32, #tpu.memory_space<hbm>>) target(%arg14 : memref<128x128xf32, #tpu.memory_space<vmem>>) offsets(%dma_start3A_257 : memref<128xi32, #tpu.memory_space<vmem>>) semaphore(%arg23 : memref<!tpu.dma_semaphore, #tpu.memory_space<semaphore_mem>>)
      %min3A_261 = arith.constant 5 : i32
      %min3A_262 = arith.constant 158 : i32
      %min3A_263 = arith.minsi %min3A_261, %min3A_262 : i32
      %mul3A_264 = arith.constant 159 : i32
      %mul3A_265 = arith.muli %arg1, %mul3A_264 : i32
      %add3A_266 = arith.addi %mul3A_265, %min3A_263 : i32
      %mul3A_267 = arith.constant 128 : i32
      %mul3A_268 = arith.muli %add3A_266, %mul3A_267 : i32
      %multiple_of3A_269 = tpu.assume_multiple %mul3A_268, 128 : i32
      %dma_start3A_270 = arith.constant 0 : i32
      %dma_start3A_271 = arith.constant 0 : i32
      %dma_start3A_272 = tpu.memref_slice %arg20[%dma_start3A_270, %dma_start3A_271] : memref<2x128xi32, #tpu.memory_space<vmem>> -> memref<1x128xi32, #tpu.memory_space<vmem>>
      %dma_start3A_273 = tpu.memref_squeeze %dma_start3A_272 : memref<1x128xi32, #tpu.memory_space<vmem>> -> memref<128xi32, #tpu.memory_space<vmem>>
      %dma_start3A_274 = tpu.memref_slice %arg6[%multiple_of3A_269] : memref<325632xi32, #tpu.memory_space<hbm>> -> memref<128xi32, #tpu.memory_space<hbm>>
      %dma_start3A_275 = arith.constant 0 : i32
      %dma_start3A_276 = tpu.memref_slice %arg20[%dma_start3A_270, %dma_start3A_275] : memref<2x128xi32, #tpu.memory_space<vmem>> -> memref<1x128xi32, #tpu.memory_space<vmem>>
      %dma_start3A_277 = tpu.memref_squeeze %dma_start3A_276 : memref<1x128xi32, #tpu.memory_space<vmem>> -> memref<128xi32, #tpu.memory_space<vmem>>
      %dma_start3A_278 = tpu.memref_slice %arg6[%multiple_of3A_269] : memref<325632xi32, #tpu.memory_space<hbm>> -> memref<128xi32, #tpu.memory_space<hbm>>
      tpu.enqueue_dma source(%dma_start3A_278 : memref<128xi32, #tpu.memory_space<hbm>>) target(%dma_start3A_277 : memref<128xi32, #tpu.memory_space<vmem>>) target_semaphore(%arg32 : memref<!tpu.dma_semaphore, #tpu.memory_space<semaphore_mem>>)
      %dma_start3A_279 = arith.constant 1 : i32
      %dma_start3A_280 = arith.constant 0 : i32
      %dma_start3A_281 = tpu.memref_slice %arg20[%dma_start3A_279, %dma_start3A_280] : memref<2x128xi32, #tpu.memory_space<vmem>> -> memref<1x128xi32, #tpu.memory_space<vmem>>
      %dma_start3A_282 = tpu.memref_squeeze %dma_start3A_281 : memref<1x128xi32, #tpu.memory_space<vmem>> -> memref<128xi32, #tpu.memory_space<vmem>>
      %dma_start3A_283 = tpu.memref_slice %arg7[%multiple_of3A_269] : memref<325632xi32, #tpu.memory_space<hbm>> -> memref<128xi32, #tpu.memory_space<hbm>>
      %dma_start3A_284 = arith.constant 0 : i32
      %dma_start3A_285 = tpu.memref_slice %arg20[%dma_start3A_279, %dma_start3A_284] : memref<2x128xi32, #tpu.memory_space<vmem>> -> memref<1x128xi32, #tpu.memory_space<vmem>>
      %dma_start3A_286 = tpu.memref_squeeze %dma_start3A_285 : memref<1x128xi32, #tpu.memory_space<vmem>> -> memref<128xi32, #tpu.memory_space<vmem>>
      %dma_start3A_287 = tpu.memref_slice %arg7[%multiple_of3A_269] : memref<325632xi32, #tpu.memory_space<hbm>> -> memref<128xi32, #tpu.memory_space<hbm>>
      tpu.enqueue_dma source(%dma_start3A_287 : memref<128xi32, #tpu.memory_space<hbm>>) target(%dma_start3A_286 : memref<128xi32, #tpu.memory_space<vmem>>) target_semaphore(%arg32 : memref<!tpu.dma_semaphore, #tpu.memory_space<semaphore_mem>>)
      %dma_wait3A_288 = arith.constant 0 : i32
      %dma_wait3A_289 = arith.constant 0 : i32
      %dma_wait3A_290 = tpu.memref_slice %arg16[%dma_wait3A_288, %dma_wait3A_289] : memref<2x128xi32, #tpu.memory_space<vmem>> -> memref<1x128xi32, #tpu.memory_space<vmem>>
      %dma_wait3A_291 = tpu.memref_squeeze %dma_wait3A_290 : memref<1x128xi32, #tpu.memory_space<vmem>> -> memref<128xi32, #tpu.memory_space<vmem>>
      %dma_wait3A_292 = arith.constant 0 : i32
      %dma_wait3A_293 = arith.constant 0 : i32
      %dma_wait3A_294 = tpu.memref_slice %arg3[%dma_wait3A_292, %dma_wait3A_293] : memref<10000x128xf32, #tpu.memory_space<hbm>> -> memref<10000x128xf32, #tpu.memory_space<hbm>>
      tpu.wait_indirect_dma semaphore(%arg22 : memref<!tpu.dma_semaphore, #tpu.memory_space<semaphore_mem>>) src(%dma_wait3A_294 : memref<10000x128xf32, #tpu.memory_space<hbm>>) dst(%arg13 : memref<128x128xf32, #tpu.memory_space<vmem>>)
      %dma_start3A_295 = arith.constant 1 : i32
      %dma_start3A_296 = arith.constant 0 : i32
      %dma_start3A_297 = tpu.memref_slice %arg16[%dma_start3A_295, %dma_start3A_296] : memref<2x128xi32, #tpu.memory_space<vmem>> -> memref<1x128xi32, #tpu.memory_space<vmem>>
      %dma_start3A_298 = tpu.memref_squeeze %dma_start3A_297 : memref<1x128xi32, #tpu.memory_space<vmem>> -> memref<128xi32, #tpu.memory_space<vmem>>
      %dma_start3A_299 = arith.constant 0 : i32
      %dma_start3A_300 = arith.constant 0 : i32
      %dma_start3A_301 = tpu.memref_slice %arg11[%dma_start3A_299, %dma_start3A_300] : memref<10016x128xf32, #tpu.memory_space<vmem_shared>> -> memref<10016x128xf32, #tpu.memory_space<vmem_shared>>
      tpu.enqueue_indirect_dma source(%arg13 : memref<128x128xf32, #tpu.memory_space<vmem>>) target(%dma_start3A_301 : memref<10016x128xf32, #tpu.memory_space<vmem_shared>>) offsets(%dma_start3A_298 : memref<128xi32, #tpu.memory_space<vmem>>) semaphore(%arg25 : memref<!tpu.dma_semaphore, #tpu.memory_space<semaphore_mem>>) {add = true}
      %scan3A = arith.constant 0 : i32
      %scan3A_302 = arith.constant 0 : i32
      %scan3A_303 = arith.constant 26 : i32
      %scan3A_304 = arith.addi %scan3A_302, %scan3A_303 : i32
      %scan3A_305 = arith.constant 1 : i32
      scf.for %scan3A_434 = %scan3A_302 to %scan3A_304 step %scan3A_305  : i32 {
        %mul3A_435 = arith.constant 6 : i32
        %mul3A_436 = arith.muli %mul3A_435, %scan3A_434 : i32
        %add3A_437 = arith.constant 3 : i32
        %add3A_438 = arith.addi %add3A_437, %mul3A_436 : i32
        %add3A_439 = arith.constant 0 : i32
        %add3A_440 = arith.addi %add3A_438, %add3A_439 : i32
        %dma_wait3A_441 = arith.constant 1 : i32
        %dma_wait3A_442 = arith.constant 0 : i32
        %dma_wait3A_443 = tpu.memref_slice %arg15[%dma_wait3A_441, %dma_wait3A_442] : memref<2x128xi32, #tpu.memory_space<vmem>> -> memref<1x128xi32, #tpu.memory_space<vmem>>
        %dma_wait3A_444 = tpu.memref_squeeze %dma_wait3A_443 : memref<1x128xi32, #tpu.memory_space<vmem>> -> memref<128xi32, #tpu.memory_space<vmem>>
        %dma_wait3A_445 = arith.constant 0 : i32
        %dma_wait3A_446 = arith.constant 0 : i32
        %dma_wait3A_447 = tpu.memref_slice %arg11[%dma_wait3A_445, %dma_wait3A_446] : memref<10016x128xf32, #tpu.memory_space<vmem_shared>> -> memref<10016x128xf32, #tpu.memory_space<vmem_shared>>
        tpu.wait_indirect_dma semaphore(%arg24 : memref<!tpu.dma_semaphore, #tpu.memory_space<semaphore_mem>>) src(%arg12 : memref<128x128xf32, #tpu.memory_space<vmem>>) dst(%dma_wait3A_447 : memref<10016x128xf32, #tpu.memory_space<vmem_shared>>)
        %min3A_448 = arith.constant 158 : i32
        %min3A_449 = arith.minsi %add3A_440, %min3A_448 : i32
        %mul3A_450 = arith.constant 159 : i32
        %mul3A_451 = arith.muli %arg1, %mul3A_450 : i32
        %add3A_452 = arith.addi %mul3A_451, %min3A_449 : i32
        %mul3A_453 = arith.constant 128 : i32
        %mul3A_454 = arith.muli %add3A_452, %mul3A_453 : i32
        %multiple_of3A_455 = tpu.assume_multiple %mul3A_454, 128 : i32
        %dma_wait3A_456 = arith.constant 0 : i32
        %dma_wait3A_457 = arith.constant 0 : i32
        %dma_wait3A_458 = tpu.memref_slice %arg18[%dma_wait3A_456, %dma_wait3A_457] : memref<2x128xi32, #tpu.memory_space<vmem>> -> memref<1x128xi32, #tpu.memory_space<vmem>>
        %dma_wait3A_459 = tpu.memref_squeeze %dma_wait3A_458 : memref<1x128xi32, #tpu.memory_space<vmem>> -> memref<128xi32, #tpu.memory_space<vmem>>
        %dma_wait3A_460 = tpu.memref_slice %arg6[%multiple_of3A_455] : memref<325632xi32, #tpu.memory_space<hbm>> -> memref<128xi32, #tpu.memory_space<hbm>>
        %dma_wait3A_461 = arith.constant 0 : i32
        %dma_wait3A_462 = tpu.memref_slice %arg18[%dma_wait3A_456, %dma_wait3A_461] : memref<2x128xi32, #tpu.memory_space<vmem>> -> memref<1x128xi32, #tpu.memory_space<vmem>>
        %dma_wait3A_463 = tpu.memref_squeeze %dma_wait3A_462 : memref<1x128xi32, #tpu.memory_space<vmem>> -> memref<128xi32, #tpu.memory_space<vmem>>
        %dma_wait3A_464 = tpu.memref_slice %arg6[%multiple_of3A_455] : memref<325632xi32, #tpu.memory_space<hbm>> -> memref<128xi32, #tpu.memory_space<hbm>>
        tpu.wait_dma2 semaphore(%arg30 : memref<!tpu.dma_semaphore, #tpu.memory_space<semaphore_mem>>) src(%dma_wait3A_464 : memref<128xi32, #tpu.memory_space<hbm>>) dst(%dma_wait3A_463 : memref<128xi32, #tpu.memory_space<vmem>>)
        %dma_wait3A_465 = arith.constant 1 : i32
        %dma_wait3A_466 = arith.constant 0 : i32
        %dma_wait3A_467 = tpu.memref_slice %arg18[%dma_wait3A_465, %dma_wait3A_466] : memref<2x128xi32, #tpu.memory_space<vmem>> -> memref<1x128xi32, #tpu.memory_space<vmem>>
        %dma_wait3A_468 = tpu.memref_squeeze %dma_wait3A_467 : memref<1x128xi32, #tpu.memory_space<vmem>> -> memref<128xi32, #tpu.memory_space<vmem>>
        %dma_wait3A_469 = tpu.memref_slice %arg7[%multiple_of3A_455] : memref<325632xi32, #tpu.memory_space<hbm>> -> memref<128xi32, #tpu.memory_space<hbm>>
        %dma_wait3A_470 = arith.constant 0 : i32
        %dma_wait3A_471 = tpu.memref_slice %arg18[%dma_wait3A_465, %dma_wait3A_470] : memref<2x128xi32, #tpu.memory_space<vmem>> -> memref<1x128xi32, #tpu.memory_space<vmem>>
        %dma_wait3A_472 = tpu.memref_squeeze %dma_wait3A_471 : memref<1x128xi32, #tpu.memory_space<vmem>> -> memref<128xi32, #tpu.memory_space<vmem>>
        %dma_wait3A_473 = tpu.memref_slice %arg7[%multiple_of3A_455] : memref<325632xi32, #tpu.memory_space<hbm>> -> memref<128xi32, #tpu.memory_space<hbm>>
        tpu.wait_dma2 semaphore(%arg30 : memref<!tpu.dma_semaphore, #tpu.memory_space<semaphore_mem>>) src(%dma_wait3A_473 : memref<128xi32, #tpu.memory_space<hbm>>) dst(%dma_wait3A_472 : memref<128xi32, #tpu.memory_space<vmem>>)
        %dma_start3A_474 = arith.constant 0 : i32
        %dma_start3A_475 = arith.constant 0 : i32
        %dma_start3A_476 = tpu.memref_slice %arg18[%dma_start3A_474, %dma_start3A_475] : memref<2x128xi32, #tpu.memory_space<vmem>> -> memref<1x128xi32, #tpu.memory_space<vmem>>
        %dma_start3A_477 = tpu.memref_squeeze %dma_start3A_476 : memref<1x128xi32, #tpu.memory_space<vmem>> -> memref<128xi32, #tpu.memory_space<vmem>>
        %dma_start3A_478 = arith.constant 0 : i32
        %dma_start3A_479 = arith.constant 0 : i32
        %dma_start3A_480 = tpu.memref_slice %arg3[%dma_start3A_478, %dma_start3A_479] : memref<10000x128xf32, #tpu.memory_space<hbm>> -> memref<10000x128xf32, #tpu.memory_space<hbm>>
        tpu.enqueue_indirect_dma source(%dma_start3A_480 : memref<10000x128xf32, #tpu.memory_space<hbm>>) target(%arg12 : memref<128x128xf32, #tpu.memory_space<vmem>>) offsets(%dma_start3A_477 : memref<128xi32, #tpu.memory_space<vmem>>) semaphore(%arg21 : memref<!tpu.dma_semaphore, #tpu.memory_space<semaphore_mem>>)
        %add3A_481 = arith.constant 3 : i32
        %add3A_482 = arith.addi %add3A_440, %add3A_481 : i32
        %min3A_483 = arith.constant 158 : i32
        %min3A_484 = arith.minsi %add3A_482, %min3A_483 : i32
        %mul3A_485 = arith.constant 159 : i32
        %mul3A_486 = arith.muli %arg1, %mul3A_485 : i32
        %add3A_487 = arith.addi %mul3A_486, %min3A_484 : i32
        %mul3A_488 = arith.constant 128 : i32
        %mul3A_489 = arith.muli %add3A_487, %mul3A_488 : i32
        %multiple_of3A_490 = tpu.assume_multiple %mul3A_489, 128 : i32
        %dma_start3A_491 = arith.constant 0 : i32
        %dma_start3A_492 = arith.constant 0 : i32
        %dma_start3A_493 = tpu.memref_slice %arg15[%dma_start3A_491, %dma_start3A_492] : memref<2x128xi32, #tpu.memory_space<vmem>> -> memref<1x128xi32, #tpu.memory_space<vmem>>
        %dma_start3A_494 = tpu.memref_squeeze %dma_start3A_493 : memref<1x128xi32, #tpu.memory_space<vmem>> -> memref<128xi32, #tpu.memory_space<vmem>>
        %dma_start3A_495 = tpu.memref_slice %arg6[%multiple_of3A_490] : memref<325632xi32, #tpu.memory_space<hbm>> -> memref<128xi32, #tpu.memory_space<hbm>>
        %dma_start3A_496 = arith.constant 0 : i32
        %dma_start3A_497 = tpu.memref_slice %arg15[%dma_start3A_491, %dma_start3A_496] : memref<2x128xi32, #tpu.memory_space<vmem>> -> memref<1x128xi32, #tpu.memory_space<vmem>>
        %dma_start3A_498 = tpu.memref_squeeze %dma_start3A_497 : memref<1x128xi32, #tpu.memory_space<vmem>> -> memref<128xi32, #tpu.memory_space<vmem>>
        %dma_start3A_499 = tpu.memref_slice %arg6[%multiple_of3A_490] : memref<325632xi32, #tpu.memory_space<hbm>> -> memref<128xi32, #tpu.memory_space<hbm>>
        tpu.enqueue_dma source(%dma_start3A_499 : memref<128xi32, #tpu.memory_space<hbm>>) target(%dma_start3A_498 : memref<128xi32, #tpu.memory_space<vmem>>) target_semaphore(%arg27 : memref<!tpu.dma_semaphore, #tpu.memory_space<semaphore_mem>>)
        %dma_start3A_500 = arith.constant 1 : i32
        %dma_start3A_501 = arith.constant 0 : i32
        %dma_start3A_502 = tpu.memref_slice %arg15[%dma_start3A_500, %dma_start3A_501] : memref<2x128xi32, #tpu.memory_space<vmem>> -> memref<1x128xi32, #tpu.memory_space<vmem>>
        %dma_start3A_503 = tpu.memref_squeeze %dma_start3A_502 : memref<1x128xi32, #tpu.memory_space<vmem>> -> memref<128xi32, #tpu.memory_space<vmem>>
        %dma_start3A_504 = tpu.memref_slice %arg7[%multiple_of3A_490] : memref<325632xi32, #tpu.memory_space<hbm>> -> memref<128xi32, #tpu.memory_space<hbm>>
        %dma_start3A_505 = arith.constant 0 : i32
        %dma_start3A_506 = tpu.memref_slice %arg15[%dma_start3A_500, %dma_start3A_505] : memref<2x128xi32, #tpu.memory_space<vmem>> -> memref<1x128xi32, #tpu.memory_space<vmem>>
        %dma_start3A_507 = tpu.memref_squeeze %dma_start3A_506 : memref<1x128xi32, #tpu.memory_space<vmem>> -> memref<128xi32, #tpu.memory_space<vmem>>
        %dma_start3A_508 = tpu.memref_slice %arg7[%multiple_of3A_490] : memref<325632xi32, #tpu.memory_space<hbm>> -> memref<128xi32, #tpu.memory_space<hbm>>
        tpu.enqueue_dma source(%dma_start3A_508 : memref<128xi32, #tpu.memory_space<hbm>>) target(%dma_start3A_507 : memref<128xi32, #tpu.memory_space<vmem>>) target_semaphore(%arg27 : memref<!tpu.dma_semaphore, #tpu.memory_space<semaphore_mem>>)
        %dma_wait3A_509 = arith.constant 0 : i32
        %dma_wait3A_510 = arith.constant 0 : i32
        %dma_wait3A_511 = tpu.memref_slice %arg17[%dma_wait3A_509, %dma_wait3A_510] : memref<2x128xi32, #tpu.memory_space<vmem>> -> memref<1x128xi32, #tpu.memory_space<vmem>>
        %dma_wait3A_512 = tpu.memref_squeeze %dma_wait3A_511 : memref<1x128xi32, #tpu.memory_space<vmem>> -> memref<128xi32, #tpu.memory_space<vmem>>
        %dma_wait3A_513 = arith.constant 0 : i32
        %dma_wait3A_514 = arith.constant 0 : i32
        %dma_wait3A_515 = tpu.memref_slice %arg3[%dma_wait3A_513, %dma_wait3A_514] : memref<10000x128xf32, #tpu.memory_space<hbm>> -> memref<10000x128xf32, #tpu.memory_space<hbm>>
        tpu.wait_indirect_dma semaphore(%arg23 : memref<!tpu.dma_semaphore, #tpu.memory_space<semaphore_mem>>) src(%dma_wait3A_515 : memref<10000x128xf32, #tpu.memory_space<hbm>>) dst(%arg14 : memref<128x128xf32, #tpu.memory_space<vmem>>)
        %dma_start3A_516 = arith.constant 1 : i32
        %dma_start3A_517 = arith.constant 0 : i32
        %dma_start3A_518 = tpu.memref_slice %arg17[%dma_start3A_516, %dma_start3A_517] : memref<2x128xi32, #tpu.memory_space<vmem>> -> memref<1x128xi32, #tpu.memory_space<vmem>>
        %dma_start3A_519 = tpu.memref_squeeze %dma_start3A_518 : memref<1x128xi32, #tpu.memory_space<vmem>> -> memref<128xi32, #tpu.memory_space<vmem>>
        %dma_start3A_520 = arith.constant 0 : i32
        %dma_start3A_521 = arith.constant 0 : i32
        %dma_start3A_522 = tpu.memref_slice %arg11[%dma_start3A_520, %dma_start3A_521] : memref<10016x128xf32, #tpu.memory_space<vmem_shared>> -> memref<10016x128xf32, #tpu.memory_space<vmem_shared>>
        tpu.enqueue_indirect_dma source(%arg14 : memref<128x128xf32, #tpu.memory_space<vmem>>) target(%dma_start3A_522 : memref<10016x128xf32, #tpu.memory_space<vmem_shared>>) offsets(%dma_start3A_519 : memref<128xi32, #tpu.memory_space<vmem>>) semaphore(%arg26 : memref<!tpu.dma_semaphore, #tpu.memory_space<semaphore_mem>>) {add = true}
        %mul3A_523 = arith.constant 6 : i32
        %mul3A_524 = arith.muli %mul3A_523, %scan3A_434 : i32
        %add3A_525 = arith.constant 3 : i32
        %add3A_526 = arith.addi %add3A_525, %mul3A_524 : i32
        %add3A_527 = arith.constant 1 : i32
        %add3A_528 = arith.addi %add3A_526, %add3A_527 : i32
        %dma_wait3A_529 = arith.constant 1 : i32
        %dma_wait3A_530 = arith.constant 0 : i32
        %dma_wait3A_531 = tpu.memref_slice %arg16[%dma_wait3A_529, %dma_wait3A_530] : memref<2x128xi32, #tpu.memory_space<vmem>> -> memref<1x128xi32, #tpu.memory_space<vmem>>
        %dma_wait3A_532 = tpu.memref_squeeze %dma_wait3A_531 : memref<1x128xi32, #tpu.memory_space<vmem>> -> memref<128xi32, #tpu.memory_space<vmem>>
        %dma_wait3A_533 = arith.constant 0 : i32
        %dma_wait3A_534 = arith.constant 0 : i32
        %dma_wait3A_535 = tpu.memref_slice %arg11[%dma_wait3A_533, %dma_wait3A_534] : memref<10016x128xf32, #tpu.memory_space<vmem_shared>> -> memref<10016x128xf32, #tpu.memory_space<vmem_shared>>
        tpu.wait_indirect_dma semaphore(%arg25 : memref<!tpu.dma_semaphore, #tpu.memory_space<semaphore_mem>>) src(%arg13 : memref<128x128xf32, #tpu.memory_space<vmem>>) dst(%dma_wait3A_535 : memref<10016x128xf32, #tpu.memory_space<vmem_shared>>)
        %min3A_536 = arith.constant 158 : i32
        %min3A_537 = arith.minsi %add3A_528, %min3A_536 : i32
        %mul3A_538 = arith.constant 159 : i32
        %mul3A_539 = arith.muli %arg1, %mul3A_538 : i32
        %add3A_540 = arith.addi %mul3A_539, %min3A_537 : i32
        %mul3A_541 = arith.constant 128 : i32
        %mul3A_542 = arith.muli %add3A_540, %mul3A_541 : i32
        %multiple_of3A_543 = tpu.assume_multiple %mul3A_542, 128 : i32
        %dma_wait3A_544 = arith.constant 0 : i32
        %dma_wait3A_545 = arith.constant 0 : i32
        %dma_wait3A_546 = tpu.memref_slice %arg19[%dma_wait3A_544, %dma_wait3A_545] : memref<2x128xi32, #tpu.memory_space<vmem>> -> memref<1x128xi32, #tpu.memory_space<vmem>>
        %dma_wait3A_547 = tpu.memref_squeeze %dma_wait3A_546 : memref<1x128xi32, #tpu.memory_space<vmem>> -> memref<128xi32, #tpu.memory_space<vmem>>
        %dma_wait3A_548 = tpu.memref_slice %arg6[%multiple_of3A_543] : memref<325632xi32, #tpu.memory_space<hbm>> -> memref<128xi32, #tpu.memory_space<hbm>>
        %dma_wait3A_549 = arith.constant 0 : i32
        %dma_wait3A_550 = tpu.memref_slice %arg19[%dma_wait3A_544, %dma_wait3A_549] : memref<2x128xi32, #tpu.memory_space<vmem>> -> memref<1x128xi32, #tpu.memory_space<vmem>>
        %dma_wait3A_551 = tpu.memref_squeeze %dma_wait3A_550 : memref<1x128xi32, #tpu.memory_space<vmem>> -> memref<128xi32, #tpu.memory_space<vmem>>
        %dma_wait3A_552 = tpu.memref_slice %arg6[%multiple_of3A_543] : memref<325632xi32, #tpu.memory_space<hbm>> -> memref<128xi32, #tpu.memory_space<hbm>>
        tpu.wait_dma2 semaphore(%arg31 : memref<!tpu.dma_semaphore, #tpu.memory_space<semaphore_mem>>) src(%dma_wait3A_552 : memref<128xi32, #tpu.memory_space<hbm>>) dst(%dma_wait3A_551 : memref<128xi32, #tpu.memory_space<vmem>>)
        %dma_wait3A_553 = arith.constant 1 : i32
        %dma_wait3A_554 = arith.constant 0 : i32
        %dma_wait3A_555 = tpu.memref_slice %arg19[%dma_wait3A_553, %dma_wait3A_554] : memref<2x128xi32, #tpu.memory_space<vmem>> -> memref<1x128xi32, #tpu.memory_space<vmem>>
        %dma_wait3A_556 = tpu.memref_squeeze %dma_wait3A_555 : memref<1x128xi32, #tpu.memory_space<vmem>> -> memref<128xi32, #tpu.memory_space<vmem>>
        %dma_wait3A_557 = tpu.memref_slice %arg7[%multiple_of3A_543] : memref<325632xi32, #tpu.memory_space<hbm>> -> memref<128xi32, #tpu.memory_space<hbm>>
        %dma_wait3A_558 = arith.constant 0 : i32
        %dma_wait3A_559 = tpu.memref_slice %arg19[%dma_wait3A_553, %dma_wait3A_558] : memref<2x128xi32, #tpu.memory_space<vmem>> -> memref<1x128xi32, #tpu.memory_space<vmem>>
        %dma_wait3A_560 = tpu.memref_squeeze %dma_wait3A_559 : memref<1x128xi32, #tpu.memory_space<vmem>> -> memref<128xi32, #tpu.memory_space<vmem>>
        %dma_wait3A_561 = tpu.memref_slice %arg7[%multiple_of3A_543] : memref<325632xi32, #tpu.memory_space<hbm>> -> memref<128xi32, #tpu.memory_space<hbm>>
        tpu.wait_dma2 semaphore(%arg31 : memref<!tpu.dma_semaphore, #tpu.memory_space<semaphore_mem>>) src(%dma_wait3A_561 : memref<128xi32, #tpu.memory_space<hbm>>) dst(%dma_wait3A_560 : memref<128xi32, #tpu.memory_space<vmem>>)
        %dma_start3A_562 = arith.constant 0 : i32
        %dma_start3A_563 = arith.constant 0 : i32
        %dma_start3A_564 = tpu.memref_slice %arg19[%dma_start3A_562, %dma_start3A_563] : memref<2x128xi32, #tpu.memory_space<vmem>> -> memref<1x128xi32, #tpu.memory_space<vmem>>
        %dma_start3A_565 = tpu.memref_squeeze %dma_start3A_564 : memref<1x128xi32, #tpu.memory_space<vmem>> -> memref<128xi32, #tpu.memory_space<vmem>>
        %dma_start3A_566 = arith.constant 0 : i32
        %dma_start3A_567 = arith.constant 0 : i32
        %dma_start3A_568 = tpu.memref_slice %arg3[%dma_start3A_566, %dma_start3A_567] : memref<10000x128xf32, #tpu.memory_space<hbm>> -> memref<10000x128xf32, #tpu.memory_space<hbm>>
        tpu.enqueue_indirect_dma source(%dma_start3A_568 : memref<10000x128xf32, #tpu.memory_space<hbm>>) target(%arg13 : memref<128x128xf32, #tpu.memory_space<vmem>>) offsets(%dma_start3A_565 : memref<128xi32, #tpu.memory_space<vmem>>) semaphore(%arg22 : memref<!tpu.dma_semaphore, #tpu.memory_space<semaphore_mem>>)
        %add3A_569 = arith.constant 3 : i32
        %add3A_570 = arith.addi %add3A_528, %add3A_569 : i32
        %min3A_571 = arith.constant 158 : i32
        %min3A_572 = arith.minsi %add3A_570, %min3A_571 : i32
        %mul3A_573 = arith.constant 159 : i32
        %mul3A_574 = arith.muli %arg1, %mul3A_573 : i32
        %add3A_575 = arith.addi %mul3A_574, %min3A_572 : i32
        %mul3A_576 = arith.constant 128 : i32
        %mul3A_577 = arith.muli %add3A_575, %mul3A_576 : i32
        %multiple_of3A_578 = tpu.assume_multiple %mul3A_577, 128 : i32
        %dma_start3A_579 = arith.constant 0 : i32
        %dma_start3A_580 = arith.constant 0 : i32
        %dma_start3A_581 = tpu.memref_slice %arg16[%dma_start3A_579, %dma_start3A_580] : memref<2x128xi32, #tpu.memory_space<vmem>> -> memref<1x128xi32, #tpu.memory_space<vmem>>
        %dma_start3A_582 = tpu.memref_squeeze %dma_start3A_581 : memref<1x128xi32, #tpu.memory_space<vmem>> -> memref<128xi32, #tpu.memory_space<vmem>>
        %dma_start3A_583 = tpu.memref_slice %arg6[%multiple_of3A_578] : memref<325632xi32, #tpu.memory_space<hbm>> -> memref<128xi32, #tpu.memory_space<hbm>>
        %dma_start3A_584 = arith.constant 0 : i32
        %dma_start3A_585 = tpu.memref_slice %arg16[%dma_start3A_579, %dma_start3A_584] : memref<2x128xi32, #tpu.memory_space<vmem>> -> memref<1x128xi32, #tpu.memory_space<vmem>>
        %dma_start3A_586 = tpu.memref_squeeze %dma_start3A_585 : memref<1x128xi32, #tpu.memory_space<vmem>> -> memref<128xi32, #tpu.memory_space<vmem>>
        %dma_start3A_587 = tpu.memref_slice %arg6[%multiple_of3A_578] : memref<325632xi32, #tpu.memory_space<hbm>> -> memref<128xi32, #tpu.memory_space<hbm>>
        tpu.enqueue_dma source(%dma_start3A_587 : memref<128xi32, #tpu.memory_space<hbm>>) target(%dma_start3A_586 : memref<128xi32, #tpu.memory_space<vmem>>) target_semaphore(%arg28 : memref<!tpu.dma_semaphore, #tpu.memory_space<semaphore_mem>>)
        %dma_start3A_588 = arith.constant 1 : i32
        %dma_start3A_589 = arith.constant 0 : i32
        %dma_start3A_590 = tpu.memref_slice %arg16[%dma_start3A_588, %dma_start3A_589] : memref<2x128xi32, #tpu.memory_space<vmem>> -> memref<1x128xi32, #tpu.memory_space<vmem>>
        %dma_start3A_591 = tpu.memref_squeeze %dma_start3A_590 : memref<1x128xi32, #tpu.memory_space<vmem>> -> memref<128xi32, #tpu.memory_space<vmem>>
        %dma_start3A_592 = tpu.memref_slice %arg7[%multiple_of3A_578] : memref<325632xi32, #tpu.memory_space<hbm>> -> memref<128xi32, #tpu.memory_space<hbm>>
        %dma_start3A_593 = arith.constant 0 : i32
        %dma_start3A_594 = tpu.memref_slice %arg16[%dma_start3A_588, %dma_start3A_593] : memref<2x128xi32, #tpu.memory_space<vmem>> -> memref<1x128xi32, #tpu.memory_space<vmem>>
        %dma_start3A_595 = tpu.memref_squeeze %dma_start3A_594 : memref<1x128xi32, #tpu.memory_space<vmem>> -> memref<128xi32, #tpu.memory_space<vmem>>
        %dma_start3A_596 = tpu.memref_slice %arg7[%multiple_of3A_578] : memref<325632xi32, #tpu.memory_space<hbm>> -> memref<128xi32, #tpu.memory_space<hbm>>
        tpu.enqueue_dma source(%dma_start3A_596 : memref<128xi32, #tpu.memory_space<hbm>>) target(%dma_start3A_595 : memref<128xi32, #tpu.memory_space<vmem>>) target_semaphore(%arg28 : memref<!tpu.dma_semaphore, #tpu.memory_space<semaphore_mem>>)
        %dma_wait3A_597 = arith.constant 0 : i32
        %dma_wait3A_598 = arith.constant 0 : i32
        %dma_wait3A_599 = tpu.memref_slice %arg18[%dma_wait3A_597, %dma_wait3A_598] : memref<2x128xi32, #tpu.memory_space<vmem>> -> memref<1x128xi32, #tpu.memory_space<vmem>>
        %dma_wait3A_600 = tpu.memref_squeeze %dma_wait3A_599 : memref<1x128xi32, #tpu.memory_space<vmem>> -> memref<128xi32, #tpu.memory_space<vmem>>
        %dma_wait3A_601 = arith.constant 0 : i32
        %dma_wait3A_602 = arith.constant 0 : i32
        %dma_wait3A_603 = tpu.memref_slice %arg3[%dma_wait3A_601, %dma_wait3A_602] : memref<10000x128xf32, #tpu.memory_space<hbm>> -> memref<10000x128xf32, #tpu.memory_space<hbm>>
        tpu.wait_indirect_dma semaphore(%arg21 : memref<!tpu.dma_semaphore, #tpu.memory_space<semaphore_mem>>) src(%dma_wait3A_603 : memref<10000x128xf32, #tpu.memory_space<hbm>>) dst(%arg12 : memref<128x128xf32, #tpu.memory_space<vmem>>)
        %dma_start3A_604 = arith.constant 1 : i32
        %dma_start3A_605 = arith.constant 0 : i32
        %dma_start3A_606 = tpu.memref_slice %arg18[%dma_start3A_604, %dma_start3A_605] : memref<2x128xi32, #tpu.memory_space<vmem>> -> memref<1x128xi32, #tpu.memory_space<vmem>>
        %dma_start3A_607 = tpu.memref_squeeze %dma_start3A_606 : memref<1x128xi32, #tpu.memory_space<vmem>> -> memref<128xi32, #tpu.memory_space<vmem>>
        %dma_start3A_608 = arith.constant 0 : i32
        %dma_start3A_609 = arith.constant 0 : i32
        %dma_start3A_610 = tpu.memref_slice %arg11[%dma_start3A_608, %dma_start3A_609] : memref<10016x128xf32, #tpu.memory_space<vmem_shared>> -> memref<10016x128xf32, #tpu.memory_space<vmem_shared>>
        tpu.enqueue_indirect_dma source(%arg12 : memref<128x128xf32, #tpu.memory_space<vmem>>) target(%dma_start3A_610 : memref<10016x128xf32, #tpu.memory_space<vmem_shared>>) offsets(%dma_start3A_607 : memref<128xi32, #tpu.memory_space<vmem>>) semaphore(%arg24 : memref<!tpu.dma_semaphore, #tpu.memory_space<semaphore_mem>>) {add = true}
        %mul3A_611 = arith.constant 6 : i32
        %mul3A_612 = arith.muli %mul3A_611, %scan3A_434 : i32
        %add3A_613 = arith.constant 3 : i32
        %add3A_614 = arith.addi %add3A_613, %mul3A_612 : i32
        %add3A_615 = arith.constant 2 : i32
        %add3A_616 = arith.addi %add3A_614, %add3A_615 : i32
        %dma_wait3A_617 = arith.constant 1 : i32
        %dma_wait3A_618 = arith.constant 0 : i32
        %dma_wait3A_619 = tpu.memref_slice %arg17[%dma_wait3A_617, %dma_wait3A_618] : memref<2x128xi32, #tpu.memory_space<vmem>> -> memref<1x128xi32, #tpu.memory_space<vmem>>
        %dma_wait3A_620 = tpu.memref_squeeze %dma_wait3A_619 : memref<1x128xi32, #tpu.memory_space<vmem>> -> memref<128xi32, #tpu.memory_space<vmem>>
        %dma_wait3A_621 = arith.constant 0 : i32
        %dma_wait3A_622 = arith.constant 0 : i32
        %dma_wait3A_623 = tpu.memref_slice %arg11[%dma_wait3A_621, %dma_wait3A_622] : memref<10016x128xf32, #tpu.memory_space<vmem_shared>> -> memref<10016x128xf32, #tpu.memory_space<vmem_shared>>
        tpu.wait_indirect_dma semaphore(%arg26 : memref<!tpu.dma_semaphore, #tpu.memory_space<semaphore_mem>>) src(%arg14 : memref<128x128xf32, #tpu.memory_space<vmem>>) dst(%dma_wait3A_623 : memref<10016x128xf32, #tpu.memory_space<vmem_shared>>)
        %min3A_624 = arith.constant 158 : i32
        %min3A_625 = arith.minsi %add3A_616, %min3A_624 : i32
        %mul3A_626 = arith.constant 159 : i32
        %mul3A_627 = arith.muli %arg1, %mul3A_626 : i32
        %add3A_628 = arith.addi %mul3A_627, %min3A_625 : i32
        %mul3A_629 = arith.constant 128 : i32
        %mul3A_630 = arith.muli %add3A_628, %mul3A_629 : i32
        %multiple_of3A_631 = tpu.assume_multiple %mul3A_630, 128 : i32
        %dma_wait3A_632 = arith.constant 0 : i32
        %dma_wait3A_633 = arith.constant 0 : i32
        %dma_wait3A_634 = tpu.memref_slice %arg20[%dma_wait3A_632, %dma_wait3A_633] : memref<2x128xi32, #tpu.memory_space<vmem>> -> memref<1x128xi32, #tpu.memory_space<vmem>>
        %dma_wait3A_635 = tpu.memref_squeeze %dma_wait3A_634 : memref<1x128xi32, #tpu.memory_space<vmem>> -> memref<128xi32, #tpu.memory_space<vmem>>
        %dma_wait3A_636 = tpu.memref_slice %arg6[%multiple_of3A_631] : memref<325632xi32, #tpu.memory_space<hbm>> -> memref<128xi32, #tpu.memory_space<hbm>>
        %dma_wait3A_637 = arith.constant 0 : i32
        %dma_wait3A_638 = tpu.memref_slice %arg20[%dma_wait3A_632, %dma_wait3A_637] : memref<2x128xi32, #tpu.memory_space<vmem>> -> memref<1x128xi32, #tpu.memory_space<vmem>>
        %dma_wait3A_639 = tpu.memref_squeeze %dma_wait3A_638 : memref<1x128xi32, #tpu.memory_space<vmem>> -> memref<128xi32, #tpu.memory_space<vmem>>
        %dma_wait3A_640 = tpu.memref_slice %arg6[%multiple_of3A_631] : memref<325632xi32, #tpu.memory_space<hbm>> -> memref<128xi32, #tpu.memory_space<hbm>>
        tpu.wait_dma2 semaphore(%arg32 : memref<!tpu.dma_semaphore, #tpu.memory_space<semaphore_mem>>) src(%dma_wait3A_640 : memref<128xi32, #tpu.memory_space<hbm>>) dst(%dma_wait3A_639 : memref<128xi32, #tpu.memory_space<vmem>>)
        %dma_wait3A_641 = arith.constant 1 : i32
        %dma_wait3A_642 = arith.constant 0 : i32
        %dma_wait3A_643 = tpu.memref_slice %arg20[%dma_wait3A_641, %dma_wait3A_642] : memref<2x128xi32, #tpu.memory_space<vmem>> -> memref<1x128xi32, #tpu.memory_space<vmem>>
        %dma_wait3A_644 = tpu.memref_squeeze %dma_wait3A_643 : memref<1x128xi32, #tpu.memory_space<vmem>> -> memref<128xi32, #tpu.memory_space<vmem>>
        %dma_wait3A_645 = tpu.memref_slice %arg7[%multiple_of3A_631] : memref<325632xi32, #tpu.memory_space<hbm>> -> memref<128xi32, #tpu.memory_space<hbm>>
        %dma_wait3A_646 = arith.constant 0 : i32
        %dma_wait3A_647 = tpu.memref_slice %arg20[%dma_wait3A_641, %dma_wait3A_646] : memref<2x128xi32, #tpu.memory_space<vmem>> -> memref<1x128xi32, #tpu.memory_space<vmem>>
        %dma_wait3A_648 = tpu.memref_squeeze %dma_wait3A_647 : memref<1x128xi32, #tpu.memory_space<vmem>> -> memref<128xi32, #tpu.memory_space<vmem>>
        %dma_wait3A_649 = tpu.memref_slice %arg7[%multiple_of3A_631] : memref<325632xi32, #tpu.memory_space<hbm>> -> memref<128xi32, #tpu.memory_space<hbm>>
        tpu.wait_dma2 semaphore(%arg32 : memref<!tpu.dma_semaphore, #tpu.memory_space<semaphore_mem>>) src(%dma_wait3A_649 : memref<128xi32, #tpu.memory_space<hbm>>) dst(%dma_wait3A_648 : memref<128xi32, #tpu.memory_space<vmem>>)
        %dma_start3A_650 = arith.constant 0 : i32
        %dma_start3A_651 = arith.constant 0 : i32
        %dma_start3A_652 = tpu.memref_slice %arg20[%dma_start3A_650, %dma_start3A_651] : memref<2x128xi32, #tpu.memory_space<vmem>> -> memref<1x128xi32, #tpu.memory_space<vmem>>
        %dma_start3A_653 = tpu.memref_squeeze %dma_start3A_652 : memref<1x128xi32, #tpu.memory_space<vmem>> -> memref<128xi32, #tpu.memory_space<vmem>>
        %dma_start3A_654 = arith.constant 0 : i32
        %dma_start3A_655 = arith.constant 0 : i32
        %dma_start3A_656 = tpu.memref_slice %arg3[%dma_start3A_654, %dma_start3A_655] : memref<10000x128xf32, #tpu.memory_space<hbm>> -> memref<10000x128xf32, #tpu.memory_space<hbm>>
        tpu.enqueue_indirect_dma source(%dma_start3A_656 : memref<10000x128xf32, #tpu.memory_space<hbm>>) target(%arg14 : memref<128x128xf32, #tpu.memory_space<vmem>>) offsets(%dma_start3A_653 : memref<128xi32, #tpu.memory_space<vmem>>) semaphore(%arg23 : memref<!tpu.dma_semaphore, #tpu.memory_space<semaphore_mem>>)
        %add3A_657 = arith.constant 3 : i32
        %add3A_658 = arith.addi %add3A_616, %add3A_657 : i32
        %min3A_659 = arith.constant 158 : i32
        %min3A_660 = arith.minsi %add3A_658, %min3A_659 : i32
        %mul3A_661 = arith.constant 159 : i32
        %mul3A_662 = arith.muli %arg1, %mul3A_661 : i32
        %add3A_663 = arith.addi %mul3A_662, %min3A_660 : i32
        %mul3A_664 = arith.constant 128 : i32
        %mul3A_665 = arith.muli %add3A_663, %mul3A_664 : i32
        %multiple_of3A_666 = tpu.assume_multiple %mul3A_665, 128 : i32
        %dma_start3A_667 = arith.constant 0 : i32
        %dma_start3A_668 = arith.constant 0 : i32
        %dma_start3A_669 = tpu.memref_slice %arg17[%dma_start3A_667, %dma_start3A_668] : memref<2x128xi32, #tpu.memory_space<vmem>> -> memref<1x128xi32, #tpu.memory_space<vmem>>
        %dma_start3A_670 = tpu.memref_squeeze %dma_start3A_669 : memref<1x128xi32, #tpu.memory_space<vmem>> -> memref<128xi32, #tpu.memory_space<vmem>>
        %dma_start3A_671 = tpu.memref_slice %arg6[%multiple_of3A_666] : memref<325632xi32, #tpu.memory_space<hbm>> -> memref<128xi32, #tpu.memory_space<hbm>>
        %dma_start3A_672 = arith.constant 0 : i32
        %dma_start3A_673 = tpu.memref_slice %arg17[%dma_start3A_667, %dma_start3A_672] : memref<2x128xi32, #tpu.memory_space<vmem>> -> memref<1x128xi32, #tpu.memory_space<vmem>>
        %dma_start3A_674 = tpu.memref_squeeze %dma_start3A_673 : memref<1x128xi32, #tpu.memory_space<vmem>> -> memref<128xi32, #tpu.memory_space<vmem>>
        %dma_start3A_675 = tpu.memref_slice %arg6[%multiple_of3A_666] : memref<325632xi32, #tpu.memory_space<hbm>> -> memref<128xi32, #tpu.memory_space<hbm>>
        tpu.enqueue_dma source(%dma_start3A_675 : memref<128xi32, #tpu.memory_space<hbm>>) target(%dma_start3A_674 : memref<128xi32, #tpu.memory_space<vmem>>) target_semaphore(%arg29 : memref<!tpu.dma_semaphore, #tpu.memory_space<semaphore_mem>>)
        %dma_start3A_676 = arith.constant 1 : i32
        %dma_start3A_677 = arith.constant 0 : i32
        %dma_start3A_678 = tpu.memref_slice %arg17[%dma_start3A_676, %dma_start3A_677] : memref<2x128xi32, #tpu.memory_space<vmem>> -> memref<1x128xi32, #tpu.memory_space<vmem>>
        %dma_start3A_679 = tpu.memref_squeeze %dma_start3A_678 : memref<1x128xi32, #tpu.memory_space<vmem>> -> memref<128xi32, #tpu.memory_space<vmem>>
        %dma_start3A_680 = tpu.memref_slice %arg7[%multiple_of3A_666] : memref<325632xi32, #tpu.memory_space<hbm>> -> memref<128xi32, #tpu.memory_space<hbm>>
        %dma_start3A_681 = arith.constant 0 : i32
        %dma_start3A_682 = tpu.memref_slice %arg17[%dma_start3A_676, %dma_start3A_681] : memref<2x128xi32, #tpu.memory_space<vmem>> -> memref<1x128xi32, #tpu.memory_space<vmem>>
        %dma_start3A_683 = tpu.memref_squeeze %dma_start3A_682 : memref<1x128xi32, #tpu.memory_space<vmem>> -> memref<128xi32, #tpu.memory_space<vmem>>
        %dma_start3A_684 = tpu.memref_slice %arg7[%multiple_of3A_666] : memref<325632xi32, #tpu.memory_space<hbm>> -> memref<128xi32, #tpu.memory_space<hbm>>
        tpu.enqueue_dma source(%dma_start3A_684 : memref<128xi32, #tpu.memory_space<hbm>>) target(%dma_start3A_683 : memref<128xi32, #tpu.memory_space<vmem>>) target_semaphore(%arg29 : memref<!tpu.dma_semaphore, #tpu.memory_space<semaphore_mem>>)
        %dma_wait3A_685 = arith.constant 0 : i32
        %dma_wait3A_686 = arith.constant 0 : i32
        %dma_wait3A_687 = tpu.memref_slice %arg19[%dma_wait3A_685, %dma_wait3A_686] : memref<2x128xi32, #tpu.memory_space<vmem>> -> memref<1x128xi32, #tpu.memory_space<vmem>>
        %dma_wait3A_688 = tpu.memref_squeeze %dma_wait3A_687 : memref<1x128xi32, #tpu.memory_space<vmem>> -> memref<128xi32, #tpu.memory_space<vmem>>
        %dma_wait3A_689 = arith.constant 0 : i32
        %dma_wait3A_690 = arith.constant 0 : i32
        %dma_wait3A_691 = tpu.memref_slice %arg3[%dma_wait3A_689, %dma_wait3A_690] : memref<10000x128xf32, #tpu.memory_space<hbm>> -> memref<10000x128xf32, #tpu.memory_space<hbm>>
        tpu.wait_indirect_dma semaphore(%arg22 : memref<!tpu.dma_semaphore, #tpu.memory_space<semaphore_mem>>) src(%dma_wait3A_691 : memref<10000x128xf32, #tpu.memory_space<hbm>>) dst(%arg13 : memref<128x128xf32, #tpu.memory_space<vmem>>)
        %dma_start3A_692 = arith.constant 1 : i32
        %dma_start3A_693 = arith.constant 0 : i32
        %dma_start3A_694 = tpu.memref_slice %arg19[%dma_start3A_692, %dma_start3A_693] : memref<2x128xi32, #tpu.memory_space<vmem>> -> memref<1x128xi32, #tpu.memory_space<vmem>>
        %dma_start3A_695 = tpu.memref_squeeze %dma_start3A_694 : memref<1x128xi32, #tpu.memory_space<vmem>> -> memref<128xi32, #tpu.memory_space<vmem>>
        %dma_start3A_696 = arith.constant 0 : i32
        %dma_start3A_697 = arith.constant 0 : i32
        %dma_start3A_698 = tpu.memref_slice %arg11[%dma_start3A_696, %dma_start3A_697] : memref<10016x128xf32, #tpu.memory_space<vmem_shared>> -> memref<10016x128xf32, #tpu.memory_space<vmem_shared>>
        tpu.enqueue_indirect_dma source(%arg13 : memref<128x128xf32, #tpu.memory_space<vmem>>) target(%dma_start3A_698 : memref<10016x128xf32, #tpu.memory_space<vmem_shared>>) offsets(%dma_start3A_695 : memref<128xi32, #tpu.memory_space<vmem>>) semaphore(%arg25 : memref<!tpu.dma_semaphore, #tpu.memory_space<semaphore_mem>>) {add = true}
        %mul3A_699 = arith.constant 6 : i32
        %mul3A_700 = arith.muli %mul3A_699, %scan3A_434 : i32
        %add3A_701 = arith.constant 3 : i32
        %add3A_702 = arith.addi %add3A_701, %mul3A_700 : i32
        %add3A_703 = arith.constant 3 : i32
        %add3A_704 = arith.addi %add3A_702, %add3A_703 : i32
        %dma_wait3A_705 = arith.constant 1 : i32
        %dma_wait3A_706 = arith.constant 0 : i32
        %dma_wait3A_707 = tpu.memref_slice %arg18[%dma_wait3A_705, %dma_wait3A_706] : memref<2x128xi32, #tpu.memory_space<vmem>> -> memref<1x128xi32, #tpu.memory_space<vmem>>
        %dma_wait3A_708 = tpu.memref_squeeze %dma_wait3A_707 : memref<1x128xi32, #tpu.memory_space<vmem>> -> memref<128xi32, #tpu.memory_space<vmem>>
        %dma_wait3A_709 = arith.constant 0 : i32
        %dma_wait3A_710 = arith.constant 0 : i32
        %dma_wait3A_711 = tpu.memref_slice %arg11[%dma_wait3A_709, %dma_wait3A_710] : memref<10016x128xf32, #tpu.memory_space<vmem_shared>> -> memref<10016x128xf32, #tpu.memory_space<vmem_shared>>
        tpu.wait_indirect_dma semaphore(%arg24 : memref<!tpu.dma_semaphore, #tpu.memory_space<semaphore_mem>>) src(%arg12 : memref<128x128xf32, #tpu.memory_space<vmem>>) dst(%dma_wait3A_711 : memref<10016x128xf32, #tpu.memory_space<vmem_shared>>)
        %min3A_712 = arith.constant 158 : i32
        %min3A_713 = arith.minsi %add3A_704, %min3A_712 : i32
        %mul3A_714 = arith.constant 159 : i32
        %mul3A_715 = arith.muli %arg1, %mul3A_714 : i32
        %add3A_716 = arith.addi %mul3A_715, %min3A_713 : i32
        %mul3A_717 = arith.constant 128 : i32
        %mul3A_718 = arith.muli %add3A_716, %mul3A_717 : i32
        %multiple_of3A_719 = tpu.assume_multiple %mul3A_718, 128 : i32
        %dma_wait3A_720 = arith.constant 0 : i32
        %dma_wait3A_721 = arith.constant 0 : i32
        %dma_wait3A_722 = tpu.memref_slice %arg15[%dma_wait3A_720, %dma_wait3A_721] : memref<2x128xi32, #tpu.memory_space<vmem>> -> memref<1x128xi32, #tpu.memory_space<vmem>>
        %dma_wait3A_723 = tpu.memref_squeeze %dma_wait3A_722 : memref<1x128xi32, #tpu.memory_space<vmem>> -> memref<128xi32, #tpu.memory_space<vmem>>
        %dma_wait3A_724 = tpu.memref_slice %arg6[%multiple_of3A_719] : memref<325632xi32, #tpu.memory_space<hbm>> -> memref<128xi32, #tpu.memory_space<hbm>>
        %dma_wait3A_725 = arith.constant 0 : i32
        %dma_wait3A_726 = tpu.memref_slice %arg15[%dma_wait3A_720, %dma_wait3A_725] : memref<2x128xi32, #tpu.memory_space<vmem>> -> memref<1x128xi32, #tpu.memory_space<vmem>>
        %dma_wait3A_727 = tpu.memref_squeeze %dma_wait3A_726 : memref<1x128xi32, #tpu.memory_space<vmem>> -> memref<128xi32, #tpu.memory_space<vmem>>
        %dma_wait3A_728 = tpu.memref_slice %arg6[%multiple_of3A_719] : memref<325632xi32, #tpu.memory_space<hbm>> -> memref<128xi32, #tpu.memory_space<hbm>>
        tpu.wait_dma2 semaphore(%arg27 : memref<!tpu.dma_semaphore, #tpu.memory_space<semaphore_mem>>) src(%dma_wait3A_728 : memref<128xi32, #tpu.memory_space<hbm>>) dst(%dma_wait3A_727 : memref<128xi32, #tpu.memory_space<vmem>>)
        %dma_wait3A_729 = arith.constant 1 : i32
        %dma_wait3A_730 = arith.constant 0 : i32
        %dma_wait3A_731 = tpu.memref_slice %arg15[%dma_wait3A_729, %dma_wait3A_730] : memref<2x128xi32, #tpu.memory_space<vmem>> -> memref<1x128xi32, #tpu.memory_space<vmem>>
        %dma_wait3A_732 = tpu.memref_squeeze %dma_wait3A_731 : memref<1x128xi32, #tpu.memory_space<vmem>> -> memref<128xi32, #tpu.memory_space<vmem>>
        %dma_wait3A_733 = tpu.memref_slice %arg7[%multiple_of3A_719] : memref<325632xi32, #tpu.memory_space<hbm>> -> memref<128xi32, #tpu.memory_space<hbm>>
        %dma_wait3A_734 = arith.constant 0 : i32
        %dma_wait3A_735 = tpu.memref_slice %arg15[%dma_wait3A_729, %dma_wait3A_734] : memref<2x128xi32, #tpu.memory_space<vmem>> -> memref<1x128xi32, #tpu.memory_space<vmem>>
        %dma_wait3A_736 = tpu.memref_squeeze %dma_wait3A_735 : memref<1x128xi32, #tpu.memory_space<vmem>> -> memref<128xi32, #tpu.memory_space<vmem>>
        %dma_wait3A_737 = tpu.memref_slice %arg7[%multiple_of3A_719] : memref<325632xi32, #tpu.memory_space<hbm>> -> memref<128xi32, #tpu.memory_space<hbm>>
        tpu.wait_dma2 semaphore(%arg27 : memref<!tpu.dma_semaphore, #tpu.memory_space<semaphore_mem>>) src(%dma_wait3A_737 : memref<128xi32, #tpu.memory_space<hbm>>) dst(%dma_wait3A_736 : memref<128xi32, #tpu.memory_space<vmem>>)
        %dma_start3A_738 = arith.constant 0 : i32
        %dma_start3A_739 = arith.constant 0 : i32
        %dma_start3A_740 = tpu.memref_slice %arg15[%dma_start3A_738, %dma_start3A_739] : memref<2x128xi32, #tpu.memory_space<vmem>> -> memref<1x128xi32, #tpu.memory_space<vmem>>
        %dma_start3A_741 = tpu.memref_squeeze %dma_start3A_740 : memref<1x128xi32, #tpu.memory_space<vmem>> -> memref<128xi32, #tpu.memory_space<vmem>>
        %dma_start3A_742 = arith.constant 0 : i32
        %dma_start3A_743 = arith.constant 0 : i32
        %dma_start3A_744 = tpu.memref_slice %arg3[%dma_start3A_742, %dma_start3A_743] : memref<10000x128xf32, #tpu.memory_space<hbm>> -> memref<10000x128xf32, #tpu.memory_space<hbm>>
        tpu.enqueue_indirect_dma source(%dma_start3A_744 : memref<10000x128xf32, #tpu.memory_space<hbm>>) target(%arg12 : memref<128x128xf32, #tpu.memory_space<vmem>>) offsets(%dma_start3A_741 : memref<128xi32, #tpu.memory_space<vmem>>) semaphore(%arg21 : memref<!tpu.dma_semaphore, #tpu.memory_space<semaphore_mem>>)
        %add3A_745 = arith.constant 3 : i32
        %add3A_746 = arith.addi %add3A_704, %add3A_745 : i32
        %min3A_747 = arith.constant 158 : i32
        %min3A_748 = arith.minsi %add3A_746, %min3A_747 : i32
        %mul3A_749 = arith.constant 159 : i32
        %mul3A_750 = arith.muli %arg1, %mul3A_749 : i32
        %add3A_751 = arith.addi %mul3A_750, %min3A_748 : i32
        %mul3A_752 = arith.constant 128 : i32
        %mul3A_753 = arith.muli %add3A_751, %mul3A_752 : i32
        %multiple_of3A_754 = tpu.assume_multiple %mul3A_753, 128 : i32
        %dma_start3A_755 = arith.constant 0 : i32
        %dma_start3A_756 = arith.constant 0 : i32
        %dma_start3A_757 = tpu.memref_slice %arg18[%dma_start3A_755, %dma_start3A_756] : memref<2x128xi32, #tpu.memory_space<vmem>> -> memref<1x128xi32, #tpu.memory_space<vmem>>
        %dma_start3A_758 = tpu.memref_squeeze %dma_start3A_757 : memref<1x128xi32, #tpu.memory_space<vmem>> -> memref<128xi32, #tpu.memory_space<vmem>>
        %dma_start3A_759 = tpu.memref_slice %arg6[%multiple_of3A_754] : memref<325632xi32, #tpu.memory_space<hbm>> -> memref<128xi32, #tpu.memory_space<hbm>>
        %dma_start3A_760 = arith.constant 0 : i32
        %dma_start3A_761 = tpu.memref_slice %arg18[%dma_start3A_755, %dma_start3A_760] : memref<2x128xi32, #tpu.memory_space<vmem>> -> memref<1x128xi32, #tpu.memory_space<vmem>>
        %dma_start3A_762 = tpu.memref_squeeze %dma_start3A_761 : memref<1x128xi32, #tpu.memory_space<vmem>> -> memref<128xi32, #tpu.memory_space<vmem>>
        %dma_start3A_763 = tpu.memref_slice %arg6[%multiple_of3A_754] : memref<325632xi32, #tpu.memory_space<hbm>> -> memref<128xi32, #tpu.memory_space<hbm>>
        tpu.enqueue_dma source(%dma_start3A_763 : memref<128xi32, #tpu.memory_space<hbm>>) target(%dma_start3A_762 : memref<128xi32, #tpu.memory_space<vmem>>) target_semaphore(%arg30 : memref<!tpu.dma_semaphore, #tpu.memory_space<semaphore_mem>>)
        %dma_start3A_764 = arith.constant 1 : i32
        %dma_start3A_765 = arith.constant 0 : i32
        %dma_start3A_766 = tpu.memref_slice %arg18[%dma_start3A_764, %dma_start3A_765] : memref<2x128xi32, #tpu.memory_space<vmem>> -> memref<1x128xi32, #tpu.memory_space<vmem>>
        %dma_start3A_767 = tpu.memref_squeeze %dma_start3A_766 : memref<1x128xi32, #tpu.memory_space<vmem>> -> memref<128xi32, #tpu.memory_space<vmem>>
        %dma_start3A_768 = tpu.memref_slice %arg7[%multiple_of3A_754] : memref<325632xi32, #tpu.memory_space<hbm>> -> memref<128xi32, #tpu.memory_space<hbm>>
        %dma_start3A_769 = arith.constant 0 : i32
        %dma_start3A_770 = tpu.memref_slice %arg18[%dma_start3A_764, %dma_start3A_769] : memref<2x128xi32, #tpu.memory_space<vmem>> -> memref<1x128xi32, #tpu.memory_space<vmem>>
        %dma_start3A_771 = tpu.memref_squeeze %dma_start3A_770 : memref<1x128xi32, #tpu.memory_space<vmem>> -> memref<128xi32, #tpu.memory_space<vmem>>
        %dma_start3A_772 = tpu.memref_slice %arg7[%multiple_of3A_754] : memref<325632xi32, #tpu.memory_space<hbm>> -> memref<128xi32, #tpu.memory_space<hbm>>
        tpu.enqueue_dma source(%dma_start3A_772 : memref<128xi32, #tpu.memory_space<hbm>>) target(%dma_start3A_771 : memref<128xi32, #tpu.memory_space<vmem>>) target_semaphore(%arg30 : memref<!tpu.dma_semaphore, #tpu.memory_space<semaphore_mem>>)
        %dma_wait3A_773 = arith.constant 0 : i32
        %dma_wait3A_774 = arith.constant 0 : i32
        %dma_wait3A_775 = tpu.memref_slice %arg20[%dma_wait3A_773, %dma_wait3A_774] : memref<2x128xi32, #tpu.memory_space<vmem>> -> memref<1x128xi32, #tpu.memory_space<vmem>>
        %dma_wait3A_776 = tpu.memref_squeeze %dma_wait3A_775 : memref<1x128xi32, #tpu.memory_space<vmem>> -> memref<128xi32, #tpu.memory_space<vmem>>
        %dma_wait3A_777 = arith.constant 0 : i32
        %dma_wait3A_778 = arith.constant 0 : i32
        %dma_wait3A_779 = tpu.memref_slice %arg3[%dma_wait3A_777, %dma_wait3A_778] : memref<10000x128xf32, #tpu.memory_space<hbm>> -> memref<10000x128xf32, #tpu.memory_space<hbm>>
        tpu.wait_indirect_dma semaphore(%arg23 : memref<!tpu.dma_semaphore, #tpu.memory_space<semaphore_mem>>) src(%dma_wait3A_779 : memref<10000x128xf32, #tpu.memory_space<hbm>>) dst(%arg14 : memref<128x128xf32, #tpu.memory_space<vmem>>)
        %dma_start3A_780 = arith.constant 1 : i32
        %dma_start3A_781 = arith.constant 0 : i32
        %dma_start3A_782 = tpu.memref_slice %arg20[%dma_start3A_780, %dma_start3A_781] : memref<2x128xi32, #tpu.memory_space<vmem>> -> memref<1x128xi32, #tpu.memory_space<vmem>>
        %dma_start3A_783 = tpu.memref_squeeze %dma_start3A_782 : memref<1x128xi32, #tpu.memory_space<vmem>> -> memref<128xi32, #tpu.memory_space<vmem>>
        %dma_start3A_784 = arith.constant 0 : i32
        %dma_start3A_785 = arith.constant 0 : i32
        %dma_start3A_786 = tpu.memref_slice %arg11[%dma_start3A_784, %dma_start3A_785] : memref<10016x128xf32, #tpu.memory_space<vmem_shared>> -> memref<10016x128xf32, #tpu.memory_space<vmem_shared>>
        tpu.enqueue_indirect_dma source(%arg14 : memref<128x128xf32, #tpu.memory_space<vmem>>) target(%dma_start3A_786 : memref<10016x128xf32, #tpu.memory_space<vmem_shared>>) offsets(%dma_start3A_783 : memref<128xi32, #tpu.memory_space<vmem>>) semaphore(%arg26 : memref<!tpu.dma_semaphore, #tpu.memory_space<semaphore_mem>>) {add = true}
        %mul3A_787 = arith.constant 6 : i32
        %mul3A_788 = arith.muli %mul3A_787, %scan3A_434 : i32
        %add3A_789 = arith.constant 3 : i32
        %add3A_790 = arith.addi %add3A_789, %mul3A_788 : i32
        %add3A_791 = arith.constant 4 : i32
        %add3A_792 = arith.addi %add3A_790, %add3A_791 : i32
        %dma_wait3A_793 = arith.constant 1 : i32
        %dma_wait3A_794 = arith.constant 0 : i32
        %dma_wait3A_795 = tpu.memref_slice %arg19[%dma_wait3A_793, %dma_wait3A_794] : memref<2x128xi32, #tpu.memory_space<vmem>> -> memref<1x128xi32, #tpu.memory_space<vmem>>
        %dma_wait3A_796 = tpu.memref_squeeze %dma_wait3A_795 : memref<1x128xi32, #tpu.memory_space<vmem>> -> memref<128xi32, #tpu.memory_space<vmem>>
        %dma_wait3A_797 = arith.constant 0 : i32
        %dma_wait3A_798 = arith.constant 0 : i32
        %dma_wait3A_799 = tpu.memref_slice %arg11[%dma_wait3A_797, %dma_wait3A_798] : memref<10016x128xf32, #tpu.memory_space<vmem_shared>> -> memref<10016x128xf32, #tpu.memory_space<vmem_shared>>
        tpu.wait_indirect_dma semaphore(%arg25 : memref<!tpu.dma_semaphore, #tpu.memory_space<semaphore_mem>>) src(%arg13 : memref<128x128xf32, #tpu.memory_space<vmem>>) dst(%dma_wait3A_799 : memref<10016x128xf32, #tpu.memory_space<vmem_shared>>)
        %min3A_800 = arith.constant 158 : i32
        %min3A_801 = arith.minsi %add3A_792, %min3A_800 : i32
        %mul3A_802 = arith.constant 159 : i32
        %mul3A_803 = arith.muli %arg1, %mul3A_802 : i32
        %add3A_804 = arith.addi %mul3A_803, %min3A_801 : i32
        %mul3A_805 = arith.constant 128 : i32
        %mul3A_806 = arith.muli %add3A_804, %mul3A_805 : i32
        %multiple_of3A_807 = tpu.assume_multiple %mul3A_806, 128 : i32
        %dma_wait3A_808 = arith.constant 0 : i32
        %dma_wait3A_809 = arith.constant 0 : i32
        %dma_wait3A_810 = tpu.memref_slice %arg16[%dma_wait3A_808, %dma_wait3A_809] : memref<2x128xi32, #tpu.memory_space<vmem>> -> memref<1x128xi32, #tpu.memory_space<vmem>>
        %dma_wait3A_811 = tpu.memref_squeeze %dma_wait3A_810 : memref<1x128xi32, #tpu.memory_space<vmem>> -> memref<128xi32, #tpu.memory_space<vmem>>
        %dma_wait3A_812 = tpu.memref_slice %arg6[%multiple_of3A_807] : memref<325632xi32, #tpu.memory_space<hbm>> -> memref<128xi32, #tpu.memory_space<hbm>>
        %dma_wait3A_813 = arith.constant 0 : i32
        %dma_wait3A_814 = tpu.memref_slice %arg16[%dma_wait3A_808, %dma_wait3A_813] : memref<2x128xi32, #tpu.memory_space<vmem>> -> memref<1x128xi32, #tpu.memory_space<vmem>>
        %dma_wait3A_815 = tpu.memref_squeeze %dma_wait3A_814 : memref<1x128xi32, #tpu.memory_space<vmem>> -> memref<128xi32, #tpu.memory_space<vmem>>
        %dma_wait3A_816 = tpu.memref_slice %arg6[%multiple_of3A_807] : memref<325632xi32, #tpu.memory_space<hbm>> -> memref<128xi32, #tpu.memory_space<hbm>>
        tpu.wait_dma2 semaphore(%arg28 : memref<!tpu.dma_semaphore, #tpu.memory_space<semaphore_mem>>) src(%dma_wait3A_816 : memref<128xi32, #tpu.memory_space<hbm>>) dst(%dma_wait3A_815 : memref<128xi32, #tpu.memory_space<vmem>>)
        %dma_wait3A_817 = arith.constant 1 : i32
        %dma_wait3A_818 = arith.constant 0 : i32
        %dma_wait3A_819 = tpu.memref_slice %arg16[%dma_wait3A_817, %dma_wait3A_818] : memref<2x128xi32, #tpu.memory_space<vmem>> -> memref<1x128xi32, #tpu.memory_space<vmem>>
        %dma_wait3A_820 = tpu.memref_squeeze %dma_wait3A_819 : memref<1x128xi32, #tpu.memory_space<vmem>> -> memref<128xi32, #tpu.memory_space<vmem>>
        %dma_wait3A_821 = tpu.memref_slice %arg7[%multiple_of3A_807] : memref<325632xi32, #tpu.memory_space<hbm>> -> memref<128xi32, #tpu.memory_space<hbm>>
        %dma_wait3A_822 = arith.constant 0 : i32
        %dma_wait3A_823 = tpu.memref_slice %arg16[%dma_wait3A_817, %dma_wait3A_822] : memref<2x128xi32, #tpu.memory_space<vmem>> -> memref<1x128xi32, #tpu.memory_space<vmem>>
        %dma_wait3A_824 = tpu.memref_squeeze %dma_wait3A_823 : memref<1x128xi32, #tpu.memory_space<vmem>> -> memref<128xi32, #tpu.memory_space<vmem>>
        %dma_wait3A_825 = tpu.memref_slice %arg7[%multiple_of3A_807] : memref<325632xi32, #tpu.memory_space<hbm>> -> memref<128xi32, #tpu.memory_space<hbm>>
        tpu.wait_dma2 semaphore(%arg28 : memref<!tpu.dma_semaphore, #tpu.memory_space<semaphore_mem>>) src(%dma_wait3A_825 : memref<128xi32, #tpu.memory_space<hbm>>) dst(%dma_wait3A_824 : memref<128xi32, #tpu.memory_space<vmem>>)
        %dma_start3A_826 = arith.constant 0 : i32
        %dma_start3A_827 = arith.constant 0 : i32
        %dma_start3A_828 = tpu.memref_slice %arg16[%dma_start3A_826, %dma_start3A_827] : memref<2x128xi32, #tpu.memory_space<vmem>> -> memref<1x128xi32, #tpu.memory_space<vmem>>
        %dma_start3A_829 = tpu.memref_squeeze %dma_start3A_828 : memref<1x128xi32, #tpu.memory_space<vmem>> -> memref<128xi32, #tpu.memory_space<vmem>>
        %dma_start3A_830 = arith.constant 0 : i32
        %dma_start3A_831 = arith.constant 0 : i32
        %dma_start3A_832 = tpu.memref_slice %arg3[%dma_start3A_830, %dma_start3A_831] : memref<10000x128xf32, #tpu.memory_space<hbm>> -> memref<10000x128xf32, #tpu.memory_space<hbm>>
        tpu.enqueue_indirect_dma source(%dma_start3A_832 : memref<10000x128xf32, #tpu.memory_space<hbm>>) target(%arg13 : memref<128x128xf32, #tpu.memory_space<vmem>>) offsets(%dma_start3A_829 : memref<128xi32, #tpu.memory_space<vmem>>) semaphore(%arg22 : memref<!tpu.dma_semaphore, #tpu.memory_space<semaphore_mem>>)
        %add3A_833 = arith.constant 3 : i32
        %add3A_834 = arith.addi %add3A_792, %add3A_833 : i32
        %min3A_835 = arith.constant 158 : i32
        %min3A_836 = arith.minsi %add3A_834, %min3A_835 : i32
        %mul3A_837 = arith.constant 159 : i32
        %mul3A_838 = arith.muli %arg1, %mul3A_837 : i32
        %add3A_839 = arith.addi %mul3A_838, %min3A_836 : i32
        %mul3A_840 = arith.constant 128 : i32
        %mul3A_841 = arith.muli %add3A_839, %mul3A_840 : i32
        %multiple_of3A_842 = tpu.assume_multiple %mul3A_841, 128 : i32
        %dma_start3A_843 = arith.constant 0 : i32
        %dma_start3A_844 = arith.constant 0 : i32
        %dma_start3A_845 = tpu.memref_slice %arg19[%dma_start3A_843, %dma_start3A_844] : memref<2x128xi32, #tpu.memory_space<vmem>> -> memref<1x128xi32, #tpu.memory_space<vmem>>
        %dma_start3A_846 = tpu.memref_squeeze %dma_start3A_845 : memref<1x128xi32, #tpu.memory_space<vmem>> -> memref<128xi32, #tpu.memory_space<vmem>>
        %dma_start3A_847 = tpu.memref_slice %arg6[%multiple_of3A_842] : memref<325632xi32, #tpu.memory_space<hbm>> -> memref<128xi32, #tpu.memory_space<hbm>>
        %dma_start3A_848 = arith.constant 0 : i32
        %dma_start3A_849 = tpu.memref_slice %arg19[%dma_start3A_843, %dma_start3A_848] : memref<2x128xi32, #tpu.memory_space<vmem>> -> memref<1x128xi32, #tpu.memory_space<vmem>>
        %dma_start3A_850 = tpu.memref_squeeze %dma_start3A_849 : memref<1x128xi32, #tpu.memory_space<vmem>> -> memref<128xi32, #tpu.memory_space<vmem>>
        %dma_start3A_851 = tpu.memref_slice %arg6[%multiple_of3A_842] : memref<325632xi32, #tpu.memory_space<hbm>> -> memref<128xi32, #tpu.memory_space<hbm>>
        tpu.enqueue_dma source(%dma_start3A_851 : memref<128xi32, #tpu.memory_space<hbm>>) target(%dma_start3A_850 : memref<128xi32, #tpu.memory_space<vmem>>) target_semaphore(%arg31 : memref<!tpu.dma_semaphore, #tpu.memory_space<semaphore_mem>>)
        %dma_start3A_852 = arith.constant 1 : i32
        %dma_start3A_853 = arith.constant 0 : i32
        %dma_start3A_854 = tpu.memref_slice %arg19[%dma_start3A_852, %dma_start3A_853] : memref<2x128xi32, #tpu.memory_space<vmem>> -> memref<1x128xi32, #tpu.memory_space<vmem>>
        %dma_start3A_855 = tpu.memref_squeeze %dma_start3A_854 : memref<1x128xi32, #tpu.memory_space<vmem>> -> memref<128xi32, #tpu.memory_space<vmem>>
        %dma_start3A_856 = tpu.memref_slice %arg7[%multiple_of3A_842] : memref<325632xi32, #tpu.memory_space<hbm>> -> memref<128xi32, #tpu.memory_space<hbm>>
        %dma_start3A_857 = arith.constant 0 : i32
        %dma_start3A_858 = tpu.memref_slice %arg19[%dma_start3A_852, %dma_start3A_857] : memref<2x128xi32, #tpu.memory_space<vmem>> -> memref<1x128xi32, #tpu.memory_space<vmem>>
        %dma_start3A_859 = tpu.memref_squeeze %dma_start3A_858 : memref<1x128xi32, #tpu.memory_space<vmem>> -> memref<128xi32, #tpu.memory_space<vmem>>
        %dma_start3A_860 = tpu.memref_slice %arg7[%multiple_of3A_842] : memref<325632xi32, #tpu.memory_space<hbm>> -> memref<128xi32, #tpu.memory_space<hbm>>
        tpu.enqueue_dma source(%dma_start3A_860 : memref<128xi32, #tpu.memory_space<hbm>>) target(%dma_start3A_859 : memref<128xi32, #tpu.memory_space<vmem>>) target_semaphore(%arg31 : memref<!tpu.dma_semaphore, #tpu.memory_space<semaphore_mem>>)
        %dma_wait3A_861 = arith.constant 0 : i32
        %dma_wait3A_862 = arith.constant 0 : i32
        %dma_wait3A_863 = tpu.memref_slice %arg15[%dma_wait3A_861, %dma_wait3A_862] : memref<2x128xi32, #tpu.memory_space<vmem>> -> memref<1x128xi32, #tpu.memory_space<vmem>>
        %dma_wait3A_864 = tpu.memref_squeeze %dma_wait3A_863 : memref<1x128xi32, #tpu.memory_space<vmem>> -> memref<128xi32, #tpu.memory_space<vmem>>
        %dma_wait3A_865 = arith.constant 0 : i32
        %dma_wait3A_866 = arith.constant 0 : i32
        %dma_wait3A_867 = tpu.memref_slice %arg3[%dma_wait3A_865, %dma_wait3A_866] : memref<10000x128xf32, #tpu.memory_space<hbm>> -> memref<10000x128xf32, #tpu.memory_space<hbm>>
        tpu.wait_indirect_dma semaphore(%arg21 : memref<!tpu.dma_semaphore, #tpu.memory_space<semaphore_mem>>) src(%dma_wait3A_867 : memref<10000x128xf32, #tpu.memory_space<hbm>>) dst(%arg12 : memref<128x128xf32, #tpu.memory_space<vmem>>)
        %dma_start3A_868 = arith.constant 1 : i32
        %dma_start3A_869 = arith.constant 0 : i32
        %dma_start3A_870 = tpu.memref_slice %arg15[%dma_start3A_868, %dma_start3A_869] : memref<2x128xi32, #tpu.memory_space<vmem>> -> memref<1x128xi32, #tpu.memory_space<vmem>>
        %dma_start3A_871 = tpu.memref_squeeze %dma_start3A_870 : memref<1x128xi32, #tpu.memory_space<vmem>> -> memref<128xi32, #tpu.memory_space<vmem>>
        %dma_start3A_872 = arith.constant 0 : i32
        %dma_start3A_873 = arith.constant 0 : i32
        %dma_start3A_874 = tpu.memref_slice %arg11[%dma_start3A_872, %dma_start3A_873] : memref<10016x128xf32, #tpu.memory_space<vmem_shared>> -> memref<10016x128xf32, #tpu.memory_space<vmem_shared>>
        tpu.enqueue_indirect_dma source(%arg12 : memref<128x128xf32, #tpu.memory_space<vmem>>) target(%dma_start3A_874 : memref<10016x128xf32, #tpu.memory_space<vmem_shared>>) offsets(%dma_start3A_871 : memref<128xi32, #tpu.memory_space<vmem>>) semaphore(%arg24 : memref<!tpu.dma_semaphore, #tpu.memory_space<semaphore_mem>>) {add = true}
        %mul3A_875 = arith.constant 6 : i32
        %mul3A_876 = arith.muli %mul3A_875, %scan3A_434 : i32
        %add3A_877 = arith.constant 3 : i32
        %add3A_878 = arith.addi %add3A_877, %mul3A_876 : i32
        %add3A_879 = arith.constant 5 : i32
        %add3A_880 = arith.addi %add3A_878, %add3A_879 : i32
        %dma_wait3A_881 = arith.constant 1 : i32
        %dma_wait3A_882 = arith.constant 0 : i32
        %dma_wait3A_883 = tpu.memref_slice %arg20[%dma_wait3A_881, %dma_wait3A_882] : memref<2x128xi32, #tpu.memory_space<vmem>> -> memref<1x128xi32, #tpu.memory_space<vmem>>
        %dma_wait3A_884 = tpu.memref_squeeze %dma_wait3A_883 : memref<1x128xi32, #tpu.memory_space<vmem>> -> memref<128xi32, #tpu.memory_space<vmem>>
        %dma_wait3A_885 = arith.constant 0 : i32
        %dma_wait3A_886 = arith.constant 0 : i32
        %dma_wait3A_887 = tpu.memref_slice %arg11[%dma_wait3A_885, %dma_wait3A_886] : memref<10016x128xf32, #tpu.memory_space<vmem_shared>> -> memref<10016x128xf32, #tpu.memory_space<vmem_shared>>
        tpu.wait_indirect_dma semaphore(%arg26 : memref<!tpu.dma_semaphore, #tpu.memory_space<semaphore_mem>>) src(%arg14 : memref<128x128xf32, #tpu.memory_space<vmem>>) dst(%dma_wait3A_887 : memref<10016x128xf32, #tpu.memory_space<vmem_shared>>)
        %min3A_888 = arith.constant 158 : i32
        %min3A_889 = arith.minsi %add3A_880, %min3A_888 : i32
        %mul3A_890 = arith.constant 159 : i32
        %mul3A_891 = arith.muli %arg1, %mul3A_890 : i32
        %add3A_892 = arith.addi %mul3A_891, %min3A_889 : i32
        %mul3A_893 = arith.constant 128 : i32
        %mul3A_894 = arith.muli %add3A_892, %mul3A_893 : i32
        %multiple_of3A_895 = tpu.assume_multiple %mul3A_894, 128 : i32
        %dma_wait3A_896 = arith.constant 0 : i32
        %dma_wait3A_897 = arith.constant 0 : i32
        %dma_wait3A_898 = tpu.memref_slice %arg17[%dma_wait3A_896, %dma_wait3A_897] : memref<2x128xi32, #tpu.memory_space<vmem>> -> memref<1x128xi32, #tpu.memory_space<vmem>>
        %dma_wait3A_899 = tpu.memref_squeeze %dma_wait3A_898 : memref<1x128xi32, #tpu.memory_space<vmem>> -> memref<128xi32, #tpu.memory_space<vmem>>
        %dma_wait3A_900 = tpu.memref_slice %arg6[%multiple_of3A_895] : memref<325632xi32, #tpu.memory_space<hbm>> -> memref<128xi32, #tpu.memory_space<hbm>>
        %dma_wait3A_901 = arith.constant 0 : i32
        %dma_wait3A_902 = tpu.memref_slice %arg17[%dma_wait3A_896, %dma_wait3A_901] : memref<2x128xi32, #tpu.memory_space<vmem>> -> memref<1x128xi32, #tpu.memory_space<vmem>>
        %dma_wait3A_903 = tpu.memref_squeeze %dma_wait3A_902 : memref<1x128xi32, #tpu.memory_space<vmem>> -> memref<128xi32, #tpu.memory_space<vmem>>
        %dma_wait3A_904 = tpu.memref_slice %arg6[%multiple_of3A_895] : memref<325632xi32, #tpu.memory_space<hbm>> -> memref<128xi32, #tpu.memory_space<hbm>>
        tpu.wait_dma2 semaphore(%arg29 : memref<!tpu.dma_semaphore, #tpu.memory_space<semaphore_mem>>) src(%dma_wait3A_904 : memref<128xi32, #tpu.memory_space<hbm>>) dst(%dma_wait3A_903 : memref<128xi32, #tpu.memory_space<vmem>>)
        %dma_wait3A_905 = arith.constant 1 : i32
        %dma_wait3A_906 = arith.constant 0 : i32
        %dma_wait3A_907 = tpu.memref_slice %arg17[%dma_wait3A_905, %dma_wait3A_906] : memref<2x128xi32, #tpu.memory_space<vmem>> -> memref<1x128xi32, #tpu.memory_space<vmem>>
        %dma_wait3A_908 = tpu.memref_squeeze %dma_wait3A_907 : memref<1x128xi32, #tpu.memory_space<vmem>> -> memref<128xi32, #tpu.memory_space<vmem>>
        %dma_wait3A_909 = tpu.memref_slice %arg7[%multiple_of3A_895] : memref<325632xi32, #tpu.memory_space<hbm>> -> memref<128xi32, #tpu.memory_space<hbm>>
        %dma_wait3A_910 = arith.constant 0 : i32
        %dma_wait3A_911 = tpu.memref_slice %arg17[%dma_wait3A_905, %dma_wait3A_910] : memref<2x128xi32, #tpu.memory_space<vmem>> -> memref<1x128xi32, #tpu.memory_space<vmem>>
        %dma_wait3A_912 = tpu.memref_squeeze %dma_wait3A_911 : memref<1x128xi32, #tpu.memory_space<vmem>> -> memref<128xi32, #tpu.memory_space<vmem>>
        %dma_wait3A_913 = tpu.memref_slice %arg7[%multiple_of3A_895] : memref<325632xi32, #tpu.memory_space<hbm>> -> memref<128xi32, #tpu.memory_space<hbm>>
        tpu.wait_dma2 semaphore(%arg29 : memref<!tpu.dma_semaphore, #tpu.memory_space<semaphore_mem>>) src(%dma_wait3A_913 : memref<128xi32, #tpu.memory_space<hbm>>) dst(%dma_wait3A_912 : memref<128xi32, #tpu.memory_space<vmem>>)
        %dma_start3A_914 = arith.constant 0 : i32
        %dma_start3A_915 = arith.constant 0 : i32
        %dma_start3A_916 = tpu.memref_slice %arg17[%dma_start3A_914, %dma_start3A_915] : memref<2x128xi32, #tpu.memory_space<vmem>> -> memref<1x128xi32, #tpu.memory_space<vmem>>
        %dma_start3A_917 = tpu.memref_squeeze %dma_start3A_916 : memref<1x128xi32, #tpu.memory_space<vmem>> -> memref<128xi32, #tpu.memory_space<vmem>>
        %dma_start3A_918 = arith.constant 0 : i32
        %dma_start3A_919 = arith.constant 0 : i32
        %dma_start3A_920 = tpu.memref_slice %arg3[%dma_start3A_918, %dma_start3A_919] : memref<10000x128xf32, #tpu.memory_space<hbm>> -> memref<10000x128xf32, #tpu.memory_space<hbm>>
        tpu.enqueue_indirect_dma source(%dma_start3A_920 : memref<10000x128xf32, #tpu.memory_space<hbm>>) target(%arg14 : memref<128x128xf32, #tpu.memory_space<vmem>>) offsets(%dma_start3A_917 : memref<128xi32, #tpu.memory_space<vmem>>) semaphore(%arg23 : memref<!tpu.dma_semaphore, #tpu.memory_space<semaphore_mem>>)
        %add3A_921 = arith.constant 3 : i32
        %add3A_922 = arith.addi %add3A_880, %add3A_921 : i32
        %min3A_923 = arith.constant 158 : i32
        %min3A_924 = arith.minsi %add3A_922, %min3A_923 : i32
        %mul3A_925 = arith.constant 159 : i32
        %mul3A_926 = arith.muli %arg1, %mul3A_925 : i32
        %add3A_927 = arith.addi %mul3A_926, %min3A_924 : i32
        %mul3A_928 = arith.constant 128 : i32
        %mul3A_929 = arith.muli %add3A_927, %mul3A_928 : i32
        %multiple_of3A_930 = tpu.assume_multiple %mul3A_929, 128 : i32
        %dma_start3A_931 = arith.constant 0 : i32
        %dma_start3A_932 = arith.constant 0 : i32
        %dma_start3A_933 = tpu.memref_slice %arg20[%dma_start3A_931, %dma_start3A_932] : memref<2x128xi32, #tpu.memory_space<vmem>> -> memref<1x128xi32, #tpu.memory_space<vmem>>
        %dma_start3A_934 = tpu.memref_squeeze %dma_start3A_933 : memref<1x128xi32, #tpu.memory_space<vmem>> -> memref<128xi32, #tpu.memory_space<vmem>>
        %dma_start3A_935 = tpu.memref_slice %arg6[%multiple_of3A_930] : memref<325632xi32, #tpu.memory_space<hbm>> -> memref<128xi32, #tpu.memory_space<hbm>>
        %dma_start3A_936 = arith.constant 0 : i32
        %dma_start3A_937 = tpu.memref_slice %arg20[%dma_start3A_931, %dma_start3A_936] : memref<2x128xi32, #tpu.memory_space<vmem>> -> memref<1x128xi32, #tpu.memory_space<vmem>>
        %dma_start3A_938 = tpu.memref_squeeze %dma_start3A_937 : memref<1x128xi32, #tpu.memory_space<vmem>> -> memref<128xi32, #tpu.memory_space<vmem>>
        %dma_start3A_939 = tpu.memref_slice %arg6[%multiple_of3A_930] : memref<325632xi32, #tpu.memory_space<hbm>> -> memref<128xi32, #tpu.memory_space<hbm>>
        tpu.enqueue_dma source(%dma_start3A_939 : memref<128xi32, #tpu.memory_space<hbm>>) target(%dma_start3A_938 : memref<128xi32, #tpu.memory_space<vmem>>) target_semaphore(%arg32 : memref<!tpu.dma_semaphore, #tpu.memory_space<semaphore_mem>>)
        %dma_start3A_940 = arith.constant 1 : i32
        %dma_start3A_941 = arith.constant 0 : i32
        %dma_start3A_942 = tpu.memref_slice %arg20[%dma_start3A_940, %dma_start3A_941] : memref<2x128xi32, #tpu.memory_space<vmem>> -> memref<1x128xi32, #tpu.memory_space<vmem>>
        %dma_start3A_943 = tpu.memref_squeeze %dma_start3A_942 : memref<1x128xi32, #tpu.memory_space<vmem>> -> memref<128xi32, #tpu.memory_space<vmem>>
        %dma_start3A_944 = tpu.memref_slice %arg7[%multiple_of3A_930] : memref<325632xi32, #tpu.memory_space<hbm>> -> memref<128xi32, #tpu.memory_space<hbm>>
        %dma_start3A_945 = arith.constant 0 : i32
        %dma_start3A_946 = tpu.memref_slice %arg20[%dma_start3A_940, %dma_start3A_945] : memref<2x128xi32, #tpu.memory_space<vmem>> -> memref<1x128xi32, #tpu.memory_space<vmem>>
        %dma_start3A_947 = tpu.memref_squeeze %dma_start3A_946 : memref<1x128xi32, #tpu.memory_space<vmem>> -> memref<128xi32, #tpu.memory_space<vmem>>
        %dma_start3A_948 = tpu.memref_slice %arg7[%multiple_of3A_930] : memref<325632xi32, #tpu.memory_space<hbm>> -> memref<128xi32, #tpu.memory_space<hbm>>
        tpu.enqueue_dma source(%dma_start3A_948 : memref<128xi32, #tpu.memory_space<hbm>>) target(%dma_start3A_947 : memref<128xi32, #tpu.memory_space<vmem>>) target_semaphore(%arg32 : memref<!tpu.dma_semaphore, #tpu.memory_space<semaphore_mem>>)
        %dma_wait3A_949 = arith.constant 0 : i32
        %dma_wait3A_950 = arith.constant 0 : i32
        %dma_wait3A_951 = tpu.memref_slice %arg16[%dma_wait3A_949, %dma_wait3A_950] : memref<2x128xi32, #tpu.memory_space<vmem>> -> memref<1x128xi32, #tpu.memory_space<vmem>>
        %dma_wait3A_952 = tpu.memref_squeeze %dma_wait3A_951 : memref<1x128xi32, #tpu.memory_space<vmem>> -> memref<128xi32, #tpu.memory_space<vmem>>
        %dma_wait3A_953 = arith.constant 0 : i32
        %dma_wait3A_954 = arith.constant 0 : i32
        %dma_wait3A_955 = tpu.memref_slice %arg3[%dma_wait3A_953, %dma_wait3A_954] : memref<10000x128xf32, #tpu.memory_space<hbm>> -> memref<10000x128xf32, #tpu.memory_space<hbm>>
        tpu.wait_indirect_dma semaphore(%arg22 : memref<!tpu.dma_semaphore, #tpu.memory_space<semaphore_mem>>) src(%dma_wait3A_955 : memref<10000x128xf32, #tpu.memory_space<hbm>>) dst(%arg13 : memref<128x128xf32, #tpu.memory_space<vmem>>)
        %dma_start3A_956 = arith.constant 1 : i32
        %dma_start3A_957 = arith.constant 0 : i32
        %dma_start3A_958 = tpu.memref_slice %arg16[%dma_start3A_956, %dma_start3A_957] : memref<2x128xi32, #tpu.memory_space<vmem>> -> memref<1x128xi32, #tpu.memory_space<vmem>>
        %dma_start3A_959 = tpu.memref_squeeze %dma_start3A_958 : memref<1x128xi32, #tpu.memory_space<vmem>> -> memref<128xi32, #tpu.memory_space<vmem>>
        %dma_start3A_960 = arith.constant 0 : i32
        %dma_start3A_961 = arith.constant 0 : i32
        %dma_start3A_962 = tpu.memref_slice %arg11[%dma_start3A_960, %dma_start3A_961] : memref<10016x128xf32, #tpu.memory_space<vmem_shared>> -> memref<10016x128xf32, #tpu.memory_space<vmem_shared>>
        tpu.enqueue_indirect_dma source(%arg13 : memref<128x128xf32, #tpu.memory_space<vmem>>) target(%dma_start3A_962 : memref<10016x128xf32, #tpu.memory_space<vmem_shared>>) offsets(%dma_start3A_959 : memref<128xi32, #tpu.memory_space<vmem>>) semaphore(%arg25 : memref<!tpu.dma_semaphore, #tpu.memory_space<semaphore_mem>>) {add = true}
      }
      %scan3A_306 = arith.constant 26 : i32
      %dma_wait3A_307 = arith.constant 0 : i32
      %dma_wait3A_308 = arith.constant 0 : i32
      %dma_wait3A_309 = tpu.memref_slice %arg17[%dma_wait3A_307, %dma_wait3A_308] : memref<2x128xi32, #tpu.memory_space<vmem>> -> memref<1x128xi32, #tpu.memory_space<vmem>>
      %dma_wait3A_310 = tpu.memref_squeeze %dma_wait3A_309 : memref<1x128xi32, #tpu.memory_space<vmem>> -> memref<128xi32, #tpu.memory_space<vmem>>
      %dma_wait3A_311 = arith.constant 0 : i32
      %dma_wait3A_312 = arith.constant 0 : i32
      %dma_wait3A_313 = tpu.memref_slice %arg3[%dma_wait3A_311, %dma_wait3A_312] : memref<10000x128xf32, #tpu.memory_space<hbm>> -> memref<10000x128xf32, #tpu.memory_space<hbm>>
      tpu.wait_indirect_dma semaphore(%arg23 : memref<!tpu.dma_semaphore, #tpu.memory_space<semaphore_mem>>) src(%dma_wait3A_313 : memref<10000x128xf32, #tpu.memory_space<hbm>>) dst(%arg14 : memref<128x128xf32, #tpu.memory_space<vmem>>)
      %dma_start3A_314 = arith.constant 1 : i32
      %dma_start3A_315 = arith.constant 0 : i32
      %dma_start3A_316 = tpu.memref_slice %arg17[%dma_start3A_314, %dma_start3A_315] : memref<2x128xi32, #tpu.memory_space<vmem>> -> memref<1x128xi32, #tpu.memory_space<vmem>>
      %dma_start3A_317 = tpu.memref_squeeze %dma_start3A_316 : memref<1x128xi32, #tpu.memory_space<vmem>> -> memref<128xi32, #tpu.memory_space<vmem>>
      %dma_start3A_318 = arith.constant 0 : i32
      %dma_start3A_319 = arith.constant 0 : i32
      %dma_start3A_320 = tpu.memref_slice %arg11[%dma_start3A_318, %dma_start3A_319] : memref<10016x128xf32, #tpu.memory_space<vmem_shared>> -> memref<10016x128xf32, #tpu.memory_space<vmem_shared>>
      tpu.enqueue_indirect_dma source(%arg14 : memref<128x128xf32, #tpu.memory_space<vmem>>) target(%dma_start3A_320 : memref<10016x128xf32, #tpu.memory_space<vmem_shared>>) offsets(%dma_start3A_317 : memref<128xi32, #tpu.memory_space<vmem>>) semaphore(%arg26 : memref<!tpu.dma_semaphore, #tpu.memory_space<semaphore_mem>>) {add = true}
      %dma_wait3A_321 = arith.constant 1 : i32
      %dma_wait3A_322 = arith.constant 0 : i32
      %dma_wait3A_323 = tpu.memref_slice %arg15[%dma_wait3A_321, %dma_wait3A_322] : memref<2x128xi32, #tpu.memory_space<vmem>> -> memref<1x128xi32, #tpu.memory_space<vmem>>
      %dma_wait3A_324 = tpu.memref_squeeze %dma_wait3A_323 : memref<1x128xi32, #tpu.memory_space<vmem>> -> memref<128xi32, #tpu.memory_space<vmem>>
      %dma_wait3A_325 = arith.constant 0 : i32
      %dma_wait3A_326 = arith.constant 0 : i32
      %dma_wait3A_327 = tpu.memref_slice %arg11[%dma_wait3A_325, %dma_wait3A_326] : memref<10016x128xf32, #tpu.memory_space<vmem_shared>> -> memref<10016x128xf32, #tpu.memory_space<vmem_shared>>
      tpu.wait_indirect_dma semaphore(%arg24 : memref<!tpu.dma_semaphore, #tpu.memory_space<semaphore_mem>>) src(%arg12 : memref<128x128xf32, #tpu.memory_space<vmem>>) dst(%dma_wait3A_327 : memref<10016x128xf32, #tpu.memory_space<vmem_shared>>)
      %dma_wait3A_328 = arith.constant 1 : i32
      %dma_wait3A_329 = arith.constant 0 : i32
      %dma_wait3A_330 = tpu.memref_slice %arg16[%dma_wait3A_328, %dma_wait3A_329] : memref<2x128xi32, #tpu.memory_space<vmem>> -> memref<1x128xi32, #tpu.memory_space<vmem>>
      %dma_wait3A_331 = tpu.memref_squeeze %dma_wait3A_330 : memref<1x128xi32, #tpu.memory_space<vmem>> -> memref<128xi32, #tpu.memory_space<vmem>>
      %dma_wait3A_332 = arith.constant 0 : i32
      %dma_wait3A_333 = arith.constant 0 : i32
      %dma_wait3A_334 = tpu.memref_slice %arg11[%dma_wait3A_332, %dma_wait3A_333] : memref<10016x128xf32, #tpu.memory_space<vmem_shared>> -> memref<10016x128xf32, #tpu.memory_space<vmem_shared>>
      tpu.wait_indirect_dma semaphore(%arg25 : memref<!tpu.dma_semaphore, #tpu.memory_space<semaphore_mem>>) src(%arg13 : memref<128x128xf32, #tpu.memory_space<vmem>>) dst(%dma_wait3A_334 : memref<10016x128xf32, #tpu.memory_space<vmem_shared>>)
      %dma_wait3A_335 = arith.constant 1 : i32
      %dma_wait3A_336 = arith.constant 0 : i32
      %dma_wait3A_337 = tpu.memref_slice %arg17[%dma_wait3A_335, %dma_wait3A_336] : memref<2x128xi32, #tpu.memory_space<vmem>> -> memref<1x128xi32, #tpu.memory_space<vmem>>
      %dma_wait3A_338 = tpu.memref_squeeze %dma_wait3A_337 : memref<1x128xi32, #tpu.memory_space<vmem>> -> memref<128xi32, #tpu.memory_space<vmem>>
      %dma_wait3A_339 = arith.constant 0 : i32
      %dma_wait3A_340 = arith.constant 0 : i32
      %dma_wait3A_341 = tpu.memref_slice %arg11[%dma_wait3A_339, %dma_wait3A_340] : memref<10016x128xf32, #tpu.memory_space<vmem_shared>> -> memref<10016x128xf32, #tpu.memory_space<vmem_shared>>
      tpu.wait_indirect_dma semaphore(%arg26 : memref<!tpu.dma_semaphore, #tpu.memory_space<semaphore_mem>>) src(%arg14 : memref<128x128xf32, #tpu.memory_space<vmem>>) dst(%dma_wait3A_341 : memref<10016x128xf32, #tpu.memory_space<vmem_shared>>)
      %min3A_342 = arith.constant 159 : i32
      %min3A_343 = arith.constant 158 : i32
      %min3A_344 = arith.minsi %min3A_342, %min3A_343 : i32
      %mul3A_345 = arith.constant 159 : i32
      %mul3A_346 = arith.muli %arg1, %mul3A_345 : i32
      %add3A_347 = arith.addi %mul3A_346, %min3A_344 : i32
      %mul3A_348 = arith.constant 128 : i32
      %mul3A_349 = arith.muli %add3A_347, %mul3A_348 : i32
      %multiple_of3A_350 = tpu.assume_multiple %mul3A_349, 128 : i32
      %dma_wait3A_351 = arith.constant 0 : i32
      %dma_wait3A_352 = arith.constant 0 : i32
      %dma_wait3A_353 = tpu.memref_slice %arg18[%dma_wait3A_351, %dma_wait3A_352] : memref<2x128xi32, #tpu.memory_space<vmem>> -> memref<1x128xi32, #tpu.memory_space<vmem>>
      %dma_wait3A_354 = tpu.memref_squeeze %dma_wait3A_353 : memref<1x128xi32, #tpu.memory_space<vmem>> -> memref<128xi32, #tpu.memory_space<vmem>>
      %dma_wait3A_355 = tpu.memref_slice %arg6[%multiple_of3A_350] : memref<325632xi32, #tpu.memory_space<hbm>> -> memref<128xi32, #tpu.memory_space<hbm>>
      %dma_wait3A_356 = arith.constant 0 : i32
      %dma_wait3A_357 = tpu.memref_slice %arg18[%dma_wait3A_351, %dma_wait3A_356] : memref<2x128xi32, #tpu.memory_space<vmem>> -> memref<1x128xi32, #tpu.memory_space<vmem>>
      %dma_wait3A_358 = tpu.memref_squeeze %dma_wait3A_357 : memref<1x128xi32, #tpu.memory_space<vmem>> -> memref<128xi32, #tpu.memory_space<vmem>>
      %dma_wait3A_359 = tpu.memref_slice %arg6[%multiple_of3A_350] : memref<325632xi32, #tpu.memory_space<hbm>> -> memref<128xi32, #tpu.memory_space<hbm>>
      tpu.wait_dma2 semaphore(%arg30 : memref<!tpu.dma_semaphore, #tpu.memory_space<semaphore_mem>>) src(%dma_wait3A_359 : memref<128xi32, #tpu.memory_space<hbm>>) dst(%dma_wait3A_358 : memref<128xi32, #tpu.memory_space<vmem>>)
      %dma_wait3A_360 = arith.constant 1 : i32
      %dma_wait3A_361 = arith.constant 0 : i32
      %dma_wait3A_362 = tpu.memref_slice %arg18[%dma_wait3A_360, %dma_wait3A_361] : memref<2x128xi32, #tpu.memory_space<vmem>> -> memref<1x128xi32, #tpu.memory_space<vmem>>
      %dma_wait3A_363 = tpu.memref_squeeze %dma_wait3A_362 : memref<1x128xi32, #tpu.memory_space<vmem>> -> memref<128xi32, #tpu.memory_space<vmem>>
      %dma_wait3A_364 = tpu.memref_slice %arg7[%multiple_of3A_350] : memref<325632xi32, #tpu.memory_space<hbm>> -> memref<128xi32, #tpu.memory_space<hbm>>
      %dma_wait3A_365 = arith.constant 0 : i32
      %dma_wait3A_366 = tpu.memref_slice %arg18[%dma_wait3A_360, %dma_wait3A_365] : memref<2x128xi32, #tpu.memory_space<vmem>> -> memref<1x128xi32, #tpu.memory_space<vmem>>
      %dma_wait3A_367 = tpu.memref_squeeze %dma_wait3A_366 : memref<1x128xi32, #tpu.memory_space<vmem>> -> memref<128xi32, #tpu.memory_space<vmem>>
      %dma_wait3A_368 = tpu.memref_slice %arg7[%multiple_of3A_350] : memref<325632xi32, #tpu.memory_space<hbm>> -> memref<128xi32, #tpu.memory_space<hbm>>
      tpu.wait_dma2 semaphore(%arg30 : memref<!tpu.dma_semaphore, #tpu.memory_space<semaphore_mem>>) src(%dma_wait3A_368 : memref<128xi32, #tpu.memory_space<hbm>>) dst(%dma_wait3A_367 : memref<128xi32, #tpu.memory_space<vmem>>)
      %min3A_369 = arith.constant 160 : i32
      %min3A_370 = arith.constant 158 : i32
      %min3A_371 = arith.minsi %min3A_369, %min3A_370 : i32
      %mul3A_372 = arith.constant 159 : i32
      %mul3A_373 = arith.muli %arg1, %mul3A_372 : i32
      %add3A_374 = arith.addi %mul3A_373, %min3A_371 : i32
      %mul3A_375 = arith.constant 128 : i32
      %mul3A_376 = arith.muli %add3A_374, %mul3A_375 : i32
      %multiple_of3A_377 = tpu.assume_multiple %mul3A_376, 128 : i32
      %dma_wait3A_378 = arith.constant 0 : i32
      %dma_wait3A_379 = arith.constant 0 : i32
      %dma_wait3A_380 = tpu.memref_slice %arg19[%dma_wait3A_378, %dma_wait3A_379] : memref<2x128xi32, #tpu.memory_space<vmem>> -> memref<1x128xi32, #tpu.memory_space<vmem>>
      %dma_wait3A_381 = tpu.memref_squeeze %dma_wait3A_380 : memref<1x128xi32, #tpu.memory_space<vmem>> -> memref<128xi32, #tpu.memory_space<vmem>>
      %dma_wait3A_382 = tpu.memref_slice %arg6[%multiple_of3A_377] : memref<325632xi32, #tpu.memory_space<hbm>> -> memref<128xi32, #tpu.memory_space<hbm>>
      %dma_wait3A_383 = arith.constant 0 : i32
      %dma_wait3A_384 = tpu.memref_slice %arg19[%dma_wait3A_378, %dma_wait3A_383] : memref<2x128xi32, #tpu.memory_space<vmem>> -> memref<1x128xi32, #tpu.memory_space<vmem>>
      %dma_wait3A_385 = tpu.memref_squeeze %dma_wait3A_384 : memref<1x128xi32, #tpu.memory_space<vmem>> -> memref<128xi32, #tpu.memory_space<vmem>>
      %dma_wait3A_386 = tpu.memref_slice %arg6[%multiple_of3A_377] : memref<325632xi32, #tpu.memory_space<hbm>> -> memref<128xi32, #tpu.memory_space<hbm>>
      tpu.wait_dma2 semaphore(%arg31 : memref<!tpu.dma_semaphore, #tpu.memory_space<semaphore_mem>>) src(%dma_wait3A_386 : memref<128xi32, #tpu.memory_space<hbm>>) dst(%dma_wait3A_385 : memref<128xi32, #tpu.memory_space<vmem>>)
      %dma_wait3A_387 = arith.constant 1 : i32
      %dma_wait3A_388 = arith.constant 0 : i32
      %dma_wait3A_389 = tpu.memref_slice %arg19[%dma_wait3A_387, %dma_wait3A_388] : memref<2x128xi32, #tpu.memory_space<vmem>> -> memref<1x128xi32, #tpu.memory_space<vmem>>
      %dma_wait3A_390 = tpu.memref_squeeze %dma_wait3A_389 : memref<1x128xi32, #tpu.memory_space<vmem>> -> memref<128xi32, #tpu.memory_space<vmem>>
      %dma_wait3A_391 = tpu.memref_slice %arg7[%multiple_of3A_377] : memref<325632xi32, #tpu.memory_space<hbm>> -> memref<128xi32, #tpu.memory_space<hbm>>
      %dma_wait3A_392 = arith.constant 0 : i32
      %dma_wait3A_393 = tpu.memref_slice %arg19[%dma_wait3A_387, %dma_wait3A_392] : memref<2x128xi32, #tpu.memory_space<vmem>> -> memref<1x128xi32, #tpu.memory_space<vmem>>
      %dma_wait3A_394 = tpu.memref_squeeze %dma_wait3A_393 : memref<1x128xi32, #tpu.memory_space<vmem>> -> memref<128xi32, #tpu.memory_space<vmem>>
      %dma_wait3A_395 = tpu.memref_slice %arg7[%multiple_of3A_377] : memref<325632xi32, #tpu.memory_space<hbm>> -> memref<128xi32, #tpu.memory_space<hbm>>
      tpu.wait_dma2 semaphore(%arg31 : memref<!tpu.dma_semaphore, #tpu.memory_space<semaphore_mem>>) src(%dma_wait3A_395 : memref<128xi32, #tpu.memory_space<hbm>>) dst(%dma_wait3A_394 : memref<128xi32, #tpu.memory_space<vmem>>)
      %min3A_396 = arith.constant 161 : i32
      %min3A_397 = arith.constant 158 : i32
      %min3A_398 = arith.minsi %min3A_396, %min3A_397 : i32
      %mul3A_399 = arith.constant 159 : i32
      %mul3A_400 = arith.muli %arg1, %mul3A_399 : i32
      %add3A_401 = arith.addi %mul3A_400, %min3A_398 : i32
      %mul3A_402 = arith.constant 128 : i32
      %mul3A_403 = arith.muli %add3A_401, %mul3A_402 : i32
      %multiple_of3A_404 = tpu.assume_multiple %mul3A_403, 128 : i32
      %dma_wait3A_405 = arith.constant 0 : i32
      %dma_wait3A_406 = arith.constant 0 : i32
      %dma_wait3A_407 = tpu.memref_slice %arg20[%dma_wait3A_405, %dma_wait3A_406] : memref<2x128xi32, #tpu.memory_space<vmem>> -> memref<1x128xi32, #tpu.memory_space<vmem>>
      %dma_wait3A_408 = tpu.memref_squeeze %dma_wait3A_407 : memref<1x128xi32, #tpu.memory_space<vmem>> -> memref<128xi32, #tpu.memory_space<vmem>>
      %dma_wait3A_409 = tpu.memref_slice %arg6[%multiple_of3A_404] : memref<325632xi32, #tpu.memory_space<hbm>> -> memref<128xi32, #tpu.memory_space<hbm>>
      %dma_wait3A_410 = arith.constant 0 : i32
      %dma_wait3A_411 = tpu.memref_slice %arg20[%dma_wait3A_405, %dma_wait3A_410] : memref<2x128xi32, #tpu.memory_space<vmem>> -> memref<1x128xi32, #tpu.memory_space<vmem>>
      %dma_wait3A_412 = tpu.memref_squeeze %dma_wait3A_411 : memref<1x128xi32, #tpu.memory_space<vmem>> -> memref<128xi32, #tpu.memory_space<vmem>>
      %dma_wait3A_413 = tpu.memref_slice %arg6[%multiple_of3A_404] : memref<325632xi32, #tpu.memory_space<hbm>> -> memref<128xi32, #tpu.memory_space<hbm>>
      tpu.wait_dma2 semaphore(%arg32 : memref<!tpu.dma_semaphore, #tpu.memory_space<semaphore_mem>>) src(%dma_wait3A_413 : memref<128xi32, #tpu.memory_space<hbm>>) dst(%dma_wait3A_412 : memref<128xi32, #tpu.memory_space<vmem>>)
      %dma_wait3A_414 = arith.constant 1 : i32
      %dma_wait3A_415 = arith.constant 0 : i32
      %dma_wait3A_416 = tpu.memref_slice %arg20[%dma_wait3A_414, %dma_wait3A_415] : memref<2x128xi32, #tpu.memory_space<vmem>> -> memref<1x128xi32, #tpu.memory_space<vmem>>
      %dma_wait3A_417 = tpu.memref_squeeze %dma_wait3A_416 : memref<1x128xi32, #tpu.memory_space<vmem>> -> memref<128xi32, #tpu.memory_space<vmem>>
      %dma_wait3A_418 = tpu.memref_slice %arg7[%multiple_of3A_404] : memref<325632xi32, #tpu.memory_space<hbm>> -> memref<128xi32, #tpu.memory_space<hbm>>
      %dma_wait3A_419 = arith.constant 0 : i32
      %dma_wait3A_420 = tpu.memref_slice %arg20[%dma_wait3A_414, %dma_wait3A_419] : memref<2x128xi32, #tpu.memory_space<vmem>> -> memref<1x128xi32, #tpu.memory_space<vmem>>
      %dma_wait3A_421 = tpu.memref_squeeze %dma_wait3A_420 : memref<1x128xi32, #tpu.memory_space<vmem>> -> memref<128xi32, #tpu.memory_space<vmem>>
      %dma_wait3A_422 = tpu.memref_slice %arg7[%multiple_of3A_404] : memref<325632xi32, #tpu.memory_space<hbm>> -> memref<128xi32, #tpu.memory_space<hbm>>
      tpu.wait_dma2 semaphore(%arg32 : memref<!tpu.dma_semaphore, #tpu.memory_space<semaphore_mem>>) src(%dma_wait3A_422 : memref<128xi32, #tpu.memory_space<hbm>>) dst(%dma_wait3A_421 : memref<128xi32, #tpu.memory_space<vmem>>)
      %barrier3A_423 = arith.constant 0 : index
      tpu.barrier barrier_id(%barrier3A_423)
      %lt3A_424 = arith.constant 15 : i32
      %lt3A_425 = arith.cmpi slt, %arg1, %lt3A_424 : i32
      %convert_element_type3A_426 = arith.extui %lt3A_425 : i1 to i32
      %cond3A_427 = arith.constant 0 : i32
      %cond3A_428 = arith.cmpi ne, %convert_element_type3A_426, %cond3A_427 : i32
      scf.if %cond3A_428 {
        %mul3A_434 = arith.constant 624 : i32
        %mul3A_435 = arith.muli %arg1, %mul3A_434 : i32
        %mul3A_436 = arith.constant 624 : i32
        %mul3A_437 = arith.muli %arg1, %mul3A_436 : i32
        "tpu.region"() ({
          %run_scoped3A = tpu.sem_alloc : memref<!tpu.dma_semaphore, #tpu.memory_space<semaphore_mem>>
          %dma_start3A_438 = arith.constant 0 : i32
          %dma_start3A_439 = tpu.memref_slice %arg10[%mul3A_437, %dma_start3A_438] : memref<10000x128xf32, #tpu.memory_space<hbm>> -> memref<624x128xf32, #tpu.memory_space<hbm>>
          %dma_start3A_440 = arith.constant 0 : i32
          %dma_start3A_441 = tpu.memref_slice %arg11[%mul3A_435, %dma_start3A_440] : memref<10016x128xf32, #tpu.memory_space<vmem_shared>> -> memref<624x128xf32, #tpu.memory_space<vmem_shared>>
          tpu.enqueue_dma source(%dma_start3A_441 : memref<624x128xf32, #tpu.memory_space<vmem_shared>>) target(%dma_start3A_439 : memref<624x128xf32, #tpu.memory_space<hbm>>) target_semaphore(%run_scoped3A : memref<!tpu.dma_semaphore, #tpu.memory_space<semaphore_mem>>)
          %dma_wait3A_442 = arith.constant 0 : i32
          %dma_wait3A_443 = tpu.memref_slice %arg10[%mul3A_437, %dma_wait3A_442] : memref<10000x128xf32, #tpu.memory_space<hbm>> -> memref<624x128xf32, #tpu.memory_space<hbm>>
          %dma_wait3A_444 = arith.constant 0 : i32
          %dma_wait3A_445 = tpu.memref_slice %arg11[%mul3A_435, %dma_wait3A_444] : memref<10016x128xf32, #tpu.memory_space<vmem_shared>> -> memref<624x128xf32, #tpu.memory_space<vmem_shared>>
          tpu.wait_dma2 semaphore(%run_scoped3A : memref<!tpu.dma_semaphore, #tpu.memory_space<semaphore_mem>>) src(%dma_wait3A_445 : memref<624x128xf32, #tpu.memory_space<vmem_shared>>) dst(%dma_wait3A_443 : memref<624x128xf32, #tpu.memory_space<hbm>>)
          tpu.yield
        }) : () -> ()
      } else {
      }
      %eq3A_429 = arith.constant 15 : i32
      %eq3A_430 = arith.cmpi eq, %arg1, %eq3A_429 : i32
      %convert_element_type3A_431 = arith.extui %eq3A_430 : i1 to i32
      %cond3A_432 = arith.constant 0 : i32
      %cond3A_433 = arith.cmpi ne, %convert_element_type3A_431, %cond3A_432 : i32
      scf.if %cond3A_433 {
        "tpu.region"() ({
          %run_scoped3A = tpu.sem_alloc : memref<!tpu.dma_semaphore, #tpu.memory_space<semaphore_mem>>
          %dma_start3A_434 = arith.constant 9360 : i32
          %dma_start3A_435 = arith.constant 0 : i32
          %dma_start3A_436 = tpu.memref_slice %arg10[%dma_start3A_434, %dma_start3A_435] : memref<10000x128xf32, #tpu.memory_space<hbm>> -> memref<640x128xf32, #tpu.memory_space<hbm>>
          %dma_start3A_437 = arith.constant 9360 : i32
          %dma_start3A_438 = arith.constant 0 : i32
          %dma_start3A_439 = tpu.memref_slice %arg11[%dma_start3A_437, %dma_start3A_438] : memref<10016x128xf32, #tpu.memory_space<vmem_shared>> -> memref<640x128xf32, #tpu.memory_space<vmem_shared>>
          tpu.enqueue_dma source(%dma_start3A_439 : memref<640x128xf32, #tpu.memory_space<vmem_shared>>) target(%dma_start3A_436 : memref<640x128xf32, #tpu.memory_space<hbm>>) target_semaphore(%run_scoped3A : memref<!tpu.dma_semaphore, #tpu.memory_space<semaphore_mem>>)
          %dma_wait3A_440 = arith.constant 9360 : i32
          %dma_wait3A_441 = arith.constant 0 : i32
          %dma_wait3A_442 = tpu.memref_slice %arg10[%dma_wait3A_440, %dma_wait3A_441] : memref<10000x128xf32, #tpu.memory_space<hbm>> -> memref<640x128xf32, #tpu.memory_space<hbm>>
          %dma_wait3A_443 = arith.constant 9360 : i32
          %dma_wait3A_444 = arith.constant 0 : i32
          %dma_wait3A_445 = tpu.memref_slice %arg11[%dma_wait3A_443, %dma_wait3A_444] : memref<10016x128xf32, #tpu.memory_space<vmem_shared>> -> memref<640x128xf32, #tpu.memory_space<vmem_shared>>
          tpu.wait_dma2 semaphore(%run_scoped3A : memref<!tpu.dma_semaphore, #tpu.memory_space<semaphore_mem>>) src(%dma_wait3A_445 : memref<640x128xf32, #tpu.memory_space<vmem_shared>>) dst(%dma_wait3A_442 : memref<640x128xf32, #tpu.memory_space<hbm>>)
          tpu.yield
        }) : () -> ()
      } else {
      }
    } else {
    }
    return
  }
}

module attributes {stable_mosaic.version = 14 : i64} {
  func.func @_mm_body(%arg0: i32, %arg1: memref<2000x128xf32, #tpu.memory_space<vmem>>, %arg2: memref<128x128xf32, #tpu.memory_space<vmem>>, %arg3: memref<2000x128xf32, #tpu.memory_space<vmem>>) attributes {dimension_semantics = [#tpu.dimension_semantics<arbitrary>], iteration_bounds = array<i64: 5>, scalar_prefetch = 0 : i64, scratch_operands = 0 : i64, tpu.core_type = #tpu.core_type<tc>, window_params = [{transform_indices = @transform_0, window_bounds = array<i64: 2000, 128>}, {pipeline_mode = #tpu.pipeline_mode<synchronous>, transform_indices = @transform_1, window_bounds = array<i64: 128, 128>}, {transform_indices = @transform_2, window_bounds = array<i64: 2000, 128>}]} {
    %get3A = arith.constant 0 : index
    %get3A_0 = arith.constant 0 : index
    %get3A_1 = vector.load %arg1[%get3A, %get3A_0] : memref<2000x128xf32, #tpu.memory_space<vmem>>, vector<2000x128xf32>
    %get3A_2 = arith.constant 0 : index
    %get3A_3 = arith.constant 0 : index
    %get3A_4 = vector.load %arg2[%get3A_2, %get3A_3] : memref<128x128xf32, #tpu.memory_space<vmem>>, vector<128x128xf32>
    %dot_general3A = arith.constant dense<0.000000e+00> : vector<2000x128xf32>
    %dot_general3A_5 = tpu.matmul %get3A_1, %get3A_4, %dot_general3A {dimension_numbers = #tpu.dot_dimension_numbers<[1], [0], [0], [1], [0, 0, 1, 1], [], []>, transpose_lhs_hint = false} : vector<2000x128xf32>, vector<128x128xf32>, vector<2000x128xf32> -> vector<2000x128xf32>
    %swap3A = arith.constant 0 : index
    %swap3A_6 = arith.constant 0 : index
    %swap3A_7 = vector.load %arg3[%swap3A, %swap3A_6] : memref<2000x128xf32, #tpu.memory_space<vmem>>, vector<2000x128xf32>
    tpu.vector_store %arg3[%swap3A, %swap3A_6], %dot_general3A_5 {strides = array<i32>} : memref<2000x128xf32, #tpu.memory_space<vmem>>, vector<2000x128xf32>,
    return
  }
  func.func @transform_0(%arg0: i32) -> (i32, i32) {
    %c0_i32 = arith.constant 0 : i32
    %c0_i32_0 = arith.constant 0 : i32
    return %arg0, %c0_i32 : i32, i32
  }
  func.func @transform_1(%arg0: i32) -> (i32, i32) {
    %c0_i32 = arith.constant 0 : i32
    %c0_i32_0 = arith.constant 0 : i32
    %c0_i32_1 = arith.constant 0 : i32
    return %c0_i32, %c0_i32_0 : i32, i32
  }
  func.func @transform_2(%arg0: i32) -> (i32, i32) {
    %c0_i32 = arith.constant 0 : i32
    %c0_i32_0 = arith.constant 0 : i32
    return %arg0, %c0_i32 : i32, i32
  }
}

</mosaic_0001>

<sc_bundles>
// kernel: kernel.5.cloned.1.call-start
scs
__scs_entry_jumppad:
0x0: {  	(pc) =	sbr.rel $0x88, $3  }
0x1: {  	(tag) =	ssettag $0x0;
	lr =	simm.s32 $0x1  }
0x2: {  	[smem:$0x3F9B] =	sst lr;
	_ =	strace $0xD0000000  }
0x3: {  	_ = 	snop  }
0x4: {  	_ = 	snop  }
0x5: {  	_ = 	snop  }
0x6: {  	_ = 	snop  }
0x7: {  	_ = 	snop  }
__scs_overlays_trampoline_lowered:
0x8: {  	[smem:$0x3FAA] =	sst s0  }
0x9: {  	[smem:$0x3FAB] =	sst s1  }
0xa: {  	[smem:$0x3FAC] =	sst s2  }
0xb: {  	[smem:$0x3FAD] =	sst s3  }
0xc: {  	[smem:$0x3FAE] =	sst s4  }
0xd: {  	[smem:$0x3FAF] =	sst s5  }
0xe: {  	[smem:$0x3FB0] =	sst s6  }
0xf: {  	[smem:$0x3FB1] =	sst s7  }
0x10: {  	[smem:$0x3FB2] =	sst s8  }
0x11: {  	[smem:$0x3FB3] =	sst s9;
	s0 =	simm.s32 @!p0 $0x0  }
0x12: {  	s1 =	sld [smem:$0x3F99];
	s0 =	simm.s32 @p0 $0x1  }
0x13: {  	[smem:$0x3FB4] =	sst s0;
	s0 =	simm.s32 @!p1 $0x0  }
0x14: {  	s2 =	sld [smem:$0x3F98];
	s0 =	simm.s32 @p1 $0x1  }
0x15: {  	[smem:$0x3FB5] =	sst s0;
	s0 =	simm.s32 @!p2 $0x0  }
0x16: {  	s3 =	sld [smem:$0x3FDB];
	s0 =	simm.s32 @p2 $0x1  }
0x17: {  	s4 =	simm.s32 $0x1BF5;
	[smem:$0x3FB7] =	sst s0  }
0x18: {  	s0 =	sld [smem:$0x3F9A];
	_ =	swait.ge [sflag:s4], $0x0  }
0x19: {  	s7 =	sld [smem:$0x3F9B]  }
0x1a: {  	s8 =	sadd.s32 $0xFFFFE003, lr  }
0x1b: {  	s9 =	sadd.s32 $0xFFFFFEF7, lr;
	s5 =	simm.s32 $0xFFFFFFFF;
	p2 =	slt.u32 s8, $0xFFFFF086  }
0x1c: {  	p1 =	slt.u32 s9, $0xF7A;
	s5 =	simm.s32 @!p2 $0x0  }
0x1d: {  	s5 =	simm.s32 @p1 $0x1;
	p0 =	seq.s32 s7, s2  }
0x1e: {  	s7 =	smul.u32 @!p0 $0xF7A, s2;
	p2 =	seq.s32 @!p0 s5, $0x0  }
0x1f: {  	s9 =	smul.u32 $0xF7A, s1;
	s8 =	simm.s32 @!p0 $0x1BF5;
	p2 =	por !p2, p0  }
0x20: {  	[sflag:s8] =	ssyncset.s32 @!p0 $0xFFFFF086;
	s6 =	sadd.s32 @!p0 s3, s7;
	s7 =	simm.s32 @!p0 $0x108  }
0x21: {  	s3 =	sadd.s32 s3, s9;
	s6 =	sadd.s32 @!p0 $0x88, s6;
	s7 =	simm.s32 @p2 $0x1082  }
0x22: {  	[simem:s7], [sflag:s8] =	dma.local @!p0 [hbm:s6], $0xF7A  }
0x23: {  	s9 =	sor.u32 $0xD0000000, s2;
	s6 =	simm.s32 $0x108;
	_ =	swait.ge @!p0 [sflag:s8], $0x0  }
0x24: {  	s3 =	sadd.s32 $0x88, s3;
	s6 =	simm.s32 @!p1 $0x1082;
	[sflag:s4] =	ssyncset.s32 $0xFFFFF086  }
0x25: {  	[simem:s6], [sflag:s4] =	dma.local [hbm:s3], $0xF7A  }
0x26: {  	[smem:$0x3F9B] =	sst s1;
	(tag) =	ssettag s2;
	_ =	strace s9  }
0x27: {  	s1 =	sld [smem:$0x3FAB]  }
0x28: {  	s2 =	sld [smem:$0x3FAC]  }
0x29: {  	s4 =	sld [smem:$0x3FAE]  }
0x2a: {  	p0 =	seq.s32 s5, $0x0;
	s5 =	sld [smem:$0x3FAF]  }
0x2b: {  	s6 =	sld [smem:$0x3FB0]  }
0x2c: {  	s7 =	sld [smem:$0x3FB1]  }
0x2d: {  	s3 =	simm.s32 $0x108;
	s8 =	sld [smem:$0x3FB2]  }
0x2e: {  	s3 =	simm.s32 @!p0 $0x1082;
	s9 =	sld [smem:$0x3FB3]  }
0x2f: {  	lr =	sadd.s32 s0, s3;
	s0 =	sld [smem:$0x3FAA]  }
0x30: {  	s3 =	sld [smem:$0x3FAD]  }
0x31: {  	[smem:$0x3FB6] =	sst s10  }
0x32: {  	s10 =	sld [smem:$0x3FB4];
	_ =	sdelay $0x3  }
0x33: {  	p0 =	seq.s32 s10, $0x1;
	s10 =	sld [smem:$0x3FB6];
	_ =	sdelay $0x3  }
0x34: {  	[smem:$0x3FB6] =	sst s10  }
0x35: {  	s10 =	sld [smem:$0x3FB5];
	_ =	sdelay $0x3  }
0x36: {  	p1 =	seq.s32 s10, $0x1;
	s10 =	sld [smem:$0x3FB6];
	_ =	sdelay $0x3  }
0x37: {  	[smem:$0x3FB6] =	sst s10  }
0x38: {  	s10 =	sld [smem:$0x3FB7]  }
0x39: {  	_ = 	snop;
	(pc) =	sbr.ind lr, $3  }
0x3a: {  	_ = 	snop  }
0x3b: {  	_ = 	snop  }
0x3c: {  	p2 =	seq.s32 s10, $0x1;
	s10 =	sld [smem:$0x3FB6]  }
0x3d: {  	_ =	shalt  }
0x3e: {  	_ =	shalt  }
0x3f: {  	_ =	shalt  }
0x40: {  	_ =	shalt  }
0x41: {  	_ =	shalt  }
0x42: {  	_ =	shalt  }
0x43: {  	_ =	shalt  }
0x44: {  	_ =	shalt  }
0x45: {  	_ =	shalt  }
0x46: {  	_ =	shalt  }
0x47: {  	_ =	shalt  }
0x48: {  	_ =	shalt  }
0x49: {  	_ =	shalt  }
0x4a: {  	_ =	shalt  }
0x4b: {  	_ =	shalt  }
0x4c: {  	_ =	shalt  }
0x4d: {  	_ =	shalt  }
0x4e: {  	_ =	shalt  }
0x4f: {  	_ =	shalt  }
0x50: {  	_ =	shalt  }
0x51: {  	_ =	shalt  }
0x52: {  	_ =	shalt  }
0x53: {  	_ =	shalt  }
0x54: {  	_ =	shalt  }
0x55: {  	_ =	shalt  }
0x56: {  	_ =	shalt  }
0x57: {  	_ =	shalt  }
0x58: {  	_ =	shalt  }
0x59: {  	_ =	shalt  }
0x5a: {  	_ =	shalt  }
0x5b: {  	_ =	shalt  }
0x5c: {  	_ =	shalt  }
0x5d: {  	_ =	shalt  }
0x5e: {  	_ =	shalt  }
0x5f: {  	_ =	shalt  }
0x60: {  	_ =	shalt  }
0x61: {  	_ =	shalt  }
0x62: {  	_ =	shalt  }
0x63: {  	_ =	shalt  }
0x64: {  	_ =	shalt  }
0x65: {  	_ =	shalt  }
0x66: {  	_ =	shalt  }
0x67: {  	_ =	shalt  }
0x68: {  	_ =	shalt  }
0x69: {  	_ =	shalt  }
0x6a: {  	_ =	shalt  }
0x6b: {  	_ =	shalt  }
0x6c: {  	_ =	shalt  }
0x6d: {  	_ =	shalt  }
0x6e: {  	_ =	shalt  }
0x6f: {  	_ =	shalt  }
0x70: {  	_ =	shalt  }
0x71: {  	_ =	shalt  }
0x72: {  	_ =	shalt  }
0x73: {  	_ =	shalt  }
0x74: {  	_ =	shalt  }
0x75: {  	_ =	shalt  }
0x76: {  	_ =	shalt  }
0x77: {  	_ =	shalt  }
0x78: {  	_ =	shalt  }
0x79: {  	_ =	shalt  }
0x7a: {  	_ =	shalt  }
0x7b: {  	_ =	shalt  }
0x7c: {  	_ =	shalt  }
0x7d: {  	_ =	shalt  }
0x7e: {  	_ =	shalt  }
0x7f: {  	_ =	shalt  }
0x80: {  	_ =	shalt  }
0x81: {  	_ =	shalt  }
0x82: {  	_ =	shalt  }
0x83: {  	_ =	shalt  }
0x84: {  	_ =	shalt  }
0x85: {  	_ =	shalt  }
0x86: {  	_ =	shalt  }
0x87: {  	_ =	shalt  }
.Lfunc_end0:
.L_simem_size_0:
called_computation_lowered:
.L_overlay_start_0:
0x88: {  	s2 =	sld [smem:$0x3FD9]  }
0x89: {  	s3 =	sld [smem:$0x3FFE];
	_ =	sdelay $0x1  }
0x8a: {  	s1 =	srdreg.scid  }
0x8b: {  	s0 =	sand.u32 $0x1, s1  }
0x8c: {  	s14 =	sshll.u32 s0, $0xA;
	s2 =	sadd.s32 s3, s2  }
0x8d: {  	s2 =	sadd.s32 s2, s14  }
0x8e: {  	[smem:$0x3FC2] =	sst s2  }
0x8f: {  	_ = 	snop  }
0x90: {  	s2 =	sld [smem:$0x3FD0];
	_ =	sdelay $0x2  }
0x91: {  	s15 =	simm.s32 $0xA;
	s4 =	simm.s32 $0x10  }
0x92: {  	[smem:s4], [sflag:s15] =	dma.local [hbm:s2], $0x1  }
0x93: {  	_ =	swait.eq [sflag:s15], $0x1  }
0x94: {  	[sflag:s15] =	ssyncset.done $0x0  }
0x95: {  	s16 =	sld [smem:$0x10];
	[sflag:s15] =	ssyncadd.s32 $0xFFFFFFFF  }
0x96: {  	s17 =	sld [smem:$0x11];
	(tm) =	ssettm $0x1  }
0x97: {  	s18 =	sld [smem:$0x3FFB];
	_ =	sdelay $0x3  }
0x98: {  	_ =	strace s18  }
0x99: {  	s4 =	sld [smem:$0x3FFC];
	_ =	sdelay $0x3  }
0x9a: {  	_ =	strace s4  }
0x9b: {  	s4 =	sld [smem:$0x3FFD];
	_ =	sdelay $0x3  }
0x9c: {  	_ =	strace s4  }
0x9d: {  	_ =	strace $0x8FFFFFFF  }
0x9e: {  	s19 =	sld [smem:$0x3FDB];
	_ =	sdelay $0x1  }
0x9f: {  	s5 =	simm.s32 $_scs_section_size  }
0xa0: {  	s6 =	simm.s32 $_size__tile_overlayer_lowered;
	s7 =	simm.s32 $_tile_overlayer_lowered  }
0xa1: {  	s22 =	simm.s32 $0x1BFF;
	s21 =	sshll.u32 s7, $0x1;
	s4 =	sadd.s32 s5, s19  }
0xa2: {  	s8 =	simm.s32 $0x0;
	s20 =	sshll.u32 s6, $0x1;
	s6 =	sadd.s32 s21, s4  }
0xa3: {  	[timem:s8], [sflag:s22] =	dma.local [hbm:s6], s20  }
0xa4: {  	_ =	swait.ge [sflag:s22], s20  }
0xa5: {  	s5 =	ssub.s32 $0x0, s20;
	[sflag:s22] =	ssyncset.done $0x0  }
0xa6: {  	[sflag:s22] =	ssyncadd.s32 s5;
	_ =	sdelay $0x1  }
0xa7: {  	s23 =	simm.s32 $0x1B8B  }
0xa8: {  	_ =	swait.ge [sflag:s23], $0x1  }
0xa9: {  	[sflag:s23] =	ssyncset.done $0x0  }
0xaa: {  	s25 =	simm.s32 $0x1B8E;
	s24 =	sld [smem:$0x3FFE];
	[sflag:s23] =	ssyncadd.s32 $0xFFFFFFFF  }
0xab: {  	s26 =	simm.s32 $execute0_lowered;
	[smem:$0x3FD2] =	sst s25  }
0xac: {  	s6 =	sshll.u32 s26, $0x1;
	_ =	strace $0x80000046;
	[dreg:$0x1] =	wrdreg $0xFFFFFFFF  }
0xad: {  	s28 =	simm.s32 $_size_execute0_lowered;
	s4 =	sadd.s32 s4, s6;
	[dreg:$0x0] =	wrdreg $0x0  }
0xae: {  	s6 =	sshll.u32 s28, $0x1;
	[dreg:$0x2] =	wrdreg s4  }
0xaf: {  	[dreg:$0x3] =	wrdreg s6  }
0xb0: {  	[dreg:$0x4] =	wrdreg $0xC0  }
0xb1: {  	_ =	task [dreg:s8], $0x5FFFF  }
0xb2: {  	[dreg:$0x1] =	wrdreg $0xFFFFFFFF  }
0xb3: {  	[dreg:$0x0] =	wrdreg $0x60  }
0xb4: {  	[dreg:$0x2] =	wrdreg s24  }
0xb5: {  	[dreg:$0x3] =	wrdreg s16  }
0xb6: {  	[dreg:$0x4] =	wrdreg s17  }
0xb7: {  	[dreg:$0x5] =	wrdreg $0x0  }
0xb8: {  	[dreg:$0x6] =	wrdreg $0x9  }
0xb9: {  	_ =	task.clear_ibuf [dreg:s8], $0x7FFFF;
	_ =	strace $0x90000046  }
0xba: {  	s29 =	simm.s32 $0x9;
	_ =	strace $0x80000048  }
0xbb: {  	_ =	swait.ge [sflag:s29], $0x1  }
0xbc: {  	[sflag:s29] =	ssyncadd.s32 $0xFFFFFFFF  }
0xbd: {  	_ =	strace $0x90000048  }
0xbe: {  	_ =	sfence  }
0xbf: {  	s30 =	sld [smem:$0x0];
	_ =	sdelay $0x2  }
0xc0: {  	s31 =	sshll.u32 s1, $0xD;
	s1 =	sshrl.u32 s1, $0x2  }
0xc1: {  	s3 =	sand.u32 $0x4000, s31;
	s1 =	sadd.s32 s1, s30  }
0xc2: {  	s0 =	sor.u32 s3, s0;
	s1 =	sshll.u32 s1, $0x11  }
0xc3: {  	s0 =	sor.u32 s1, s0  }
0xc4: {  	s0 =	sadd.s32 $0x8F2B, s0  }
0xc5: {  	[sflag:s0] =	ssyncadd.remote.s32 $0x1  }
0xc6: {  	_ =	sfence.sel $0xFFFF  }
0xc7: {  	[dreg:$0x0] =	wrdreg $0xFFFFFFFF;
	(pc) =	sbr.abs _section_cstart, $3  }
0xc8: {  	[dreg:$0x1] =	wrdreg $0xFFFFFFFF  }
0xc9: {  	_ =	task.clear_ibuf [dreg:s8], $0x2FFFF;
	_ =	strace $0x9FFFFFFF  }
0xca: {  	(tm) =	ssettm $0x7FFFFFFF  }
0xcb: {  	_ =	shalt  }
tec
execute0_lowered:
.L_overlay_start_1:
0x0: {  	(tag) =	ssettag $0x1  }
0x1: {  	s4 =	rddreg [dreg:$0x0]  }
0x2: {  	s10 =	rddreg [dreg:$0x1]  }
0x3: {  	s0 =	rddreg [dreg:$0x2]  }
0x4: {  	s1 =	rddreg [dreg:$0x3];
	s2 =	simm.s32 $0x0  }
0x5: {  	[smem:$0x7FF] =	sst s2  }
0x6: {  	s3 =	sadd.s32 $0x27C00, s4;
	s20 =	sadd.s32 $0xA00, s4;
	s9 =	sadd.s32 $0x58E00, s4  }
0x7: {  	s21 =	sadd.s32 $0x62E00, s4;
	s8 =	sadd.s32 $0x4EE00, s4;
	s25 =	sadd.s32 $0x6CE00, s4  }
0x8: {  	s4 =	sadd.s32 $0x76E00, s4;
	_ =	strace $0x80000047;
	[dreg:$0xf] =	wrdreg s3  }
0x9: {  	[dreg:$0x10] =	wrdreg s4  }
0xa: {  	s5 =	srdreg.scid;
	[dreg:$0xe] =	wrdreg s21  }
0xb: {  	s22 =	stileid.u32;
	[dreg:$0x14] =	wrdreg s9  }
0xc: {  	s18 =	smul.u32 $0x2700, s22;
	[dreg:$0x9] =	wrdreg s8  }
0xd: {  	s11 =	sand.u32 $0x1, s5;
	s12 =	smul.u32 $0x4E000, s22;
	[dreg:$0xd] =	wrdreg s25  }
0xe: {  	s7 =	smul.u32 $0x9F0, s22;
	[smem:$0x7FD] =	sst s20;
	s26 =	sadd.s32 s10, s18  }
0xf: {  	s14 =	smul.u32 $0x4F80, s22;
	s10 =	sadd.s32 $0x24900, s10;
	[dreg:$0x12] =	wrdreg s26  }
0x10: {  	s23 =	smul.u32 $0x9F, s22;
	s29 =	sadd.s32 s21, s7;
	[dreg:$0x13] =	wrdreg s10  }
0x11: {  	s6 =	ssub.s32 $0x2, s11;
	s3 =	sadd.s32 s8, s7;
	[dreg:$0xa] =	wrdreg s29  }
0x12: {  	s13 =	sshrl.u32 s6, $0x1;
	s31 =	sadd.s32 $0x9, s23;
	[dreg:$0xb] =	wrdreg s3  }
0x13: {  	s12 =	sshrl.u32 s12, $0x2;
	s30 =	sadd.s32 $0xA, s23;
	[dreg:$0x7] =	wrdreg s31  }
0x14: {  	s24 =	sshrl.u32 s14, $0x3;
	s19 =	sadd.s32 $0xB, s23;
	[dreg:$0x5] =	wrdreg s30  }
0x15: {  	s4 =	ssub.s32 s6, s13;
	s12 =	sadd.s32 s12, s1;
	[dreg:$0x6] =	wrdreg s19  }
0x16: {  	s6 =	sadd.s32 s9, s7;
	s7 =	sadd.s32 s25, s7;
	[dreg:$0x11] =	wrdreg s12  }
0x17: {  	s14 =	sadd.s32 $0x10, s24;
	[dreg:$0xc] =	wrdreg s7  }
0x18: {  	s5 =	sadd.s32 s9, s14;
	[dreg:$0x8] =	wrdreg s6  }
0x19: {  	s10 =	sadd.s32 s21, s14;
	[dreg:$0x15] =	wrdreg s5  }
0x1a: {  	p0 =	seq.s32 s11, $0x1;
	s11 =	sadd.s32 s8, s14;
	[dreg:$0x16] =	wrdreg s10  }
0x1b: {  	s15 =	sadd.s32 $0x20, s24;
	s12 =	sadd.s32 s25, s14;
	[dreg:$0x17] =	wrdreg s11  }
0x1c: {  	s16 =	sadd.s32 $0x30, s24;
	s14 =	sadd.s32 s9, s15;
	[dreg:$0x18] =	wrdreg s12  }
0x1d: {  	s17 =	sadd.s32 $0x40, s24;
	s23 =	sadd.s32 s21, s15;
	[dreg:$0x19] =	wrdreg s14  }
0x1e: {  	s13 =	sadd.s32 $0x50, s24;
	s24 =	sadd.s32 s8, s15;
	[dreg:$0x1a] =	wrdreg s23  }
0x1f: {  	s26 =	sadd.s32 s25, s15;
	[dreg:$0x1b] =	wrdreg s24  }
0x20: {  	s29 =	sadd.s32 s9, s16;
	[dreg:$0x1c] =	wrdreg s26  }
0x21: {  	s3 =	sadd.s32 s21, s16;
	[dreg:$0x1d] =	wrdreg s29  }
0x22: {  	s15 =	sadd.s32 s25, s17;
	[dreg:$0x1e] =	wrdreg s3  }
0x23: {  	s5 =	sadd.s32 s8, s16;
	[smem:$0x7F4] =	sst s15  }
0x24: {  	s10 =	sadd.s32 s25, s16;
	[dreg:$0x1f] =	wrdreg s5  }
0x25: {  	s11 =	sadd.s32 s9, s17;
	[smem:$0x7F0] =	sst s10  }
0x26: {  	s12 =	sadd.s32 s21, s17;
	[smem:$0x7F1] =	sst s11  }
0x27: {  	s14 =	sadd.s32 s8, s17;
	[smem:$0x7F2] =	sst s12  }
0x28: {  	s28 =	simm.s32 $0x13900;
	s16 =	sadd.s32 s9, s13;
	[smem:$0x7F3] =	sst s14  }
0x29: {  	p1 =	seq.s32 s22, $0xF;
	s17 =	sadd.s32 s21, s13;
	[smem:$0x7F5] =	sst s16  }
0x2a: {  	s22 =	simm.s32 $0x6;
	s21 =	sadd.s32 s8, s13;
	[smem:$0x7F6] =	sst s17  }
0x2b: {  	s7 =	simm.s32 $0x1F900;
	s23 =	sadd.s32 s25, s13;
	[smem:$0x7F7] =	sst s21  }
0x2c: {  	s24 =	sadd.s32 s0, s18;
	s0 =	sadd.s32 $0x24900, s0;
	[smem:$0x7F8] =	sst s23  }
0x2d: {  	s26 =	smax.u32 s4, $0x1;
	s29 =	sadd.s32 $0x124800, s1;
	[smem:$0x7F9] =	sst s24  }
0x2e: {  	s4 =	simm.s32 $0x8;
	s18 =	simm.s32 $0x1B900;
	[smem:$0x7FA] =	sst s0  }
.Ltmp0:
0x2f: {  	s13 =	simm.s32 $0x4;
	[smem:$0x7FB] =	sst s26;
	(pc) =	sbr.rel .LBB2_1-.Ltmp0, $4  }
0x30: {  	s15 =	simm.s32 $0x3;
	[smem:$0x7FC] =	sst s29;
	s26 =	simm.s32 $0x80  }
0x31: {  	s5 =	simm.s32 $0x17900;
	s10 =	simm.s32 $0x1;
	s17 =	simm.s32 $0x9  }
0x32: {  	s12 =	simm.s32 $0x2;
	s14 =	simm.s32 $0xA;
	s16 =	simm.s32 $0x5  }
0x33: {  	s21 =	simm.s32 $0xB;
	s23 =	simm.s32 $0xC;
	s24 =	simm.s32 $0x0  }
.LBB2_7:
0x34: {  	[sflag:s0] =	ssyncadd.s32 $0xFFFFC000;
	s19 =	simm.s32 $0x3  }
0x35: {  	[spmem:s1] =	stream.indirect.scatter.add.f32 [tilespmem:s5], [sflag:$0x5], $0x80, s8, s26, $0xb8;
	[tilespmem:$0x1FF00] =	vst v63  }
0x36: {  	_ =	swait.ge [sflag:s19], $0x4000  }
0x37: {  	[sflag:s19] =	ssyncset.done $0x0  }
0x38: {  	s21 =	simm.s32 $0x4;
	[sflag:s19] =	ssyncadd.s32 $0xFFFFC000  }
0x39: {  	[spmem:s1] =	stream.indirect.scatter.add.f32 [tilespmem:s18], [sflag:$0x6], $0x80, s7, s26, $0xb8;
	[tilespmem:$0x1FF00] =	vst v63  }
0x3a: {  	_ =	swait.ge [sflag:s21], $0x4000  }
0x3b: {  	[sflag:s21] =	ssyncset.done $0x0  }
0x3c: {  	s22 =	simm.s32 $0x5;
	[sflag:s21] =	ssyncadd.s32 $0xFFFFC000  }
0x3d: {  	_ =	swait.ge [sflag:s22], $0x4000  }
0x3e: {  	[sflag:s22] =	ssyncset.done $0x0  }
0x3f: {  	s23 =	simm.s32 $0x6;
	[sflag:s22] =	ssyncadd.s32 $0xFFFFC000  }
0x40: {  	_ =	swait.ge [sflag:s23], $0x4000  }
0x41: {  	[sflag:s23] =	ssyncset.done $0x0  }
0x42: {  	s24 =	simm.s32 $0xA;
	[sflag:s23] =	ssyncadd.s32 $0xFFFFC000  }
0x43: {  	_ =	swait.ge [sflag:s24], $0x80  }
0x44: {  	[sflag:s24] =	ssyncset.done $0x0  }
0x45: {  	[sflag:s24] =	ssyncadd.s32 $0xFFFFFF80  }
0x46: {  	_ =	swait.ge [sflag:s24], $0x80  }
0x47: {  	[sflag:s24] =	ssyncset.done $0x0  }
0x48: {  	s25 =	simm.s32 $0xB;
	[sflag:s24] =	ssyncadd.s32 $0xFFFFFF80  }
0x49: {  	_ =	swait.ge [sflag:s25], $0x80  }
0x4a: {  	[sflag:s25] =	ssyncset.done $0x0  }
0x4b: {  	[sflag:s25] =	ssyncadd.s32 $0xFFFFFF80  }
0x4c: {  	_ =	swait.ge [sflag:s25], $0x80  }
0x4d: {  	[sflag:s25] =	ssyncset.done $0x0  }
0x4e: {  	s30 =	simm.s32 $0xC;
	[sflag:s25] =	ssyncadd.s32 $0xFFFFFF80  }
0x4f: {  	_ =	swait.ge [sflag:s30], $0x80  }
0x50: {  	[sflag:s30] =	ssyncset.done $0x0  }
0x51: {  	[sflag:s30] =	ssyncadd.s32 $0xFFFFFF80  }
0x52: {  	_ =	swait.ge [sflag:s30], $0x80  }
0x53: {  	[sflag:s30] =	ssyncset.done $0x0  }
0x54: {  	[sflag:s30] =	ssyncadd.s32 $0xFFFFFF80  }
0x55: {  	[bflag:$0x0] =	sbarrier.arrive $0xFFFF  }
0x56: {  	s6 =	sld [smem:$0x7FA]  }
0x57: {  	s7 =	sld [smem:$0x7ED];
	_ =	sdelay $0x1  }
0x58: {  	s0 =	simm.s32 @p1 $0x1FCD  }
0x59: {  	[hbm:s6], [sflag:s0] =	dma.local @p1 [spmem:s7], $0x2800  }
0x5a: {  	s0 =	simm.s32 @p1 $0xD  }
0x5b: {  	_ =	swait.ge @p1 [sflag:s0], $0x2800  }
0x5c: {  	s6 =	sld [smem:$0x7EE]  }
0x5d: {  	[sflag:s0] =	ssyncset.done @p1 $0x0;
	s7 =	sld [smem:$0x7EF]  }
0x5e: {  	[sflag:s0] =	ssyncadd.s32 @p1 $0xFFFFD800;
	s0 =	sld [smem:$0x7F9]  }
0x5f: {  	s29 =	stileid.u32  }
0x60: {  	s4 =	simm.s32 $0x8;
	s10 =	simm.s32 $0x1;
	s17 =	simm.s32 $0x9  }
0x61: {  	[hbm:s0], [sflag:s6] =	dma.local @!p1 [spmem:s7], $0x2700  }
0x62: {  	s12 =	simm.s32 $0x2;
	s13 =	simm.s32 $0x4;
	s0 =	simm.s32 @!p1 $0xD  }
0x63: {  	s14 =	simm.s32 $0xA;
	s15 =	simm.s32 $0x3;
	_ =	swait.ge @!p1 [sflag:s0], $0x2700  }
0x64: {  	s16 =	simm.s32 $0x5;
	s21 =	simm.s32 $0xB;
	s24 =	sld [smem:$0x7EC]  }
0x65: {  	s22 =	simm.s32 $0x6;
	[sflag:s0] =	ssyncset.done @!p1 $0x0;
	s8 =	rddreg [dreg:$0x9]  }
0x66: {  	s23 =	simm.s32 $0xC;
	s25 =	rddreg [dreg:$0xd];
	[sflag:s0] =	ssyncadd.s32 @!p1 $0xFFFFD900  }
.LBB2_8:
0x67: {  	s0 =	sld [smem:$0x7FB];
	_ =	sdelay $0x1  }
0x68: {  	s24 =	sadd.s32 $0x1, s24  }
0x69: {  	p2 =	sne.s32 s24, s0  }
.Ltmp1:
0x6a: {  	_ = 	snop;
	(pc) =	sbr.rel @!p2 .LBB2_9-.Ltmp1, $3  }
0x6b: {  	_ =	sdelay $0x1  }
0x6c: {  	s6 =	rddreg [dreg:$0x8]  }
0x6d: {  	s9 =	rddreg [dreg:$0x14];
	s7 =	simm.s32 $0x1F900  }
.LBB2_1:
0x6e: {  	s0 =	sld [smem:$0x7FC];
	_ =	sdelay $0x1  }
0x6f: {  	[smem:$0x7EC] =	sst s24  }
0x70: {  	s19 =	sshrl.u32 @p1 s0, $0x3;
	s0 =	rddreg [dreg:$0x10]  }
0x71: {  	s24 =	simm.s32 @p1 $0x1FCD;
	[smem:$0x7ED] =	sst s19  }
0x72: {  	[spmem:s19], [sflag:s24] =	dma.local @p1 [hbm:s0], $0x2900  }
0x73: {  	s24 =	simm.s32 @p1 $0xD  }
0x74: {  	s19 =	stileid.u32;
	_ =	swait.ge @p1 [sflag:s24], $0x2900  }
0x75: {  	s29 =	sshll.u32 @!p1 s19, $0x6;
	[sflag:s24] =	ssyncset.done @p1 $0x0  }
0x76: {  	s19 =	sor.u32 @!p1 $0x1C0D, s29;
	[sflag:s24] =	ssyncadd.s32 @p1 $0xFFFFD700;
	s24 =	rddreg [dreg:$0x11]  }
0x77: {  	[smem:$0x7EE] =	sst s19;
	s24 =	sshrl.u32 @!p1 s24, $0x3  }
0x78: {  	[smem:$0x7EF] =	sst s24  }
0x79: {  	[spmem:s24], [sflag:s19] =	dma.local @!p1 [hbm:s0], $0x2700  }
0x7a: {  	s24 =	simm.s32 @!p1 $0xD  }
.Ltmp2:
0x7b: {  	_ =	swait.ge @!p1 [sflag:s24], $0x2700;
	(pc) =	sbr.rel @!p0 .LBB2_2-.Ltmp2, $4  }
0x7c: {  	[sflag:s24] =	ssyncset.done @!p1 $0x0  }
0x7d: {  	[sflag:s24] =	ssyncadd.s32 @!p1 $0xFFFFD900  }
0x7e: {  	[bflag:$0x0] =	sbarrier.arrive $0xFFFF  }
0x7f: {  	s24 =	simm.s32 $0x0  }
0x80: {  	s0 =	simm.s32 $0x1F900;
	s19 =	rddreg [dreg:$0xb]  }
0x81: {  	[tilespmem:s0], [sflag:$0x7] =	stream.linear.gather [hbm4b:s19+s24], $0x80, $0x38;
	[tilespmem:$0x1FF00] =	vst v63  }
0x82: {  	s30 =	rddreg [dreg:$0xc];
	s14 =	simm.s32 $0x1F980  }
0x83: {  	[tilespmem:s14], [sflag:$0x7] =	stream.linear.gather [hbm4b:s30+s24], $0x80, $0x38;
	[tilespmem:$0x1FF00] =	vst v63  }
0x84: {  	s15 =	rddreg [dreg:$0x17];
	s3 =	simm.s32 $0x1FA00  }
0x85: {  	[tilespmem:s3], [sflag:$0x8] =	stream.linear.gather [hbm4b:s15+s24], $0x80, $0x38;
	[tilespmem:$0x1FF00] =	vst v63  }
0x86: {  	s17 =	rddreg [dreg:$0x18];
	s7 =	simm.s32 $0x1FA80  }
0x87: {  	[tilespmem:s7], [sflag:$0x8] =	stream.linear.gather [hbm4b:s17+s24], $0x80, $0x38;
	[tilespmem:$0x1FF00] =	vst v63  }
0x88: {  	s9 =	smov.u32 s25;
	s21 =	rddreg [dreg:$0x1b];
	s22 =	simm.s32 $0x1FB00  }
0x89: {  	[tilespmem:s22], [sflag:$0x9] =	stream.linear.gather [hbm4b:s21+s24], $0x80, $0x38;
	[tilespmem:$0x1FF00] =	vst v63  }
0x8a: {  	s23 =	rddreg [dreg:$0x1c];
	s25 =	simm.s32 $0x1FB80;
	s4 =	simm.s32 $0x7  }
0x8b: {  	[tilespmem:s25], [sflag:$0x9] =	stream.linear.gather [hbm4b:s23+s24], $0x80, $0x38;
	[tilespmem:$0x1FF00] =	vst v63  }
0x8c: {  	_ =	swait.ge [sflag:s4], $0x80  }
0x8d: {  	[sflag:s4] =	ssyncset.done $0x0  }
0x8e: {  	[sflag:s4] =	ssyncadd.s32 $0xFFFFFF80  }
0x8f: {  	_ =	swait.ge [sflag:s4], $0x80  }
0x90: {  	[sflag:s4] =	ssyncset.done $0x0  }
0x91: {  	s16 =	simm.s32 $0x1F900;
	s3 =	rddreg [dreg:$0x1f];
	[sflag:s4] =	ssyncadd.s32 $0xFFFFFF80  }
0x92: {  	[tilespmem:s28], [sflag:$0x1] =	stream.indirect.gather [hbm4b:s20+s26], $0x80, s16, s26, $0xb8;
	[tilespmem:$0x1FF00] =	vst v63  }
0x93: {  	s0 =	sld [smem:$0x7F0];
	s16 =	simm.s32 $0x1FC00  }
0x94: {  	[tilespmem:s16], [sflag:$0xA] =	stream.linear.gather [hbm4b:s3+s24], $0x80, $0x38;
	[tilespmem:$0x1FF00] =	vst v63  }
0x95: {  	s10 =	simm.s32 $0x8;
	s3 =	simm.s32 $0x1FC80  }
0x96: {  	[tilespmem:s3], [sflag:$0xA] =	stream.linear.gather [hbm4b:s0+s24], $0x80, $0x38;
	[tilespmem:$0x1FF00] =	vst v63  }
0x97: {  	_ =	swait.ge [sflag:s10], $0x80  }
0x98: {  	[sflag:s10] =	ssyncset.done $0x0  }
0x99: {  	[sflag:s10] =	ssyncadd.s32 $0xFFFFFF80  }
0x9a: {  	_ =	swait.ge [sflag:s10], $0x80  }
0x9b: {  	[sflag:s10] =	ssyncset.done $0x0  }
0x9c: {  	s11 =	simm.s32 $0x1FA00;
	s3 =	sld [smem:$0x7F3];
	[sflag:s10] =	ssyncadd.s32 $0xFFFFFF80  }
0x9d: {  	[tilespmem:s5], [sflag:$0x2] =	stream.indirect.gather [hbm4b:s20+s26], $0x80, s11, s26, $0xb8;
	[tilespmem:$0x1FF00] =	vst v63  }
0x9e: {  	s0 =	sld [smem:$0x7F4];
	s11 =	simm.s32 $0x1FD00  }
0x9f: {  	[tilespmem:s11], [sflag:$0xB] =	stream.linear.gather [hbm4b:s3+s24], $0x80, $0x38;
	[tilespmem:$0x1FF00] =	vst v63  }
0xa0: {  	s6 =	simm.s32 $0x1;
	s3 =	simm.s32 $0x1FD80  }
0xa1: {  	[tilespmem:s3], [sflag:$0xB] =	stream.linear.gather [hbm4b:s0+s24], $0x80, $0x38;
	[tilespmem:$0x1FF00] =	vst v63  }
0xa2: {  	_ =	swait.ge [sflag:s6], $0x4000  }
0xa3: {  	[sflag:s6] =	ssyncset.done $0x0  }
0xa4: {  	s12 =	simm.s32 $0x9;
	s3 =	simm.s32 $0x1F980;
	[sflag:s6] =	ssyncadd.s32 $0xFFFFC000  }
0xa5: {  	[spmem:s1] =	stream.indirect.scatter.add.f32 [tilespmem:s28], [sflag:$0x4], $0x80, s3, s26, $0xb8;
	[tilespmem:$0x1FF00] =	vst v63  }
0xa6: {  	_ =	swait.ge [sflag:s12], $0x80  }
0xa7: {  	[sflag:s12] =	ssyncset.done $0x0  }
0xa8: {  	[sflag:s12] =	ssyncadd.s32 $0xFFFFFF80  }
0xa9: {  	_ =	swait.ge [sflag:s12], $0x80  }
0xaa: {  	[sflag:s12] =	ssyncset.done $0x0  }
0xab: {  	s15 =	simm.s32 $0x1FB00;
	s0 =	sld [smem:$0x7F7];
	[sflag:s12] =	ssyncadd.s32 $0xFFFFFF80  }
0xac: {  	[tilespmem:s18], [sflag:$0x3] =	stream.indirect.gather [hbm4b:s20+s26], $0x80, s15, s26, $0xb8;
	[tilespmem:$0x1FF00] =	vst v63  }
0xad: {  	s15 =	simm.s32 $0x1FE00  }
0xae: {  	[tilespmem:s15], [sflag:$0xC] =	stream.linear.gather [hbm4b:s0+s24], $0x80, $0x38;
	[tilespmem:$0x1FF00] =	vst v63  }
0xaf: {  	s0 =	sld [smem:$0x7F8];
	_ =	sdelay $0x1  }
0xb0: {  	s17 =	simm.s32 $0x2;
	s15 =	simm.s32 $0x1FE80  }
0xb1: {  	[tilespmem:s15], [sflag:$0xC] =	stream.linear.gather [hbm4b:s0+s24], $0x80, $0x38;
	[tilespmem:$0x1FF00] =	vst v63  }
0xb2: {  	_ =	swait.ge [sflag:s17], $0x4000  }
0xb3: {  	[sflag:s17] =	ssyncset.done $0x0  }
0xb4: {  	s21 =	simm.s32 $0x4;
	[sflag:s17] =	ssyncadd.s32 $0xFFFFC000  }
0xb5: {  	[spmem:s1] =	stream.indirect.scatter.add.f32 [tilespmem:s5], [sflag:$0x5], $0x80, s7, s26, $0xb8;
	[tilespmem:$0x1FF00] =	vst v63  }
0xb6: {  	_ =	swait.ge [sflag:s21], $0x4000  }
0xb7: {  	[sflag:s21] =	ssyncset.done $0x0  }
0xb8: {  	s29 =	simm.s32 $0xA;
	[sflag:s21] =	ssyncadd.s32 $0xFFFFC000  }
0xb9: {  	_ =	swait.ge [sflag:s29], $0x80  }
0xba: {  	[sflag:s29] =	ssyncset.done $0x0  }
0xbb: {  	[sflag:s29] =	ssyncadd.s32 $0xFFFFFF80  }
0xbc: {  	_ =	swait.ge [sflag:s29], $0x80  }
0xbd: {  	[sflag:s29] =	ssyncset.done $0x0  }
0xbe: {  	s16 =	simm.s32 $0x1FC00;
	s0 =	sadd.s32 $0x0, s19;
	[sflag:s29] =	ssyncadd.s32 $0xFFFFFF80  }
0xbf: {  	[tilespmem:s28], [sflag:$0x1] =	stream.indirect.gather [hbm4b:s20+s26], $0x80, s16, s26, $0xb8;
	[tilespmem:$0x1FF00] =	vst v63  }
0xc0: {  	s30 =	sadd.s32 $0x0, s30;
	s15 =	simm.s32 $0x1F900;
	s29 =	sadd.s32 $0x60, s0  }
0xc1: {  	[tilespmem:s15], [sflag:$0x7] =	stream.linear.gather [hbm4b:s29+s2], $0x80, $0x38;
	[tilespmem:$0x1FF00] =	vst v63  }
0xc2: {  	s13 =	simm.s32 $0x3;
	s29 =	sadd.s32 $0x60, s30  }
0xc3: {  	[tilespmem:s3], [sflag:$0x7] =	stream.linear.gather [hbm4b:s29+s2], $0x80, $0x38;
	[tilespmem:$0x1FF00] =	vst v63  }
0xc4: {  	_ =	swait.ge [sflag:s13], $0x4000  }
0xc5: {  	[sflag:s13] =	ssyncset.done $0x0  }
0xc6: {  	s14 =	simm.s32 $0x5;
	s3 =	simm.s32 $0x1FB80;
	[sflag:s13] =	ssyncadd.s32 $0xFFFFC000  }
0xc7: {  	[spmem:s1] =	stream.indirect.scatter.add.f32 [tilespmem:s18], [sflag:$0x6], $0x80, s3, s26, $0xb8;
	[tilespmem:$0x1FF00] =	vst v63  }
0xc8: {  	_ =	swait.ge [sflag:s14], $0x4000  }
0xc9: {  	[sflag:s14] =	ssyncset.done $0x0  }
0xca: {  	s22 =	simm.s32 $0xB;
	[sflag:s14] =	ssyncadd.s32 $0xFFFFC000  }
0xcb: {  	_ =	swait.ge [sflag:s22], $0x80  }
0xcc: {  	[sflag:s22] =	ssyncset.done $0x0  }
0xcd: {  	[sflag:s22] =	ssyncadd.s32 $0xFFFFFF80  }
0xce: {  	_ =	swait.ge [sflag:s22], $0x80  }
0xcf: {  	[sflag:s22] =	ssyncset.done $0x0  }
0xd0: {  	s11 =	simm.s32 $0x1FD00;
	[sflag:s22] =	ssyncadd.s32 $0xFFFFFF80  }
0xd1: {  	[tilespmem:s5], [sflag:$0x2] =	stream.indirect.gather [hbm4b:s20+s26], $0x80, s11, s26, $0xb8;
	[tilespmem:$0x1FF00] =	vst v63  }
0xd2: {  	s29 =	sadd.s32 $0x70, s0;
	s22 =	simm.s32 $0x1FA00  }
0xd3: {  	[tilespmem:s22], [sflag:$0x8] =	stream.linear.gather [hbm4b:s29+s2], $0x80, $0x38;
	[tilespmem:$0x1FF00] =	vst v63  }
0xd4: {  	s29 =	sadd.s32 $0x70, s30  }
0xd5: {  	[tilespmem:s7], [sflag:$0x8] =	stream.linear.gather [hbm4b:s29+s2], $0x80, $0x38;
	[tilespmem:$0x1FF00] =	vst v63  }
0xd6: {  	_ =	swait.ge [sflag:s6], $0x4000  }
0xd7: {  	[sflag:s6] =	ssyncset.done $0x0  }
0xd8: {  	s23 =	simm.s32 $0x6;
	s19 =	simm.s32 $0x1FC80;
	[sflag:s6] =	ssyncadd.s32 $0xFFFFC000  }
0xd9: {  	[spmem:s1] =	stream.indirect.scatter.add.f32 [tilespmem:s28], [sflag:$0x4], $0x80, s19, s26, $0xb8;
	[tilespmem:$0x1FF00] =	vst v63  }
0xda: {  	_ =	swait.ge [sflag:s23], $0x4000  }
0xdb: {  	[sflag:s23] =	ssyncset.done $0x0  }
0xdc: {  	s25 =	simm.s32 $0xC;
	[sflag:s23] =	ssyncadd.s32 $0xFFFFC000  }
0xdd: {  	_ =	swait.ge [sflag:s25], $0x80  }
0xde: {  	[sflag:s25] =	ssyncset.done $0x0  }
0xdf: {  	[sflag:s25] =	ssyncadd.s32 $0xFFFFFF80  }
0xe0: {  	_ =	swait.ge [sflag:s25], $0x80  }
0xe1: {  	[sflag:s25] =	ssyncset.done $0x0  }
0xe2: {  	[sflag:s25] =	ssyncadd.s32 $0xFFFFFF80;
	s25 =	simm.s32 $0x1FE00  }
0xe3: {  	[tilespmem:s18], [sflag:$0x3] =	stream.indirect.gather [hbm4b:s20+s26], $0x80, s25, s26, $0xb8;
	[tilespmem:$0x1FF00] =	vst v63  }
0xe4: {  	s0 =	sadd.s32 $0x80, s0;
	s7 =	simm.s32 $0x1FB00  }
0xe5: {  	[tilespmem:s7], [sflag:$0x9] =	stream.linear.gather [hbm4b:s0+s2], $0x80, $0x38;
	[tilespmem:$0x1FF00] =	vst v63  }
0xe6: {  	s22 =	sadd.s32 $0x80, s30  }
0xe7: {  	[tilespmem:s3], [sflag:$0x9] =	stream.linear.gather [hbm4b:s22+s2], $0x80, $0x38;
	[tilespmem:$0x1FF00] =	vst v63  }
0xe8: {  	_ =	swait.ge [sflag:s17], $0x4000  }
0xe9: {  	[sflag:s17] =	ssyncset.done $0x0  }
0xea: {  	s30 =	simm.s32 $0x1FD80;
	[sflag:s17] =	ssyncadd.s32 $0xFFFFC000  }
0xeb: {  	[spmem:s1] =	stream.indirect.scatter.add.f32 [tilespmem:s5], [sflag:$0x5], $0x80, s30, s26, $0xb8;
	[tilespmem:$0x1FF00] =	vst v63  }
0xec: {  	_ =	swait.ge [sflag:s21], $0x4000  }
0xed: {  	[sflag:s21] =	ssyncset.done $0x0  }
0xee: {  	[sflag:s21] =	ssyncadd.s32 $0xFFFFC000  }
0xef: {  	_ =	swait.ge [sflag:s4], $0x80  }
0xf0: {  	[sflag:s4] =	ssyncset.done $0x0  }
0xf1: {  	[sflag:s4] =	ssyncadd.s32 $0xFFFFFF80  }
0xf2: {  	s3 =	smin.u32 s24, $0x95;
	_ =	swait.ge [sflag:s4], $0x80  }
0xf3: {  	s0 =	sadd.s32 s3, s31;
	[sflag:s4] =	ssyncset.done $0x0  }
0xf4: {  	s15 =	simm.s32 $0x1F900;
	s0 =	sshll.u32 s0, $0x4;
	[sflag:s4] =	ssyncadd.s32 $0xFFFFFF80  }
0xf5: {  	[tilespmem:s28], [sflag:$0x1] =	stream.indirect.gather [hbm4b:s20+s26], $0x80, s15, s26, $0xb8;
	[tilespmem:$0x1FF00] =	vst v63  }
0xf6: {  	s16 =	simm.s32 $0x1FC00;
	s29 =	sadd.s32 s8, s0  }
0xf7: {  	[tilespmem:s16], [sflag:$0xA] =	stream.linear.gather [hbm4b:s29+s2], $0x80, $0x38;
	[tilespmem:$0x1FF00] =	vst v63  }
0xf8: {  	s0 =	sadd.s32 s9, s0  }
0xf9: {  	[tilespmem:s19], [sflag:$0xA] =	stream.linear.gather [hbm4b:s0+s2], $0x80, $0x38;
	[tilespmem:$0x1FF00] =	vst v63  }
0xfa: {  	_ =	swait.ge [sflag:s13], $0x4000  }
0xfb: {  	[sflag:s13] =	ssyncset.done $0x0  }
0xfc: {  	[sflag:s13] =	ssyncadd.s32 $0xFFFFC000;
	s13 =	simm.s32 $0x1FE80  }
0xfd: {  	[spmem:s1] =	stream.indirect.scatter.add.f32 [tilespmem:s18], [sflag:$0x6], $0x80, s13, s26, $0xb8;
	[tilespmem:$0x1FF00] =	vst v63  }
0xfe: {  	_ =	swait.ge [sflag:s14], $0x4000  }
0xff: {  	[sflag:s14] =	ssyncset.done $0x0  }
0x100: {  	[sflag:s14] =	ssyncadd.s32 $0xFFFFC000  }
0x101: {  	_ =	swait.ge [sflag:s10], $0x80  }
0x102: {  	[sflag:s10] =	ssyncset.done $0x0  }
0x103: {  	[sflag:s10] =	ssyncadd.s32 $0xFFFFFF80  }
0x104: {  	_ =	swait.ge [sflag:s10], $0x80  }
0x105: {  	s15 =	smin.u32 s24, $0x94;
	s16 =	rddreg [dreg:$0x5]  }
0x106: {  	[sflag:s10] =	ssyncset.done $0x0;
	s0 =	sadd.s32 s15, s16  }
0x107: {  	s11 =	simm.s32 $0x1FA00;
	[sflag:s10] =	ssyncadd.s32 $0xFFFFFF80;
	s0 =	sshll.u32 s0, $0x4  }
0x108: {  	[tilespmem:s5], [sflag:$0x2] =	stream.indirect.gather [hbm4b:s20+s26], $0x80, s11, s26, $0xb8;
	[tilespmem:$0x1FF00] =	vst v63  }
0x109: {  	s21 =	simm.s32 $0x1FD00;
	s29 =	sadd.s32 s8, s0  }
0x10a: {  	[tilespmem:s21], [sflag:$0xB] =	stream.linear.gather [hbm4b:s29+s2], $0x80, $0x38;
	[tilespmem:$0x1FF00] =	vst v63  }
0x10b: {  	s0 =	sadd.s32 s9, s0  }
0x10c: {  	[tilespmem:s30], [sflag:$0xB] =	stream.linear.gather [hbm4b:s0+s2], $0x80, $0x38;
	[tilespmem:$0x1FF00] =	vst v63  }
0x10d: {  	_ =	swait.ge [sflag:s6], $0x4000  }
0x10e: {  	[sflag:s6] =	ssyncset.done $0x0  }
0x10f: {  	s22 =	simm.s32 $0x1F980;
	[sflag:s6] =	ssyncadd.s32 $0xFFFFC000  }
0x110: {  	[spmem:s1] =	stream.indirect.scatter.add.f32 [tilespmem:s28], [sflag:$0x4], $0x80, s22, s26, $0xb8;
	[tilespmem:$0x1FF00] =	vst v63  }
0x111: {  	_ =	swait.ge [sflag:s23], $0x4000  }
0x112: {  	[sflag:s23] =	ssyncset.done $0x0  }
0x113: {  	[sflag:s23] =	ssyncadd.s32 $0xFFFFC000  }
0x114: {  	_ =	swait.ge [sflag:s12], $0x80  }
0x115: {  	[sflag:s12] =	ssyncset.done $0x0  }
0x116: {  	[sflag:s12] =	ssyncadd.s32 $0xFFFFFF80  }
0x117: {  	_ =	swait.ge [sflag:s12], $0x80  }
0x118: {  	s30 =	smin.u32 s24, $0x93;
	s31 =	rddreg [dreg:$0x6]  }
0x119: {  	[sflag:s12] =	ssyncset.done $0x0;
	s0 =	sadd.s32 s30, s31  }
0x11a: {  	[sflag:s12] =	ssyncadd.s32 $0xFFFFFF80;
	s0 =	sshll.u32 s0, $0x4  }
0x11b: {  	[tilespmem:s18], [sflag:$0x3] =	stream.indirect.gather [hbm4b:s20+s26], $0x80, s7, s26, $0xb8;
	[tilespmem:$0x1FF00] =	vst v63  }
0x11c: {  	s25 =	simm.s32 $0x1FE00;
	s29 =	sadd.s32 s8, s0  }
0x11d: {  	[tilespmem:s25], [sflag:$0xC] =	stream.linear.gather [hbm4b:s29+s2], $0x80, $0x38;
	[tilespmem:$0x1FF00] =	vst v63  }
0x11e: {  	s0 =	sadd.s32 s9, s0  }
0x11f: {  	[tilespmem:s13], [sflag:$0xC] =	stream.linear.gather [hbm4b:s0+s2], $0x80, $0x38;
	[tilespmem:$0x1FF00] =	vst v63  }
0x120: {  	_ =	swait.ge [sflag:s17], $0x4000  }
0x121: {  	s29 =	simm.s32 $0x60;
	[sflag:s17] =	ssyncset.done $0x0  }
.LBB2_6:
0x122: {  	s17 =	simm.s32 $0x2  }
0x123: {  	s7 =	simm.s32 $0x1FA80;
	s25 =	simm.s32 $0x4;
	[sflag:s17] =	ssyncadd.s32 $0xFFFFC000  }
0x124: {  	[spmem:s1] =	stream.indirect.scatter.add.f32 [tilespmem:s5], [sflag:$0x5], $0x80, s7, s26, $0xb8;
	[tilespmem:$0x1FF00] =	vst v63  }
0x125: {  	_ =	swait.ge [sflag:s25], $0x4000  }
0x126: {  	[sflag:s25] =	ssyncset.done $0x0  }
0x127: {  	s6 =	simm.s32 $0xA;
	[sflag:s25] =	ssyncadd.s32 $0xFFFFC000  }
0x128: {  	_ =	swait.ge [sflag:s6], $0x80  }
0x129: {  	[sflag:s6] =	ssyncset.done $0x0  }
0x12a: {  	[sflag:s6] =	ssyncadd.s32 $0xFFFFFF80  }
0x12b: {  	_ =	swait.ge [sflag:s6], $0x80  }
0x12c: {  	s15 =	rddreg [dreg:$0xb]  }
0x12d: {  	s0 =	smov.u32 s29;
	[sflag:s6] =	ssyncset.done $0x0;
	s16 =	rddreg [dreg:$0xc]  }
0x12e: {  	[sflag:s6] =	ssyncadd.s32 $0xFFFFFF80;
	s30 =	sadd.s32 s0, s15;
	s15 =	simm.s32 $0x1FC00  }
0x12f: {  	[tilespmem:s28], [sflag:$0x1] =	stream.indirect.gather [hbm4b:s20+s26], $0x80, s15, s26, $0xb8;
	[tilespmem:$0x1FF00] =	vst v63  }
0x130: {  	s31 =	sadd.s32 s0, s16;
	s6 =	simm.s32 $0x1F900;
	s19 =	sadd.s32 $0x60, s30  }
0x131: {  	[tilespmem:s6], [sflag:$0x7] =	stream.linear.gather [hbm4b:s19+s2], $0x80, $0x38;
	[tilespmem:$0x1FF00] =	vst v63  }
0x132: {  	s11 =	simm.s32 $0x1F980;
	s13 =	simm.s32 $0x3;
	s0 =	sadd.s32 $0x60, s31  }
0x133: {  	[tilespmem:s11], [sflag:$0x7] =	stream.linear.gather [hbm4b:s0+s2], $0x80, $0x38;
	[tilespmem:$0x1FF00] =	vst v63  }
0x134: {  	_ =	swait.ge [sflag:s13], $0x4000  }
0x135: {  	[sflag:s13] =	ssyncset.done $0x0  }
0x136: {  	s14 =	simm.s32 $0x5;
	s19 =	simm.s32 $0x1FB80;
	[sflag:s13] =	ssyncadd.s32 $0xFFFFC000  }
0x137: {  	[spmem:s1] =	stream.indirect.scatter.add.f32 [tilespmem:s18], [sflag:$0x6], $0x80, s19, s26, $0xb8;
	[tilespmem:$0x1FF00] =	vst v63  }
0x138: {  	_ =	swait.ge [sflag:s14], $0x4000  }
0x139: {  	[sflag:s14] =	ssyncset.done $0x0  }
0x13a: {  	s21 =	simm.s32 $0xB;
	[sflag:s14] =	ssyncadd.s32 $0xFFFFC000  }
0x13b: {  	_ =	swait.ge [sflag:s21], $0x80  }
0x13c: {  	[sflag:s21] =	ssyncset.done $0x0  }
0x13d: {  	[sflag:s21] =	ssyncadd.s32 $0xFFFFFF80  }
0x13e: {  	_ =	swait.ge [sflag:s21], $0x80  }
0x13f: {  	[sflag:s21] =	ssyncset.done $0x0  }
0x140: {  	s16 =	simm.s32 $0x1FD00;
	[sflag:s21] =	ssyncadd.s32 $0xFFFFFF80  }
0x141: {  	[tilespmem:s5], [sflag:$0x2] =	stream.indirect.gather [hbm4b:s20+s26], $0x80, s16, s26, $0xb8;
	[tilespmem:$0x1FF00] =	vst v63  }
0x142: {  	s9 =	simm.s32 $0x1FA00;
	s22 =	sadd.s32 $0x70, s30  }
0x143: {  	[tilespmem:s9], [sflag:$0x8] =	stream.linear.gather [hbm4b:s22+s2], $0x80, $0x38;
	[tilespmem:$0x1FF00] =	vst v63  }
0x144: {  	s4 =	simm.s32 $0x1;
	s23 =	sadd.s32 $0x70, s31  }
0x145: {  	[tilespmem:s7], [sflag:$0x8] =	stream.linear.gather [hbm4b:s23+s2], $0x80, $0x38;
	[tilespmem:$0x1FF00] =	vst v63  }
0x146: {  	_ =	swait.ge [sflag:s4], $0x4000  }
0x147: {  	[sflag:s4] =	ssyncset.done $0x0  }
0x148: {  	s21 =	simm.s32 $0x6;
	s23 =	simm.s32 $0x1FC80;
	[sflag:s4] =	ssyncadd.s32 $0xFFFFC000  }
0x149: {  	[spmem:s1] =	stream.indirect.scatter.add.f32 [tilespmem:s28], [sflag:$0x4], $0x80, s23, s26, $0xb8;
	[tilespmem:$0x1FF00] =	vst v63  }
0x14a: {  	_ =	swait.ge [sflag:s21], $0x4000  }
0x14b: {  	[sflag:s21] =	ssyncset.done $0x0  }
0x14c: {  	s3 =	simm.s32 $0xC;
	[sflag:s21] =	ssyncadd.s32 $0xFFFFC000  }
0x14d: {  	_ =	swait.ge [sflag:s3], $0x80  }
0x14e: {  	[sflag:s3] =	ssyncset.done $0x0  }
0x14f: {  	[sflag:s3] =	ssyncadd.s32 $0xFFFFFF80  }
0x150: {  	_ =	swait.ge [sflag:s3], $0x80  }
0x151: {  	[sflag:s3] =	ssyncset.done $0x0  }
0x152: {  	[sflag:s3] =	ssyncadd.s32 $0xFFFFFF80;
	s3 =	simm.s32 $0x1FE00  }
0x153: {  	[tilespmem:s18], [sflag:$0x3] =	stream.indirect.gather [hbm4b:s20+s26], $0x80, s3, s26, $0xb8;
	[tilespmem:$0x1FF00] =	vst v63  }
0x154: {  	s22 =	simm.s32 $0x1FB00;
	s7 =	sadd.s32 $0x80, s30  }
0x155: {  	[tilespmem:s22], [sflag:$0x9] =	stream.linear.gather [hbm4b:s7+s2], $0x80, $0x38;
	[tilespmem:$0x1FF00] =	vst v63  }
0x156: {  	s10 =	sadd.s32 $0x80, s31;
	s30 =	rddreg [dreg:$0x5]  }
0x157: {  	[tilespmem:s19], [sflag:$0x9] =	stream.linear.gather [hbm4b:s10+s2], $0x80, $0x38;
	[tilespmem:$0x1FF00] =	vst v63  }
0x158: {  	s31 =	rddreg [dreg:$0x7];
	_ =	swait.ge [sflag:s17], $0x4000  }
0x159: {  	[sflag:s17] =	ssyncset.done $0x0  }
0x15a: {  	s10 =	simm.s32 $0x1FD80;
	[sflag:s17] =	ssyncadd.s32 $0xFFFFC000  }
0x15b: {  	[spmem:s1] =	stream.indirect.scatter.add.f32 [tilespmem:s5], [sflag:$0x5], $0x80, s10, s26, $0xb8;
	[tilespmem:$0x1FF00] =	vst v63  }
0x15c: {  	_ =	swait.ge [sflag:s25], $0x4000  }
0x15d: {  	[sflag:s25] =	ssyncset.done $0x0  }
0x15e: {  	s0 =	simm.s32 $0x7;
	[sflag:s25] =	ssyncadd.s32 $0xFFFFC000  }
0x15f: {  	_ =	swait.ge [sflag:s0], $0x80  }
0x160: {  	[sflag:s0] =	ssyncset.done $0x0  }
0x161: {  	[sflag:s0] =	ssyncadd.s32 $0xFFFFFF80  }
0x162: {  	s24 =	sadd.s32 $0x6, s24;
	_ =	swait.ge [sflag:s0], $0x80  }
0x163: {  	s25 =	smin.u32 s24, $0x95;
	[sflag:s0] =	ssyncset.done $0x0  }
0x164: {  	[sflag:s0] =	ssyncadd.s32 $0xFFFFFF80;
	s0 =	sadd.s32 s25, s31  }
0x165: {  	[tilespmem:s28], [sflag:$0x1] =	stream.indirect.gather [hbm4b:s20+s26], $0x80, s6, s26, $0xb8;
	[tilespmem:$0x1FF00] =	vst v63  }
0x166: {  	s0 =	sshll.u32 s0, $0x4;
	s6 =	rddreg [dreg:$0x9]  }
0x167: {  	s25 =	rddreg [dreg:$0xd];
	s19 =	sadd.s32 s6, s0  }
0x168: {  	[tilespmem:s15], [sflag:$0xA] =	stream.linear.gather [hbm4b:s19+s2], $0x80, $0x38;
	[tilespmem:$0x1FF00] =	vst v63  }
0x169: {  	s0 =	sadd.s32 s25, s0  }
0x16a: {  	[tilespmem:s23], [sflag:$0xA] =	stream.linear.gather [hbm4b:s0+s2], $0x80, $0x38;
	[tilespmem:$0x1FF00] =	vst v63  }
0x16b: {  	_ =	swait.ge [sflag:s13], $0x4000  }
0x16c: {  	[sflag:s13] =	ssyncset.done $0x0  }
0x16d: {  	s15 =	simm.s32 $0x1FE80;
	[sflag:s13] =	ssyncadd.s32 $0xFFFFC000  }
0x16e: {  	[spmem:s1] =	stream.indirect.scatter.add.f32 [tilespmem:s18], [sflag:$0x6], $0x80, s15, s26, $0xb8;
	[tilespmem:$0x1FF00] =	vst v63  }
0x16f: {  	_ =	swait.ge [sflag:s14], $0x4000  }
0x170: {  	[sflag:s14] =	ssyncset.done $0x0  }
0x171: {  	s19 =	simm.s32 $0x8;
	[sflag:s14] =	ssyncadd.s32 $0xFFFFC000  }
0x172: {  	_ =	swait.ge [sflag:s19], $0x80  }
0x173: {  	[sflag:s19] =	ssyncset.done $0x0  }
0x174: {  	[sflag:s19] =	ssyncadd.s32 $0xFFFFFF80  }
0x175: {  	s23 =	smin.u32 s24, $0x94;
	_ =	swait.ge [sflag:s19], $0x80  }
0x176: {  	s0 =	sadd.s32 s23, s30;
	[sflag:s19] =	ssyncset.done $0x0  }
0x177: {  	s0 =	sshll.u32 s0, $0x4;
	[sflag:s19] =	ssyncadd.s32 $0xFFFFFF80  }
0x178: {  	[tilespmem:s5], [sflag:$0x2] =	stream.indirect.gather [hbm4b:s20+s26], $0x80, s9, s26, $0xb8;
	[tilespmem:$0x1FF00] =	vst v63  }
0x179: {  	s14 =	sadd.s32 s6, s0  }
0x17a: {  	[tilespmem:s16], [sflag:$0xB] =	stream.linear.gather [hbm4b:s14+s2], $0x80, $0x38;
	[tilespmem:$0x1FF00] =	vst v63  }
0x17b: {  	s0 =	sadd.s32 s25, s0  }
0x17c: {  	[tilespmem:s10], [sflag:$0xB] =	stream.linear.gather [hbm4b:s0+s2], $0x80, $0x38;
	[tilespmem:$0x1FF00] =	vst v63  }
0x17d: {  	_ =	swait.ge [sflag:s4], $0x4000  }
0x17e: {  	[sflag:s4] =	ssyncset.done $0x0  }
0x17f: {  	[sflag:s4] =	ssyncadd.s32 $0xFFFFC000  }
0x180: {  	[spmem:s1] =	stream.indirect.scatter.add.f32 [tilespmem:s28], [sflag:$0x4], $0x80, s11, s26, $0xb8;
	[tilespmem:$0x1FF00] =	vst v63  }
0x181: {  	_ =	swait.ge [sflag:s21], $0x4000  }
0x182: {  	[sflag:s21] =	ssyncset.done $0x0  }
0x183: {  	[sflag:s21] =	ssyncadd.s32 $0xFFFFC000  }
0x184: {  	_ =	swait.ge [sflag:s12], $0x80  }
0x185: {  	[sflag:s12] =	ssyncset.done $0x0  }
0x186: {  	[sflag:s12] =	ssyncadd.s32 $0xFFFFFF80  }
0x187: {  	_ =	swait.ge [sflag:s12], $0x80  }
0x188: {  	s21 =	smin.u32 s24, $0x93;
	s23 =	rddreg [dreg:$0x6]  }
0x189: {  	[sflag:s12] =	ssyncset.done $0x0;
	s0 =	sadd.s32 s21, s23  }
0x18a: {  	[sflag:s12] =	ssyncadd.s32 $0xFFFFFF80;
	s0 =	sshll.u32 s0, $0x4  }
0x18b: {  	[tilespmem:s18], [sflag:$0x3] =	stream.indirect.gather [hbm4b:s20+s26], $0x80, s22, s26, $0xb8;
	[tilespmem:$0x1FF00] =	vst v63  }
0x18c: {  	p2 =	sne.s32 s29, $0x960;
	s30 =	sadd.s32 s6, s0  }
0x18d: {  	[tilespmem:s3], [sflag:$0xC] =	stream.linear.gather [hbm4b:s30+s2], $0x80, $0x38;
	[tilespmem:$0x1FF00] =	vst v63  }
.Ltmp3:
0x18e: {  	_ = 	snop;
	(pc) =	sbr.rel @p2 .LBB2_6-.Ltmp3, $4  }
0x18f: {  	s0 =	sadd.s32 s25, s0  }
0x190: {  	[tilespmem:s15], [sflag:$0xC] =	stream.linear.gather [hbm4b:s0+s2], $0x80, $0x38;
	[tilespmem:$0x1FF00] =	vst v63  }
0x191: {  	s29 =	sadd.s32 $0x60, s29;
	s8 =	simm.s32 $0x1FA80;
	_ =	swait.ge [sflag:s17], $0x4000  }
0x192: {  	s7 =	simm.s32 $0x1FB80;
	s0 =	simm.s32 $0x2;
	[sflag:s17] =	ssyncset.done $0x0  }
.Ltmp4:
0x193: {  	_ = 	snop;
	(pc) =	sbr.rel .LBB2_7-.Ltmp4, $1  }
0x194: {  	_ =	sdelay $0x3  }
.LBB2_2:
0x195: {  	[tilespmem:s7], [sflag:$0x7] =	stream.linear.gather [hbm4b:s6+s24], $0x80, $0x38;
	[tilespmem:$0x1FF00] =	vst v63  }
0x196: {  	s19 =	rddreg [dreg:$0xa];
	s0 =	simm.s32 $0x1F980  }
0x197: {  	[tilespmem:s0], [sflag:$0x7] =	stream.linear.gather [hbm4b:s19+s24], $0x80, $0x38;
	[tilespmem:$0x1FF00] =	vst v63  }
0x198: {  	s8 =	rddreg [dreg:$0x15];
	s3 =	simm.s32 $0x1FA00  }
0x199: {  	[tilespmem:s3], [sflag:$0x8] =	stream.linear.gather [hbm4b:s8+s24], $0x80, $0x38;
	[tilespmem:$0x1FF00] =	vst v63  }
0x19a: {  	s11 =	rddreg [dreg:$0x16];
	s8 =	simm.s32 $0x1FA80  }
0x19b: {  	[tilespmem:s8], [sflag:$0x8] =	stream.linear.gather [hbm4b:s11+s24], $0x80, $0x38;
	[tilespmem:$0x1FF00] =	vst v63  }
0x19c: {  	s20 =	rddreg [dreg:$0x19];
	s25 =	simm.s32 $0x1FB00  }
0x19d: {  	[tilespmem:s25], [sflag:$0x9] =	stream.linear.gather [hbm4b:s20+s24], $0x80, $0x38;
	[tilespmem:$0x1FF00] =	vst v63  }
0x19e: {  	s11 =	rddreg [dreg:$0x1a];
	s25 =	simm.s32 $0x1FB80  }
0x19f: {  	[tilespmem:s25], [sflag:$0x9] =	stream.linear.gather [hbm4b:s11+s24], $0x80, $0x38;
	[tilespmem:$0x1FF00] =	vst v63  }
0x1a0: {  	s11 =	simm.s32 $0x7  }
0x1a1: {  	_ =	swait.ge [sflag:s11], $0x80  }
0x1a2: {  	[sflag:s11] =	ssyncset.done $0x0  }
0x1a3: {  	[sflag:s11] =	ssyncadd.s32 $0xFFFFFF80  }
0x1a4: {  	_ =	swait.ge [sflag:s11], $0x80  }
0x1a5: {  	[sflag:s11] =	ssyncset.done $0x0  }
0x1a6: {  	s3 =	rddreg [dreg:$0xf];
	[sflag:s11] =	ssyncadd.s32 $0xFFFFFF80  }
0x1a7: {  	[tilespmem:s28], [sflag:$0x1] =	stream.indirect.gather [hbm4b:s3+s26], $0x80, s7, s26, $0xb8;
	[tilespmem:$0x1FF00] =	vst v63  }
0x1a8: {  	s20 =	simm.s32 $0x1FC00;
	s0 =	rddreg [dreg:$0x1d]  }
0x1a9: {  	[tilespmem:s20], [sflag:$0xA] =	stream.linear.gather [hbm4b:s0+s24], $0x80, $0x38;
	[tilespmem:$0x1FF00] =	vst v63  }
0x1aa: {  	s0 =	rddreg [dreg:$0x1e];
	s20 =	simm.s32 $0x1FC80  }
0x1ab: {  	[tilespmem:s20], [sflag:$0xA] =	stream.linear.gather [hbm4b:s0+s24], $0x80, $0x38;
	[tilespmem:$0x1FF00] =	vst v63  }
0x1ac: {  	_ =	swait.ge [sflag:s4], $0x80  }
0x1ad: {  	[sflag:s4] =	ssyncset.done $0x0  }
0x1ae: {  	[sflag:s4] =	ssyncadd.s32 $0xFFFFFF80  }
0x1af: {  	_ =	swait.ge [sflag:s4], $0x80  }
0x1b0: {  	[sflag:s4] =	ssyncset.done $0x0  }
0x1b1: {  	s31 =	simm.s32 $0x1FA00;
	s20 =	sld [smem:$0x7F1];
	[sflag:s4] =	ssyncadd.s32 $0xFFFFFF80  }
0x1b2: {  	[tilespmem:s5], [sflag:$0x2] =	stream.indirect.gather [hbm4b:s3+s26], $0x80, s31, s26, $0xb8;
	[tilespmem:$0x1FF00] =	vst v63  }
0x1b3: {  	s0 =	sld [smem:$0x7F2];
	s31 =	simm.s32 $0x1FD00  }
0x1b4: {  	[tilespmem:s31], [sflag:$0xB] =	stream.linear.gather [hbm4b:s20+s24], $0x80, $0x38;
	[tilespmem:$0x1FF00] =	vst v63  }
0x1b5: {  	s20 =	simm.s32 $0x1FD80  }
0x1b6: {  	[tilespmem:s20], [sflag:$0xB] =	stream.linear.gather [hbm4b:s0+s24], $0x80, $0x38;
	[tilespmem:$0x1FF00] =	vst v63  }
0x1b7: {  	_ =	swait.ge [sflag:s10], $0x4000  }
0x1b8: {  	[sflag:s10] =	ssyncset.done $0x0  }
0x1b9: {  	s30 =	simm.s32 $0x1F980;
	[sflag:s10] =	ssyncadd.s32 $0xFFFFC000  }
0x1ba: {  	[spmem:s1] =	stream.indirect.scatter.add.f32 [tilespmem:s28], [sflag:$0x4], $0x80, s30, s26, $0xb8;
	[tilespmem:$0x1FF00] =	vst v63  }
0x1bb: {  	_ =	swait.ge [sflag:s17], $0x80  }
0x1bc: {  	[sflag:s17] =	ssyncset.done $0x0  }
0x1bd: {  	[sflag:s17] =	ssyncadd.s32 $0xFFFFFF80  }
0x1be: {  	_ =	swait.ge [sflag:s17], $0x80  }
0x1bf: {  	[sflag:s17] =	ssyncset.done $0x0  }
0x1c0: {  	s29 =	simm.s32 $0x1FB00;
	s31 =	sld [smem:$0x7F5];
	[sflag:s17] =	ssyncadd.s32 $0xFFFFFF80  }
0x1c1: {  	[tilespmem:s18], [sflag:$0x3] =	stream.indirect.gather [hbm4b:s3+s26], $0x80, s29, s26, $0xb8;
	[tilespmem:$0x1FF00] =	vst v63  }
0x1c2: {  	s30 =	sld [smem:$0x7F6];
	s29 =	simm.s32 $0x1FE00  }
0x1c3: {  	[tilespmem:s29], [sflag:$0xC] =	stream.linear.gather [hbm4b:s31+s24], $0x80, $0x38;
	[tilespmem:$0x1FF00] =	vst v63  }
0x1c4: {  	s29 =	simm.s32 $0x1FE80  }
0x1c5: {  	[tilespmem:s29], [sflag:$0xC] =	stream.linear.gather [hbm4b:s30+s24], $0x80, $0x38;
	[tilespmem:$0x1FF00] =	vst v63  }
0x1c6: {  	_ =	swait.ge [sflag:s12], $0x4000  }
0x1c7: {  	[sflag:s12] =	ssyncset.done $0x0  }
0x1c8: {  	[sflag:s12] =	ssyncadd.s32 $0xFFFFC000  }
0x1c9: {  	[spmem:s1] =	stream.indirect.scatter.add.f32 [tilespmem:s5], [sflag:$0x5], $0x80, s8, s26, $0xb8;
	[tilespmem:$0x1FF00] =	vst v63  }
0x1ca: {  	_ =	swait.ge [sflag:s13], $0x4000  }
0x1cb: {  	[sflag:s13] =	ssyncset.done $0x0  }
0x1cc: {  	[sflag:s13] =	ssyncadd.s32 $0xFFFFC000  }
0x1cd: {  	_ =	swait.ge [sflag:s14], $0x80  }
0x1ce: {  	[sflag:s14] =	ssyncset.done $0x0  }
0x1cf: {  	[sflag:s14] =	ssyncadd.s32 $0xFFFFFF80  }
0x1d0: {  	_ =	swait.ge [sflag:s14], $0x80  }
0x1d1: {  	[sflag:s14] =	ssyncset.done $0x0  }
0x1d2: {  	s31 =	simm.s32 $0x1FC00;
	s29 =	sadd.s32 $0x0, s6;
	[sflag:s14] =	ssyncadd.s32 $0xFFFFFF80  }
0x1d3: {  	[tilespmem:s28], [sflag:$0x1] =	stream.indirect.gather [hbm4b:s3+s26], $0x80, s31, s26, $0xb8;
	[tilespmem:$0x1FF00] =	vst v63  }
0x1d4: {  	s6 =	sadd.s32 $0x60, s29;
	s31 =	sadd.s32 $0x0, s19  }
0x1d5: {  	[tilespmem:s7], [sflag:$0x7] =	stream.linear.gather [hbm4b:s6+s2], $0x80, $0x38;
	[tilespmem:$0x1FF00] =	vst v63  }
0x1d6: {  	s20 =	simm.s32 $0x1F980;
	s19 =	sadd.s32 $0x60, s31  }
0x1d7: {  	[tilespmem:s20], [sflag:$0x7] =	stream.linear.gather [hbm4b:s19+s2], $0x80, $0x38;
	[tilespmem:$0x1FF00] =	vst v63  }
0x1d8: {  	_ =	swait.ge [sflag:s15], $0x4000  }
0x1d9: {  	[sflag:s15] =	ssyncset.done $0x0  }
0x1da: {  	[sflag:s15] =	ssyncadd.s32 $0xFFFFC000  }
0x1db: {  	[spmem:s1] =	stream.indirect.scatter.add.f32 [tilespmem:s18], [sflag:$0x6], $0x80, s25, s26, $0xb8;
	[tilespmem:$0x1FF00] =	vst v63  }
0x1dc: {  	_ =	swait.ge [sflag:s16], $0x4000  }
0x1dd: {  	[sflag:s16] =	ssyncset.done $0x0  }
0x1de: {  	[sflag:s16] =	ssyncadd.s32 $0xFFFFC000  }
0x1df: {  	_ =	swait.ge [sflag:s21], $0x80  }
0x1e0: {  	[sflag:s21] =	ssyncset.done $0x0  }
0x1e1: {  	[sflag:s21] =	ssyncadd.s32 $0xFFFFFF80  }
0x1e2: {  	_ =	swait.ge [sflag:s21], $0x80  }
0x1e3: {  	[sflag:s21] =	ssyncset.done $0x0  }
0x1e4: {  	s30 =	simm.s32 $0x1FD00;
	[sflag:s21] =	ssyncadd.s32 $0xFFFFFF80  }
0x1e5: {  	[tilespmem:s5], [sflag:$0x2] =	stream.indirect.gather [hbm4b:s3+s26], $0x80, s30, s26, $0xb8;
	[tilespmem:$0x1FF00] =	vst v63  }
0x1e6: {  	s6 =	sadd.s32 $0x70, s29;
	s19 =	simm.s32 $0x1FA00  }
0x1e7: {  	[tilespmem:s19], [sflag:$0x8] =	stream.linear.gather [hbm4b:s6+s2], $0x80, $0x38;
	[tilespmem:$0x1FF00] =	vst v63  }
0x1e8: {  	s20 =	sadd.s32 $0x70, s31  }
0x1e9: {  	[tilespmem:s8], [sflag:$0x8] =	stream.linear.gather [hbm4b:s20+s2], $0x80, $0x38;
	[tilespmem:$0x1FF00] =	vst v63  }
0x1ea: {  	_ =	swait.ge [sflag:s10], $0x4000  }
0x1eb: {  	[sflag:s10] =	ssyncset.done $0x0  }
0x1ec: {  	s8 =	simm.s32 $0x1FC80;
	[sflag:s10] =	ssyncadd.s32 $0xFFFFC000  }
0x1ed: {  	[spmem:s1] =	stream.indirect.scatter.add.f32 [tilespmem:s28], [sflag:$0x4], $0x80, s8, s26, $0xb8;
	[tilespmem:$0x1FF00] =	vst v63  }
0x1ee: {  	_ =	swait.ge [sflag:s22], $0x4000  }
0x1ef: {  	[sflag:s22] =	ssyncset.done $0x0  }
0x1f0: {  	[sflag:s22] =	ssyncadd.s32 $0xFFFFC000  }
0x1f1: {  	_ =	swait.ge [sflag:s23], $0x80  }
0x1f2: {  	[sflag:s23] =	ssyncset.done $0x0  }
0x1f3: {  	[sflag:s23] =	ssyncadd.s32 $0xFFFFFF80  }
0x1f4: {  	_ =	swait.ge [sflag:s23], $0x80  }
0x1f5: {  	[sflag:s23] =	ssyncset.done $0x0  }
0x1f6: {  	s19 =	simm.s32 $0x1FE00;
	[sflag:s23] =	ssyncadd.s32 $0xFFFFFF80  }
0x1f7: {  	[tilespmem:s18], [sflag:$0x3] =	stream.indirect.gather [hbm4b:s3+s26], $0x80, s19, s26, $0xb8;
	[tilespmem:$0x1FF00] =	vst v63  }
0x1f8: {  	s29 =	sadd.s32 $0x80, s29;
	s30 =	simm.s32 $0x1FB00  }
0x1f9: {  	[tilespmem:s30], [sflag:$0x9] =	stream.linear.gather [hbm4b:s29+s2], $0x80, $0x38;
	[tilespmem:$0x1FF00] =	vst v63  }
0x1fa: {  	s29 =	sadd.s32 $0x80, s31  }
0x1fb: {  	[tilespmem:s25], [sflag:$0x9] =	stream.linear.gather [hbm4b:s29+s2], $0x80, $0x38;
	[tilespmem:$0x1FF00] =	vst v63  }
0x1fc: {  	_ =	swait.ge [sflag:s12], $0x4000  }
0x1fd: {  	[sflag:s12] =	ssyncset.done $0x0  }
0x1fe: {  	s20 =	simm.s32 $0x1FD80;
	[sflag:s12] =	ssyncadd.s32 $0xFFFFC000  }
0x1ff: {  	[spmem:s1] =	stream.indirect.scatter.add.f32 [tilespmem:s5], [sflag:$0x5], $0x80, s20, s26, $0xb8;
	[tilespmem:$0x1FF00] =	vst v63  }
0x200: {  	_ =	swait.ge [sflag:s13], $0x4000  }
0x201: {  	[sflag:s13] =	ssyncset.done $0x0  }
0x202: {  	[sflag:s13] =	ssyncadd.s32 $0xFFFFC000  }
0x203: {  	_ =	swait.ge [sflag:s11], $0x80  }
0x204: {  	[sflag:s11] =	ssyncset.done $0x0  }
0x205: {  	[sflag:s11] =	ssyncadd.s32 $0xFFFFFF80  }
0x206: {  	_ =	swait.ge [sflag:s11], $0x80  }
0x207: {  	s29 =	smin.u32 s24, $0x95;
	[sflag:s11] =	ssyncset.done $0x0;
	s6 =	rddreg [dreg:$0x7]  }
0x208: {  	[sflag:s11] =	ssyncadd.s32 $0xFFFFFF80;
	s29 =	sadd.s32 s29, s6  }
0x209: {  	[tilespmem:s28], [sflag:$0x1] =	stream.indirect.gather [hbm4b:s3+s26], $0x80, s7, s26, $0xb8;
	[tilespmem:$0x1FF00] =	vst v63  }
0x20a: {  	s29 =	sshll.u32 s29, $0x4  }
0x20b: {  	s25 =	simm.s32 $0x1FC00;
	s7 =	rddreg [dreg:$0xe];
	s11 =	sadd.s32 s9, s29  }
0x20c: {  	[tilespmem:s25], [sflag:$0xA] =	stream.linear.gather [hbm4b:s11+s2], $0x80, $0x38;
	[tilespmem:$0x1FF00] =	vst v63  }
0x20d: {  	s29 =	sadd.s32 s7, s29  }
0x20e: {  	[tilespmem:s8], [sflag:$0xA] =	stream.linear.gather [hbm4b:s29+s2], $0x80, $0x38;
	[tilespmem:$0x1FF00] =	vst v63  }
0x20f: {  	_ =	swait.ge [sflag:s15], $0x4000  }
0x210: {  	[sflag:s15] =	ssyncset.done $0x0  }
0x211: {  	s8 =	simm.s32 $0x1FE80;
	[sflag:s15] =	ssyncadd.s32 $0xFFFFC000  }
0x212: {  	[spmem:s1] =	stream.indirect.scatter.add.f32 [tilespmem:s18], [sflag:$0x6], $0x80, s8, s26, $0xb8;
	[tilespmem:$0x1FF00] =	vst v63  }
0x213: {  	_ =	swait.ge [sflag:s16], $0x4000  }
0x214: {  	[sflag:s16] =	ssyncset.done $0x0  }
0x215: {  	[sflag:s16] =	ssyncadd.s32 $0xFFFFC000  }
0x216: {  	_ =	swait.ge [sflag:s4], $0x80  }
0x217: {  	[sflag:s4] =	ssyncset.done $0x0  }
0x218: {  	[sflag:s4] =	ssyncadd.s32 $0xFFFFFF80  }
0x219: {  	_ =	swait.ge [sflag:s4], $0x80  }
0x21a: {  	s29 =	smin.u32 s24, $0x94;
	s30 =	rddreg [dreg:$0x5]  }
0x21b: {  	[sflag:s4] =	ssyncset.done $0x0;
	s29 =	sadd.s32 s29, s30  }
0x21c: {  	s31 =	simm.s32 $0x1FA00;
	[sflag:s4] =	ssyncadd.s32 $0xFFFFFF80;
	s29 =	sshll.u32 s29, $0x4  }
0x21d: {  	[tilespmem:s5], [sflag:$0x2] =	stream.indirect.gather [hbm4b:s3+s26], $0x80, s31, s26, $0xb8;
	[tilespmem:$0x1FF00] =	vst v63  }
0x21e: {  	s11 =	simm.s32 $0x1FD00;
	s6 =	sadd.s32 s9, s29  }
0x21f: {  	[tilespmem:s11], [sflag:$0xB] =	stream.linear.gather [hbm4b:s6+s2], $0x80, $0x38;
	[tilespmem:$0x1FF00] =	vst v63  }
0x220: {  	s29 =	sadd.s32 s7, s29  }
0x221: {  	[tilespmem:s20], [sflag:$0xB] =	stream.linear.gather [hbm4b:s29+s2], $0x80, $0x38;
	[tilespmem:$0x1FF00] =	vst v63  }
0x222: {  	_ =	swait.ge [sflag:s10], $0x4000  }
0x223: {  	[sflag:s10] =	ssyncset.done $0x0  }
0x224: {  	s20 =	simm.s32 $0x1F980;
	[sflag:s10] =	ssyncadd.s32 $0xFFFFC000  }
0x225: {  	[spmem:s1] =	stream.indirect.scatter.add.f32 [tilespmem:s28], [sflag:$0x4], $0x80, s20, s26, $0xb8;
	[tilespmem:$0x1FF00] =	vst v63  }
0x226: {  	_ =	swait.ge [sflag:s22], $0x4000  }
0x227: {  	[sflag:s22] =	ssyncset.done $0x0  }
0x228: {  	[sflag:s22] =	ssyncadd.s32 $0xFFFFC000  }
0x229: {  	_ =	swait.ge [sflag:s17], $0x80  }
0x22a: {  	[sflag:s17] =	ssyncset.done $0x0  }
0x22b: {  	[sflag:s17] =	ssyncadd.s32 $0xFFFFFF80  }
0x22c: {  	_ =	swait.ge [sflag:s17], $0x80  }
0x22d: {  	s29 =	smin.u32 s24, $0x93;
	s25 =	rddreg [dreg:$0x6]  }
0x22e: {  	[sflag:s17] =	ssyncset.done $0x0;
	s29 =	sadd.s32 s29, s25  }
0x22f: {  	s30 =	simm.s32 $0x1FB00;
	[sflag:s17] =	ssyncadd.s32 $0xFFFFFF80;
	s29 =	sshll.u32 s29, $0x4  }
0x230: {  	[tilespmem:s18], [sflag:$0x3] =	stream.indirect.gather [hbm4b:s3+s26], $0x80, s30, s26, $0xb8;
	[tilespmem:$0x1FF00] =	vst v63  }
0x231: {  	s31 =	sadd.s32 s9, s29  }
0x232: {  	[tilespmem:s19], [sflag:$0xC] =	stream.linear.gather [hbm4b:s31+s2], $0x80, $0x38;
	[tilespmem:$0x1FF00] =	vst v63  }
0x233: {  	s29 =	sadd.s32 s7, s29  }
0x234: {  	[tilespmem:s8], [sflag:$0xC] =	stream.linear.gather [hbm4b:s29+s2], $0x80, $0x38;
	[tilespmem:$0x1FF00] =	vst v63  }
0x235: {  	_ =	swait.ge [sflag:s12], $0x4000  }
0x236: {  	s20 =	smov.u32 s9;
	s29 =	simm.s32 $0x60;
	[sflag:s12] =	ssyncset.done $0x0  }
.LBB2_3:
0x237: {  	[sflag:s12] =	ssyncadd.s32 $0xFFFFC000;
	s9 =	simm.s32 $0x1FA80  }
0x238: {  	[spmem:s1] =	stream.indirect.scatter.add.f32 [tilespmem:s5], [sflag:$0x5], $0x80, s9, s26, $0xb8;
	[tilespmem:$0x1FF00] =	vst v63  }
0x239: {  	_ =	swait.ge [sflag:s13], $0x4000  }
0x23a: {  	[sflag:s13] =	ssyncset.done $0x0  }
0x23b: {  	[sflag:s13] =	ssyncadd.s32 $0xFFFFC000  }
0x23c: {  	_ =	swait.ge [sflag:s14], $0x80  }
0x23d: {  	[sflag:s14] =	ssyncset.done $0x0  }
0x23e: {  	[sflag:s14] =	ssyncadd.s32 $0xFFFFFF80  }
0x23f: {  	_ =	swait.ge [sflag:s14], $0x80  }
0x240: {  	s31 =	smov.u32 s29;
	s0 =	rddreg [dreg:$0x8]  }
0x241: {  	s25 =	simm.s32 $0x1FC00;
	[sflag:s14] =	ssyncset.done $0x0;
	s3 =	rddreg [dreg:$0xf]  }
0x242: {  	s8 =	rddreg [dreg:$0xa];
	[sflag:s14] =	ssyncadd.s32 $0xFFFFFF80;
	s30 =	sadd.s32 s31, s0  }
0x243: {  	[tilespmem:s28], [sflag:$0x1] =	stream.indirect.gather [hbm4b:s3+s26], $0x80, s25, s26, $0xb8;
	[tilespmem:$0x1FF00] =	vst v63  }
0x244: {  	s6 =	simm.s32 $0x1F900;
	s31 =	sadd.s32 s31, s8;
	s0 =	sadd.s32 $0x60, s30  }
0x245: {  	[tilespmem:s6], [sflag:$0x7] =	stream.linear.gather [hbm4b:s0+s2], $0x80, $0x38;
	[tilespmem:$0x1FF00] =	vst v63  }
0x246: {  	s7 =	simm.s32 $0x1F980;
	s11 =	sadd.s32 $0x60, s31  }
0x247: {  	[tilespmem:s7], [sflag:$0x7] =	stream.linear.gather [hbm4b:s11+s2], $0x80, $0x38;
	[tilespmem:$0x1FF00] =	vst v63  }
0x248: {  	_ =	swait.ge [sflag:s15], $0x4000  }
0x249: {  	[sflag:s15] =	ssyncset.done $0x0  }
0x24a: {  	s8 =	simm.s32 $0x1FB80;
	[sflag:s15] =	ssyncadd.s32 $0xFFFFC000  }
0x24b: {  	[spmem:s1] =	stream.indirect.scatter.add.f32 [tilespmem:s18], [sflag:$0x6], $0x80, s8, s26, $0xb8;
	[tilespmem:$0x1FF00] =	vst v63  }
0x24c: {  	_ =	swait.ge [sflag:s16], $0x4000  }
0x24d: {  	[sflag:s16] =	ssyncset.done $0x0  }
0x24e: {  	[sflag:s16] =	ssyncadd.s32 $0xFFFFC000  }
0x24f: {  	_ =	swait.ge [sflag:s21], $0x80  }
0x250: {  	[sflag:s21] =	ssyncset.done $0x0  }
0x251: {  	[sflag:s21] =	ssyncadd.s32 $0xFFFFFF80  }
0x252: {  	_ =	swait.ge [sflag:s21], $0x80  }
0x253: {  	[sflag:s21] =	ssyncset.done $0x0  }
0x254: {  	s19 =	simm.s32 $0x1FD00;
	[sflag:s21] =	ssyncadd.s32 $0xFFFFFF80  }
0x255: {  	[tilespmem:s5], [sflag:$0x2] =	stream.indirect.gather [hbm4b:s3+s26], $0x80, s19, s26, $0xb8;
	[tilespmem:$0x1FF00] =	vst v63  }
0x256: {  	s28 =	simm.s32 $0x1FA00;
	s7 =	sadd.s32 $0x70, s30  }
0x257: {  	[tilespmem:s28], [sflag:$0x8] =	stream.linear.gather [hbm4b:s7+s2], $0x80, $0x38;
	[tilespmem:$0x1FF00] =	vst v63  }
0x258: {  	s19 =	sadd.s32 $0x70, s31  }
0x259: {  	[tilespmem:s9], [sflag:$0x8] =	stream.linear.gather [hbm4b:s19+s2], $0x80, $0x38;
	[tilespmem:$0x1FF00] =	vst v63  }
0x25a: {  	_ =	swait.ge [sflag:s10], $0x4000  }
0x25b: {  	[sflag:s10] =	ssyncset.done $0x0  }
0x25c: {  	s11 =	simm.s32 $0x13900;
	s19 =	simm.s32 $0x1FC80;
	[sflag:s10] =	ssyncadd.s32 $0xFFFFC000  }
0x25d: {  	[spmem:s1] =	stream.indirect.scatter.add.f32 [tilespmem:s11], [sflag:$0x4], $0x80, s19, s26, $0xb8;
	[tilespmem:$0x1FF00] =	vst v63  }
0x25e: {  	_ =	swait.ge [sflag:s22], $0x4000  }
0x25f: {  	[sflag:s22] =	ssyncset.done $0x0  }
0x260: {  	[sflag:s22] =	ssyncadd.s32 $0xFFFFC000  }
0x261: {  	_ =	swait.ge [sflag:s23], $0x80  }
0x262: {  	[sflag:s23] =	ssyncset.done $0x0  }
0x263: {  	[sflag:s23] =	ssyncadd.s32 $0xFFFFFF80  }
0x264: {  	_ =	swait.ge [sflag:s23], $0x80  }
0x265: {  	[sflag:s23] =	ssyncset.done $0x0  }
0x266: {  	s5 =	simm.s32 $0x1B900;
	s7 =	simm.s32 $0x1FE00;
	[sflag:s23] =	ssyncadd.s32 $0xFFFFFF80  }
0x267: {  	[tilespmem:s5], [sflag:$0x3] =	stream.indirect.gather [hbm4b:s3+s26], $0x80, s7, s26, $0xb8;
	[tilespmem:$0x1FF00] =	vst v63  }
0x268: {  	s9 =	sadd.s32 $0x80, s30;
	s7 =	simm.s32 $0x1FB00  }
0x269: {  	[tilespmem:s7], [sflag:$0x9] =	stream.linear.gather [hbm4b:s9+s2], $0x80, $0x38;
	[tilespmem:$0x1FF00] =	vst v63  }
0x26a: {  	s30 =	sadd.s32 $0x80, s31  }
0x26b: {  	[tilespmem:s8], [sflag:$0x9] =	stream.linear.gather [hbm4b:s30+s2], $0x80, $0x38;
	[tilespmem:$0x1FF00] =	vst v63  }
0x26c: {  	s31 =	rddreg [dreg:$0x7];
	_ =	swait.ge [sflag:s12], $0x4000  }
0x26d: {  	[sflag:s12] =	ssyncset.done $0x0  }
0x26e: {  	s18 =	simm.s32 $0x17900;
	s9 =	simm.s32 $0x1FD80;
	[sflag:s12] =	ssyncadd.s32 $0xFFFFC000  }
0x26f: {  	[spmem:s1] =	stream.indirect.scatter.add.f32 [tilespmem:s18], [sflag:$0x5], $0x80, s9, s26, $0xb8;
	[tilespmem:$0x1FF00] =	vst v63  }
0x270: {  	_ =	swait.ge [sflag:s13], $0x4000  }
0x271: {  	[sflag:s13] =	ssyncset.done $0x0  }
0x272: {  	s0 =	simm.s32 $0x7;
	[sflag:s13] =	ssyncadd.s32 $0xFFFFC000  }
0x273: {  	_ =	swait.ge [sflag:s0], $0x80  }
0x274: {  	[sflag:s0] =	ssyncset.done $0x0  }
0x275: {  	[sflag:s0] =	ssyncadd.s32 $0xFFFFFF80  }
0x276: {  	s24 =	sadd.s32 $0x6, s24;
	_ =	swait.ge [sflag:s0], $0x80  }
0x277: {  	s5 =	smin.u32 s24, $0x95;
	[sflag:s0] =	ssyncset.done $0x0  }
0x278: {  	[sflag:s0] =	ssyncadd.s32 $0xFFFFFF80;
	s0 =	sadd.s32 s5, s31  }
0x279: {  	[tilespmem:s11], [sflag:$0x1] =	stream.indirect.gather [hbm4b:s3+s26], $0x80, s6, s26, $0xb8;
	[tilespmem:$0x1FF00] =	vst v63  }
0x27a: {  	s0 =	sshll.u32 s0, $0x4  }
0x27b: {  	s11 =	rddreg [dreg:$0xe];
	s8 =	sadd.s32 s20, s0  }
0x27c: {  	[tilespmem:s25], [sflag:$0xA] =	stream.linear.gather [hbm4b:s8+s2], $0x80, $0x38;
	[tilespmem:$0x1FF00] =	vst v63  }
0x27d: {  	s0 =	sadd.s32 s11, s0  }
0x27e: {  	[tilespmem:s19], [sflag:$0xA] =	stream.linear.gather [hbm4b:s0+s2], $0x80, $0x38;
	[tilespmem:$0x1FF00] =	vst v63  }
0x27f: {  	_ =	swait.ge [sflag:s15], $0x4000  }
0x280: {  	[sflag:s15] =	ssyncset.done $0x0  }
0x281: {  	s18 =	simm.s32 $0x1B900;
	s8 =	simm.s32 $0x1FE80;
	[sflag:s15] =	ssyncadd.s32 $0xFFFFC000  }
0x282: {  	[spmem:s1] =	stream.indirect.scatter.add.f32 [tilespmem:s18], [sflag:$0x6], $0x80, s8, s26, $0xb8;
	[tilespmem:$0x1FF00] =	vst v63  }
0x283: {  	_ =	swait.ge [sflag:s16], $0x4000  }
0x284: {  	[sflag:s16] =	ssyncset.done $0x0  }
0x285: {  	[sflag:s16] =	ssyncadd.s32 $0xFFFFC000  }
0x286: {  	_ =	swait.ge [sflag:s4], $0x80  }
0x287: {  	[sflag:s4] =	ssyncset.done $0x0  }
0x288: {  	[sflag:s4] =	ssyncadd.s32 $0xFFFFFF80  }
0x289: {  	_ =	swait.ge [sflag:s4], $0x80  }
0x28a: {  	s30 =	smin.u32 s24, $0x94;
	s6 =	rddreg [dreg:$0x5]  }
0x28b: {  	[sflag:s4] =	ssyncset.done $0x0;
	s0 =	sadd.s32 s30, s6  }
0x28c: {  	s5 =	simm.s32 $0x17900;
	[sflag:s4] =	ssyncadd.s32 $0xFFFFFF80;
	s0 =	sshll.u32 s0, $0x4  }
0x28d: {  	[tilespmem:s5], [sflag:$0x2] =	stream.indirect.gather [hbm4b:s3+s26], $0x80, s28, s26, $0xb8;
	[tilespmem:$0x1FF00] =	vst v63  }
0x28e: {  	s25 =	simm.s32 $0x1FD00;
	s19 =	sadd.s32 s20, s0  }
0x28f: {  	[tilespmem:s25], [sflag:$0xB] =	stream.linear.gather [hbm4b:s19+s2], $0x80, $0x38;
	[tilespmem:$0x1FF00] =	vst v63  }
0x290: {  	s0 =	sadd.s32 s11, s0  }
0x291: {  	[tilespmem:s9], [sflag:$0xB] =	stream.linear.gather [hbm4b:s0+s2], $0x80, $0x38;
	[tilespmem:$0x1FF00] =	vst v63  }
0x292: {  	_ =	swait.ge [sflag:s10], $0x4000  }
0x293: {  	[sflag:s10] =	ssyncset.done $0x0  }
0x294: {  	s30 =	simm.s32 $0x1F980;
	s28 =	simm.s32 $0x13900;
	[sflag:s10] =	ssyncadd.s32 $0xFFFFC000  }
0x295: {  	[spmem:s1] =	stream.indirect.scatter.add.f32 [tilespmem:s28], [sflag:$0x4], $0x80, s30, s26, $0xb8;
	[tilespmem:$0x1FF00] =	vst v63  }
0x296: {  	_ =	swait.ge [sflag:s22], $0x4000  }
0x297: {  	[sflag:s22] =	ssyncset.done $0x0  }
0x298: {  	[sflag:s22] =	ssyncadd.s32 $0xFFFFC000  }
0x299: {  	_ =	swait.ge [sflag:s17], $0x80  }
0x29a: {  	[sflag:s17] =	ssyncset.done $0x0  }
0x29b: {  	[sflag:s17] =	ssyncadd.s32 $0xFFFFFF80  }
0x29c: {  	_ =	swait.ge [sflag:s17], $0x80  }
0x29d: {  	s6 =	smin.u32 s24, $0x93;
	s9 =	rddreg [dreg:$0x6]  }
0x29e: {  	[sflag:s17] =	ssyncset.done $0x0;
	s0 =	sadd.s32 s6, s9  }
0x29f: {  	[sflag:s17] =	ssyncadd.s32 $0xFFFFFF80;
	s0 =	sshll.u32 s0, $0x4  }
0x2a0: {  	[tilespmem:s18], [sflag:$0x3] =	stream.indirect.gather [hbm4b:s3+s26], $0x80, s7, s26, $0xb8;
	[tilespmem:$0x1FF00] =	vst v63  }
0x2a1: {  	p2 =	sne.s32 s29, $0x960;
	s25 =	simm.s32 $0x1FE00;
	s19 =	sadd.s32 s20, s0  }
0x2a2: {  	[tilespmem:s25], [sflag:$0xC] =	stream.linear.gather [hbm4b:s19+s2], $0x80, $0x38;
	[tilespmem:$0x1FF00] =	vst v63  }
.Ltmp5:
0x2a3: {  	_ = 	snop;
	(pc) =	sbr.rel @p2 .LBB2_3-.Ltmp5, $4  }
0x2a4: {  	s0 =	sadd.s32 s11, s0  }
0x2a5: {  	[tilespmem:s8], [sflag:$0xC] =	stream.linear.gather [hbm4b:s0+s2], $0x80, $0x38;
	[tilespmem:$0x1FF00] =	vst v63  }
0x2a6: {  	_ =	swait.ge [sflag:s12], $0x4000  }
0x2a7: {  	s29 =	sadd.s32 $0x60, s29;
	[sflag:s12] =	ssyncset.done $0x0  }
0x2a8: {  	[sflag:s12] =	ssyncadd.s32 $0xFFFFC000;
	s0 =	simm.s32 $0x1FA80  }
0x2a9: {  	[spmem:s1] =	stream.indirect.scatter.add.f32 [tilespmem:s5], [sflag:$0x5], $0x80, s0, s26, $0xb8;
	[tilespmem:$0x1FF00] =	vst v63  }
0x2aa: {  	_ =	swait.ge [sflag:s15], $0x4000  }
0x2ab: {  	[sflag:s15] =	ssyncset.done $0x0  }
0x2ac: {  	s30 =	simm.s32 $0x1FB80;
	[sflag:s15] =	ssyncadd.s32 $0xFFFFC000  }
0x2ad: {  	[spmem:s1] =	stream.indirect.scatter.add.f32 [tilespmem:s18], [sflag:$0x6], $0x80, s30, s26, $0xb8;
	[tilespmem:$0x1FF00] =	vst v63  }
0x2ae: {  	_ =	swait.ge [sflag:s13], $0x4000  }
0x2af: {  	[sflag:s13] =	ssyncset.done $0x0  }
0x2b0: {  	[sflag:s13] =	ssyncadd.s32 $0xFFFFC000  }
0x2b1: {  	_ =	swait.ge [sflag:s16], $0x4000  }
0x2b2: {  	[sflag:s16] =	ssyncset.done $0x0  }
0x2b3: {  	[sflag:s16] =	ssyncadd.s32 $0xFFFFC000  }
0x2b4: {  	_ =	swait.ge [sflag:s22], $0x4000  }
0x2b5: {  	[sflag:s22] =	ssyncset.done $0x0  }
0x2b6: {  	[sflag:s22] =	ssyncadd.s32 $0xFFFFC000  }
0x2b7: {  	_ =	swait.ge [sflag:s14], $0x80  }
0x2b8: {  	[sflag:s14] =	ssyncset.done $0x0  }
0x2b9: {  	[sflag:s14] =	ssyncadd.s32 $0xFFFFFF80  }
0x2ba: {  	_ =	swait.ge [sflag:s14], $0x80  }
0x2bb: {  	[sflag:s14] =	ssyncset.done $0x0  }
0x2bc: {  	[sflag:s14] =	ssyncadd.s32 $0xFFFFFF80  }
0x2bd: {  	_ =	swait.ge [sflag:s21], $0x80  }
0x2be: {  	[sflag:s21] =	ssyncset.done $0x0  }
0x2bf: {  	[sflag:s21] =	ssyncadd.s32 $0xFFFFFF80  }
0x2c0: {  	_ =	swait.ge [sflag:s21], $0x80  }
0x2c1: {  	[sflag:s21] =	ssyncset.done $0x0  }
0x2c2: {  	[sflag:s21] =	ssyncadd.s32 $0xFFFFFF80  }
0x2c3: {  	_ =	swait.ge [sflag:s23], $0x80  }
0x2c4: {  	[sflag:s23] =	ssyncset.done $0x0  }
0x2c5: {  	[sflag:s23] =	ssyncadd.s32 $0xFFFFFF80  }
0x2c6: {  	_ =	swait.ge [sflag:s23], $0x80  }
0x2c7: {  	[sflag:s23] =	ssyncset.done $0x0  }
0x2c8: {  	[sflag:s23] =	ssyncadd.s32 $0xFFFFFF80  }
0x2c9: {  	[bflag:$0x0] =	sbarrier.arrive $0xFFFF  }
0x2ca: {  	s6 =	sld [smem:$0x7ED];
	_ =	sdelay $0x1  }
0x2cb: {  	s0 =	simm.s32 @p1 $0x1FCD;
	s20 =	rddreg [dreg:$0x13]  }
0x2cc: {  	[hbm:s20], [sflag:s0] =	dma.local @p1 [spmem:s6], $0x2800  }
0x2cd: {  	s0 =	simm.s32 @p1 $0xD  }
0x2ce: {  	_ =	swait.ge @p1 [sflag:s0], $0x2800  }
0x2cf: {  	s6 =	sld [smem:$0x7EE]  }
0x2d0: {  	s8 =	sld [smem:$0x7EF]  }
0x2d1: {  	[sflag:s0] =	ssyncset.done @p1 $0x0  }
0x2d2: {  	[sflag:s0] =	ssyncadd.s32 @p1 $0xFFFFD800;
	s0 =	rddreg [dreg:$0x12]  }
0x2d3: {  	[hbm:s0], [sflag:s6] =	dma.local @!p1 [spmem:s8], $0x2700  }
0x2d4: {  	s0 =	simm.s32 @!p1 $0xD  }
.Ltmp6:
0x2d5: {  	_ =	swait.ge @!p1 [sflag:s0], $0x2700;
	(pc) =	sbr.rel .LBB2_8-.Ltmp6, $4  }
0x2d6: {  	s8 =	rddreg [dreg:$0x9]  }
0x2d7: {  	s25 =	rddreg [dreg:$0xd]  }
0x2d8: {  	[sflag:s0] =	ssyncset.done @!p1 $0x0;
	s24 =	sld [smem:$0x7EC]  }
0x2d9: {  	s29 =	stileid.u32;
	s20 =	sld [smem:$0x7FD];
	[sflag:s0] =	ssyncadd.s32 @!p1 $0xFFFFD900  }
.LBB2_9:
0x2da: {  	_ =	sfence.sel $0x180000  }
0x2db: {  	[bflag:$0x0] =	sbarrier.arrive $0xFFFF  }
0x2dc: {  	_ =	strace $0x90000047  }
0x2dd: {  	[bflag:$0x2] =	sbarrier.arrive $0xFFFF  }
0x2de: {  	p0 =	sne.s32 s29, $0x0;
	s0 =	rddreg [dreg:$0x4]  }
0x2df: {  	s0 =	sadd.s32 @!p0 $0x100000, s0  }
0x2e0: {  	[sflag:s0] =	ssyncadd.tile.s32 @!p0 $0x1;
	_ =	shalt  }
.Lfunc_end2:
_tile_overlayer_lowered:
.L_overlay_start_2:
0x2e1: {  	(tag) =	ssettag $0x2  }
0x2e2: {  	s0 =	rddreg [dreg:$0x0];
	s2 =	stileid.u32  }
0x2e3: {  	s1 =	rddreg [dreg:$0x1];
	p0 =	sne.s32 s2, $0x0  }
0x2e4: {  	s3 =	rddreg [dreg:$0x2];
	[bflag:$0x3] =	sbarrier.arrive $0xFFFF;
	s2 =	simm.s32 @!p0 $0x1C0D  }
0x2e5: {  	[timem:s3], [sflag:s2] =	dma.local @!p0 [hbm:s0], s1  }
0x2e6: {  	s0 =	simm.s32 @!p0 $0xD  }
0x2e7: {  	_ =	swait.ge @!p0 [sflag:s0], s1  }
0x2e8: {  	s1 =	ssub.s32 @!p0 $0x0, s1;
	[sflag:s0] =	ssyncset.done @!p0 $0x0  }
0x2e9: {  	[sflag:s0] =	ssyncadd.s32 @!p0 s1  }
0x2ea: {  	[bflag:$0x3] =	sbarrier.arrive $0xFFFF  }
0x2eb: {  	_ =	shalt  }

</sc_bundles>
